<compile_context>
chip_gen: v7x
topology: tpu7x:2x2x1
jax: 0.10.2.dev20260603
libtpu: 0.0.44.dev20260713+nightly
codegen_flags: <defaults>
</compile_context>

<pallas_src>
import functools

import jax
import jax.numpy as jnp
import numpy as np
from jax import lax
from jax.experimental import pallas as pl
from jax.experimental.pallas import tpu as pltpu
from jax.experimental.pallas import tpu_sc as plsc

_POS_INDICES = [120, 124, 128, 132, 136, 140, 144, 148, 152, 237, 241, 245,
                249, 253, 257, 261, 265, 269, 354, 358, 362, 366, 370, 374,
                378, 382, 386, 471, 475, 479, 483, 487, 491, 495, 499, 503,
                588, 592, 596, 600, 604, 608, 612, 616, 620, 705, 709, 713,
                717, 721, 725, 729, 733, 737, 822, 826, 830, 834, 838, 842,
                846, 850, 854, 48, 53, 60, 67, 73, 157, 352, 388, 583, 586,
                817, 901, 906, 913, 920, 926]


def _positions():
    width, height = 39, 25
    pf = np.zeros((79, 6), dtype=np.float32)
    for i, p in enumerate(_POS_INDICES):
        x = p % width
        y = p // width
        xn = x / (width - 1)
        yn = y / (height - 1)
        pf[i, 0] = xn
        pf[i, 1] = yn
        pf[i, 2] = (np.sin(xn * 2 * np.pi) + 1) / 2
        pf[i, 3] = (np.cos(xn * 2 * np.pi) + 1) / 2
        pf[i, 4] = (np.sin(yn * 2 * np.pi) + 1) / 2
        pf[i, 5] = (np.cos(yn * 2 * np.pi) + 1) / 2
    return pf


_POS = _positions()

NP = 80
NA = 128
NS = 96
TCOL = 80
G1 = 16
G2 = 16
_INV_SQRT_D = 1.0 / 16.0


def _proj_body(x_ref, w_ref, b_ref, we_ref, vs_ref, sc_ref):
    x = x_ref[...]
    y = jnp.dot(x, w_ref[...], preferred_element_type=jnp.float32) + b_ref[...]
    q = y[:, :256]
    k = y[:, 256:512]
    vs_ref[...] = y[:, 512:].astype(jnp.bfloat16)
    w = we_ref[...]
    t = jnp.sum(q * w, axis=1, keepdims=True) * _INV_SQRT_D
    zpad = jnp.zeros((NS - NP, 256), jnp.float32)
    colid = lax.broadcasted_iota(jnp.int32, (NP, NS), 1)
    for i in range(G1):
        qi = q[NP * i:NP * i + NP]
        ki = k[NP * i:NP * i + NP]
        kaug = jnp.concatenate([ki, zpad], axis=0)
        s = lax.dot_general(qi, kaug, (((1,), (1,)), ((), ())),
                            preferred_element_type=jnp.float32) * _INV_SQRT_D
        ti = t[NP * i:NP * i + NP]
        c = jnp.max(s, axis=1, keepdims=True) + jnp.abs(ti)
        sc_ref[NP * i:NP * i + NP, :NS] = jnp.where(colid == TCOL, ti, s - c)


def _sc_edge_body(sc_hbm, ei_hbm, ea_hbm, zero_hbm, out_hbm,
                  pidx_v, dst_v, a_v, sc_v0, sc_v1, acc_v0, acc_v1,
                  sem_sc0, sem_sc1, sem_z0, sem_z1, sem_o0, sem_o1,
                  n_graphs, n_groups):
    cid = lax.axis_index("c")
    sid = lax.axis_index("s")
    wid = sid * 2 + cid
    gpw = n_graphs // 32
    pltpu.sync_copy(ei_hbm.at[0], pidx_v)
    pltpu.sync_copy(ei_hbm.at[1], dst_v)
    pltpu.sync_copy(ea_hbm, a_v)
    lane80 = 80 + lax.iota(jnp.int32, 16)
    tcol = jnp.full((16,), TCOL, jnp.int32)

    def pack_body(j):
        slc = pl.ds(j * 16, 16)
        pidx_v[slc] = dst_v[slc] * NA + pidx_v[slc]

    plsc.parallel_loop(0, n_groups, unroll=8)(pack_body)

    bufs = [(sc_v0, acc_v0, sem_sc0, sem_z0, sem_o0),
            (sc_v1, acc_v1, sem_sc1, sem_z1, sem_o1)]

    def make_edge(sc_v, acc_v):
        def edge_body(j):
            slc = pl.ds(j * 16, 16)
            pi = pidx_v[slc]
            ai = a_v[slc]
            di = lax.shift_right_logical(pi, 7)
            si = jnp.bitwise_and(pi, NA - 1)
            base = plsc.load_gather(sc_v, [di, si])
            tv = plsc.load_gather(sc_v, [di, tcol])
            e = jnp.exp(base + ai * tv)
            plsc.addupdate_scatter(acc_v, [di, si], e)
            plsc.addupdate_scatter(acc_v, [di, lane80], e * ai)
        return edge_body

    g0 = wid * gpw
    in_h = {}
    z_h = {}
    out_h = {}
    in_h[0] = pltpu.async_copy(sc_hbm.at[pl.ds(g0 * NP, NP)],
                               bufs[0][0], bufs[0][2])
    z_h[0] = pltpu.async_copy(zero_hbm, bufs[0][1], bufs[0][3])
    for gi in range(gpw):
        sc_v, acc_v, s_sc, s_z, s_o = bufs[gi % 2]
        in_h.pop(gi).wait()
        z_h.pop(gi).wait()
        if gi + 1 < gpw:
            nb = bufs[(gi + 1) % 2]
            if gi >= 1:
                out_h.pop(gi - 1).wait()
            in_h[gi + 1] = pltpu.async_copy(
                sc_hbm.at[pl.ds((g0 + gi + 1) * NP, NP)], nb[0], nb[2])
            z_h[gi + 1] = pltpu.async_copy(zero_hbm, nb[1], nb[3])
        plsc.parallel_loop(0, n_groups, unroll=8)(make_edge(sc_v, acc_v))
        out_h[gi] = pltpu.async_copy(
            acc_v, out_hbm.at[pl.ds((g0 + gi) * NP, NP)], s_o)
    for h in out_h.values():
        h.wait()


def _sc_edge(scp, ei, ea, zero):
    n = scp.shape[0]
    e = ei.shape[1]
    mesh = plsc.VectorSubcoreMesh(core_axis_name="c", subcore_axis_name="s")
    fn = pl.kernel(
        functools.partial(_sc_edge_body, n_graphs=n // NP, n_groups=e // 16),
        mesh=mesh,
        compiler_params=pltpu.CompilerParams(needs_layout_passes=False),
        out_type=jax.ShapeDtypeStruct((n, NA), jnp.float32),
        scratch_types=[
            pltpu.VMEM((e,), jnp.int32),
            pltpu.VMEM((e,), jnp.int32),
            pltpu.VMEM((e,), jnp.float32),
            pltpu.VMEM((NP, NA), jnp.float32),
            pltpu.VMEM((NP, NA), jnp.float32),
            pltpu.VMEM((NP, NA), jnp.float32),
            pltpu.VMEM((NP, NA), jnp.float32),
            pltpu.SemaphoreType.DMA,
            pltpu.SemaphoreType.DMA,
            pltpu.SemaphoreType.DMA,
            pltpu.SemaphoreType.DMA,
            pltpu.SemaphoreType.DMA,
            pltpu.SemaphoreType.DMA,
        ],
    )
    return fn(scp, ei, ea, zero)


def _layernorm(x, g, b):
    mu = jnp.mean(x, axis=1, keepdims=True)
    xc = x - mu
    var = jnp.mean(xc * xc, axis=1, keepdims=True)
    return xc * lax.rsqrt(var + 1e-5) * g + b


def _lrelu(x):
    return jnp.where(x >= 0, x, 0.01 * x)


def _head_body(a_ref, vs_ref, x_ref, we_ref, w1a_ref, w1c_ref, w1b_ref,
               b1_ref, g1_ref, be1_ref, w2_ref, b2_ref, g2_ref, be2_ref,
               w3_ref, b3_ref, act_ref, reg_ref, *, n_real, total_nodes,
               n_steps):
    step = pl.program_id(0)
    rows = NP * G2
    amat = a_ref[...]
    vs = vs_ref[...].astype(jnp.float32)
    x = x_ref[...]
    w = we_ref[...]
    wpad = jnp.broadcast_to(w, (NA - NP, 256))
    colA = lax.broadcasted_iota(jnp.int32, (rows, NA), 1)
    colX = lax.broadcasted_iota(jnp.int32, (rows, 128), 1)
    msgs = []
    for i in range(G2):
        ai = amat[NP * i:NP * i + NP]
        vi = vs[NP * i:NP * i + NP, :256]
        vaug = jnp.concatenate([vi, wpad], axis=0)
        msgs.append(jnp.dot(ai, vaug, preferred_element_type=jnp.float32))
    msg = jnp.concatenate(msgs, axis=0)
    den = jnp.sum(jnp.where(colA < NP, amat, 0.0), axis=1, keepdims=True)
    out = msg / (den + 1e-16) + vs[:, 256:]
    h = jnp.maximum(out, 0.0)
    xc1 = jnp.where(colX == 1, x, 0.0)
    ta_cols = []
    for i in range(G2):
        ta_i = jnp.sum(xc1[NP * i:NP * i + NP])
        ta_cols.append(jnp.full((NP, 1), ta_i, jnp.float32))
    ta = jnp.concatenate(ta_cols, axis=0)
    o1 = (jnp.dot(h, w1a_ref[...], preferred_element_type=jnp.float32)
          + jnp.dot(x, w1c_ref[...], preferred_element_type=jnp.float32)
          + ta * w1b_ref[...] + b1_ref[...])
    x1 = _lrelu(_layernorm(o1, g1_ref[...], be1_ref[...]))
    o2 = jnp.dot(x1, w2_ref[...],
                 preferred_element_type=jnp.float32) + b2_ref[...]
    x2 = _lrelu(_layernorm(o2, g2_ref[...], be2_ref[...]))
    z = jnp.sum(x2 * w3_ref[...], axis=1, keepdims=True) + b3_ref[0, 0]
    conc = jnp.maximum(z, 0.0) + jnp.log(1.0 + jnp.exp(-jnp.abs(z)))
    rowm = (lax.broadcasted_iota(jnp.int32, (rows, 1), 0) % NP) < n_real
    concm = jnp.where(rowm, conc, 0.0)
    regs = jnp.sum(jnp.abs(concm))
    for i in range(G2):
        ci = concm[NP * i:NP * i + NP]
        ssum = jnp.sum(ci)
        act_ref[NP * i:NP * i + NP, :] = ci / (ssum + 1e-20)
    tot = jnp.where(step == 0, 0.0, reg_ref[...]) + regs
    reg_ref[...] = jnp.where(step == n_steps - 1, tot / total_nodes, tot)


def _proj_call(xf, wall, ball, we):
    n = xf.shape[0]
    rows = NP * G1
    grid = (n // rows,)
    return pl.pallas_call(
        _proj_body,
        grid=grid,
        in_specs=[
            pl.BlockSpec((rows, 128), lambda i: (i, 0)),
            pl.BlockSpec((128, 1024), lambda i: (0, 0)),
            pl.BlockSpec((1, 1024), lambda i: (0, 0)),
            pl.BlockSpec((1, 256), lambda i: (0, 0)),
        ],
        out_specs=[
            pl.BlockSpec((rows, 512), lambda i: (i, 0)),
            pl.BlockSpec((rows, NA), lambda i: (i, 0)),
        ],
        out_shape=[
            jax.ShapeDtypeStruct((n, 512), jnp.bfloat16),
            jax.ShapeDtypeStruct((n, NA), jnp.float32),
        ],
    )(xf, wall, ball, we)


def _head_call(af, vs, xf, we, w1a, w1c, w1b, b1, g1, be1, w2, b2, g2, be2,
               w3r, b3, n_real, total_nodes):
    n = af.shape[0]
    rows = NP * G2
    grid = (n // rows,)
    body = functools.partial(_head_body, n_real=n_real,
                             total_nodes=total_nodes, n_steps=n // rows)
    const = lambda i: (0, 0)
    return pl.pallas_call(
        body,
        grid=grid,
        in_specs=[
            pl.BlockSpec((rows, NA), lambda i: (i, 0)),
            pl.BlockSpec((rows, 512), lambda i: (i, 0)),
            pl.BlockSpec((rows, 128), lambda i: (i, 0)),
            pl.BlockSpec((1, 256), const),
            pl.BlockSpec((256, 256), const),
            pl.BlockSpec((128, 256), const),
            pl.BlockSpec((1, 256), const),
            pl.BlockSpec((1, 256), const),
            pl.BlockSpec((1, 256), const),
            pl.BlockSpec((1, 256), const),
            pl.BlockSpec((256, 256), const),
            pl.BlockSpec((1, 256), const),
            pl.BlockSpec((1, 256), const),
            pl.BlockSpec((1, 256), const),
            pl.BlockSpec((1, 256), const),
            pl.BlockSpec((1, 1), const),
        ],
        out_specs=[
            pl.BlockSpec((rows, 1), lambda i: (i, 0)),
            pl.BlockSpec((1, 1), const),
        ],
        out_shape=[
            jax.ShapeDtypeStruct((n, 1), jnp.float32),
            jax.ShapeDtypeStruct((1, 1), jnp.float32),
        ],
    )(af, vs, xf, we, w1a, w1c, w1b, b1, g1, be1, w2, b2, g2, be2, w3r, b3)


def kernel(state, edge_index, edge_attr, Wq, bq, Wk, bk, Wv, bv, We, Wskip,
           bskip, W1, b1, g1, beta1, W2, b2, g2, beta2, W3, b3):
    B, Npg, Fin = state.shape
    wall = jnp.concatenate([Wq, Wk, Wv, Wskip], axis=1)
    ball = jnp.concatenate([bq, bk, bv, bskip])[None]
    ei = edge_index.astype(jnp.int32)
    ea = edge_attr.reshape(-1)
    zero = jnp.zeros((NP, NA), jnp.float32)

    nchunk = 2
    hb = B // nchunk
    halves = []
    for h in range(nchunk):
        sh = state[h * hb:(h + 1) * hb]
        x = jnp.concatenate(
            [sh, jnp.broadcast_to(_POS[None], (hb, Npg, 6))], axis=-1)
        xf = jnp.pad(x, ((0, 0), (0, NP - Npg), (0, 0))).reshape(hb * NP, -1)
        vs, scp = _proj_call(xf, wall, ball, We)
        halves.append((xf, vs, scp))

    amats = [_sc_edge(scp, ei, ea, zero) for (_, _, scp) in halves]

    acts = []
    reg = jnp.float32(0.0)
    for (xf, vs, _), amat in zip(halves, amats):
        act, r = _head_call(
            amat, vs, xf, We,
            W1[:256], W1[257:], W1[256:257], b1[None], g1[None], beta1[None],
            W2, b2[None], g2[None], beta2[None], W3.T, b3[None],
            Npg, B * Npg)
        acts.append(act.reshape(hb, NP)[:, :Npg])
        reg = reg + r[0, 0]
    action = jnp.concatenate(acts, axis=0)
    return (action, reg)

# --- scband reference (transcript-rebuilt; emitter-appended) ---
"""Pipeline reference for scband-gnnactor-74079595922170 (READ-ONLY COPY).

The authoritative reference and input builder live on the scoring server;
editing this copy changes nothing except your own understanding.
"""

import jax, jax.numpy as jnp
import numpy as np

POS_INDICES = [120, 124, 128, 132, 136, 140, 144, 148, 152, 237, 241, 245, 249, 253, 257, 261, 265, 269, 354, 358, 362, 366, 370, 374, 378, 382, 386, 471, 475, 479, 483, 487, 491, 495, 499, 503, 588, 592, 596, 600, 604, 608, 612, 616, 620, 705, 709, 713, 717, 721, 725, 729, 733, 737, 822, 826, 830, 834, 838, 842, 846, 850, 854, 48, 53, 60, 67, 73, 157, 352, 388, 583, 586, 817, 901, 906, 913, 920, 926]

def get_positions():
    width, height = 39, 25
    pf = np.zeros((79, 6), dtype=np.float32)
    for i, p in enumerate(POS_INDICES):
        x = p % width; y = p // width
        xn = x / (width - 1); yn = y / (height - 1)
        pf[i, 0] = xn; pf[i, 1] = yn
        pf[i, 2] = (np.sin(xn * 2 * np.pi) + 1) / 2
        pf[i, 3] = (np.cos(xn * 2 * np.pi) + 1) / 2
        pf[i, 4] = (np.sin(yn * 2 * np.pi) + 1) / 2
        pf[i, 5] = (np.cos(yn * 2 * np.pi) + 1) / 2
    return jnp.asarray(pf)

def setup_inputs(seed: int = 0):
    key = jax.random.key(seed)
    ks = jax.random.split(key, 24)
    B, Npg, Fin, E = 256, 79, 122, 2000
    Cin = Fin + 6          # 128
    Cout = 2 * Cin         # 256
    H = 256
    D1 = Cin + Cout + 1    # 385
    s = 0.05
    inp = {}
    inp['state'] = jax.random.normal(ks[0], (B, Npg, Fin), dtype=jnp.float32)
    inp['edge_index'] = jax.random.randint(ks[1], (2, E), 0, Npg, dtype=jnp.int32)
    inp['edge_attr'] = jax.random.uniform(ks[2], (E, 1), dtype=jnp.float32)
    inp['Wq'] = jax.random.normal(ks[3], (Cin, Cout), dtype=jnp.float32) * s
    inp['bq'] = jnp.zeros((Cout,), jnp.float32)
    inp['Wk'] = jax.random.normal(ks[4], (Cin, Cout), dtype=jnp.float32) * s
    inp['bk'] = jnp.zeros((Cout,), jnp.float32)
    inp['Wv'] = jax.random.normal(ks[5], (Cin, Cout), dtype=jnp.float32) * s
    inp['bv'] = jnp.zeros((Cout,), jnp.float32)
    inp['We'] = jax.random.normal(ks[6], (1, Cout), dtype=jnp.float32) * s
    inp['Wskip'] = jax.random.normal(ks[7], (Cin, Cout), dtype=jnp.float32) * s
    inp['bskip'] = jnp.zeros((Cout,), jnp.float32)
    inp['W1'] = jax.random.normal(ks[8], (D1, H), dtype=jnp.float32) * s
    inp['b1'] = jnp.zeros((H,), jnp.float32)
    inp['g1'] = jnp.ones((H,), jnp.float32)
    inp['beta1'] = jnp.zeros((H,), jnp.float32)
    inp['W2'] = jax.random.normal(ks[9], (H, H), dtype=jnp.float32) * s
    inp['b2'] = jnp.zeros((H,), jnp.float32)
    inp['g2'] = jnp.ones((H,), jnp.float32)
    inp['beta2'] = jnp.zeros((H,), jnp.float32)
    inp['W3'] = jax.random.normal(ks[10], (H, 1), dtype=jnp.float32) * s
    inp['b3'] = jnp.zeros((1,), jnp.float32)
    return inp

def _layernorm(x, g, b):
    mu = jnp.mean(x, axis=-1, keepdims=True)
    var = jnp.mean((x - mu) ** 2, axis=-1, keepdims=True)
    return (x - mu) / jnp.sqrt(var + 1e-5) * g + b

def _transformer_conv(x, src, dst, e_attr, Wq, bq, Wk, bk, Wv, bv, We, Wskip, bskip, N):
    q = x @ Wq + bq
    k = x @ Wk + bk
    v = x @ Wv + bv
    e = e_attr @ We
    kj = k[src] + e
    d = q.shape[-1]
    logits = jnp.sum(q[dst] * kj, axis=-1) / jnp.sqrt(jnp.float32(d))
    m = jax.ops.segment_max(logits, dst, num_segments=N)
    m = jnp.where(jnp.isfinite(m), m, 0.0)
    ex = jnp.exp(logits - m[dst])
    den = jax.ops.segment_sum(ex, dst, num_segments=N)
    alpha = ex / (den[dst] + 1e-16)
    msg = alpha[:, None] * (v[src] + e)
    out = jax.ops.segment_sum(msg, dst, num_segments=N)
    return out + x @ Wskip + bskip

def reference(state, edge_index, edge_attr, Wq, bq, Wk, bk, Wv, bv, We, Wskip, bskip, W1, b1, g1, beta1, W2, b2, g2, beta2, W3, b3):
    B, Npg, _ = state.shape
    pos = jnp.broadcast_to(get_positions()[None], (B, Npg, 6))
    state = jnp.concatenate([state, pos], axis=-1)
    N = B * Npg
    x = state.reshape(N, state.shape[-1])
    offs = jnp.arange(B, dtype=edge_index.dtype) * Npg
    src = (edge_index[0][None, :] + offs[:, None]).reshape(-1)
    dst = (edge_index[1][None, :] + offs[:, None]).reshape(-1)
    ea = jnp.tile(edge_attr, (B, 1))
    out = _transformer_conv(x, src, dst, ea, Wq, bq, Wk, bk, Wv, bv, We, Wskip, bskip, N)
    out1 = jax.nn.relu(out).reshape(B, Npg, -1)
    ta = jnp.sum(state[..., 1], axis=-1, keepdims=True)[..., None]
    ta = jnp.broadcast_to(ta, (B, Npg, 1))
    x0 = jnp.concatenate([out1, ta, state], axis=-1)
    x1 = jax.nn.leaky_relu(_layernorm(x0 @ W1 + b1, g1, beta1), 0.01)
    x2 = jax.nn.leaky_relu(_layernorm(x1 @ W2 + b2, g2, beta2), 0.01)
    x3 = jax.nn.softplus(x2 @ W3 + b3)
    conc = x3[..., 0]
    action = conc / (jnp.sum(conc, axis=-1, keepdims=True) + 1e-20)
    regularize = jnp.mean(jnp.abs(conc))
    return (action, regularize)

if __name__ == "__main__":
    import jax
    _d = setup_inputs()
    print(jax.jit(kernel)(*tuple(_d.values())))

</pallas_src>

<mosaic_0001>
#map = affine_map<(d0, d1) -> (0, 0)>
#map1 = affine_map<(d0, d1) -> (0)>
module attributes {stable_mosaic.version = 14 : i64} {
  func.func @_sc_edge_body(%arg0: i32, %arg1: i32, %arg2: memref<10240x128xf32, #tpu.memory_space<hbm>>, %arg3: memref<2x2000xi32, #tpu.memory_space<hbm>>, %arg4: memref<2000xf32, #tpu.memory_space<hbm>>, %arg5: memref<80x128xf32, #tpu.memory_space<hbm>>, %arg6: memref<10240x128xf32, #tpu.memory_space<hbm>>, %arg7: memref<2000xi32, #tpu.memory_space<vmem>>, %arg8: memref<2000xi32, #tpu.memory_space<vmem>>, %arg9: memref<2000xf32, #tpu.memory_space<vmem>>, %arg10: memref<80x128xf32, #tpu.memory_space<vmem>>, %arg11: memref<80x128xf32, #tpu.memory_space<vmem>>, %arg12: memref<80x128xf32, #tpu.memory_space<vmem>>, %arg13: memref<80x128xf32, #tpu.memory_space<vmem>>, %arg14: memref<!tpu.dma_semaphore, #tpu.memory_space<semaphore_mem>>, %arg15: memref<!tpu.dma_semaphore, #tpu.memory_space<semaphore_mem>>, %arg16: memref<!tpu.dma_semaphore, #tpu.memory_space<semaphore_mem>>, %arg17: memref<!tpu.dma_semaphore, #tpu.memory_space<semaphore_mem>>, %arg18: memref<!tpu.dma_semaphore, #tpu.memory_space<semaphore_mem>>, %arg19: memref<!tpu.dma_semaphore, #tpu.memory_space<semaphore_mem>>) attributes {dimension_semantics = [#tpu.dimension_semantics<core_parallel>, #tpu.dimension_semantics<subcore_parallel>], iteration_bounds = array<i64: 2, 16>, scalar_prefetch = 0 : i64, scratch_operands = 13 : i64, tpu.core_type = #tpu.core_type<sc_vector_subcore>, window_params = [{transform_indices = #map}, {transform_indices = #map}, {transform_indices = #map1}, {transform_indices = #map}, {transform_indices = #map}]} {
    %mul3A = arith.constant 2 : i32
    %mul3A_0 = arith.muli %arg1, %mul3A : i32
    %add3A = arith.addi %mul3A_0, %arg0 : i32
    %run_scoped3A = arith.constant 0 : i32
    "tpu.region"() ({
      %run_scoped3A_120 = tpu.sem_alloc : memref<!tpu.dma_semaphore, #tpu.memory_space<semaphore_mem>>
      %dma_start3A_121 = arith.constant 0 : i32
      %dma_start3A_122 = tpu.memref_slice %arg3[%run_scoped3A, %dma_start3A_121] : memref<2x2000xi32, #tpu.memory_space<hbm>> -> memref<1x2000xi32, #tpu.memory_space<hbm>>
      %dma_start3A_123 = tpu.memref_squeeze %dma_start3A_122 : memref<1x2000xi32, #tpu.memory_space<hbm>> -> memref<2000xi32, #tpu.memory_space<hbm>>
      %dma_start3A_124 = arith.constant 0 : i32
      %dma_start3A_125 = tpu.memref_slice %arg3[%run_scoped3A, %dma_start3A_124] : memref<2x2000xi32, #tpu.memory_space<hbm>> -> memref<1x2000xi32, #tpu.memory_space<hbm>>
      %dma_start3A_126 = tpu.memref_squeeze %dma_start3A_125 : memref<1x2000xi32, #tpu.memory_space<hbm>> -> memref<2000xi32, #tpu.memory_space<hbm>>
      tpu.enqueue_dma source(%dma_start3A_126 : memref<2000xi32, #tpu.memory_space<hbm>>) target(%arg7 : memref<2000xi32, #tpu.memory_space<vmem>>) target_semaphore(%run_scoped3A_120 : memref<!tpu.dma_semaphore, #tpu.memory_space<semaphore_mem>>)
      %dma_wait3A_127 = arith.constant 0 : i32
      %dma_wait3A_128 = tpu.memref_slice %arg3[%run_scoped3A, %dma_wait3A_127] : memref<2x2000xi32, #tpu.memory_space<hbm>> -> memref<1x2000xi32, #tpu.memory_space<hbm>>
      %dma_wait3A_129 = tpu.memref_squeeze %dma_wait3A_128 : memref<1x2000xi32, #tpu.memory_space<hbm>> -> memref<2000xi32, #tpu.memory_space<hbm>>
      %dma_wait3A_130 = arith.constant 0 : i32
      %dma_wait3A_131 = tpu.memref_slice %arg3[%run_scoped3A, %dma_wait3A_130] : memref<2x2000xi32, #tpu.memory_space<hbm>> -> memref<1x2000xi32, #tpu.memory_space<hbm>>
      %dma_wait3A_132 = tpu.memref_squeeze %dma_wait3A_131 : memref<1x2000xi32, #tpu.memory_space<hbm>> -> memref<2000xi32, #tpu.memory_space<hbm>>
      tpu.wait_dma2 semaphore(%run_scoped3A_120 : memref<!tpu.dma_semaphore, #tpu.memory_space<semaphore_mem>>) src(%dma_wait3A_132 : memref<2000xi32, #tpu.memory_space<hbm>>) dst(%arg7 : memref<2000xi32, #tpu.memory_space<vmem>>)
      tpu.yield
    }) : () -> ()
    %run_scoped3A_1 = arith.constant 1 : i32
    "tpu.region"() ({
      %run_scoped3A_120 = tpu.sem_alloc : memref<!tpu.dma_semaphore, #tpu.memory_space<semaphore_mem>>
      %dma_start3A_121 = arith.constant 0 : i32
      %dma_start3A_122 = tpu.memref_slice %arg3[%run_scoped3A_1, %dma_start3A_121] : memref<2x2000xi32, #tpu.memory_space<hbm>> -> memref<1x2000xi32, #tpu.memory_space<hbm>>
      %dma_start3A_123 = tpu.memref_squeeze %dma_start3A_122 : memref<1x2000xi32, #tpu.memory_space<hbm>> -> memref<2000xi32, #tpu.memory_space<hbm>>
      %dma_start3A_124 = arith.constant 0 : i32
      %dma_start3A_125 = tpu.memref_slice %arg3[%run_scoped3A_1, %dma_start3A_124] : memref<2x2000xi32, #tpu.memory_space<hbm>> -> memref<1x2000xi32, #tpu.memory_space<hbm>>
      %dma_start3A_126 = tpu.memref_squeeze %dma_start3A_125 : memref<1x2000xi32, #tpu.memory_space<hbm>> -> memref<2000xi32, #tpu.memory_space<hbm>>
      tpu.enqueue_dma source(%dma_start3A_126 : memref<2000xi32, #tpu.memory_space<hbm>>) target(%arg8 : memref<2000xi32, #tpu.memory_space<vmem>>) target_semaphore(%run_scoped3A_120 : memref<!tpu.dma_semaphore, #tpu.memory_space<semaphore_mem>>)
      %dma_wait3A_127 = arith.constant 0 : i32
      %dma_wait3A_128 = tpu.memref_slice %arg3[%run_scoped3A_1, %dma_wait3A_127] : memref<2x2000xi32, #tpu.memory_space<hbm>> -> memref<1x2000xi32, #tpu.memory_space<hbm>>
      %dma_wait3A_129 = tpu.memref_squeeze %dma_wait3A_128 : memref<1x2000xi32, #tpu.memory_space<hbm>> -> memref<2000xi32, #tpu.memory_space<hbm>>
      %dma_wait3A_130 = arith.constant 0 : i32
      %dma_wait3A_131 = tpu.memref_slice %arg3[%run_scoped3A_1, %dma_wait3A_130] : memref<2x2000xi32, #tpu.memory_space<hbm>> -> memref<1x2000xi32, #tpu.memory_space<hbm>>
      %dma_wait3A_132 = tpu.memref_squeeze %dma_wait3A_131 : memref<1x2000xi32, #tpu.memory_space<hbm>> -> memref<2000xi32, #tpu.memory_space<hbm>>
      tpu.wait_dma2 semaphore(%run_scoped3A_120 : memref<!tpu.dma_semaphore, #tpu.memory_space<semaphore_mem>>) src(%dma_wait3A_132 : memref<2000xi32, #tpu.memory_space<hbm>>) dst(%arg8 : memref<2000xi32, #tpu.memory_space<vmem>>)
      tpu.yield
    }) : () -> ()
    "tpu.region"() ({
      %run_scoped3A_120 = tpu.sem_alloc : memref<!tpu.dma_semaphore, #tpu.memory_space<semaphore_mem>>
      tpu.enqueue_dma source(%arg4 : memref<2000xf32, #tpu.memory_space<hbm>>) target(%arg9 : memref<2000xf32, #tpu.memory_space<vmem>>) target_semaphore(%run_scoped3A_120 : memref<!tpu.dma_semaphore, #tpu.memory_space<semaphore_mem>>)
      tpu.wait_dma2 semaphore(%run_scoped3A_120 : memref<!tpu.dma_semaphore, #tpu.memory_space<semaphore_mem>>) src(%arg4 : memref<2000xf32, #tpu.memory_space<hbm>>) dst(%arg9 : memref<2000xf32, #tpu.memory_space<vmem>>)
      tpu.yield
    }) : () -> ()
    %iota3A = tpu.iota {dimensions = array<i32: 0>} : vector<16xi32>
    %add3A_2 = arith.constant 80 : i32
    %add3A_3 = vector.broadcast %add3A_2 : i32 to vector<16xi32>
    %add3A_4 = arith.addi %add3A_3, %iota3A : vector<16xi32>
    %broadcast_in_dim3A = arith.constant 80 : i32
    %broadcast_in_dim3A_5 = vector.broadcast %broadcast_in_dim3A : i32 to vector<16xi32>
    %parallel_loop3A = arith.constant 0 : i32
    %parallel_loop3A_6 = arith.constant 125 : i32
    %parallel_loop3A_7 = arith.constant 1 : i32
    scf.for %parallel_loop3A_120 = %parallel_loop3A to %parallel_loop3A_6 step %parallel_loop3A_7  : i32 {
      %parallel_loop3A_121 = arith.constant 16 : i32
      %parallel_loop3A_122 = arith.muli %parallel_loop3A_120, %parallel_loop3A_121 : i32
      %parallel_loop3A_123 = arith.index_cast %parallel_loop3A_122 : i32 to index
      %parallel_loop3A_124 = tpu.vector_load %arg8[%parallel_loop3A_123] {strides = array<i32>} : memref<2000xi32, #tpu.memory_space<vmem>>, vector<16xi32>,
      %parallel_loop3A_125 = arith.constant 128 : i32
      %parallel_loop3A_126 = vector.broadcast %parallel_loop3A_125 : i32 to vector<16xi32>
      %parallel_loop3A_127 = arith.muli %parallel_loop3A_124, %parallel_loop3A_126 : vector<16xi32>
      %parallel_loop3A_128 = arith.index_cast %parallel_loop3A_122 : i32 to index
      %parallel_loop3A_129 = tpu.vector_load %arg7[%parallel_loop3A_128] {strides = array<i32>} : memref<2000xi32, #tpu.memory_space<vmem>>, vector<16xi32>,
      %parallel_loop3A_130 = arith.addi %parallel_loop3A_127, %parallel_loop3A_129 : vector<16xi32>
      %parallel_loop3A_131 = arith.index_cast %parallel_loop3A_122 : i32 to index
      %parallel_loop3A_132 = tpu.vector_load %arg7[%parallel_loop3A_131] {strides = array<i32>} : memref<2000xi32, #tpu.memory_space<vmem>>, vector<16xi32>,
      tpu.vector_store %arg7[%parallel_loop3A_131], %parallel_loop3A_130 {strides = array<i32>} : memref<2000xi32, #tpu.memory_space<vmem>>, vector<16xi32>,
    } {sc.loop_unroll_factor = 8 : i64, sc.parallel_access}
    %mul3A_8 = arith.constant 4 : i32
    %mul3A_9 = arith.muli %add3A, %mul3A_8 : i32
    %mul3A_10 = arith.constant 80 : i32
    %mul3A_11 = arith.muli %mul3A_9, %mul3A_10 : i32
    %dma_start3A = arith.constant 0 : i32
    %dma_start3A_12 = tpu.memref_slice %arg2[%mul3A_11, %dma_start3A] : memref<10240x128xf32, #tpu.memory_space<hbm>> -> memref<80x128xf32, #tpu.memory_space<hbm>>
    %dma_start3A_13 = arith.constant 0 : i32
    %dma_start3A_14 = tpu.memref_slice %arg2[%mul3A_11, %dma_start3A_13] : memref<10240x128xf32, #tpu.memory_space<hbm>> -> memref<80x128xf32, #tpu.memory_space<hbm>>
    tpu.enqueue_dma source(%dma_start3A_14 : memref<80x128xf32, #tpu.memory_space<hbm>>) target(%arg10 : memref<80x128xf32, #tpu.memory_space<vmem>>) target_semaphore(%arg14 : memref<!tpu.dma_semaphore, #tpu.memory_space<semaphore_mem>>)
    tpu.enqueue_dma source(%arg5 : memref<80x128xf32, #tpu.memory_space<hbm>>) target(%arg12 : memref<80x128xf32, #tpu.memory_space<vmem>>) target_semaphore(%arg16 : memref<!tpu.dma_semaphore, #tpu.memory_space<semaphore_mem>>)
    %dma_wait3A = arith.constant 0 : i32
    %dma_wait3A_15 = tpu.memref_slice %arg2[%mul3A_11, %dma_wait3A] : memref<10240x128xf32, #tpu.memory_space<hbm>> -> memref<80x128xf32, #tpu.memory_space<hbm>>
    %dma_wait3A_16 = arith.constant 0 : i32
    %dma_wait3A_17 = tpu.memref_slice %arg2[%mul3A_11, %dma_wait3A_16] : memref<10240x128xf32, #tpu.memory_space<hbm>> -> memref<80x128xf32, #tpu.memory_space<hbm>>
    tpu.wait_dma2 semaphore(%arg14 : memref<!tpu.dma_semaphore, #tpu.memory_space<semaphore_mem>>) src(%dma_wait3A_17 : memref<80x128xf32, #tpu.memory_space<hbm>>) dst(%arg10 : memref<80x128xf32, #tpu.memory_space<vmem>>)
    tpu.wait_dma2 semaphore(%arg16 : memref<!tpu.dma_semaphore, #tpu.memory_space<semaphore_mem>>) src(%arg5 : memref<80x128xf32, #tpu.memory_space<hbm>>) dst(%arg12 : memref<80x128xf32, #tpu.memory_space<vmem>>)
    %add3A_18 = arith.constant 0 : i32
    %add3A_19 = arith.addi %mul3A_9, %add3A_18 : i32
    %add3A_20 = arith.constant 1 : i32
    %add3A_21 = arith.addi %add3A_19, %add3A_20 : i32
    %mul3A_22 = arith.constant 80 : i32
    %mul3A_23 = arith.muli %add3A_21, %mul3A_22 : i32
    %dma_start3A_24 = arith.constant 0 : i32
    %dma_start3A_25 = tpu.memref_slice %arg2[%mul3A_23, %dma_start3A_24] : memref<10240x128xf32, #tpu.memory_space<hbm>> -> memref<80x128xf32, #tpu.memory_space<hbm>>
    %dma_start3A_26 = arith.constant 0 : i32
    %dma_start3A_27 = tpu.memref_slice %arg2[%mul3A_23, %dma_start3A_26] : memref<10240x128xf32, #tpu.memory_space<hbm>> -> memref<80x128xf32, #tpu.memory_space<hbm>>
    tpu.enqueue_dma source(%dma_start3A_27 : memref<80x128xf32, #tpu.memory_space<hbm>>) target(%arg11 : memref<80x128xf32, #tpu.memory_space<vmem>>) target_semaphore(%arg15 : memref<!tpu.dma_semaphore, #tpu.memory_space<semaphore_mem>>)
    tpu.enqueue_dma source(%arg5 : memref<80x128xf32, #tpu.memory_space<hbm>>) target(%arg13 : memref<80x128xf32, #tpu.memory_space<vmem>>) target_semaphore(%arg17 : memref<!tpu.dma_semaphore, #tpu.memory_space<semaphore_mem>>)
    %parallel_loop3A_28 = arith.constant 0 : i32
    %parallel_loop3A_29 = arith.constant 125 : i32
    %parallel_loop3A_30 = arith.constant 1 : i32
    scf.for %parallel_loop3A_120 = %parallel_loop3A_28 to %parallel_loop3A_29 step %parallel_loop3A_30  : i32 {
      %parallel_loop3A_121 = arith.constant 16 : i32
      %parallel_loop3A_122 = arith.muli %parallel_loop3A_120, %parallel_loop3A_121 : i32
      %parallel_loop3A_123 = arith.index_cast %parallel_loop3A_122 : i32 to index
      %parallel_loop3A_124 = tpu.vector_load %arg7[%parallel_loop3A_123] {strides = array<i32>} : memref<2000xi32, #tpu.memory_space<vmem>>, vector<16xi32>,
      %parallel_loop3A_125 = arith.index_cast %parallel_loop3A_122 : i32 to index
      %parallel_loop3A_126 = tpu.vector_load %arg9[%parallel_loop3A_125] {strides = array<i32>} : memref<2000xf32, #tpu.memory_space<vmem>>, vector<16xf32>,
      %parallel_loop3A_127 = arith.constant 7 : i32
      %parallel_loop3A_128 = vector.broadcast %parallel_loop3A_127 : i32 to vector<16xi32>
      %parallel_loop3A_129 = arith.shrui %parallel_loop3A_124, %parallel_loop3A_128 : vector<16xi32>
      %parallel_loop3A_130 = arith.constant 127 : i32
      %parallel_loop3A_131 = vector.broadcast %parallel_loop3A_130 : i32 to vector<16xi32>
      %parallel_loop3A_132 = arith.andi %parallel_loop3A_124, %parallel_loop3A_131 : vector<16xi32>
      %parallel_loop3A_133 = tpu.vector_load_idx %arg10[%parallel_loop3A_129, %parallel_loop3A_132] : memref<80x128xf32, #tpu.memory_space<vmem>>[vector<16xi32>, vector<16xi32>], vector<16xf32>,
      %parallel_loop3A_134 = tpu.vector_load_idx %arg10[%parallel_loop3A_129, %broadcast_in_dim3A_5] : memref<80x128xf32, #tpu.memory_space<vmem>>[vector<16xi32>, vector<16xi32>], vector<16xf32>,
      %parallel_loop3A_135 = arith.mulf %parallel_loop3A_126, %parallel_loop3A_134 : vector<16xf32>
      %parallel_loop3A_136 = arith.addf %parallel_loop3A_133, %parallel_loop3A_135 : vector<16xf32>
      %parallel_loop3A_137 = math.exp %parallel_loop3A_136 : vector<16xf32>
      tpu.vector_store_idx %arg12[%parallel_loop3A_129, %parallel_loop3A_132], %parallel_loop3A_137 {add = true} : memref<80x128xf32, #tpu.memory_space<vmem>>[vector<16xi32>, vector<16xi32>], vector<16xf32>,
      %parallel_loop3A_138 = arith.mulf %parallel_loop3A_137, %parallel_loop3A_126 : vector<16xf32>
      tpu.vector_store_idx %arg12[%parallel_loop3A_129, %add3A_4], %parallel_loop3A_138 {add = true} : memref<80x128xf32, #tpu.memory_space<vmem>>[vector<16xi32>, vector<16xi32>], vector<16xf32>,
    } {sc.loop_unroll_factor = 8 : i64, sc.parallel_access}
    %add3A_31 = arith.constant 0 : i32
    %add3A_32 = arith.addi %mul3A_9, %add3A_31 : i32
    %mul3A_33 = arith.constant 80 : i32
    %mul3A_34 = arith.muli %add3A_32, %mul3A_33 : i32
    %dma_start3A_35 = arith.constant 0 : i32
    %dma_start3A_36 = tpu.memref_slice %arg6[%mul3A_34, %dma_start3A_35] : memref<10240x128xf32, #tpu.memory_space<hbm>> -> memref<80x128xf32, #tpu.memory_space<hbm>>
    %dma_start3A_37 = arith.constant 0 : i32
    %dma_start3A_38 = tpu.memref_slice %arg6[%mul3A_34, %dma_start3A_37] : memref<10240x128xf32, #tpu.memory_space<hbm>> -> memref<80x128xf32, #tpu.memory_space<hbm>>
    tpu.enqueue_dma source(%arg12 : memref<80x128xf32, #tpu.memory_space<vmem>>) target(%dma_start3A_38 : memref<80x128xf32, #tpu.memory_space<hbm>>) target_semaphore(%arg18 : memref<!tpu.dma_semaphore, #tpu.memory_space<semaphore_mem>>)
    %dma_wait3A_39 = arith.constant 0 : i32
    %dma_wait3A_40 = tpu.memref_slice %arg2[%mul3A_23, %dma_wait3A_39] : memref<10240x128xf32, #tpu.memory_space<hbm>> -> memref<80x128xf32, #tpu.memory_space<hbm>>
    %dma_wait3A_41 = arith.constant 0 : i32
    %dma_wait3A_42 = tpu.memref_slice %arg2[%mul3A_23, %dma_wait3A_41] : memref<10240x128xf32, #tpu.memory_space<hbm>> -> memref<80x128xf32, #tpu.memory_space<hbm>>
    tpu.wait_dma2 semaphore(%arg15 : memref<!tpu.dma_semaphore, #tpu.memory_space<semaphore_mem>>) src(%dma_wait3A_42 : memref<80x128xf32, #tpu.memory_space<hbm>>) dst(%arg11 : memref<80x128xf32, #tpu.memory_space<vmem>>)
    tpu.wait_dma2 semaphore(%arg17 : memref<!tpu.dma_semaphore, #tpu.memory_space<semaphore_mem>>) src(%arg5 : memref<80x128xf32, #tpu.memory_space<hbm>>) dst(%arg13 : memref<80x128xf32, #tpu.memory_space<vmem>>)
    %dma_wait3A_43 = arith.constant 0 : i32
    %dma_wait3A_44 = tpu.memref_slice %arg6[%mul3A_34, %dma_wait3A_43] : memref<10240x128xf32, #tpu.memory_space<hbm>> -> memref<80x128xf32, #tpu.memory_space<hbm>>
    %dma_wait3A_45 = arith.constant 0 : i32
    %dma_wait3A_46 = tpu.memref_slice %arg6[%mul3A_34, %dma_wait3A_45] : memref<10240x128xf32, #tpu.memory_space<hbm>> -> memref<80x128xf32, #tpu.memory_space<hbm>>
    tpu.wait_dma2 semaphore(%arg18 : memref<!tpu.dma_semaphore, #tpu.memory_space<semaphore_mem>>) src(%arg12 : memref<80x128xf32, #tpu.memory_space<vmem>>) dst(%dma_wait3A_46 : memref<80x128xf32, #tpu.memory_space<hbm>>)
    %add3A_47 = arith.constant 1 : i32
    %add3A_48 = arith.addi %mul3A_9, %add3A_47 : i32
    %add3A_49 = arith.constant 1 : i32
    %add3A_50 = arith.addi %add3A_48, %add3A_49 : i32
    %mul3A_51 = arith.constant 80 : i32
    %mul3A_52 = arith.muli %add3A_50, %mul3A_51 : i32
    %dma_start3A_53 = arith.constant 0 : i32
    %dma_start3A_54 = tpu.memref_slice %arg2[%mul3A_52, %dma_start3A_53] : memref<10240x128xf32, #tpu.memory_space<hbm>> -> memref<80x128xf32, #tpu.memory_space<hbm>>
    %dma_start3A_55 = arith.constant 0 : i32
    %dma_start3A_56 = tpu.memref_slice %arg2[%mul3A_52, %dma_start3A_55] : memref<10240x128xf32, #tpu.memory_space<hbm>> -> memref<80x128xf32, #tpu.memory_space<hbm>>
    tpu.enqueue_dma source(%dma_start3A_56 : memref<80x128xf32, #tpu.memory_space<hbm>>) target(%arg10 : memref<80x128xf32, #tpu.memory_space<vmem>>) target_semaphore(%arg14 : memref<!tpu.dma_semaphore, #tpu.memory_space<semaphore_mem>>)
    tpu.enqueue_dma source(%arg5 : memref<80x128xf32, #tpu.memory_space<hbm>>) target(%arg12 : memref<80x128xf32, #tpu.memory_space<vmem>>) target_semaphore(%arg16 : memref<!tpu.dma_semaphore, #tpu.memory_space<semaphore_mem>>)
    %parallel_loop3A_57 = arith.constant 0 : i32
    %parallel_loop3A_58 = arith.constant 125 : i32
    %parallel_loop3A_59 = arith.constant 1 : i32
    scf.for %parallel_loop3A_120 = %parallel_loop3A_57 to %parallel_loop3A_58 step %parallel_loop3A_59  : i32 {
      %parallel_loop3A_121 = arith.constant 16 : i32
      %parallel_loop3A_122 = arith.muli %parallel_loop3A_120, %parallel_loop3A_121 : i32
      %parallel_loop3A_123 = arith.index_cast %parallel_loop3A_122 : i32 to index
      %parallel_loop3A_124 = tpu.vector_load %arg7[%parallel_loop3A_123] {strides = array<i32>} : memref<2000xi32, #tpu.memory_space<vmem>>, vector<16xi32>,
      %parallel_loop3A_125 = arith.index_cast %parallel_loop3A_122 : i32 to index
      %parallel_loop3A_126 = tpu.vector_load %arg9[%parallel_loop3A_125] {strides = array<i32>} : memref<2000xf32, #tpu.memory_space<vmem>>, vector<16xf32>,
      %parallel_loop3A_127 = arith.constant 7 : i32
      %parallel_loop3A_128 = vector.broadcast %parallel_loop3A_127 : i32 to vector<16xi32>
      %parallel_loop3A_129 = arith.shrui %parallel_loop3A_124, %parallel_loop3A_128 : vector<16xi32>
      %parallel_loop3A_130 = arith.constant 127 : i32
      %parallel_loop3A_131 = vector.broadcast %parallel_loop3A_130 : i32 to vector<16xi32>
      %parallel_loop3A_132 = arith.andi %parallel_loop3A_124, %parallel_loop3A_131 : vector<16xi32>
      %parallel_loop3A_133 = tpu.vector_load_idx %arg11[%parallel_loop3A_129, %parallel_loop3A_132] : memref<80x128xf32, #tpu.memory_space<vmem>>[vector<16xi32>, vector<16xi32>], vector<16xf32>,
      %parallel_loop3A_134 = tpu.vector_load_idx %arg11[%parallel_loop3A_129, %broadcast_in_dim3A_5] : memref<80x128xf32, #tpu.memory_space<vmem>>[vector<16xi32>, vector<16xi32>], vector<16xf32>,
      %parallel_loop3A_135 = arith.mulf %parallel_loop3A_126, %parallel_loop3A_134 : vector<16xf32>
      %parallel_loop3A_136 = arith.addf %parallel_loop3A_133, %parallel_loop3A_135 : vector<16xf32>
      %parallel_loop3A_137 = math.exp %parallel_loop3A_136 : vector<16xf32>
      tpu.vector_store_idx %arg13[%parallel_loop3A_129, %parallel_loop3A_132], %parallel_loop3A_137 {add = true} : memref<80x128xf32, #tpu.memory_space<vmem>>[vector<16xi32>, vector<16xi32>], vector<16xf32>,
      %parallel_loop3A_138 = arith.mulf %parallel_loop3A_137, %parallel_loop3A_126 : vector<16xf32>
      tpu.vector_store_idx %arg13[%parallel_loop3A_129, %add3A_4], %parallel_loop3A_138 {add = true} : memref<80x128xf32, #tpu.memory_space<vmem>>[vector<16xi32>, vector<16xi32>], vector<16xf32>,
    } {sc.loop_unroll_factor = 8 : i64, sc.parallel_access}
    %add3A_60 = arith.constant 1 : i32
    %add3A_61 = arith.addi %mul3A_9, %add3A_60 : i32
    %mul3A_62 = arith.constant 80 : i32
    %mul3A_63 = arith.muli %add3A_61, %mul3A_62 : i32
    %dma_start3A_64 = arith.constant 0 : i32
    %dma_start3A_65 = tpu.memref_slice %arg6[%mul3A_63, %dma_start3A_64] : memref<10240x128xf32, #tpu.memory_space<hbm>> -> memref<80x128xf32, #tpu.memory_space<hbm>>
    %dma_start3A_66 = arith.constant 0 : i32
    %dma_start3A_67 = tpu.memref_slice %arg6[%mul3A_63, %dma_start3A_66] : memref<10240x128xf32, #tpu.memory_space<hbm>> -> memref<80x128xf32, #tpu.memory_space<hbm>>
    tpu.enqueue_dma source(%arg13 : memref<80x128xf32, #tpu.memory_space<vmem>>) target(%dma_start3A_67 : memref<80x128xf32, #tpu.memory_space<hbm>>) target_semaphore(%arg19 : memref<!tpu.dma_semaphore, #tpu.memory_space<semaphore_mem>>)
    %dma_wait3A_68 = arith.constant 0 : i32
    %dma_wait3A_69 = tpu.memref_slice %arg2[%mul3A_52, %dma_wait3A_68] : memref<10240x128xf32, #tpu.memory_space<hbm>> -> memref<80x128xf32, #tpu.memory_space<hbm>>
    %dma_wait3A_70 = arith.constant 0 : i32
    %dma_wait3A_71 = tpu.memref_slice %arg2[%mul3A_52, %dma_wait3A_70] : memref<10240x128xf32, #tpu.memory_space<hbm>> -> memref<80x128xf32, #tpu.memory_space<hbm>>
    tpu.wait_dma2 semaphore(%arg14 : memref<!tpu.dma_semaphore, #tpu.memory_space<semaphore_mem>>) src(%dma_wait3A_71 : memref<80x128xf32, #tpu.memory_space<hbm>>) dst(%arg10 : memref<80x128xf32, #tpu.memory_space<vmem>>)
    tpu.wait_dma2 semaphore(%arg16 : memref<!tpu.dma_semaphore, #tpu.memory_space<semaphore_mem>>) src(%arg5 : memref<80x128xf32, #tpu.memory_space<hbm>>) dst(%arg12 : memref<80x128xf32, #tpu.memory_space<vmem>>)
    %dma_wait3A_72 = arith.constant 0 : i32
    %dma_wait3A_73 = tpu.memref_slice %arg6[%mul3A_63, %dma_wait3A_72] : memref<10240x128xf32, #tpu.memory_space<hbm>> -> memref<80x128xf32, #tpu.memory_space<hbm>>
    %dma_wait3A_74 = arith.constant 0 : i32
    %dma_wait3A_75 = tpu.memref_slice %arg6[%mul3A_63, %dma_wait3A_74] : memref<10240x128xf32, #tpu.memory_space<hbm>> -> memref<80x128xf32, #tpu.memory_space<hbm>>
    tpu.wait_dma2 semaphore(%arg19 : memref<!tpu.dma_semaphore, #tpu.memory_space<semaphore_mem>>) src(%arg13 : memref<80x128xf32, #tpu.memory_space<vmem>>) dst(%dma_wait3A_75 : memref<80x128xf32, #tpu.memory_space<hbm>>)
    %add3A_76 = arith.constant 2 : i32
    %add3A_77 = arith.addi %mul3A_9, %add3A_76 : i32
    %add3A_78 = arith.constant 1 : i32
    %add3A_79 = arith.addi %add3A_77, %add3A_78 : i32
    %mul3A_80 = arith.constant 80 : i32
    %mul3A_81 = arith.muli %add3A_79, %mul3A_80 : i32
    %dma_start3A_82 = arith.constant 0 : i32
    %dma_start3A_83 = tpu.memref_slice %arg2[%mul3A_81, %dma_start3A_82] : memref<10240x128xf32, #tpu.memory_space<hbm>> -> memref<80x128xf32, #tpu.memory_space<hbm>>
    %dma_start3A_84 = arith.constant 0 : i32
    %dma_start3A_85 = tpu.memref_slice %arg2[%mul3A_81, %dma_start3A_84] : memref<10240x128xf32, #tpu.memory_space<hbm>> -> memref<80x128xf32, #tpu.memory_space<hbm>>
    tpu.enqueue_dma source(%dma_start3A_85 : memref<80x128xf32, #tpu.memory_space<hbm>>) target(%arg11 : memref<80x128xf32, #tpu.memory_space<vmem>>) target_semaphore(%arg15 : memref<!tpu.dma_semaphore, #tpu.memory_space<semaphore_mem>>)
    tpu.enqueue_dma source(%arg5 : memref<80x128xf32, #tpu.memory_space<hbm>>) target(%arg13 : memref<80x128xf32, #tpu.memory_space<vmem>>) target_semaphore(%arg17 : memref<!tpu.dma_semaphore, #tpu.memory_space<semaphore_mem>>)
    %parallel_loop3A_86 = arith.constant 0 : i32
    %parallel_loop3A_87 = arith.constant 125 : i32
    %parallel_loop3A_88 = arith.constant 1 : i32
    scf.for %parallel_loop3A_120 = %parallel_loop3A_86 to %parallel_loop3A_87 step %parallel_loop3A_88  : i32 {
      %parallel_loop3A_121 = arith.constant 16 : i32
      %parallel_loop3A_122 = arith.muli %parallel_loop3A_120, %parallel_loop3A_121 : i32
      %parallel_loop3A_123 = arith.index_cast %parallel_loop3A_122 : i32 to index
      %parallel_loop3A_124 = tpu.vector_load %arg7[%parallel_loop3A_123] {strides = array<i32>} : memref<2000xi32, #tpu.memory_space<vmem>>, vector<16xi32>,
      %parallel_loop3A_125 = arith.index_cast %parallel_loop3A_122 : i32 to index
      %parallel_loop3A_126 = tpu.vector_load %arg9[%parallel_loop3A_125] {strides = array<i32>} : memref<2000xf32, #tpu.memory_space<vmem>>, vector<16xf32>,
      %parallel_loop3A_127 = arith.constant 7 : i32
      %parallel_loop3A_128 = vector.broadcast %parallel_loop3A_127 : i32 to vector<16xi32>
      %parallel_loop3A_129 = arith.shrui %parallel_loop3A_124, %parallel_loop3A_128 : vector<16xi32>
      %parallel_loop3A_130 = arith.constant 127 : i32
      %parallel_loop3A_131 = vector.broadcast %parallel_loop3A_130 : i32 to vector<16xi32>
      %parallel_loop3A_132 = arith.andi %parallel_loop3A_124, %parallel_loop3A_131 : vector<16xi32>
      %parallel_loop3A_133 = tpu.vector_load_idx %arg10[%parallel_loop3A_129, %parallel_loop3A_132] : memref<80x128xf32, #tpu.memory_space<vmem>>[vector<16xi32>, vector<16xi32>], vector<16xf32>,
      %parallel_loop3A_134 = tpu.vector_load_idx %arg10[%parallel_loop3A_129, %broadcast_in_dim3A_5] : memref<80x128xf32, #tpu.memory_space<vmem>>[vector<16xi32>, vector<16xi32>], vector<16xf32>,
      %parallel_loop3A_135 = arith.mulf %parallel_loop3A_126, %parallel_loop3A_134 : vector<16xf32>
      %parallel_loop3A_136 = arith.addf %parallel_loop3A_133, %parallel_loop3A_135 : vector<16xf32>
      %parallel_loop3A_137 = math.exp %parallel_loop3A_136 : vector<16xf32>
      tpu.vector_store_idx %arg12[%parallel_loop3A_129, %parallel_loop3A_132], %parallel_loop3A_137 {add = true} : memref<80x128xf32, #tpu.memory_space<vmem>>[vector<16xi32>, vector<16xi32>], vector<16xf32>,
      %parallel_loop3A_138 = arith.mulf %parallel_loop3A_137, %parallel_loop3A_126 : vector<16xf32>
      tpu.vector_store_idx %arg12[%parallel_loop3A_129, %add3A_4], %parallel_loop3A_138 {add = true} : memref<80x128xf32, #tpu.memory_space<vmem>>[vector<16xi32>, vector<16xi32>], vector<16xf32>,
    } {sc.loop_unroll_factor = 8 : i64, sc.parallel_access}
    %add3A_89 = arith.constant 2 : i32
    %add3A_90 = arith.addi %mul3A_9, %add3A_89 : i32
    %mul3A_91 = arith.constant 80 : i32
    %mul3A_92 = arith.muli %add3A_90, %mul3A_91 : i32
    %dma_start3A_93 = arith.constant 0 : i32
    %dma_start3A_94 = tpu.memref_slice %arg6[%mul3A_92, %dma_start3A_93] : memref<10240x128xf32, #tpu.memory_space<hbm>> -> memref<80x128xf32, #tpu.memory_space<hbm>>
    %dma_start3A_95 = arith.constant 0 : i32
    %dma_start3A_96 = tpu.memref_slice %arg6[%mul3A_92, %dma_start3A_95] : memref<10240x128xf32, #tpu.memory_space<hbm>> -> memref<80x128xf32, #tpu.memory_space<hbm>>
    tpu.enqueue_dma source(%arg12 : memref<80x128xf32, #tpu.memory_space<vmem>>) target(%dma_start3A_96 : memref<80x128xf32, #tpu.memory_space<hbm>>) target_semaphore(%arg18 : memref<!tpu.dma_semaphore, #tpu.memory_space<semaphore_mem>>)
    %dma_wait3A_97 = arith.constant 0 : i32
    %dma_wait3A_98 = tpu.memref_slice %arg2[%mul3A_81, %dma_wait3A_97] : memref<10240x128xf32, #tpu.memory_space<hbm>> -> memref<80x128xf32, #tpu.memory_space<hbm>>
    %dma_wait3A_99 = arith.constant 0 : i32
    %dma_wait3A_100 = tpu.memref_slice %arg2[%mul3A_81, %dma_wait3A_99] : memref<10240x128xf32, #tpu.memory_space<hbm>> -> memref<80x128xf32, #tpu.memory_space<hbm>>
    tpu.wait_dma2 semaphore(%arg15 : memref<!tpu.dma_semaphore, #tpu.memory_space<semaphore_mem>>) src(%dma_wait3A_100 : memref<80x128xf32, #tpu.memory_space<hbm>>) dst(%arg11 : memref<80x128xf32, #tpu.memory_space<vmem>>)
    tpu.wait_dma2 semaphore(%arg17 : memref<!tpu.dma_semaphore, #tpu.memory_space<semaphore_mem>>) src(%arg5 : memref<80x128xf32, #tpu.memory_space<hbm>>) dst(%arg13 : memref<80x128xf32, #tpu.memory_space<vmem>>)
    %parallel_loop3A_101 = arith.constant 0 : i32
    %parallel_loop3A_102 = arith.constant 125 : i32
    %parallel_loop3A_103 = arith.constant 1 : i32
    scf.for %parallel_loop3A_120 = %parallel_loop3A_101 to %parallel_loop3A_102 step %parallel_loop3A_103  : i32 {
      %parallel_loop3A_121 = arith.constant 16 : i32
      %parallel_loop3A_122 = arith.muli %parallel_loop3A_120, %parallel_loop3A_121 : i32
      %parallel_loop3A_123 = arith.index_cast %parallel_loop3A_122 : i32 to index
      %parallel_loop3A_124 = tpu.vector_load %arg7[%parallel_loop3A_123] {strides = array<i32>} : memref<2000xi32, #tpu.memory_space<vmem>>, vector<16xi32>,
      %parallel_loop3A_125 = arith.index_cast %parallel_loop3A_122 : i32 to index
      %parallel_loop3A_126 = tpu.vector_load %arg9[%parallel_loop3A_125] {strides = array<i32>} : memref<2000xf32, #tpu.memory_space<vmem>>, vector<16xf32>,
      %parallel_loop3A_127 = arith.constant 7 : i32
      %parallel_loop3A_128 = vector.broadcast %parallel_loop3A_127 : i32 to vector<16xi32>
      %parallel_loop3A_129 = arith.shrui %parallel_loop3A_124, %parallel_loop3A_128 : vector<16xi32>
      %parallel_loop3A_130 = arith.constant 127 : i32
      %parallel_loop3A_131 = vector.broadcast %parallel_loop3A_130 : i32 to vector<16xi32>
      %parallel_loop3A_132 = arith.andi %parallel_loop3A_124, %parallel_loop3A_131 : vector<16xi32>
      %parallel_loop3A_133 = tpu.vector_load_idx %arg11[%parallel_loop3A_129, %parallel_loop3A_132] : memref<80x128xf32, #tpu.memory_space<vmem>>[vector<16xi32>, vector<16xi32>], vector<16xf32>,
      %parallel_loop3A_134 = tpu.vector_load_idx %arg11[%parallel_loop3A_129, %broadcast_in_dim3A_5] : memref<80x128xf32, #tpu.memory_space<vmem>>[vector<16xi32>, vector<16xi32>], vector<16xf32>,
      %parallel_loop3A_135 = arith.mulf %parallel_loop3A_126, %parallel_loop3A_134 : vector<16xf32>
      %parallel_loop3A_136 = arith.addf %parallel_loop3A_133, %parallel_loop3A_135 : vector<16xf32>
      %parallel_loop3A_137 = math.exp %parallel_loop3A_136 : vector<16xf32>
      tpu.vector_store_idx %arg13[%parallel_loop3A_129, %parallel_loop3A_132], %parallel_loop3A_137 {add = true} : memref<80x128xf32, #tpu.memory_space<vmem>>[vector<16xi32>, vector<16xi32>], vector<16xf32>,
      %parallel_loop3A_138 = arith.mulf %parallel_loop3A_137, %parallel_loop3A_126 : vector<16xf32>
      tpu.vector_store_idx %arg13[%parallel_loop3A_129, %add3A_4], %parallel_loop3A_138 {add = true} : memref<80x128xf32, #tpu.memory_space<vmem>>[vector<16xi32>, vector<16xi32>], vector<16xf32>,
    } {sc.loop_unroll_factor = 8 : i64, sc.parallel_access}
    %add3A_104 = arith.constant 3 : i32
    %add3A_105 = arith.addi %mul3A_9, %add3A_104 : i32
    %mul3A_106 = arith.constant 80 : i32
    %mul3A_107 = arith.muli %add3A_105, %mul3A_106 : i32
    %dma_start3A_108 = arith.constant 0 : i32
    %dma_start3A_109 = tpu.memref_slice %arg6[%mul3A_107, %dma_start3A_108] : memref<10240x128xf32, #tpu.memory_space<hbm>> -> memref<80x128xf32, #tpu.memory_space<hbm>>
    %dma_start3A_110 = arith.constant 0 : i32
    %dma_start3A_111 = tpu.memref_slice %arg6[%mul3A_107, %dma_start3A_110] : memref<10240x128xf32, #tpu.memory_space<hbm>> -> memref<80x128xf32, #tpu.memory_space<hbm>>
    tpu.enqueue_dma source(%arg13 : memref<80x128xf32, #tpu.memory_space<vmem>>) target(%dma_start3A_111 : memref<80x128xf32, #tpu.memory_space<hbm>>) target_semaphore(%arg19 : memref<!tpu.dma_semaphore, #tpu.memory_space<semaphore_mem>>)
    %dma_wait3A_112 = arith.constant 0 : i32
    %dma_wait3A_113 = tpu.memref_slice %arg6[%mul3A_92, %dma_wait3A_112] : memref<10240x128xf32, #tpu.memory_space<hbm>> -> memref<80x128xf32, #tpu.memory_space<hbm>>
    %dma_wait3A_114 = arith.constant 0 : i32
    %dma_wait3A_115 = tpu.memref_slice %arg6[%mul3A_92, %dma_wait3A_114] : memref<10240x128xf32, #tpu.memory_space<hbm>> -> memref<80x128xf32, #tpu.memory_space<hbm>>
    tpu.wait_dma2 semaphore(%arg18 : memref<!tpu.dma_semaphore, #tpu.memory_space<semaphore_mem>>) src(%arg12 : memref<80x128xf32, #tpu.memory_space<vmem>>) dst(%dma_wait3A_115 : memref<80x128xf32, #tpu.memory_space<hbm>>)
    %dma_wait3A_116 = arith.constant 0 : i32
    %dma_wait3A_117 = tpu.memref_slice %arg6[%mul3A_107, %dma_wait3A_116] : memref<10240x128xf32, #tpu.memory_space<hbm>> -> memref<80x128xf32, #tpu.memory_space<hbm>>
    %dma_wait3A_118 = arith.constant 0 : i32
    %dma_wait3A_119 = tpu.memref_slice %arg6[%mul3A_107, %dma_wait3A_118] : memref<10240x128xf32, #tpu.memory_space<hbm>> -> memref<80x128xf32, #tpu.memory_space<hbm>>
    tpu.wait_dma2 semaphore(%arg19 : memref<!tpu.dma_semaphore, #tpu.memory_space<semaphore_mem>>) src(%arg13 : memref<80x128xf32, #tpu.memory_space<vmem>>) dst(%dma_wait3A_119 : memref<80x128xf32, #tpu.memory_space<hbm>>)
    return
  }
}

#map = affine_map<(d0, d1) -> (0, 0)>
#map1 = affine_map<(d0, d1) -> (0)>
module attributes {stable_mosaic.version = 14 : i64} {
  func.func @_sc_edge_body(%arg0: i32, %arg1: i32, %arg2: memref<10240x128xf32, #tpu.memory_space<hbm>>, %arg3: memref<2x2000xi32, #tpu.memory_space<hbm>>, %arg4: memref<2000xf32, #tpu.memory_space<hbm>>, %arg5: memref<80x128xf32, #tpu.memory_space<hbm>>, %arg6: memref<10240x128xf32, #tpu.memory_space<hbm>>, %arg7: memref<2000xi32, #tpu.memory_space<vmem>>, %arg8: memref<2000xi32, #tpu.memory_space<vmem>>, %arg9: memref<2000xf32, #tpu.memory_space<vmem>>, %arg10: memref<80x128xf32, #tpu.memory_space<vmem>>, %arg11: memref<80x128xf32, #tpu.memory_space<vmem>>, %arg12: memref<80x128xf32, #tpu.memory_space<vmem>>, %arg13: memref<80x128xf32, #tpu.memory_space<vmem>>, %arg14: memref<!tpu.dma_semaphore, #tpu.memory_space<semaphore_mem>>, %arg15: memref<!tpu.dma_semaphore, #tpu.memory_space<semaphore_mem>>, %arg16: memref<!tpu.dma_semaphore, #tpu.memory_space<semaphore_mem>>, %arg17: memref<!tpu.dma_semaphore, #tpu.memory_space<semaphore_mem>>, %arg18: memref<!tpu.dma_semaphore, #tpu.memory_space<semaphore_mem>>, %arg19: memref<!tpu.dma_semaphore, #tpu.memory_space<semaphore_mem>>) attributes {dimension_semantics = [#tpu.dimension_semantics<core_parallel>, #tpu.dimension_semantics<subcore_parallel>], iteration_bounds = array<i64: 2, 16>, scalar_prefetch = 0 : i64, scratch_operands = 13 : i64, tpu.core_type = #tpu.core_type<sc_vector_subcore>, window_params = [{transform_indices = #map}, {transform_indices = #map}, {transform_indices = #map1}, {transform_indices = #map}, {transform_indices = #map}]} {
    %mul3A = arith.constant 2 : i32
    %mul3A_0 = arith.muli %arg1, %mul3A : i32
    %add3A = arith.addi %mul3A_0, %arg0 : i32
    %run_scoped3A = arith.constant 0 : i32
    "tpu.region"() ({
      %run_scoped3A_120 = tpu.sem_alloc : memref<!tpu.dma_semaphore, #tpu.memory_space<semaphore_mem>>
      %dma_start3A_121 = arith.constant 0 : i32
      %dma_start3A_122 = tpu.memref_slice %arg3[%run_scoped3A, %dma_start3A_121] : memref<2x2000xi32, #tpu.memory_space<hbm>> -> memref<1x2000xi32, #tpu.memory_space<hbm>>
      %dma_start3A_123 = tpu.memref_squeeze %dma_start3A_122 : memref<1x2000xi32, #tpu.memory_space<hbm>> -> memref<2000xi32, #tpu.memory_space<hbm>>
      %dma_start3A_124 = arith.constant 0 : i32
      %dma_start3A_125 = tpu.memref_slice %arg3[%run_scoped3A, %dma_start3A_124] : memref<2x2000xi32, #tpu.memory_space<hbm>> -> memref<1x2000xi32, #tpu.memory_space<hbm>>
      %dma_start3A_126 = tpu.memref_squeeze %dma_start3A_125 : memref<1x2000xi32, #tpu.memory_space<hbm>> -> memref<2000xi32, #tpu.memory_space<hbm>>
      tpu.enqueue_dma source(%dma_start3A_126 : memref<2000xi32, #tpu.memory_space<hbm>>) target(%arg7 : memref<2000xi32, #tpu.memory_space<vmem>>) target_semaphore(%run_scoped3A_120 : memref<!tpu.dma_semaphore, #tpu.memory_space<semaphore_mem>>)
      %dma_wait3A_127 = arith.constant 0 : i32
      %dma_wait3A_128 = tpu.memref_slice %arg3[%run_scoped3A, %dma_wait3A_127] : memref<2x2000xi32, #tpu.memory_space<hbm>> -> memref<1x2000xi32, #tpu.memory_space<hbm>>
      %dma_wait3A_129 = tpu.memref_squeeze %dma_wait3A_128 : memref<1x2000xi32, #tpu.memory_space<hbm>> -> memref<2000xi32, #tpu.memory_space<hbm>>
      %dma_wait3A_130 = arith.constant 0 : i32
      %dma_wait3A_131 = tpu.memref_slice %arg3[%run_scoped3A, %dma_wait3A_130] : memref<2x2000xi32, #tpu.memory_space<hbm>> -> memref<1x2000xi32, #tpu.memory_space<hbm>>
      %dma_wait3A_132 = tpu.memref_squeeze %dma_wait3A_131 : memref<1x2000xi32, #tpu.memory_space<hbm>> -> memref<2000xi32, #tpu.memory_space<hbm>>
      tpu.wait_dma2 semaphore(%run_scoped3A_120 : memref<!tpu.dma_semaphore, #tpu.memory_space<semaphore_mem>>) src(%dma_wait3A_132 : memref<2000xi32, #tpu.memory_space<hbm>>) dst(%arg7 : memref<2000xi32, #tpu.memory_space<vmem>>)
      tpu.yield
    }) : () -> ()
    %run_scoped3A_1 = arith.constant 1 : i32
    "tpu.region"() ({
      %run_scoped3A_120 = tpu.sem_alloc : memref<!tpu.dma_semaphore, #tpu.memory_space<semaphore_mem>>
      %dma_start3A_121 = arith.constant 0 : i32
      %dma_start3A_122 = tpu.memref_slice %arg3[%run_scoped3A_1, %dma_start3A_121] : memref<2x2000xi32, #tpu.memory_space<hbm>> -> memref<1x2000xi32, #tpu.memory_space<hbm>>
      %dma_start3A_123 = tpu.memref_squeeze %dma_start3A_122 : memref<1x2000xi32, #tpu.memory_space<hbm>> -> memref<2000xi32, #tpu.memory_space<hbm>>
      %dma_start3A_124 = arith.constant 0 : i32
      %dma_start3A_125 = tpu.memref_slice %arg3[%run_scoped3A_1, %dma_start3A_124] : memref<2x2000xi32, #tpu.memory_space<hbm>> -> memref<1x2000xi32, #tpu.memory_space<hbm>>
      %dma_start3A_126 = tpu.memref_squeeze %dma_start3A_125 : memref<1x2000xi32, #tpu.memory_space<hbm>> -> memref<2000xi32, #tpu.memory_space<hbm>>
      tpu.enqueue_dma source(%dma_start3A_126 : memref<2000xi32, #tpu.memory_space<hbm>>) target(%arg8 : memref<2000xi32, #tpu.memory_space<vmem>>) target_semaphore(%run_scoped3A_120 : memref<!tpu.dma_semaphore, #tpu.memory_space<semaphore_mem>>)
      %dma_wait3A_127 = arith.constant 0 : i32
      %dma_wait3A_128 = tpu.memref_slice %arg3[%run_scoped3A_1, %dma_wait3A_127] : memref<2x2000xi32, #tpu.memory_space<hbm>> -> memref<1x2000xi32, #tpu.memory_space<hbm>>
      %dma_wait3A_129 = tpu.memref_squeeze %dma_wait3A_128 : memref<1x2000xi32, #tpu.memory_space<hbm>> -> memref<2000xi32, #tpu.memory_space<hbm>>
      %dma_wait3A_130 = arith.constant 0 : i32
      %dma_wait3A_131 = tpu.memref_slice %arg3[%run_scoped3A_1, %dma_wait3A_130] : memref<2x2000xi32, #tpu.memory_space<hbm>> -> memref<1x2000xi32, #tpu.memory_space<hbm>>
      %dma_wait3A_132 = tpu.memref_squeeze %dma_wait3A_131 : memref<1x2000xi32, #tpu.memory_space<hbm>> -> memref<2000xi32, #tpu.memory_space<hbm>>
      tpu.wait_dma2 semaphore(%run_scoped3A_120 : memref<!tpu.dma_semaphore, #tpu.memory_space<semaphore_mem>>) src(%dma_wait3A_132 : memref<2000xi32, #tpu.memory_space<hbm>>) dst(%arg8 : memref<2000xi32, #tpu.memory_space<vmem>>)
      tpu.yield
    }) : () -> ()
    "tpu.region"() ({
      %run_scoped3A_120 = tpu.sem_alloc : memref<!tpu.dma_semaphore, #tpu.memory_space<semaphore_mem>>
      tpu.enqueue_dma source(%arg4 : memref<2000xf32, #tpu.memory_space<hbm>>) target(%arg9 : memref<2000xf32, #tpu.memory_space<vmem>>) target_semaphore(%run_scoped3A_120 : memref<!tpu.dma_semaphore, #tpu.memory_space<semaphore_mem>>)
      tpu.wait_dma2 semaphore(%run_scoped3A_120 : memref<!tpu.dma_semaphore, #tpu.memory_space<semaphore_mem>>) src(%arg4 : memref<2000xf32, #tpu.memory_space<hbm>>) dst(%arg9 : memref<2000xf32, #tpu.memory_space<vmem>>)
      tpu.yield
    }) : () -> ()
    %iota3A = tpu.iota {dimensions = array<i32: 0>} : vector<16xi32>
    %add3A_2 = arith.constant 80 : i32
    %add3A_3 = vector.broadcast %add3A_2 : i32 to vector<16xi32>
    %add3A_4 = arith.addi %add3A_3, %iota3A : vector<16xi32>
    %broadcast_in_dim3A = arith.constant 80 : i32
    %broadcast_in_dim3A_5 = vector.broadcast %broadcast_in_dim3A : i32 to vector<16xi32>
    %parallel_loop3A = arith.constant 0 : i32
    %parallel_loop3A_6 = arith.constant 125 : i32
    %parallel_loop3A_7 = arith.constant 1 : i32
    scf.for %parallel_loop3A_120 = %parallel_loop3A to %parallel_loop3A_6 step %parallel_loop3A_7  : i32 {
      %parallel_loop3A_121 = arith.constant 16 : i32
      %parallel_loop3A_122 = arith.muli %parallel_loop3A_120, %parallel_loop3A_121 : i32
      %parallel_loop3A_123 = arith.index_cast %parallel_loop3A_122 : i32 to index
      %parallel_loop3A_124 = tpu.vector_load %arg8[%parallel_loop3A_123] {strides = array<i32>} : memref<2000xi32, #tpu.memory_space<vmem>>, vector<16xi32>,
      %parallel_loop3A_125 = arith.constant 128 : i32
      %parallel_loop3A_126 = vector.broadcast %parallel_loop3A_125 : i32 to vector<16xi32>
      %parallel_loop3A_127 = arith.muli %parallel_loop3A_124, %parallel_loop3A_126 : vector<16xi32>
      %parallel_loop3A_128 = arith.index_cast %parallel_loop3A_122 : i32 to index
      %parallel_loop3A_129 = tpu.vector_load %arg7[%parallel_loop3A_128] {strides = array<i32>} : memref<2000xi32, #tpu.memory_space<vmem>>, vector<16xi32>,
      %parallel_loop3A_130 = arith.addi %parallel_loop3A_127, %parallel_loop3A_129 : vector<16xi32>
      %parallel_loop3A_131 = arith.index_cast %parallel_loop3A_122 : i32 to index
      %parallel_loop3A_132 = tpu.vector_load %arg7[%parallel_loop3A_131] {strides = array<i32>} : memref<2000xi32, #tpu.memory_space<vmem>>, vector<16xi32>,
      tpu.vector_store %arg7[%parallel_loop3A_131], %parallel_loop3A_130 {strides = array<i32>} : memref<2000xi32, #tpu.memory_space<vmem>>, vector<16xi32>,
    } {sc.loop_unroll_factor = 8 : i64, sc.parallel_access}
    %mul3A_8 = arith.constant 4 : i32
    %mul3A_9 = arith.muli %add3A, %mul3A_8 : i32
    %mul3A_10 = arith.constant 80 : i32
    %mul3A_11 = arith.muli %mul3A_9, %mul3A_10 : i32
    %dma_start3A = arith.constant 0 : i32
    %dma_start3A_12 = tpu.memref_slice %arg2[%mul3A_11, %dma_start3A] : memref<10240x128xf32, #tpu.memory_space<hbm>> -> memref<80x128xf32, #tpu.memory_space<hbm>>
    %dma_start3A_13 = arith.constant 0 : i32
    %dma_start3A_14 = tpu.memref_slice %arg2[%mul3A_11, %dma_start3A_13] : memref<10240x128xf32, #tpu.memory_space<hbm>> -> memref<80x128xf32, #tpu.memory_space<hbm>>
    tpu.enqueue_dma source(%dma_start3A_14 : memref<80x128xf32, #tpu.memory_space<hbm>>) target(%arg10 : memref<80x128xf32, #tpu.memory_space<vmem>>) target_semaphore(%arg14 : memref<!tpu.dma_semaphore, #tpu.memory_space<semaphore_mem>>)
    tpu.enqueue_dma source(%arg5 : memref<80x128xf32, #tpu.memory_space<hbm>>) target(%arg12 : memref<80x128xf32, #tpu.memory_space<vmem>>) target_semaphore(%arg16 : memref<!tpu.dma_semaphore, #tpu.memory_space<semaphore_mem>>)
    %dma_wait3A = arith.constant 0 : i32
    %dma_wait3A_15 = tpu.memref_slice %arg2[%mul3A_11, %dma_wait3A] : memref<10240x128xf32, #tpu.memory_space<hbm>> -> memref<80x128xf32, #tpu.memory_space<hbm>>
    %dma_wait3A_16 = arith.constant 0 : i32
    %dma_wait3A_17 = tpu.memref_slice %arg2[%mul3A_11, %dma_wait3A_16] : memref<10240x128xf32, #tpu.memory_space<hbm>> -> memref<80x128xf32, #tpu.memory_space<hbm>>
    tpu.wait_dma2 semaphore(%arg14 : memref<!tpu.dma_semaphore, #tpu.memory_space<semaphore_mem>>) src(%dma_wait3A_17 : memref<80x128xf32, #tpu.memory_space<hbm>>) dst(%arg10 : memref<80x128xf32, #tpu.memory_space<vmem>>)
    tpu.wait_dma2 semaphore(%arg16 : memref<!tpu.dma_semaphore, #tpu.memory_space<semaphore_mem>>) src(%arg5 : memref<80x128xf32, #tpu.memory_space<hbm>>) dst(%arg12 : memref<80x128xf32, #tpu.memory_space<vmem>>)
    %add3A_18 = arith.constant 0 : i32
    %add3A_19 = arith.addi %mul3A_9, %add3A_18 : i32
    %add3A_20 = arith.constant 1 : i32
    %add3A_21 = arith.addi %add3A_19, %add3A_20 : i32
    %mul3A_22 = arith.constant 80 : i32
    %mul3A_23 = arith.muli %add3A_21, %mul3A_22 : i32
    %dma_start3A_24 = arith.constant 0 : i32
    %dma_start3A_25 = tpu.memref_slice %arg2[%mul3A_23, %dma_start3A_24] : memref<10240x128xf32, #tpu.memory_space<hbm>> -> memref<80x128xf32, #tpu.memory_space<hbm>>
    %dma_start3A_26 = arith.constant 0 : i32
    %dma_start3A_27 = tpu.memref_slice %arg2[%mul3A_23, %dma_start3A_26] : memref<10240x128xf32, #tpu.memory_space<hbm>> -> memref<80x128xf32, #tpu.memory_space<hbm>>
    tpu.enqueue_dma source(%dma_start3A_27 : memref<80x128xf32, #tpu.memory_space<hbm>>) target(%arg11 : memref<80x128xf32, #tpu.memory_space<vmem>>) target_semaphore(%arg15 : memref<!tpu.dma_semaphore, #tpu.memory_space<semaphore_mem>>)
    tpu.enqueue_dma source(%arg5 : memref<80x128xf32, #tpu.memory_space<hbm>>) target(%arg13 : memref<80x128xf32, #tpu.memory_space<vmem>>) target_semaphore(%arg17 : memref<!tpu.dma_semaphore, #tpu.memory_space<semaphore_mem>>)
    %parallel_loop3A_28 = arith.constant 0 : i32
    %parallel_loop3A_29 = arith.constant 125 : i32
    %parallel_loop3A_30 = arith.constant 1 : i32
    scf.for %parallel_loop3A_120 = %parallel_loop3A_28 to %parallel_loop3A_29 step %parallel_loop3A_30  : i32 {
      %parallel_loop3A_121 = arith.constant 16 : i32
      %parallel_loop3A_122 = arith.muli %parallel_loop3A_120, %parallel_loop3A_121 : i32
      %parallel_loop3A_123 = arith.index_cast %parallel_loop3A_122 : i32 to index
      %parallel_loop3A_124 = tpu.vector_load %arg7[%parallel_loop3A_123] {strides = array<i32>} : memref<2000xi32, #tpu.memory_space<vmem>>, vector<16xi32>,
      %parallel_loop3A_125 = arith.index_cast %parallel_loop3A_122 : i32 to index
      %parallel_loop3A_126 = tpu.vector_load %arg9[%parallel_loop3A_125] {strides = array<i32>} : memref<2000xf32, #tpu.memory_space<vmem>>, vector<16xf32>,
      %parallel_loop3A_127 = arith.constant 7 : i32
      %parallel_loop3A_128 = vector.broadcast %parallel_loop3A_127 : i32 to vector<16xi32>
      %parallel_loop3A_129 = arith.shrui %parallel_loop3A_124, %parallel_loop3A_128 : vector<16xi32>
      %parallel_loop3A_130 = arith.constant 127 : i32
      %parallel_loop3A_131 = vector.broadcast %parallel_loop3A_130 : i32 to vector<16xi32>
      %parallel_loop3A_132 = arith.andi %parallel_loop3A_124, %parallel_loop3A_131 : vector<16xi32>
      %parallel_loop3A_133 = tpu.vector_load_idx %arg10[%parallel_loop3A_129, %parallel_loop3A_132] : memref<80x128xf32, #tpu.memory_space<vmem>>[vector<16xi32>, vector<16xi32>], vector<16xf32>,
      %parallel_loop3A_134 = tpu.vector_load_idx %arg10[%parallel_loop3A_129, %broadcast_in_dim3A_5] : memref<80x128xf32, #tpu.memory_space<vmem>>[vector<16xi32>, vector<16xi32>], vector<16xf32>,
      %parallel_loop3A_135 = arith.mulf %parallel_loop3A_126, %parallel_loop3A_134 : vector<16xf32>
      %parallel_loop3A_136 = arith.addf %parallel_loop3A_133, %parallel_loop3A_135 : vector<16xf32>
      %parallel_loop3A_137 = math.exp %parallel_loop3A_136 : vector<16xf32>
      tpu.vector_store_idx %arg12[%parallel_loop3A_129, %parallel_loop3A_132], %parallel_loop3A_137 {add = true} : memref<80x128xf32, #tpu.memory_space<vmem>>[vector<16xi32>, vector<16xi32>], vector<16xf32>,
      %parallel_loop3A_138 = arith.mulf %parallel_loop3A_137, %parallel_loop3A_126 : vector<16xf32>
      tpu.vector_store_idx %arg12[%parallel_loop3A_129, %add3A_4], %parallel_loop3A_138 {add = true} : memref<80x128xf32, #tpu.memory_space<vmem>>[vector<16xi32>, vector<16xi32>], vector<16xf32>,
    } {sc.loop_unroll_factor = 8 : i64, sc.parallel_access}
    %add3A_31 = arith.constant 0 : i32
    %add3A_32 = arith.addi %mul3A_9, %add3A_31 : i32
    %mul3A_33 = arith.constant 80 : i32
    %mul3A_34 = arith.muli %add3A_32, %mul3A_33 : i32
    %dma_start3A_35 = arith.constant 0 : i32
    %dma_start3A_36 = tpu.memref_slice %arg6[%mul3A_34, %dma_start3A_35] : memref<10240x128xf32, #tpu.memory_space<hbm>> -> memref<80x128xf32, #tpu.memory_space<hbm>>
    %dma_start3A_37 = arith.constant 0 : i32
    %dma_start3A_38 = tpu.memref_slice %arg6[%mul3A_34, %dma_start3A_37] : memref<10240x128xf32, #tpu.memory_space<hbm>> -> memref<80x128xf32, #tpu.memory_space<hbm>>
    tpu.enqueue_dma source(%arg12 : memref<80x128xf32, #tpu.memory_space<vmem>>) target(%dma_start3A_38 : memref<80x128xf32, #tpu.memory_space<hbm>>) target_semaphore(%arg18 : memref<!tpu.dma_semaphore, #tpu.memory_space<semaphore_mem>>)
    %dma_wait3A_39 = arith.constant 0 : i32
    %dma_wait3A_40 = tpu.memref_slice %arg2[%mul3A_23, %dma_wait3A_39] : memref<10240x128xf32, #tpu.memory_space<hbm>> -> memref<80x128xf32, #tpu.memory_space<hbm>>
    %dma_wait3A_41 = arith.constant 0 : i32
    %dma_wait3A_42 = tpu.memref_slice %arg2[%mul3A_23, %dma_wait3A_41] : memref<10240x128xf32, #tpu.memory_space<hbm>> -> memref<80x128xf32, #tpu.memory_space<hbm>>
    tpu.wait_dma2 semaphore(%arg15 : memref<!tpu.dma_semaphore, #tpu.memory_space<semaphore_mem>>) src(%dma_wait3A_42 : memref<80x128xf32, #tpu.memory_space<hbm>>) dst(%arg11 : memref<80x128xf32, #tpu.memory_space<vmem>>)
    tpu.wait_dma2 semaphore(%arg17 : memref<!tpu.dma_semaphore, #tpu.memory_space<semaphore_mem>>) src(%arg5 : memref<80x128xf32, #tpu.memory_space<hbm>>) dst(%arg13 : memref<80x128xf32, #tpu.memory_space<vmem>>)
    %dma_wait3A_43 = arith.constant 0 : i32
    %dma_wait3A_44 = tpu.memref_slice %arg6[%mul3A_34, %dma_wait3A_43] : memref<10240x128xf32, #tpu.memory_space<hbm>> -> memref<80x128xf32, #tpu.memory_space<hbm>>
    %dma_wait3A_45 = arith.constant 0 : i32
    %dma_wait3A_46 = tpu.memref_slice %arg6[%mul3A_34, %dma_wait3A_45] : memref<10240x128xf32, #tpu.memory_space<hbm>> -> memref<80x128xf32, #tpu.memory_space<hbm>>
    tpu.wait_dma2 semaphore(%arg18 : memref<!tpu.dma_semaphore, #tpu.memory_space<semaphore_mem>>) src(%arg12 : memref<80x128xf32, #tpu.memory_space<vmem>>) dst(%dma_wait3A_46 : memref<80x128xf32, #tpu.memory_space<hbm>>)
    %add3A_47 = arith.constant 1 : i32
    %add3A_48 = arith.addi %mul3A_9, %add3A_47 : i32
    %add3A_49 = arith.constant 1 : i32
    %add3A_50 = arith.addi %add3A_48, %add3A_49 : i32
    %mul3A_51 = arith.constant 80 : i32
    %mul3A_52 = arith.muli %add3A_50, %mul3A_51 : i32
    %dma_start3A_53 = arith.constant 0 : i32
    %dma_start3A_54 = tpu.memref_slice %arg2[%mul3A_52, %dma_start3A_53] : memref<10240x128xf32, #tpu.memory_space<hbm>> -> memref<80x128xf32, #tpu.memory_space<hbm>>
    %dma_start3A_55 = arith.constant 0 : i32
    %dma_start3A_56 = tpu.memref_slice %arg2[%mul3A_52, %dma_start3A_55] : memref<10240x128xf32, #tpu.memory_space<hbm>> -> memref<80x128xf32, #tpu.memory_space<hbm>>
    tpu.enqueue_dma source(%dma_start3A_56 : memref<80x128xf32, #tpu.memory_space<hbm>>) target(%arg10 : memref<80x128xf32, #tpu.memory_space<vmem>>) target_semaphore(%arg14 : memref<!tpu.dma_semaphore, #tpu.memory_space<semaphore_mem>>)
    tpu.enqueue_dma source(%arg5 : memref<80x128xf32, #tpu.memory_space<hbm>>) target(%arg12 : memref<80x128xf32, #tpu.memory_space<vmem>>) target_semaphore(%arg16 : memref<!tpu.dma_semaphore, #tpu.memory_space<semaphore_mem>>)
    %parallel_loop3A_57 = arith.constant 0 : i32
    %parallel_loop3A_58 = arith.constant 125 : i32
    %parallel_loop3A_59 = arith.constant 1 : i32
    scf.for %parallel_loop3A_120 = %parallel_loop3A_57 to %parallel_loop3A_58 step %parallel_loop3A_59  : i32 {
      %parallel_loop3A_121 = arith.constant 16 : i32
      %parallel_loop3A_122 = arith.muli %parallel_loop3A_120, %parallel_loop3A_121 : i32
      %parallel_loop3A_123 = arith.index_cast %parallel_loop3A_122 : i32 to index
      %parallel_loop3A_124 = tpu.vector_load %arg7[%parallel_loop3A_123] {strides = array<i32>} : memref<2000xi32, #tpu.memory_space<vmem>>, vector<16xi32>,
      %parallel_loop3A_125 = arith.index_cast %parallel_loop3A_122 : i32 to index
      %parallel_loop3A_126 = tpu.vector_load %arg9[%parallel_loop3A_125] {strides = array<i32>} : memref<2000xf32, #tpu.memory_space<vmem>>, vector<16xf32>,
      %parallel_loop3A_127 = arith.constant 7 : i32
      %parallel_loop3A_128 = vector.broadcast %parallel_loop3A_127 : i32 to vector<16xi32>
      %parallel_loop3A_129 = arith.shrui %parallel_loop3A_124, %parallel_loop3A_128 : vector<16xi32>
      %parallel_loop3A_130 = arith.constant 127 : i32
      %parallel_loop3A_131 = vector.broadcast %parallel_loop3A_130 : i32 to vector<16xi32>
      %parallel_loop3A_132 = arith.andi %parallel_loop3A_124, %parallel_loop3A_131 : vector<16xi32>
      %parallel_loop3A_133 = tpu.vector_load_idx %arg11[%parallel_loop3A_129, %parallel_loop3A_132] : memref<80x128xf32, #tpu.memory_space<vmem>>[vector<16xi32>, vector<16xi32>], vector<16xf32>,
      %parallel_loop3A_134 = tpu.vector_load_idx %arg11[%parallel_loop3A_129, %broadcast_in_dim3A_5] : memref<80x128xf32, #tpu.memory_space<vmem>>[vector<16xi32>, vector<16xi32>], vector<16xf32>,
      %parallel_loop3A_135 = arith.mulf %parallel_loop3A_126, %parallel_loop3A_134 : vector<16xf32>
      %parallel_loop3A_136 = arith.addf %parallel_loop3A_133, %parallel_loop3A_135 : vector<16xf32>
      %parallel_loop3A_137 = math.exp %parallel_loop3A_136 : vector<16xf32>
      tpu.vector_store_idx %arg13[%parallel_loop3A_129, %parallel_loop3A_132], %parallel_loop3A_137 {add = true} : memref<80x128xf32, #tpu.memory_space<vmem>>[vector<16xi32>, vector<16xi32>], vector<16xf32>,
      %parallel_loop3A_138 = arith.mulf %parallel_loop3A_137, %parallel_loop3A_126 : vector<16xf32>
      tpu.vector_store_idx %arg13[%parallel_loop3A_129, %add3A_4], %parallel_loop3A_138 {add = true} : memref<80x128xf32, #tpu.memory_space<vmem>>[vector<16xi32>, vector<16xi32>], vector<16xf32>,
    } {sc.loop_unroll_factor = 8 : i64, sc.parallel_access}
    %add3A_60 = arith.constant 1 : i32
    %add3A_61 = arith.addi %mul3A_9, %add3A_60 : i32
    %mul3A_62 = arith.constant 80 : i32
    %mul3A_63 = arith.muli %add3A_61, %mul3A_62 : i32
    %dma_start3A_64 = arith.constant 0 : i32
    %dma_start3A_65 = tpu.memref_slice %arg6[%mul3A_63, %dma_start3A_64] : memref<10240x128xf32, #tpu.memory_space<hbm>> -> memref<80x128xf32, #tpu.memory_space<hbm>>
    %dma_start3A_66 = arith.constant 0 : i32
    %dma_start3A_67 = tpu.memref_slice %arg6[%mul3A_63, %dma_start3A_66] : memref<10240x128xf32, #tpu.memory_space<hbm>> -> memref<80x128xf32, #tpu.memory_space<hbm>>
    tpu.enqueue_dma source(%arg13 : memref<80x128xf32, #tpu.memory_space<vmem>>) target(%dma_start3A_67 : memref<80x128xf32, #tpu.memory_space<hbm>>) target_semaphore(%arg19 : memref<!tpu.dma_semaphore, #tpu.memory_space<semaphore_mem>>)
    %dma_wait3A_68 = arith.constant 0 : i32
    %dma_wait3A_69 = tpu.memref_slice %arg2[%mul3A_52, %dma_wait3A_68] : memref<10240x128xf32, #tpu.memory_space<hbm>> -> memref<80x128xf32, #tpu.memory_space<hbm>>
    %dma_wait3A_70 = arith.constant 0 : i32
    %dma_wait3A_71 = tpu.memref_slice %arg2[%mul3A_52, %dma_wait3A_70] : memref<10240x128xf32, #tpu.memory_space<hbm>> -> memref<80x128xf32, #tpu.memory_space<hbm>>
    tpu.wait_dma2 semaphore(%arg14 : memref<!tpu.dma_semaphore, #tpu.memory_space<semaphore_mem>>) src(%dma_wait3A_71 : memref<80x128xf32, #tpu.memory_space<hbm>>) dst(%arg10 : memref<80x128xf32, #tpu.memory_space<vmem>>)
    tpu.wait_dma2 semaphore(%arg16 : memref<!tpu.dma_semaphore, #tpu.memory_space<semaphore_mem>>) src(%arg5 : memref<80x128xf32, #tpu.memory_space<hbm>>) dst(%arg12 : memref<80x128xf32, #tpu.memory_space<vmem>>)
    %dma_wait3A_72 = arith.constant 0 : i32
    %dma_wait3A_73 = tpu.memref_slice %arg6[%mul3A_63, %dma_wait3A_72] : memref<10240x128xf32, #tpu.memory_space<hbm>> -> memref<80x128xf32, #tpu.memory_space<hbm>>
    %dma_wait3A_74 = arith.constant 0 : i32
    %dma_wait3A_75 = tpu.memref_slice %arg6[%mul3A_63, %dma_wait3A_74] : memref<10240x128xf32, #tpu.memory_space<hbm>> -> memref<80x128xf32, #tpu.memory_space<hbm>>
    tpu.wait_dma2 semaphore(%arg19 : memref<!tpu.dma_semaphore, #tpu.memory_space<semaphore_mem>>) src(%arg13 : memref<80x128xf32, #tpu.memory_space<vmem>>) dst(%dma_wait3A_75 : memref<80x128xf32, #tpu.memory_space<hbm>>)
    %add3A_76 = arith.constant 2 : i32
    %add3A_77 = arith.addi %mul3A_9, %add3A_76 : i32
    %add3A_78 = arith.constant 1 : i32
    %add3A_79 = arith.addi %add3A_77, %add3A_78 : i32
    %mul3A_80 = arith.constant 80 : i32
    %mul3A_81 = arith.muli %add3A_79, %mul3A_80 : i32
    %dma_start3A_82 = arith.constant 0 : i32
    %dma_start3A_83 = tpu.memref_slice %arg2[%mul3A_81, %dma_start3A_82] : memref<10240x128xf32, #tpu.memory_space<hbm>> -> memref<80x128xf32, #tpu.memory_space<hbm>>
    %dma_start3A_84 = arith.constant 0 : i32
    %dma_start3A_85 = tpu.memref_slice %arg2[%mul3A_81, %dma_start3A_84] : memref<10240x128xf32, #tpu.memory_space<hbm>> -> memref<80x128xf32, #tpu.memory_space<hbm>>
    tpu.enqueue_dma source(%dma_start3A_85 : memref<80x128xf32, #tpu.memory_space<hbm>>) target(%arg11 : memref<80x128xf32, #tpu.memory_space<vmem>>) target_semaphore(%arg15 : memref<!tpu.dma_semaphore, #tpu.memory_space<semaphore_mem>>)
    tpu.enqueue_dma source(%arg5 : memref<80x128xf32, #tpu.memory_space<hbm>>) target(%arg13 : memref<80x128xf32, #tpu.memory_space<vmem>>) target_semaphore(%arg17 : memref<!tpu.dma_semaphore, #tpu.memory_space<semaphore_mem>>)
    %parallel_loop3A_86 = arith.constant 0 : i32
    %parallel_loop3A_87 = arith.constant 125 : i32
    %parallel_loop3A_88 = arith.constant 1 : i32
    scf.for %parallel_loop3A_120 = %parallel_loop3A_86 to %parallel_loop3A_87 step %parallel_loop3A_88  : i32 {
      %parallel_loop3A_121 = arith.constant 16 : i32
      %parallel_loop3A_122 = arith.muli %parallel_loop3A_120, %parallel_loop3A_121 : i32
      %parallel_loop3A_123 = arith.index_cast %parallel_loop3A_122 : i32 to index
      %parallel_loop3A_124 = tpu.vector_load %arg7[%parallel_loop3A_123] {strides = array<i32>} : memref<2000xi32, #tpu.memory_space<vmem>>, vector<16xi32>,
      %parallel_loop3A_125 = arith.index_cast %parallel_loop3A_122 : i32 to index
      %parallel_loop3A_126 = tpu.vector_load %arg9[%parallel_loop3A_125] {strides = array<i32>} : memref<2000xf32, #tpu.memory_space<vmem>>, vector<16xf32>,
      %parallel_loop3A_127 = arith.constant 7 : i32
      %parallel_loop3A_128 = vector.broadcast %parallel_loop3A_127 : i32 to vector<16xi32>
      %parallel_loop3A_129 = arith.shrui %parallel_loop3A_124, %parallel_loop3A_128 : vector<16xi32>
      %parallel_loop3A_130 = arith.constant 127 : i32
      %parallel_loop3A_131 = vector.broadcast %parallel_loop3A_130 : i32 to vector<16xi32>
      %parallel_loop3A_132 = arith.andi %parallel_loop3A_124, %parallel_loop3A_131 : vector<16xi32>
      %parallel_loop3A_133 = tpu.vector_load_idx %arg10[%parallel_loop3A_129, %parallel_loop3A_132] : memref<80x128xf32, #tpu.memory_space<vmem>>[vector<16xi32>, vector<16xi32>], vector<16xf32>,
      %parallel_loop3A_134 = tpu.vector_load_idx %arg10[%parallel_loop3A_129, %broadcast_in_dim3A_5] : memref<80x128xf32, #tpu.memory_space<vmem>>[vector<16xi32>, vector<16xi32>], vector<16xf32>,
      %parallel_loop3A_135 = arith.mulf %parallel_loop3A_126, %parallel_loop3A_134 : vector<16xf32>
      %parallel_loop3A_136 = arith.addf %parallel_loop3A_133, %parallel_loop3A_135 : vector<16xf32>
      %parallel_loop3A_137 = math.exp %parallel_loop3A_136 : vector<16xf32>
      tpu.vector_store_idx %arg12[%parallel_loop3A_129, %parallel_loop3A_132], %parallel_loop3A_137 {add = true} : memref<80x128xf32, #tpu.memory_space<vmem>>[vector<16xi32>, vector<16xi32>], vector<16xf32>,
      %parallel_loop3A_138 = arith.mulf %parallel_loop3A_137, %parallel_loop3A_126 : vector<16xf32>
      tpu.vector_store_idx %arg12[%parallel_loop3A_129, %add3A_4], %parallel_loop3A_138 {add = true} : memref<80x128xf32, #tpu.memory_space<vmem>>[vector<16xi32>, vector<16xi32>], vector<16xf32>,
    } {sc.loop_unroll_factor = 8 : i64, sc.parallel_access}
    %add3A_89 = arith.constant 2 : i32
    %add3A_90 = arith.addi %mul3A_9, %add3A_89 : i32
    %mul3A_91 = arith.constant 80 : i32
    %mul3A_92 = arith.muli %add3A_90, %mul3A_91 : i32
    %dma_start3A_93 = arith.constant 0 : i32
    %dma_start3A_94 = tpu.memref_slice %arg6[%mul3A_92, %dma_start3A_93] : memref<10240x128xf32, #tpu.memory_space<hbm>> -> memref<80x128xf32, #tpu.memory_space<hbm>>
    %dma_start3A_95 = arith.constant 0 : i32
    %dma_start3A_96 = tpu.memref_slice %arg6[%mul3A_92, %dma_start3A_95] : memref<10240x128xf32, #tpu.memory_space<hbm>> -> memref<80x128xf32, #tpu.memory_space<hbm>>
    tpu.enqueue_dma source(%arg12 : memref<80x128xf32, #tpu.memory_space<vmem>>) target(%dma_start3A_96 : memref<80x128xf32, #tpu.memory_space<hbm>>) target_semaphore(%arg18 : memref<!tpu.dma_semaphore, #tpu.memory_space<semaphore_mem>>)
    %dma_wait3A_97 = arith.constant 0 : i32
    %dma_wait3A_98 = tpu.memref_slice %arg2[%mul3A_81, %dma_wait3A_97] : memref<10240x128xf32, #tpu.memory_space<hbm>> -> memref<80x128xf32, #tpu.memory_space<hbm>>
    %dma_wait3A_99 = arith.constant 0 : i32
    %dma_wait3A_100 = tpu.memref_slice %arg2[%mul3A_81, %dma_wait3A_99] : memref<10240x128xf32, #tpu.memory_space<hbm>> -> memref<80x128xf32, #tpu.memory_space<hbm>>
    tpu.wait_dma2 semaphore(%arg15 : memref<!tpu.dma_semaphore, #tpu.memory_space<semaphore_mem>>) src(%dma_wait3A_100 : memref<80x128xf32, #tpu.memory_space<hbm>>) dst(%arg11 : memref<80x128xf32, #tpu.memory_space<vmem>>)
    tpu.wait_dma2 semaphore(%arg17 : memref<!tpu.dma_semaphore, #tpu.memory_space<semaphore_mem>>) src(%arg5 : memref<80x128xf32, #tpu.memory_space<hbm>>) dst(%arg13 : memref<80x128xf32, #tpu.memory_space<vmem>>)
    %parallel_loop3A_101 = arith.constant 0 : i32
    %parallel_loop3A_102 = arith.constant 125 : i32
    %parallel_loop3A_103 = arith.constant 1 : i32
    scf.for %parallel_loop3A_120 = %parallel_loop3A_101 to %parallel_loop3A_102 step %parallel_loop3A_103  : i32 {
      %parallel_loop3A_121 = arith.constant 16 : i32
      %parallel_loop3A_122 = arith.muli %parallel_loop3A_120, %parallel_loop3A_121 : i32
      %parallel_loop3A_123 = arith.index_cast %parallel_loop3A_122 : i32 to index
      %parallel_loop3A_124 = tpu.vector_load %arg7[%parallel_loop3A_123] {strides = array<i32>} : memref<2000xi32, #tpu.memory_space<vmem>>, vector<16xi32>,
      %parallel_loop3A_125 = arith.index_cast %parallel_loop3A_122 : i32 to index
      %parallel_loop3A_126 = tpu.vector_load %arg9[%parallel_loop3A_125] {strides = array<i32>} : memref<2000xf32, #tpu.memory_space<vmem>>, vector<16xf32>,
      %parallel_loop3A_127 = arith.constant 7 : i32
      %parallel_loop3A_128 = vector.broadcast %parallel_loop3A_127 : i32 to vector<16xi32>
      %parallel_loop3A_129 = arith.shrui %parallel_loop3A_124, %parallel_loop3A_128 : vector<16xi32>
      %parallel_loop3A_130 = arith.constant 127 : i32
      %parallel_loop3A_131 = vector.broadcast %parallel_loop3A_130 : i32 to vector<16xi32>
      %parallel_loop3A_132 = arith.andi %parallel_loop3A_124, %parallel_loop3A_131 : vector<16xi32>
      %parallel_loop3A_133 = tpu.vector_load_idx %arg11[%parallel_loop3A_129, %parallel_loop3A_132] : memref<80x128xf32, #tpu.memory_space<vmem>>[vector<16xi32>, vector<16xi32>], vector<16xf32>,
      %parallel_loop3A_134 = tpu.vector_load_idx %arg11[%parallel_loop3A_129, %broadcast_in_dim3A_5] : memref<80x128xf32, #tpu.memory_space<vmem>>[vector<16xi32>, vector<16xi32>], vector<16xf32>,
      %parallel_loop3A_135 = arith.mulf %parallel_loop3A_126, %parallel_loop3A_134 : vector<16xf32>
      %parallel_loop3A_136 = arith.addf %parallel_loop3A_133, %parallel_loop3A_135 : vector<16xf32>
      %parallel_loop3A_137 = math.exp %parallel_loop3A_136 : vector<16xf32>
      tpu.vector_store_idx %arg13[%parallel_loop3A_129, %parallel_loop3A_132], %parallel_loop3A_137 {add = true} : memref<80x128xf32, #tpu.memory_space<vmem>>[vector<16xi32>, vector<16xi32>], vector<16xf32>,
      %parallel_loop3A_138 = arith.mulf %parallel_loop3A_137, %parallel_loop3A_126 : vector<16xf32>
      tpu.vector_store_idx %arg13[%parallel_loop3A_129, %add3A_4], %parallel_loop3A_138 {add = true} : memref<80x128xf32, #tpu.memory_space<vmem>>[vector<16xi32>, vector<16xi32>], vector<16xf32>,
    } {sc.loop_unroll_factor = 8 : i64, sc.parallel_access}
    %add3A_104 = arith.constant 3 : i32
    %add3A_105 = arith.addi %mul3A_9, %add3A_104 : i32
    %mul3A_106 = arith.constant 80 : i32
    %mul3A_107 = arith.muli %add3A_105, %mul3A_106 : i32
    %dma_start3A_108 = arith.constant 0 : i32
    %dma_start3A_109 = tpu.memref_slice %arg6[%mul3A_107, %dma_start3A_108] : memref<10240x128xf32, #tpu.memory_space<hbm>> -> memref<80x128xf32, #tpu.memory_space<hbm>>
    %dma_start3A_110 = arith.constant 0 : i32
    %dma_start3A_111 = tpu.memref_slice %arg6[%mul3A_107, %dma_start3A_110] : memref<10240x128xf32, #tpu.memory_space<hbm>> -> memref<80x128xf32, #tpu.memory_space<hbm>>
    tpu.enqueue_dma source(%arg13 : memref<80x128xf32, #tpu.memory_space<vmem>>) target(%dma_start3A_111 : memref<80x128xf32, #tpu.memory_space<hbm>>) target_semaphore(%arg19 : memref<!tpu.dma_semaphore, #tpu.memory_space<semaphore_mem>>)
    %dma_wait3A_112 = arith.constant 0 : i32
    %dma_wait3A_113 = tpu.memref_slice %arg6[%mul3A_92, %dma_wait3A_112] : memref<10240x128xf32, #tpu.memory_space<hbm>> -> memref<80x128xf32, #tpu.memory_space<hbm>>
    %dma_wait3A_114 = arith.constant 0 : i32
    %dma_wait3A_115 = tpu.memref_slice %arg6[%mul3A_92, %dma_wait3A_114] : memref<10240x128xf32, #tpu.memory_space<hbm>> -> memref<80x128xf32, #tpu.memory_space<hbm>>
    tpu.wait_dma2 semaphore(%arg18 : memref<!tpu.dma_semaphore, #tpu.memory_space<semaphore_mem>>) src(%arg12 : memref<80x128xf32, #tpu.memory_space<vmem>>) dst(%dma_wait3A_115 : memref<80x128xf32, #tpu.memory_space<hbm>>)
    %dma_wait3A_116 = arith.constant 0 : i32
    %dma_wait3A_117 = tpu.memref_slice %arg6[%mul3A_107, %dma_wait3A_116] : memref<10240x128xf32, #tpu.memory_space<hbm>> -> memref<80x128xf32, #tpu.memory_space<hbm>>
    %dma_wait3A_118 = arith.constant 0 : i32
    %dma_wait3A_119 = tpu.memref_slice %arg6[%mul3A_107, %dma_wait3A_118] : memref<10240x128xf32, #tpu.memory_space<hbm>> -> memref<80x128xf32, #tpu.memory_space<hbm>>
    tpu.wait_dma2 semaphore(%arg19 : memref<!tpu.dma_semaphore, #tpu.memory_space<semaphore_mem>>) src(%arg13 : memref<80x128xf32, #tpu.memory_space<vmem>>) dst(%dma_wait3A_119 : memref<80x128xf32, #tpu.memory_space<hbm>>)
    return
  }
}

module attributes {stable_mosaic.version = 14 : i64} {
  func.func @_proj_body(%arg0: i32, %arg1: memref<1280x128xf32, #tpu.memory_space<vmem>>, %arg2: memref<128x1024xf32, #tpu.memory_space<vmem>>, %arg3: memref<1x1024xf32, #tpu.memory_space<vmem>>, %arg4: memref<1x256xf32, #tpu.memory_space<vmem>>, %arg5: memref<1280x512xbf16, #tpu.memory_space<vmem>>, %arg6: memref<1280x128xf32, #tpu.memory_space<vmem>>) attributes {dimension_semantics = [#tpu.dimension_semantics<arbitrary>], iteration_bounds = array<i64: 8>, scalar_prefetch = 0 : i64, scratch_operands = 0 : i64, tpu.core_type = #tpu.core_type<tc>, window_params = [{transform_indices = @transform_0, window_bounds = array<i64: 1280, 128>}, {pipeline_mode = #tpu.pipeline_mode<synchronous>, transform_indices = @transform_1, window_bounds = array<i64: 128, 1024>}, {pipeline_mode = #tpu.pipeline_mode<synchronous>, transform_indices = @transform_2, window_bounds = array<i64: 1, 1024>}, {pipeline_mode = #tpu.pipeline_mode<synchronous>, transform_indices = @transform_3, window_bounds = array<i64: 1, 256>}, {transform_indices = @transform_4, window_bounds = array<i64: 1280, 512>}, {transform_indices = @transform_5, window_bounds = array<i64: 1280, 128>}]} {
    %get3A = arith.constant 0 : index
    %get3A_0 = arith.constant 0 : index
    %get3A_1 = vector.load %arg1[%get3A, %get3A_0] : memref<1280x128xf32, #tpu.memory_space<vmem>>, vector<1280x128xf32>
    %get3A_2 = arith.constant 0 : index
    %get3A_3 = arith.constant 0 : index
    %get3A_4 = vector.load %arg2[%get3A_2, %get3A_3] : memref<128x1024xf32, #tpu.memory_space<vmem>>, vector<128x1024xf32>
    %dot_general3A = arith.constant dense<0.000000e+00> : vector<1280x1024xf32>
    %dot_general3A_5 = tpu.matmul %get3A_1, %get3A_4, %dot_general3A {dimension_numbers = #tpu.dot_dimension_numbers<[1], [0], [0], [1], [0, 0, 1, 1], [], []>, transpose_lhs_hint = false} : vector<1280x128xf32>, vector<128x1024xf32>, vector<1280x1024xf32> -> vector<1280x1024xf32>
    %get3A_6 = arith.constant 0 : index
    %get3A_7 = arith.constant 0 : index
    %get3A_8 = vector.load %arg3[%get3A_6, %get3A_7] : memref<1x1024xf32, #tpu.memory_space<vmem>>, vector<1x1024xf32>
    %add3A = vector.broadcast %get3A_8 : vector<1x1024xf32> to vector<1280x1024xf32>
    %add3A_9 = arith.addf %dot_general3A_5, %add3A : vector<1280x1024xf32>
    %slice3A = vector.extract_strided_slice %add3A_9 {offsets = [0, 0], sizes = [1280, 256], strides = [1, 1]} : vector<1280x1024xf32> to vector<1280x256xf32>
    %slice3A_10 = vector.extract_strided_slice %add3A_9 {offsets = [0, 256], sizes = [1280, 256], strides = [1, 1]} : vector<1280x1024xf32> to vector<1280x256xf32>
    %slice3A_11 = vector.extract_strided_slice %add3A_9 {offsets = [0, 512], sizes = [1280, 512], strides = [1, 1]} : vector<1280x1024xf32> to vector<1280x512xf32>
    %convert_element_type3A = arith.truncf %slice3A_11 : vector<1280x512xf32> to vector<1280x512xbf16>
    %swap3A = arith.constant 0 : index
    %swap3A_12 = arith.constant 0 : index
    %swap3A_13 = vector.load %arg5[%swap3A, %swap3A_12] : memref<1280x512xbf16, #tpu.memory_space<vmem>>, vector<1280x512xbf16>
    tpu.vector_store %arg5[%swap3A, %swap3A_12], %convert_element_type3A {strides = array<i32>} : memref<1280x512xbf16, #tpu.memory_space<vmem>>, vector<1280x512xbf16>,
    %get3A_14 = arith.constant 0 : index
    %get3A_15 = arith.constant 0 : index
    %get3A_16 = vector.load %arg4[%get3A_14, %get3A_15] : memref<1x256xf32, #tpu.memory_space<vmem>>, vector<1x256xf32>
    %mul3A = vector.broadcast %get3A_16 : vector<1x256xf32> to vector<1280x256xf32>
    %mul3A_17 = arith.mulf %slice3A, %mul3A : vector<1280x256xf32>
    %reduce_sum3A = arith.constant dense<0.000000e+00> : vector<1280xf32>
    %reduce_sum3A_18 = vector.multi_reduction <add>, %mul3A_17, %reduce_sum3A [1] : vector<1280x256xf32> to vector<1280xf32>
    %broadcast_in_dim3A = vector.shape_cast %reduce_sum3A_18 : vector<1280xf32> to vector<1280x1xf32>
    %mul3A_19 = arith.constant 6.250000e-02 : f32
    %mul3A_20 = vector.broadcast %mul3A_19 : f32 to vector<1280x1xf32>
    %mul3A_21 = arith.mulf %broadcast_in_dim3A, %mul3A_20 : vector<1280x1xf32>
    %broadcast_in_dim3A_22 = arith.constant 0.000000e+00 : f32
    %broadcast_in_dim3A_23 = vector.broadcast %broadcast_in_dim3A_22 : f32 to vector<16x256xf32>
    %iota3A = tpu.iota {dimensions = array<i32: 1>} : vector<80x96xi32>
    %slice3A_24 = vector.extract_strided_slice %slice3A {offsets = [0, 0], sizes = [80, 256], strides = [1, 1]} : vector<1280x256xf32> to vector<80x256xf32>
    %slice3A_25 = vector.extract_strided_slice %slice3A_10 {offsets = [0, 0], sizes = [80, 256], strides = [1, 1]} : vector<1280x256xf32> to vector<80x256xf32>
    %concatenate3A = tpu.concatenate %slice3A_25, %broadcast_in_dim3A_23 in 0 : vector<80x256xf32>, vector<16x256xf32> -> vector<96x256xf32>
    %dot_general3A_26 = arith.constant dense<0.000000e+00> : vector<80x96xf32>
    %dot_general3A_27 = tpu.matmul %slice3A_24, %concatenate3A, %dot_general3A_26 {dimension_numbers = #tpu.dot_dimension_numbers<[1], [1], [0], [0], [0, 0, 1, 0], [], []>, transpose_lhs_hint = false} : vector<80x256xf32>, vector<96x256xf32>, vector<80x96xf32> -> vector<80x96xf32>
    %mul3A_28 = arith.constant 6.250000e-02 : f32
    %mul3A_29 = vector.broadcast %mul3A_28 : f32 to vector<80x96xf32>
    %mul3A_30 = arith.mulf %dot_general3A_27, %mul3A_29 : vector<80x96xf32>
    %slice3A_31 = vector.extract_strided_slice %mul3A_21 {offsets = [0, 0], sizes = [80, 1], strides = [1, 1]} : vector<1280x1xf32> to vector<80x1xf32>
    %reduce_max3A = arith.constant dense<0xFF800000> : vector<80xf32>
    %reduce_max3A_32 = vector.multi_reduction <maximumf>, %mul3A_30, %reduce_max3A [1] : vector<80x96xf32> to vector<80xf32>
    %broadcast_in_dim3A_33 = vector.shape_cast %reduce_max3A_32 : vector<80xf32> to vector<80x1xf32>
    %abs3A = math.absf %slice3A_31 : vector<80x1xf32>
    %add3A_34 = arith.addf %broadcast_in_dim3A_33, %abs3A : vector<80x1xf32>
    %eq3A = arith.constant 80 : i32
    %eq3A_35 = vector.broadcast %eq3A : i32 to vector<80x96xi32>
    %eq3A_36 = arith.cmpi eq, %iota3A, %eq3A_35 : vector<80x96xi32>
    %sub3A = vector.broadcast %add3A_34 : vector<80x1xf32> to vector<80x96xf32>
    %sub3A_37 = arith.subf %mul3A_30, %sub3A : vector<80x96xf32>
    %broadcast_in_dim3A_38 = vector.shape_cast %slice3A_31 : vector<80x1xf32> to vector<80x1xf32>
    %broadcast_in_dim3A_39 = vector.broadcast %broadcast_in_dim3A_38 : vector<80x1xf32> to vector<80x96xf32>
    %select_n3A = arith.select %eq3A_36, %broadcast_in_dim3A_39, %sub3A_37 : vector<80x96xi1>, vector<80x96xf32>
    %swap3A_40 = arith.constant 0 : index
    %swap3A_41 = arith.constant 0 : index
    %swap3A_42 = vector.load %arg6[%swap3A_40, %swap3A_41] : memref<1280x128xf32, #tpu.memory_space<vmem>>, vector<80x96xf32>
    tpu.vector_store %arg6[%swap3A_40, %swap3A_41], %select_n3A {strides = array<i32>} : memref<1280x128xf32, #tpu.memory_space<vmem>>, vector<80x96xf32>,
    %slice3A_43 = vector.extract_strided_slice %slice3A {offsets = [80, 0], sizes = [80, 256], strides = [1, 1]} : vector<1280x256xf32> to vector<80x256xf32>
    %slice3A_44 = vector.extract_strided_slice %slice3A_10 {offsets = [80, 0], sizes = [80, 256], strides = [1, 1]} : vector<1280x256xf32> to vector<80x256xf32>
    %concatenate3A_45 = tpu.concatenate %slice3A_44, %broadcast_in_dim3A_23 in 0 : vector<80x256xf32>, vector<16x256xf32> -> vector<96x256xf32>
    %dot_general3A_46 = arith.constant dense<0.000000e+00> : vector<80x96xf32>
    %dot_general3A_47 = tpu.matmul %slice3A_43, %concatenate3A_45, %dot_general3A_46 {dimension_numbers = #tpu.dot_dimension_numbers<[1], [1], [0], [0], [0, 0, 1, 0], [], []>, transpose_lhs_hint = false} : vector<80x256xf32>, vector<96x256xf32>, vector<80x96xf32> -> vector<80x96xf32>
    %mul3A_48 = arith.constant 6.250000e-02 : f32
    %mul3A_49 = vector.broadcast %mul3A_48 : f32 to vector<80x96xf32>
    %mul3A_50 = arith.mulf %dot_general3A_47, %mul3A_49 : vector<80x96xf32>
    %slice3A_51 = vector.extract_strided_slice %mul3A_21 {offsets = [80, 0], sizes = [80, 1], strides = [1, 1]} : vector<1280x1xf32> to vector<80x1xf32>
    %reduce_max3A_52 = arith.constant dense<0xFF800000> : vector<80xf32>
    %reduce_max3A_53 = vector.multi_reduction <maximumf>, %mul3A_50, %reduce_max3A_52 [1] : vector<80x96xf32> to vector<80xf32>
    %broadcast_in_dim3A_54 = vector.shape_cast %reduce_max3A_53 : vector<80xf32> to vector<80x1xf32>
    %abs3A_55 = math.absf %slice3A_51 : vector<80x1xf32>
    %add3A_56 = arith.addf %broadcast_in_dim3A_54, %abs3A_55 : vector<80x1xf32>
    %eq3A_57 = arith.constant 80 : i32
    %eq3A_58 = vector.broadcast %eq3A_57 : i32 to vector<80x96xi32>
    %eq3A_59 = arith.cmpi eq, %iota3A, %eq3A_58 : vector<80x96xi32>
    %sub3A_60 = vector.broadcast %add3A_56 : vector<80x1xf32> to vector<80x96xf32>
    %sub3A_61 = arith.subf %mul3A_50, %sub3A_60 : vector<80x96xf32>
    %broadcast_in_dim3A_62 = vector.shape_cast %slice3A_51 : vector<80x1xf32> to vector<80x1xf32>
    %broadcast_in_dim3A_63 = vector.broadcast %broadcast_in_dim3A_62 : vector<80x1xf32> to vector<80x96xf32>
    %select_n3A_64 = arith.select %eq3A_59, %broadcast_in_dim3A_63, %sub3A_61 : vector<80x96xi1>, vector<80x96xf32>
    %swap3A_65 = arith.constant 80 : index
    %swap3A_66 = arith.constant 0 : index
    %swap3A_67 = vector.load %arg6[%swap3A_65, %swap3A_66] : memref<1280x128xf32, #tpu.memory_space<vmem>>, vector<80x96xf32>
    tpu.vector_store %arg6[%swap3A_65, %swap3A_66], %select_n3A_64 {strides = array<i32>} : memref<1280x128xf32, #tpu.memory_space<vmem>>, vector<80x96xf32>,
    %slice3A_68 = vector.extract_strided_slice %slice3A {offsets = [160, 0], sizes = [80, 256], strides = [1, 1]} : vector<1280x256xf32> to vector<80x256xf32>
    %slice3A_69 = vector.extract_strided_slice %slice3A_10 {offsets = [160, 0], sizes = [80, 256], strides = [1, 1]} : vector<1280x256xf32> to vector<80x256xf32>
    %concatenate3A_70 = tpu.concatenate %slice3A_69, %broadcast_in_dim3A_23 in 0 : vector<80x256xf32>, vector<16x256xf32> -> vector<96x256xf32>
    %dot_general3A_71 = arith.constant dense<0.000000e+00> : vector<80x96xf32>
    %dot_general3A_72 = tpu.matmul %slice3A_68, %concatenate3A_70, %dot_general3A_71 {dimension_numbers = #tpu.dot_dimension_numbers<[1], [1], [0], [0], [0, 0, 1, 0], [], []>, transpose_lhs_hint = false} : vector<80x256xf32>, vector<96x256xf32>, vector<80x96xf32> -> vector<80x96xf32>
    %mul3A_73 = arith.constant 6.250000e-02 : f32
    %mul3A_74 = vector.broadcast %mul3A_73 : f32 to vector<80x96xf32>
    %mul3A_75 = arith.mulf %dot_general3A_72, %mul3A_74 : vector<80x96xf32>
    %slice3A_76 = vector.extract_strided_slice %mul3A_21 {offsets = [160, 0], sizes = [80, 1], strides = [1, 1]} : vector<1280x1xf32> to vector<80x1xf32>
    %reduce_max3A_77 = arith.constant dense<0xFF800000> : vector<80xf32>
    %reduce_max3A_78 = vector.multi_reduction <maximumf>, %mul3A_75, %reduce_max3A_77 [1] : vector<80x96xf32> to vector<80xf32>
    %broadcast_in_dim3A_79 = vector.shape_cast %reduce_max3A_78 : vector<80xf32> to vector<80x1xf32>
    %abs3A_80 = math.absf %slice3A_76 : vector<80x1xf32>
    %add3A_81 = arith.addf %broadcast_in_dim3A_79, %abs3A_80 : vector<80x1xf32>
    %eq3A_82 = arith.constant 80 : i32
    %eq3A_83 = vector.broadcast %eq3A_82 : i32 to vector<80x96xi32>
    %eq3A_84 = arith.cmpi eq, %iota3A, %eq3A_83 : vector<80x96xi32>
    %sub3A_85 = vector.broadcast %add3A_81 : vector<80x1xf32> to vector<80x96xf32>
    %sub3A_86 = arith.subf %mul3A_75, %sub3A_85 : vector<80x96xf32>
    %broadcast_in_dim3A_87 = vector.shape_cast %slice3A_76 : vector<80x1xf32> to vector<80x1xf32>
    %broadcast_in_dim3A_88 = vector.broadcast %broadcast_in_dim3A_87 : vector<80x1xf32> to vector<80x96xf32>
    %select_n3A_89 = arith.select %eq3A_84, %broadcast_in_dim3A_88, %sub3A_86 : vector<80x96xi1>, vector<80x96xf32>
    %swap3A_90 = arith.constant 160 : index
    %swap3A_91 = arith.constant 0 : index
    %swap3A_92 = vector.load %arg6[%swap3A_90, %swap3A_91] : memref<1280x128xf32, #tpu.memory_space<vmem>>, vector<80x96xf32>
    tpu.vector_store %arg6[%swap3A_90, %swap3A_91], %select_n3A_89 {strides = array<i32>} : memref<1280x128xf32, #tpu.memory_space<vmem>>, vector<80x96xf32>,
    %slice3A_93 = vector.extract_strided_slice %slice3A {offsets = [240, 0], sizes = [80, 256], strides = [1, 1]} : vector<1280x256xf32> to vector<80x256xf32>
    %slice3A_94 = vector.extract_strided_slice %slice3A_10 {offsets = [240, 0], sizes = [80, 256], strides = [1, 1]} : vector<1280x256xf32> to vector<80x256xf32>
    %concatenate3A_95 = tpu.concatenate %slice3A_94, %broadcast_in_dim3A_23 in 0 : vector<80x256xf32>, vector<16x256xf32> -> vector<96x256xf32>
    %dot_general3A_96 = arith.constant dense<0.000000e+00> : vector<80x96xf32>
    %dot_general3A_97 = tpu.matmul %slice3A_93, %concatenate3A_95, %dot_general3A_96 {dimension_numbers = #tpu.dot_dimension_numbers<[1], [1], [0], [0], [0, 0, 1, 0], [], []>, transpose_lhs_hint = false} : vector<80x256xf32>, vector<96x256xf32>, vector<80x96xf32> -> vector<80x96xf32>
    %mul3A_98 = arith.constant 6.250000e-02 : f32
    %mul3A_99 = vector.broadcast %mul3A_98 : f32 to vector<80x96xf32>
    %mul3A_100 = arith.mulf %dot_general3A_97, %mul3A_99 : vector<80x96xf32>
    %slice3A_101 = vector.extract_strided_slice %mul3A_21 {offsets = [240, 0], sizes = [80, 1], strides = [1, 1]} : vector<1280x1xf32> to vector<80x1xf32>
    %reduce_max3A_102 = arith.constant dense<0xFF800000> : vector<80xf32>
    %reduce_max3A_103 = vector.multi_reduction <maximumf>, %mul3A_100, %reduce_max3A_102 [1] : vector<80x96xf32> to vector<80xf32>
    %broadcast_in_dim3A_104 = vector.shape_cast %reduce_max3A_103 : vector<80xf32> to vector<80x1xf32>
    %abs3A_105 = math.absf %slice3A_101 : vector<80x1xf32>
    %add3A_106 = arith.addf %broadcast_in_dim3A_104, %abs3A_105 : vector<80x1xf32>
    %eq3A_107 = arith.constant 80 : i32
    %eq3A_108 = vector.broadcast %eq3A_107 : i32 to vector<80x96xi32>
    %eq3A_109 = arith.cmpi eq, %iota3A, %eq3A_108 : vector<80x96xi32>
    %sub3A_110 = vector.broadcast %add3A_106 : vector<80x1xf32> to vector<80x96xf32>
    %sub3A_111 = arith.subf %mul3A_100, %sub3A_110 : vector<80x96xf32>
    %broadcast_in_dim3A_112 = vector.shape_cast %slice3A_101 : vector<80x1xf32> to vector<80x1xf32>
    %broadcast_in_dim3A_113 = vector.broadcast %broadcast_in_dim3A_112 : vector<80x1xf32> to vector<80x96xf32>
    %select_n3A_114 = arith.select %eq3A_109, %broadcast_in_dim3A_113, %sub3A_111 : vector<80x96xi1>, vector<80x96xf32>
    %swap3A_115 = arith.constant 240 : index
    %swap3A_116 = arith.constant 0 : index
    %swap3A_117 = vector.load %arg6[%swap3A_115, %swap3A_116] : memref<1280x128xf32, #tpu.memory_space<vmem>>, vector<80x96xf32>
    tpu.vector_store %arg6[%swap3A_115, %swap3A_116], %select_n3A_114 {strides = array<i32>} : memref<1280x128xf32, #tpu.memory_space<vmem>>, vector<80x96xf32>,
    %slice3A_118 = vector.extract_strided_slice %slice3A {offsets = [320, 0], sizes = [80, 256], strides = [1, 1]} : vector<1280x256xf32> to vector<80x256xf32>
    %slice3A_119 = vector.extract_strided_slice %slice3A_10 {offsets = [320, 0], sizes = [80, 256], strides = [1, 1]} : vector<1280x256xf32> to vector<80x256xf32>
    %concatenate3A_120 = tpu.concatenate %slice3A_119, %broadcast_in_dim3A_23 in 0 : vector<80x256xf32>, vector<16x256xf32> -> vector<96x256xf32>
    %dot_general3A_121 = arith.constant dense<0.000000e+00> : vector<80x96xf32>
    %dot_general3A_122 = tpu.matmul %slice3A_118, %concatenate3A_120, %dot_general3A_121 {dimension_numbers = #tpu.dot_dimension_numbers<[1], [1], [0], [0], [0, 0, 1, 0], [], []>, transpose_lhs_hint = false} : vector<80x256xf32>, vector<96x256xf32>, vector<80x96xf32> -> vector<80x96xf32>
    %mul3A_123 = arith.constant 6.250000e-02 : f32
    %mul3A_124 = vector.broadcast %mul3A_123 : f32 to vector<80x96xf32>
    %mul3A_125 = arith.mulf %dot_general3A_122, %mul3A_124 : vector<80x96xf32>
    %slice3A_126 = vector.extract_strided_slice %mul3A_21 {offsets = [320, 0], sizes = [80, 1], strides = [1, 1]} : vector<1280x1xf32> to vector<80x1xf32>
    %reduce_max3A_127 = arith.constant dense<0xFF800000> : vector<80xf32>
    %reduce_max3A_128 = vector.multi_reduction <maximumf>, %mul3A_125, %reduce_max3A_127 [1] : vector<80x96xf32> to vector<80xf32>
    %broadcast_in_dim3A_129 = vector.shape_cast %reduce_max3A_128 : vector<80xf32> to vector<80x1xf32>
    %abs3A_130 = math.absf %slice3A_126 : vector<80x1xf32>
    %add3A_131 = arith.addf %broadcast_in_dim3A_129, %abs3A_130 : vector<80x1xf32>
    %eq3A_132 = arith.constant 80 : i32
    %eq3A_133 = vector.broadcast %eq3A_132 : i32 to vector<80x96xi32>
    %eq3A_134 = arith.cmpi eq, %iota3A, %eq3A_133 : vector<80x96xi32>
    %sub3A_135 = vector.broadcast %add3A_131 : vector<80x1xf32> to vector<80x96xf32>
    %sub3A_136 = arith.subf %mul3A_125, %sub3A_135 : vector<80x96xf32>
    %broadcast_in_dim3A_137 = vector.shape_cast %slice3A_126 : vector<80x1xf32> to vector<80x1xf32>
    %broadcast_in_dim3A_138 = vector.broadcast %broadcast_in_dim3A_137 : vector<80x1xf32> to vector<80x96xf32>
    %select_n3A_139 = arith.select %eq3A_134, %broadcast_in_dim3A_138, %sub3A_136 : vector<80x96xi1>, vector<80x96xf32>
    %swap3A_140 = arith.constant 320 : index
    %swap3A_141 = arith.constant 0 : index
    %swap3A_142 = vector.load %arg6[%swap3A_140, %swap3A_141] : memref<1280x128xf32, #tpu.memory_space<vmem>>, vector<80x96xf32>
    tpu.vector_store %arg6[%swap3A_140, %swap3A_141], %select_n3A_139 {strides = array<i32>} : memref<1280x128xf32, #tpu.memory_space<vmem>>, vector<80x96xf32>,
    %slice3A_143 = vector.extract_strided_slice %slice3A {offsets = [400, 0], sizes = [80, 256], strides = [1, 1]} : vector<1280x256xf32> to vector<80x256xf32>
    %slice3A_144 = vector.extract_strided_slice %slice3A_10 {offsets = [400, 0], sizes = [80, 256], strides = [1, 1]} : vector<1280x256xf32> to vector<80x256xf32>
    %concatenate3A_145 = tpu.concatenate %slice3A_144, %broadcast_in_dim3A_23 in 0 : vector<80x256xf32>, vector<16x256xf32> -> vector<96x256xf32>
    %dot_general3A_146 = arith.constant dense<0.000000e+00> : vector<80x96xf32>
    %dot_general3A_147 = tpu.matmul %slice3A_143, %concatenate3A_145, %dot_general3A_146 {dimension_numbers = #tpu.dot_dimension_numbers<[1], [1], [0], [0], [0, 0, 1, 0], [], []>, transpose_lhs_hint = false} : vector<80x256xf32>, vector<96x256xf32>, vector<80x96xf32> -> vector<80x96xf32>
    %mul3A_148 = arith.constant 6.250000e-02 : f32
    %mul3A_149 = vector.broadcast %mul3A_148 : f32 to vector<80x96xf32>
    %mul3A_150 = arith.mulf %dot_general3A_147, %mul3A_149 : vector<80x96xf32>
    %slice3A_151 = vector.extract_strided_slice %mul3A_21 {offsets = [400, 0], sizes = [80, 1], strides = [1, 1]} : vector<1280x1xf32> to vector<80x1xf32>
    %reduce_max3A_152 = arith.constant dense<0xFF800000> : vector<80xf32>
    %reduce_max3A_153 = vector.multi_reduction <maximumf>, %mul3A_150, %reduce_max3A_152 [1] : vector<80x96xf32> to vector<80xf32>
    %broadcast_in_dim3A_154 = vector.shape_cast %reduce_max3A_153 : vector<80xf32> to vector<80x1xf32>
    %abs3A_155 = math.absf %slice3A_151 : vector<80x1xf32>
    %add3A_156 = arith.addf %broadcast_in_dim3A_154, %abs3A_155 : vector<80x1xf32>
    %eq3A_157 = arith.constant 80 : i32
    %eq3A_158 = vector.broadcast %eq3A_157 : i32 to vector<80x96xi32>
    %eq3A_159 = arith.cmpi eq, %iota3A, %eq3A_158 : vector<80x96xi32>
    %sub3A_160 = vector.broadcast %add3A_156 : vector<80x1xf32> to vector<80x96xf32>
    %sub3A_161 = arith.subf %mul3A_150, %sub3A_160 : vector<80x96xf32>
    %broadcast_in_dim3A_162 = vector.shape_cast %slice3A_151 : vector<80x1xf32> to vector<80x1xf32>
    %broadcast_in_dim3A_163 = vector.broadcast %broadcast_in_dim3A_162 : vector<80x1xf32> to vector<80x96xf32>
    %select_n3A_164 = arith.select %eq3A_159, %broadcast_in_dim3A_163, %sub3A_161 : vector<80x96xi1>, vector<80x96xf32>
    %swap3A_165 = arith.constant 400 : index
    %swap3A_166 = arith.constant 0 : index
    %swap3A_167 = vector.load %arg6[%swap3A_165, %swap3A_166] : memref<1280x128xf32, #tpu.memory_space<vmem>>, vector<80x96xf32>
    tpu.vector_store %arg6[%swap3A_165, %swap3A_166], %select_n3A_164 {strides = array<i32>} : memref<1280x128xf32, #tpu.memory_space<vmem>>, vector<80x96xf32>,
    %slice3A_168 = vector.extract_strided_slice %slice3A {offsets = [480, 0], sizes = [80, 256], strides = [1, 1]} : vector<1280x256xf32> to vector<80x256xf32>
    %slice3A_169 = vector.extract_strided_slice %slice3A_10 {offsets = [480, 0], sizes = [80, 256], strides = [1, 1]} : vector<1280x256xf32> to vector<80x256xf32>
    %concatenate3A_170 = tpu.concatenate %slice3A_169, %broadcast_in_dim3A_23 in 0 : vector<80x256xf32>, vector<16x256xf32> -> vector<96x256xf32>
    %dot_general3A_171 = arith.constant dense<0.000000e+00> : vector<80x96xf32>
    %dot_general3A_172 = tpu.matmul %slice3A_168, %concatenate3A_170, %dot_general3A_171 {dimension_numbers = #tpu.dot_dimension_numbers<[1], [1], [0], [0], [0, 0, 1, 0], [], []>, transpose_lhs_hint = false} : vector<80x256xf32>, vector<96x256xf32>, vector<80x96xf32> -> vector<80x96xf32>
    %mul3A_173 = arith.constant 6.250000e-02 : f32
    %mul3A_174 = vector.broadcast %mul3A_173 : f32 to vector<80x96xf32>
    %mul3A_175 = arith.mulf %dot_general3A_172, %mul3A_174 : vector<80x96xf32>
    %slice3A_176 = vector.extract_strided_slice %mul3A_21 {offsets = [480, 0], sizes = [80, 1], strides = [1, 1]} : vector<1280x1xf32> to vector<80x1xf32>
    %reduce_max3A_177 = arith.constant dense<0xFF800000> : vector<80xf32>
    %reduce_max3A_178 = vector.multi_reduction <maximumf>, %mul3A_175, %reduce_max3A_177 [1] : vector<80x96xf32> to vector<80xf32>
    %broadcast_in_dim3A_179 = vector.shape_cast %reduce_max3A_178 : vector<80xf32> to vector<80x1xf32>
    %abs3A_180 = math.absf %slice3A_176 : vector<80x1xf32>
    %add3A_181 = arith.addf %broadcast_in_dim3A_179, %abs3A_180 : vector<80x1xf32>
    %eq3A_182 = arith.constant 80 : i32
    %eq3A_183 = vector.broadcast %eq3A_182 : i32 to vector<80x96xi32>
    %eq3A_184 = arith.cmpi eq, %iota3A, %eq3A_183 : vector<80x96xi32>
    %sub3A_185 = vector.broadcast %add3A_181 : vector<80x1xf32> to vector<80x96xf32>
    %sub3A_186 = arith.subf %mul3A_175, %sub3A_185 : vector<80x96xf32>
    %broadcast_in_dim3A_187 = vector.shape_cast %slice3A_176 : vector<80x1xf32> to vector<80x1xf32>
    %broadcast_in_dim3A_188 = vector.broadcast %broadcast_in_dim3A_187 : vector<80x1xf32> to vector<80x96xf32>
    %select_n3A_189 = arith.select %eq3A_184, %broadcast_in_dim3A_188, %sub3A_186 : vector<80x96xi1>, vector<80x96xf32>
    %swap3A_190 = arith.constant 480 : index
    %swap3A_191 = arith.constant 0 : index
    %swap3A_192 = vector.load %arg6[%swap3A_190, %swap3A_191] : memref<1280x128xf32, #tpu.memory_space<vmem>>, vector<80x96xf32>
    tpu.vector_store %arg6[%swap3A_190, %swap3A_191], %select_n3A_189 {strides = array<i32>} : memref<1280x128xf32, #tpu.memory_space<vmem>>, vector<80x96xf32>,
    %slice3A_193 = vector.extract_strided_slice %slice3A {offsets = [560, 0], sizes = [80, 256], strides = [1, 1]} : vector<1280x256xf32> to vector<80x256xf32>
    %slice3A_194 = vector.extract_strided_slice %slice3A_10 {offsets = [560, 0], sizes = [80, 256], strides = [1, 1]} : vector<1280x256xf32> to vector<80x256xf32>
    %concatenate3A_195 = tpu.concatenate %slice3A_194, %broadcast_in_dim3A_23 in 0 : vector<80x256xf32>, vector<16x256xf32> -> vector<96x256xf32>
    %dot_general3A_196 = arith.constant dense<0.000000e+00> : vector<80x96xf32>
    %dot_general3A_197 = tpu.matmul %slice3A_193, %concatenate3A_195, %dot_general3A_196 {dimension_numbers = #tpu.dot_dimension_numbers<[1], [1], [0], [0], [0, 0, 1, 0], [], []>, transpose_lhs_hint = false} : vector<80x256xf32>, vector<96x256xf32>, vector<80x96xf32> -> vector<80x96xf32>
    %mul3A_198 = arith.constant 6.250000e-02 : f32
    %mul3A_199 = vector.broadcast %mul3A_198 : f32 to vector<80x96xf32>
    %mul3A_200 = arith.mulf %dot_general3A_197, %mul3A_199 : vector<80x96xf32>
    %slice3A_201 = vector.extract_strided_slice %mul3A_21 {offsets = [560, 0], sizes = [80, 1], strides = [1, 1]} : vector<1280x1xf32> to vector<80x1xf32>
    %reduce_max3A_202 = arith.constant dense<0xFF800000> : vector<80xf32>
    %reduce_max3A_203 = vector.multi_reduction <maximumf>, %mul3A_200, %reduce_max3A_202 [1] : vector<80x96xf32> to vector<80xf32>
    %broadcast_in_dim3A_204 = vector.shape_cast %reduce_max3A_203 : vector<80xf32> to vector<80x1xf32>
    %abs3A_205 = math.absf %slice3A_201 : vector<80x1xf32>
    %add3A_206 = arith.addf %broadcast_in_dim3A_204, %abs3A_205 : vector<80x1xf32>
    %eq3A_207 = arith.constant 80 : i32
    %eq3A_208 = vector.broadcast %eq3A_207 : i32 to vector<80x96xi32>
    %eq3A_209 = arith.cmpi eq, %iota3A, %eq3A_208 : vector<80x96xi32>
    %sub3A_210 = vector.broadcast %add3A_206 : vector<80x1xf32> to vector<80x96xf32>
    %sub3A_211 = arith.subf %mul3A_200, %sub3A_210 : vector<80x96xf32>
    %broadcast_in_dim3A_212 = vector.shape_cast %slice3A_201 : vector<80x1xf32> to vector<80x1xf32>
    %broadcast_in_dim3A_213 = vector.broadcast %broadcast_in_dim3A_212 : vector<80x1xf32> to vector<80x96xf32>
    %select_n3A_214 = arith.select %eq3A_209, %broadcast_in_dim3A_213, %sub3A_211 : vector<80x96xi1>, vector<80x96xf32>
    %swap3A_215 = arith.constant 560 : index
    %swap3A_216 = arith.constant 0 : index
    %swap3A_217 = vector.load %arg6[%swap3A_215, %swap3A_216] : memref<1280x128xf32, #tpu.memory_space<vmem>>, vector<80x96xf32>
    tpu.vector_store %arg6[%swap3A_215, %swap3A_216], %select_n3A_214 {strides = array<i32>} : memref<1280x128xf32, #tpu.memory_space<vmem>>, vector<80x96xf32>,
    %slice3A_218 = vector.extract_strided_slice %slice3A {offsets = [640, 0], sizes = [80, 256], strides = [1, 1]} : vector<1280x256xf32> to vector<80x256xf32>
    %slice3A_219 = vector.extract_strided_slice %slice3A_10 {offsets = [640, 0], sizes = [80, 256], strides = [1, 1]} : vector<1280x256xf32> to vector<80x256xf32>
    %concatenate3A_220 = tpu.concatenate %slice3A_219, %broadcast_in_dim3A_23 in 0 : vector<80x256xf32>, vector<16x256xf32> -> vector<96x256xf32>
    %dot_general3A_221 = arith.constant dense<0.000000e+00> : vector<80x96xf32>
    %dot_general3A_222 = tpu.matmul %slice3A_218, %concatenate3A_220, %dot_general3A_221 {dimension_numbers = #tpu.dot_dimension_numbers<[1], [1], [0], [0], [0, 0, 1, 0], [], []>, transpose_lhs_hint = false} : vector<80x256xf32>, vector<96x256xf32>, vector<80x96xf32> -> vector<80x96xf32>
    %mul3A_223 = arith.constant 6.250000e-02 : f32
    %mul3A_224 = vector.broadcast %mul3A_223 : f32 to vector<80x96xf32>
    %mul3A_225 = arith.mulf %dot_general3A_222, %mul3A_224 : vector<80x96xf32>
    %slice3A_226 = vector.extract_strided_slice %mul3A_21 {offsets = [640, 0], sizes = [80, 1], strides = [1, 1]} : vector<1280x1xf32> to vector<80x1xf32>
    %reduce_max3A_227 = arith.constant dense<0xFF800000> : vector<80xf32>
    %reduce_max3A_228 = vector.multi_reduction <maximumf>, %mul3A_225, %reduce_max3A_227 [1] : vector<80x96xf32> to vector<80xf32>
    %broadcast_in_dim3A_229 = vector.shape_cast %reduce_max3A_228 : vector<80xf32> to vector<80x1xf32>
    %abs3A_230 = math.absf %slice3A_226 : vector<80x1xf32>
    %add3A_231 = arith.addf %broadcast_in_dim3A_229, %abs3A_230 : vector<80x1xf32>
    %eq3A_232 = arith.constant 80 : i32
    %eq3A_233 = vector.broadcast %eq3A_232 : i32 to vector<80x96xi32>
    %eq3A_234 = arith.cmpi eq, %iota3A, %eq3A_233 : vector<80x96xi32>
    %sub3A_235 = vector.broadcast %add3A_231 : vector<80x1xf32> to vector<80x96xf32>
    %sub3A_236 = arith.subf %mul3A_225, %sub3A_235 : vector<80x96xf32>
    %broadcast_in_dim3A_237 = vector.shape_cast %slice3A_226 : vector<80x1xf32> to vector<80x1xf32>
    %broadcast_in_dim3A_238 = vector.broadcast %broadcast_in_dim3A_237 : vector<80x1xf32> to vector<80x96xf32>
    %select_n3A_239 = arith.select %eq3A_234, %broadcast_in_dim3A_238, %sub3A_236 : vector<80x96xi1>, vector<80x96xf32>
    %swap3A_240 = arith.constant 640 : index
    %swap3A_241 = arith.constant 0 : index
    %swap3A_242 = vector.load %arg6[%swap3A_240, %swap3A_241] : memref<1280x128xf32, #tpu.memory_space<vmem>>, vector<80x96xf32>
    tpu.vector_store %arg6[%swap3A_240, %swap3A_241], %select_n3A_239 {strides = array<i32>} : memref<1280x128xf32, #tpu.memory_space<vmem>>, vector<80x96xf32>,
    %slice3A_243 = vector.extract_strided_slice %slice3A {offsets = [720, 0], sizes = [80, 256], strides = [1, 1]} : vector<1280x256xf32> to vector<80x256xf32>
    %slice3A_244 = vector.extract_strided_slice %slice3A_10 {offsets = [720, 0], sizes = [80, 256], strides = [1, 1]} : vector<1280x256xf32> to vector<80x256xf32>
    %concatenate3A_245 = tpu.concatenate %slice3A_244, %broadcast_in_dim3A_23 in 0 : vector<80x256xf32>, vector<16x256xf32> -> vector<96x256xf32>
    %dot_general3A_246 = arith.constant dense<0.000000e+00> : vector<80x96xf32>
    %dot_general3A_247 = tpu.matmul %slice3A_243, %concatenate3A_245, %dot_general3A_246 {dimension_numbers = #tpu.dot_dimension_numbers<[1], [1], [0], [0], [0, 0, 1, 0], [], []>, transpose_lhs_hint = false} : vector<80x256xf32>, vector<96x256xf32>, vector<80x96xf32> -> vector<80x96xf32>
    %mul3A_248 = arith.constant 6.250000e-02 : f32
    %mul3A_249 = vector.broadcast %mul3A_248 : f32 to vector<80x96xf32>
    %mul3A_250 = arith.mulf %dot_general3A_247, %mul3A_249 : vector<80x96xf32>
    %slice3A_251 = vector.extract_strided_slice %mul3A_21 {offsets = [720, 0], sizes = [80, 1], strides = [1, 1]} : vector<1280x1xf32> to vector<80x1xf32>
    %reduce_max3A_252 = arith.constant dense<0xFF800000> : vector<80xf32>
    %reduce_max3A_253 = vector.multi_reduction <maximumf>, %mul3A_250, %reduce_max3A_252 [1] : vector<80x96xf32> to vector<80xf32>
    %broadcast_in_dim3A_254 = vector.shape_cast %reduce_max3A_253 : vector<80xf32> to vector<80x1xf32>
    %abs3A_255 = math.absf %slice3A_251 : vector<80x1xf32>
    %add3A_256 = arith.addf %broadcast_in_dim3A_254, %abs3A_255 : vector<80x1xf32>
    %eq3A_257 = arith.constant 80 : i32
    %eq3A_258 = vector.broadcast %eq3A_257 : i32 to vector<80x96xi32>
    %eq3A_259 = arith.cmpi eq, %iota3A, %eq3A_258 : vector<80x96xi32>
    %sub3A_260 = vector.broadcast %add3A_256 : vector<80x1xf32> to vector<80x96xf32>
    %sub3A_261 = arith.subf %mul3A_250, %sub3A_260 : vector<80x96xf32>
    %broadcast_in_dim3A_262 = vector.shape_cast %slice3A_251 : vector<80x1xf32> to vector<80x1xf32>
    %broadcast_in_dim3A_263 = vector.broadcast %broadcast_in_dim3A_262 : vector<80x1xf32> to vector<80x96xf32>
    %select_n3A_264 = arith.select %eq3A_259, %broadcast_in_dim3A_263, %sub3A_261 : vector<80x96xi1>, vector<80x96xf32>
    %swap3A_265 = arith.constant 720 : index
    %swap3A_266 = arith.constant 0 : index
    %swap3A_267 = vector.load %arg6[%swap3A_265, %swap3A_266] : memref<1280x128xf32, #tpu.memory_space<vmem>>, vector<80x96xf32>
    tpu.vector_store %arg6[%swap3A_265, %swap3A_266], %select_n3A_264 {strides = array<i32>} : memref<1280x128xf32, #tpu.memory_space<vmem>>, vector<80x96xf32>,
    %slice3A_268 = vector.extract_strided_slice %slice3A {offsets = [800, 0], sizes = [80, 256], strides = [1, 1]} : vector<1280x256xf32> to vector<80x256xf32>
    %slice3A_269 = vector.extract_strided_slice %slice3A_10 {offsets = [800, 0], sizes = [80, 256], strides = [1, 1]} : vector<1280x256xf32> to vector<80x256xf32>
    %concatenate3A_270 = tpu.concatenate %slice3A_269, %broadcast_in_dim3A_23 in 0 : vector<80x256xf32>, vector<16x256xf32> -> vector<96x256xf32>
    %dot_general3A_271 = arith.constant dense<0.000000e+00> : vector<80x96xf32>
    %dot_general3A_272 = tpu.matmul %slice3A_268, %concatenate3A_270, %dot_general3A_271 {dimension_numbers = #tpu.dot_dimension_numbers<[1], [1], [0], [0], [0, 0, 1, 0], [], []>, transpose_lhs_hint = false} : vector<80x256xf32>, vector<96x256xf32>, vector<80x96xf32> -> vector<80x96xf32>
    %mul3A_273 = arith.constant 6.250000e-02 : f32
    %mul3A_274 = vector.broadcast %mul3A_273 : f32 to vector<80x96xf32>
    %mul3A_275 = arith.mulf %dot_general3A_272, %mul3A_274 : vector<80x96xf32>
    %slice3A_276 = vector.extract_strided_slice %mul3A_21 {offsets = [800, 0], sizes = [80, 1], strides = [1, 1]} : vector<1280x1xf32> to vector<80x1xf32>
    %reduce_max3A_277 = arith.constant dense<0xFF800000> : vector<80xf32>
    %reduce_max3A_278 = vector.multi_reduction <maximumf>, %mul3A_275, %reduce_max3A_277 [1] : vector<80x96xf32> to vector<80xf32>
    %broadcast_in_dim3A_279 = vector.shape_cast %reduce_max3A_278 : vector<80xf32> to vector<80x1xf32>
    %abs3A_280 = math.absf %slice3A_276 : vector<80x1xf32>
    %add3A_281 = arith.addf %broadcast_in_dim3A_279, %abs3A_280 : vector<80x1xf32>
    %eq3A_282 = arith.constant 80 : i32
    %eq3A_283 = vector.broadcast %eq3A_282 : i32 to vector<80x96xi32>
    %eq3A_284 = arith.cmpi eq, %iota3A, %eq3A_283 : vector<80x96xi32>
    %sub3A_285 = vector.broadcast %add3A_281 : vector<80x1xf32> to vector<80x96xf32>
    %sub3A_286 = arith.subf %mul3A_275, %sub3A_285 : vector<80x96xf32>
    %broadcast_in_dim3A_287 = vector.shape_cast %slice3A_276 : vector<80x1xf32> to vector<80x1xf32>
    %broadcast_in_dim3A_288 = vector.broadcast %broadcast_in_dim3A_287 : vector<80x1xf32> to vector<80x96xf32>
    %select_n3A_289 = arith.select %eq3A_284, %broadcast_in_dim3A_288, %sub3A_286 : vector<80x96xi1>, vector<80x96xf32>
    %swap3A_290 = arith.constant 800 : index
    %swap3A_291 = arith.constant 0 : index
    %swap3A_292 = vector.load %arg6[%swap3A_290, %swap3A_291] : memref<1280x128xf32, #tpu.memory_space<vmem>>, vector<80x96xf32>
    tpu.vector_store %arg6[%swap3A_290, %swap3A_291], %select_n3A_289 {strides = array<i32>} : memref<1280x128xf32, #tpu.memory_space<vmem>>, vector<80x96xf32>,
    %slice3A_293 = vector.extract_strided_slice %slice3A {offsets = [880, 0], sizes = [80, 256], strides = [1, 1]} : vector<1280x256xf32> to vector<80x256xf32>
    %slice3A_294 = vector.extract_strided_slice %slice3A_10 {offsets = [880, 0], sizes = [80, 256], strides = [1, 1]} : vector<1280x256xf32> to vector<80x256xf32>
    %concatenate3A_295 = tpu.concatenate %slice3A_294, %broadcast_in_dim3A_23 in 0 : vector<80x256xf32>, vector<16x256xf32> -> vector<96x256xf32>
    %dot_general3A_296 = arith.constant dense<0.000000e+00> : vector<80x96xf32>
    %dot_general3A_297 = tpu.matmul %slice3A_293, %concatenate3A_295, %dot_general3A_296 {dimension_numbers = #tpu.dot_dimension_numbers<[1], [1], [0], [0], [0, 0, 1, 0], [], []>, transpose_lhs_hint = false} : vector<80x256xf32>, vector<96x256xf32>, vector<80x96xf32> -> vector<80x96xf32>
    %mul3A_298 = arith.constant 6.250000e-02 : f32
    %mul3A_299 = vector.broadcast %mul3A_298 : f32 to vector<80x96xf32>
    %mul3A_300 = arith.mulf %dot_general3A_297, %mul3A_299 : vector<80x96xf32>
    %slice3A_301 = vector.extract_strided_slice %mul3A_21 {offsets = [880, 0], sizes = [80, 1], strides = [1, 1]} : vector<1280x1xf32> to vector<80x1xf32>
    %reduce_max3A_302 = arith.constant dense<0xFF800000> : vector<80xf32>
    %reduce_max3A_303 = vector.multi_reduction <maximumf>, %mul3A_300, %reduce_max3A_302 [1] : vector<80x96xf32> to vector<80xf32>
    %broadcast_in_dim3A_304 = vector.shape_cast %reduce_max3A_303 : vector<80xf32> to vector<80x1xf32>
    %abs3A_305 = math.absf %slice3A_301 : vector<80x1xf32>
    %add3A_306 = arith.addf %broadcast_in_dim3A_304, %abs3A_305 : vector<80x1xf32>
    %eq3A_307 = arith.constant 80 : i32
    %eq3A_308 = vector.broadcast %eq3A_307 : i32 to vector<80x96xi32>
    %eq3A_309 = arith.cmpi eq, %iota3A, %eq3A_308 : vector<80x96xi32>
    %sub3A_310 = vector.broadcast %add3A_306 : vector<80x1xf32> to vector<80x96xf32>
    %sub3A_311 = arith.subf %mul3A_300, %sub3A_310 : vector<80x96xf32>
    %broadcast_in_dim3A_312 = vector.shape_cast %slice3A_301 : vector<80x1xf32> to vector<80x1xf32>
    %broadcast_in_dim3A_313 = vector.broadcast %broadcast_in_dim3A_312 : vector<80x1xf32> to vector<80x96xf32>
    %select_n3A_314 = arith.select %eq3A_309, %broadcast_in_dim3A_313, %sub3A_311 : vector<80x96xi1>, vector<80x96xf32>
    %swap3A_315 = arith.constant 880 : index
    %swap3A_316 = arith.constant 0 : index
    %swap3A_317 = vector.load %arg6[%swap3A_315, %swap3A_316] : memref<1280x128xf32, #tpu.memory_space<vmem>>, vector<80x96xf32>
    tpu.vector_store %arg6[%swap3A_315, %swap3A_316], %select_n3A_314 {strides = array<i32>} : memref<1280x128xf32, #tpu.memory_space<vmem>>, vector<80x96xf32>,
    %slice3A_318 = vector.extract_strided_slice %slice3A {offsets = [960, 0], sizes = [80, 256], strides = [1, 1]} : vector<1280x256xf32> to vector<80x256xf32>
    %slice3A_319 = vector.extract_strided_slice %slice3A_10 {offsets = [960, 0], sizes = [80, 256], strides = [1, 1]} : vector<1280x256xf32> to vector<80x256xf32>
    %concatenate3A_320 = tpu.concatenate %slice3A_319, %broadcast_in_dim3A_23 in 0 : vector<80x256xf32>, vector<16x256xf32> -> vector<96x256xf32>
    %dot_general3A_321 = arith.constant dense<0.000000e+00> : vector<80x96xf32>
    %dot_general3A_322 = tpu.matmul %slice3A_318, %concatenate3A_320, %dot_general3A_321 {dimension_numbers = #tpu.dot_dimension_numbers<[1], [1], [0], [0], [0, 0, 1, 0], [], []>, transpose_lhs_hint = false} : vector<80x256xf32>, vector<96x256xf32>, vector<80x96xf32> -> vector<80x96xf32>
    %mul3A_323 = arith.constant 6.250000e-02 : f32
    %mul3A_324 = vector.broadcast %mul3A_323 : f32 to vector<80x96xf32>
    %mul3A_325 = arith.mulf %dot_general3A_322, %mul3A_324 : vector<80x96xf32>
    %slice3A_326 = vector.extract_strided_slice %mul3A_21 {offsets = [960, 0], sizes = [80, 1], strides = [1, 1]} : vector<1280x1xf32> to vector<80x1xf32>
    %reduce_max3A_327 = arith.constant dense<0xFF800000> : vector<80xf32>
    %reduce_max3A_328 = vector.multi_reduction <maximumf>, %mul3A_325, %reduce_max3A_327 [1] : vector<80x96xf32> to vector<80xf32>
    %broadcast_in_dim3A_329 = vector.shape_cast %reduce_max3A_328 : vector<80xf32> to vector<80x1xf32>
    %abs3A_330 = math.absf %slice3A_326 : vector<80x1xf32>
    %add3A_331 = arith.addf %broadcast_in_dim3A_329, %abs3A_330 : vector<80x1xf32>
    %eq3A_332 = arith.constant 80 : i32
    %eq3A_333 = vector.broadcast %eq3A_332 : i32 to vector<80x96xi32>
    %eq3A_334 = arith.cmpi eq, %iota3A, %eq3A_333 : vector<80x96xi32>
    %sub3A_335 = vector.broadcast %add3A_331 : vector<80x1xf32> to vector<80x96xf32>
    %sub3A_336 = arith.subf %mul3A_325, %sub3A_335 : vector<80x96xf32>
    %broadcast_in_dim3A_337 = vector.shape_cast %slice3A_326 : vector<80x1xf32> to vector<80x1xf32>
    %broadcast_in_dim3A_338 = vector.broadcast %broadcast_in_dim3A_337 : vector<80x1xf32> to vector<80x96xf32>
    %select_n3A_339 = arith.select %eq3A_334, %broadcast_in_dim3A_338, %sub3A_336 : vector<80x96xi1>, vector<80x96xf32>
    %swap3A_340 = arith.constant 960 : index
    %swap3A_341 = arith.constant 0 : index
    %swap3A_342 = vector.load %arg6[%swap3A_340, %swap3A_341] : memref<1280x128xf32, #tpu.memory_space<vmem>>, vector<80x96xf32>
    tpu.vector_store %arg6[%swap3A_340, %swap3A_341], %select_n3A_339 {strides = array<i32>} : memref<1280x128xf32, #tpu.memory_space<vmem>>, vector<80x96xf32>,
    %slice3A_343 = vector.extract_strided_slice %slice3A {offsets = [1040, 0], sizes = [80, 256], strides = [1, 1]} : vector<1280x256xf32> to vector<80x256xf32>
    %slice3A_344 = vector.extract_strided_slice %slice3A_10 {offsets = [1040, 0], sizes = [80, 256], strides = [1, 1]} : vector<1280x256xf32> to vector<80x256xf32>
    %concatenate3A_345 = tpu.concatenate %slice3A_344, %broadcast_in_dim3A_23 in 0 : vector<80x256xf32>, vector<16x256xf32> -> vector<96x256xf32>
    %dot_general3A_346 = arith.constant dense<0.000000e+00> : vector<80x96xf32>
    %dot_general3A_347 = tpu.matmul %slice3A_343, %concatenate3A_345, %dot_general3A_346 {dimension_numbers = #tpu.dot_dimension_numbers<[1], [1], [0], [0], [0, 0, 1, 0], [], []>, transpose_lhs_hint = false} : vector<80x256xf32>, vector<96x256xf32>, vector<80x96xf32> -> vector<80x96xf32>
    %mul3A_348 = arith.constant 6.250000e-02 : f32
    %mul3A_349 = vector.broadcast %mul3A_348 : f32 to vector<80x96xf32>
    %mul3A_350 = arith.mulf %dot_general3A_347, %mul3A_349 : vector<80x96xf32>
    %slice3A_351 = vector.extract_strided_slice %mul3A_21 {offsets = [1040, 0], sizes = [80, 1], strides = [1, 1]} : vector<1280x1xf32> to vector<80x1xf32>
    %reduce_max3A_352 = arith.constant dense<0xFF800000> : vector<80xf32>
    %reduce_max3A_353 = vector.multi_reduction <maximumf>, %mul3A_350, %reduce_max3A_352 [1] : vector<80x96xf32> to vector<80xf32>
    %broadcast_in_dim3A_354 = vector.shape_cast %reduce_max3A_353 : vector<80xf32> to vector<80x1xf32>
    %abs3A_355 = math.absf %slice3A_351 : vector<80x1xf32>
    %add3A_356 = arith.addf %broadcast_in_dim3A_354, %abs3A_355 : vector<80x1xf32>
    %eq3A_357 = arith.constant 80 : i32
    %eq3A_358 = vector.broadcast %eq3A_357 : i32 to vector<80x96xi32>
    %eq3A_359 = arith.cmpi eq, %iota3A, %eq3A_358 : vector<80x96xi32>
    %sub3A_360 = vector.broadcast %add3A_356 : vector<80x1xf32> to vector<80x96xf32>
    %sub3A_361 = arith.subf %mul3A_350, %sub3A_360 : vector<80x96xf32>
    %broadcast_in_dim3A_362 = vector.shape_cast %slice3A_351 : vector<80x1xf32> to vector<80x1xf32>
    %broadcast_in_dim3A_363 = vector.broadcast %broadcast_in_dim3A_362 : vector<80x1xf32> to vector<80x96xf32>
    %select_n3A_364 = arith.select %eq3A_359, %broadcast_in_dim3A_363, %sub3A_361 : vector<80x96xi1>, vector<80x96xf32>
    %swap3A_365 = arith.constant 1040 : index
    %swap3A_366 = arith.constant 0 : index
    %swap3A_367 = vector.load %arg6[%swap3A_365, %swap3A_366] : memref<1280x128xf32, #tpu.memory_space<vmem>>, vector<80x96xf32>
    tpu.vector_store %arg6[%swap3A_365, %swap3A_366], %select_n3A_364 {strides = array<i32>} : memref<1280x128xf32, #tpu.memory_space<vmem>>, vector<80x96xf32>,
    %slice3A_368 = vector.extract_strided_slice %slice3A {offsets = [1120, 0], sizes = [80, 256], strides = [1, 1]} : vector<1280x256xf32> to vector<80x256xf32>
    %slice3A_369 = vector.extract_strided_slice %slice3A_10 {offsets = [1120, 0], sizes = [80, 256], strides = [1, 1]} : vector<1280x256xf32> to vector<80x256xf32>
    %concatenate3A_370 = tpu.concatenate %slice3A_369, %broadcast_in_dim3A_23 in 0 : vector<80x256xf32>, vector<16x256xf32> -> vector<96x256xf32>
    %dot_general3A_371 = arith.constant dense<0.000000e+00> : vector<80x96xf32>
    %dot_general3A_372 = tpu.matmul %slice3A_368, %concatenate3A_370, %dot_general3A_371 {dimension_numbers = #tpu.dot_dimension_numbers<[1], [1], [0], [0], [0, 0, 1, 0], [], []>, transpose_lhs_hint = false} : vector<80x256xf32>, vector<96x256xf32>, vector<80x96xf32> -> vector<80x96xf32>
    %mul3A_373 = arith.constant 6.250000e-02 : f32
    %mul3A_374 = vector.broadcast %mul3A_373 : f32 to vector<80x96xf32>
    %mul3A_375 = arith.mulf %dot_general3A_372, %mul3A_374 : vector<80x96xf32>
    %slice3A_376 = vector.extract_strided_slice %mul3A_21 {offsets = [1120, 0], sizes = [80, 1], strides = [1, 1]} : vector<1280x1xf32> to vector<80x1xf32>
    %reduce_max3A_377 = arith.constant dense<0xFF800000> : vector<80xf32>
    %reduce_max3A_378 = vector.multi_reduction <maximumf>, %mul3A_375, %reduce_max3A_377 [1] : vector<80x96xf32> to vector<80xf32>
    %broadcast_in_dim3A_379 = vector.shape_cast %reduce_max3A_378 : vector<80xf32> to vector<80x1xf32>
    %abs3A_380 = math.absf %slice3A_376 : vector<80x1xf32>
    %add3A_381 = arith.addf %broadcast_in_dim3A_379, %abs3A_380 : vector<80x1xf32>
    %eq3A_382 = arith.constant 80 : i32
    %eq3A_383 = vector.broadcast %eq3A_382 : i32 to vector<80x96xi32>
    %eq3A_384 = arith.cmpi eq, %iota3A, %eq3A_383 : vector<80x96xi32>
    %sub3A_385 = vector.broadcast %add3A_381 : vector<80x1xf32> to vector<80x96xf32>
    %sub3A_386 = arith.subf %mul3A_375, %sub3A_385 : vector<80x96xf32>
    %broadcast_in_dim3A_387 = vector.shape_cast %slice3A_376 : vector<80x1xf32> to vector<80x1xf32>
    %broadcast_in_dim3A_388 = vector.broadcast %broadcast_in_dim3A_387 : vector<80x1xf32> to vector<80x96xf32>
    %select_n3A_389 = arith.select %eq3A_384, %broadcast_in_dim3A_388, %sub3A_386 : vector<80x96xi1>, vector<80x96xf32>
    %swap3A_390 = arith.constant 1120 : index
    %swap3A_391 = arith.constant 0 : index
    %swap3A_392 = vector.load %arg6[%swap3A_390, %swap3A_391] : memref<1280x128xf32, #tpu.memory_space<vmem>>, vector<80x96xf32>
    tpu.vector_store %arg6[%swap3A_390, %swap3A_391], %select_n3A_389 {strides = array<i32>} : memref<1280x128xf32, #tpu.memory_space<vmem>>, vector<80x96xf32>,
    %slice3A_393 = vector.extract_strided_slice %slice3A {offsets = [1200, 0], sizes = [80, 256], strides = [1, 1]} : vector<1280x256xf32> to vector<80x256xf32>
    %slice3A_394 = vector.extract_strided_slice %slice3A_10 {offsets = [1200, 0], sizes = [80, 256], strides = [1, 1]} : vector<1280x256xf32> to vector<80x256xf32>
    %concatenate3A_395 = tpu.concatenate %slice3A_394, %broadcast_in_dim3A_23 in 0 : vector<80x256xf32>, vector<16x256xf32> -> vector<96x256xf32>
    %dot_general3A_396 = arith.constant dense<0.000000e+00> : vector<80x96xf32>
    %dot_general3A_397 = tpu.matmul %slice3A_393, %concatenate3A_395, %dot_general3A_396 {dimension_numbers = #tpu.dot_dimension_numbers<[1], [1], [0], [0], [0, 0, 1, 0], [], []>, transpose_lhs_hint = false} : vector<80x256xf32>, vector<96x256xf32>, vector<80x96xf32> -> vector<80x96xf32>
    %mul3A_398 = arith.constant 6.250000e-02 : f32
    %mul3A_399 = vector.broadcast %mul3A_398 : f32 to vector<80x96xf32>
    %mul3A_400 = arith.mulf %dot_general3A_397, %mul3A_399 : vector<80x96xf32>
    %slice3A_401 = vector.extract_strided_slice %mul3A_21 {offsets = [1200, 0], sizes = [80, 1], strides = [1, 1]} : vector<1280x1xf32> to vector<80x1xf32>
    %reduce_max3A_402 = arith.constant dense<0xFF800000> : vector<80xf32>
    %reduce_max3A_403 = vector.multi_reduction <maximumf>, %mul3A_400, %reduce_max3A_402 [1] : vector<80x96xf32> to vector<80xf32>
    %broadcast_in_dim3A_404 = vector.shape_cast %reduce_max3A_403 : vector<80xf32> to vector<80x1xf32>
    %abs3A_405 = math.absf %slice3A_401 : vector<80x1xf32>
    %add3A_406 = arith.addf %broadcast_in_dim3A_404, %abs3A_405 : vector<80x1xf32>
    %eq3A_407 = arith.constant 80 : i32
    %eq3A_408 = vector.broadcast %eq3A_407 : i32 to vector<80x96xi32>
    %eq3A_409 = arith.cmpi eq, %iota3A, %eq3A_408 : vector<80x96xi32>
    %sub3A_410 = vector.broadcast %add3A_406 : vector<80x1xf32> to vector<80x96xf32>
    %sub3A_411 = arith.subf %mul3A_400, %sub3A_410 : vector<80x96xf32>
    %broadcast_in_dim3A_412 = vector.shape_cast %slice3A_401 : vector<80x1xf32> to vector<80x1xf32>
    %broadcast_in_dim3A_413 = vector.broadcast %broadcast_in_dim3A_412 : vector<80x1xf32> to vector<80x96xf32>
    %select_n3A_414 = arith.select %eq3A_409, %broadcast_in_dim3A_413, %sub3A_411 : vector<80x96xi1>, vector<80x96xf32>
    %swap3A_415 = arith.constant 1200 : index
    %swap3A_416 = arith.constant 0 : index
    %swap3A_417 = vector.load %arg6[%swap3A_415, %swap3A_416] : memref<1280x128xf32, #tpu.memory_space<vmem>>, vector<80x96xf32>
    tpu.vector_store %arg6[%swap3A_415, %swap3A_416], %select_n3A_414 {strides = array<i32>} : memref<1280x128xf32, #tpu.memory_space<vmem>>, vector<80x96xf32>,
    return
  }
  func.func @transform_0(%arg0: i32) -> (i32, i32) {
    %c0_i32 = arith.constant 0 : i32
    %c0_i32_0 = arith.constant 0 : i32
    return %arg0, %c0_i32 : i32, i32
  }
  func.func @transform_1(%arg0: i32) -> (i32, i32) {
    %c0_i32 = arith.constant 0 : i32
    %c0_i32_0 = arith.constant 0 : i32
    %c0_i32_1 = arith.constant 0 : i32
    return %c0_i32, %c0_i32_0 : i32, i32
  }
  func.func @transform_2(%arg0: i32) -> (i32, i32) {
    %c0_i32 = arith.constant 0 : i32
    %c0_i32_0 = arith.constant 0 : i32
    %c0_i32_1 = arith.constant 0 : i32
    return %c0_i32, %c0_i32_0 : i32, i32
  }
  func.func @transform_3(%arg0: i32) -> (i32, i32) {
    %c0_i32 = arith.constant 0 : i32
    %c0_i32_0 = arith.constant 0 : i32
    %c0_i32_1 = arith.constant 0 : i32
    return %c0_i32, %c0_i32_0 : i32, i32
  }
  func.func @transform_4(%arg0: i32) -> (i32, i32) {
    %c0_i32 = arith.constant 0 : i32
    %c0_i32_0 = arith.constant 0 : i32
    return %arg0, %c0_i32 : i32, i32
  }
  func.func @transform_5(%arg0: i32) -> (i32, i32) {
    %c0_i32 = arith.constant 0 : i32
    %c0_i32_0 = arith.constant 0 : i32
    return %arg0, %c0_i32 : i32, i32
  }
}

module attributes {stable_mosaic.version = 14 : i64} {
  func.func @_head_body(%arg0: i32, %arg1: memref<1280x128xf32, #tpu.memory_space<vmem>>, %arg2: memref<1280x512xbf16, #tpu.memory_space<vmem>>, %arg3: memref<1280x128xf32, #tpu.memory_space<vmem>>, %arg4: memref<1x256xf32, #tpu.memory_space<vmem>>, %arg5: memref<256x256xf32, #tpu.memory_space<vmem>>, %arg6: memref<128x256xf32, #tpu.memory_space<vmem>>, %arg7: memref<1x256xf32, #tpu.memory_space<vmem>>, %arg8: memref<1x256xf32, #tpu.memory_space<vmem>>, %arg9: memref<1x256xf32, #tpu.memory_space<vmem>>, %arg10: memref<1x256xf32, #tpu.memory_space<vmem>>, %arg11: memref<256x256xf32, #tpu.memory_space<vmem>>, %arg12: memref<1x256xf32, #tpu.memory_space<vmem>>, %arg13: memref<1x256xf32, #tpu.memory_space<vmem>>, %arg14: memref<1x256xf32, #tpu.memory_space<vmem>>, %arg15: memref<1x256xf32, #tpu.memory_space<vmem>>, %arg16: memref<1x1xf32, #tpu.memory_space<vmem>>, %arg17: memref<1280x1xf32, #tpu.memory_space<vmem>>, %arg18: memref<1x1xf32, #tpu.memory_space<vmem>>) attributes {dimension_semantics = [#tpu.dimension_semantics<arbitrary>], iteration_bounds = array<i64: 8>, scalar_prefetch = 0 : i64, scratch_operands = 0 : i64, tpu.core_type = #tpu.core_type<tc>, window_params = [{transform_indices = @transform_0, window_bounds = array<i64: 1280, 128>}, {transform_indices = @transform_1, window_bounds = array<i64: 1280, 512>}, {transform_indices = @transform_2, window_bounds = array<i64: 1280, 128>}, {pipeline_mode = #tpu.pipeline_mode<synchronous>, transform_indices = @transform_3, window_bounds = array<i64: 1, 256>}, {pipeline_mode = #tpu.pipeline_mode<synchronous>, transform_indices = @transform_4, window_bounds = array<i64: 256, 256>}, {pipeline_mode = #tpu.pipeline_mode<synchronous>, transform_indices = @transform_5, window_bounds = array<i64: 128, 256>}, {pipeline_mode = #tpu.pipeline_mode<synchronous>, transform_indices = @transform_6, window_bounds = array<i64: 1, 256>}, {pipeline_mode = #tpu.pipeline_mode<synchronous>, transform_indices = @transform_7, window_bounds = array<i64: 1, 256>}, {pipeline_mode = #tpu.pipeline_mode<synchronous>, transform_indices = @transform_8, window_bounds = array<i64: 1, 256>}, {pipeline_mode = #tpu.pipeline_mode<synchronous>, transform_indices = @transform_9, window_bounds = array<i64: 1, 256>}, {pipeline_mode = #tpu.pipeline_mode<synchronous>, transform_indices = @transform_10, window_bounds = array<i64: 256, 256>}, {pipeline_mode = #tpu.pipeline_mode<synchronous>, transform_indices = @transform_11, window_bounds = array<i64: 1, 256>}, {pipeline_mode = #tpu.pipeline_mode<synchronous>, transform_indices = @transform_12, window_bounds = array<i64: 1, 256>}, {pipeline_mode = #tpu.pipeline_mode<synchronous>, transform_indices = @transform_13, window_bounds = array<i64: 1, 256>}, {pipeline_mode = #tpu.pipeline_mode<synchronous>, transform_indices = @transform_14, window_bounds = array<i64: 1, 256>}, {pipeline_mode = #tpu.pipeline_mode<synchronous>, transform_indices = @transform_15, window_bounds = array<i64: 1, 1>}, {transform_indices = @transform_16, window_bounds = array<i64: 1280, 1>}, {pipeline_mode = #tpu.pipeline_mode<synchronous>, transform_indices = @transform_17, window_bounds = array<i64: 1, 1>}]} {
    %get3A = arith.constant 0 : index
    %get3A_0 = arith.constant 0 : index
    %get3A_1 = vector.load %arg1[%get3A, %get3A_0] : memref<1280x128xf32, #tpu.memory_space<vmem>>, vector<1280x128xf32>
    %get3A_2 = arith.constant 0 : index
    %get3A_3 = arith.constant 0 : index
    %get3A_4 = vector.load %arg2[%get3A_2, %get3A_3] : memref<1280x512xbf16, #tpu.memory_space<vmem>>, vector<1280x512xbf16>
    %convert_element_type3A = arith.extf %get3A_4 : vector<1280x512xbf16> to vector<1280x512xf32>
    %get3A_5 = arith.constant 0 : index
    %get3A_6 = arith.constant 0 : index
    %get3A_7 = vector.load %arg3[%get3A_5, %get3A_6] : memref<1280x128xf32, #tpu.memory_space<vmem>>, vector<1280x128xf32>
    %get3A_8 = arith.constant 0 : index
    %get3A_9 = arith.constant 0 : index
    %get3A_10 = vector.load %arg4[%get3A_8, %get3A_9] : memref<1x256xf32, #tpu.memory_space<vmem>>, vector<1x256xf32>
    %broadcast_in_dim3A = vector.shape_cast %get3A_10 : vector<1x256xf32> to vector<1x256xf32>
    %broadcast_in_dim3A_11 = vector.broadcast %broadcast_in_dim3A : vector<1x256xf32> to vector<48x256xf32>
    %iota3A = tpu.iota {dimensions = array<i32: 1>} : vector<1280x128xi32>
    %iota3A_12 = tpu.iota {dimensions = array<i32: 1>} : vector<1280x128xi32>
    %slice3A = vector.extract_strided_slice %get3A_1 {offsets = [0, 0], sizes = [80, 128], strides = [1, 1]} : vector<1280x128xf32> to vector<80x128xf32>
    %slice3A_13 = vector.extract_strided_slice %convert_element_type3A {offsets = [0, 0], sizes = [80, 256], strides = [1, 1]} : vector<1280x512xf32> to vector<80x256xf32>
    %concatenate3A = tpu.concatenate %slice3A_13, %broadcast_in_dim3A_11 in 0 : vector<80x256xf32>, vector<48x256xf32> -> vector<128x256xf32>
    %dot_general3A = arith.constant dense<0.000000e+00> : vector<80x256xf32>
    %dot_general3A_14 = tpu.matmul %slice3A, %concatenate3A, %dot_general3A {dimension_numbers = #tpu.dot_dimension_numbers<[1], [0], [0], [1], [0, 0, 1, 1], [], []>, transpose_lhs_hint = false} : vector<80x128xf32>, vector<128x256xf32>, vector<80x256xf32> -> vector<80x256xf32>
    %slice3A_15 = vector.extract_strided_slice %get3A_1 {offsets = [80, 0], sizes = [80, 128], strides = [1, 1]} : vector<1280x128xf32> to vector<80x128xf32>
    %slice3A_16 = vector.extract_strided_slice %convert_element_type3A {offsets = [80, 0], sizes = [80, 256], strides = [1, 1]} : vector<1280x512xf32> to vector<80x256xf32>
    %concatenate3A_17 = tpu.concatenate %slice3A_16, %broadcast_in_dim3A_11 in 0 : vector<80x256xf32>, vector<48x256xf32> -> vector<128x256xf32>
    %dot_general3A_18 = arith.constant dense<0.000000e+00> : vector<80x256xf32>
    %dot_general3A_19 = tpu.matmul %slice3A_15, %concatenate3A_17, %dot_general3A_18 {dimension_numbers = #tpu.dot_dimension_numbers<[1], [0], [0], [1], [0, 0, 1, 1], [], []>, transpose_lhs_hint = false} : vector<80x128xf32>, vector<128x256xf32>, vector<80x256xf32> -> vector<80x256xf32>
    %slice3A_20 = vector.extract_strided_slice %get3A_1 {offsets = [160, 0], sizes = [80, 128], strides = [1, 1]} : vector<1280x128xf32> to vector<80x128xf32>
    %slice3A_21 = vector.extract_strided_slice %convert_element_type3A {offsets = [160, 0], sizes = [80, 256], strides = [1, 1]} : vector<1280x512xf32> to vector<80x256xf32>
    %concatenate3A_22 = tpu.concatenate %slice3A_21, %broadcast_in_dim3A_11 in 0 : vector<80x256xf32>, vector<48x256xf32> -> vector<128x256xf32>
    %dot_general3A_23 = arith.constant dense<0.000000e+00> : vector<80x256xf32>
    %dot_general3A_24 = tpu.matmul %slice3A_20, %concatenate3A_22, %dot_general3A_23 {dimension_numbers = #tpu.dot_dimension_numbers<[1], [0], [0], [1], [0, 0, 1, 1], [], []>, transpose_lhs_hint = false} : vector<80x128xf32>, vector<128x256xf32>, vector<80x256xf32> -> vector<80x256xf32>
    %slice3A_25 = vector.extract_strided_slice %get3A_1 {offsets = [240, 0], sizes = [80, 128], strides = [1, 1]} : vector<1280x128xf32> to vector<80x128xf32>
    %slice3A_26 = vector.extract_strided_slice %convert_element_type3A {offsets = [240, 0], sizes = [80, 256], strides = [1, 1]} : vector<1280x512xf32> to vector<80x256xf32>
    %concatenate3A_27 = tpu.concatenate %slice3A_26, %broadcast_in_dim3A_11 in 0 : vector<80x256xf32>, vector<48x256xf32> -> vector<128x256xf32>
    %dot_general3A_28 = arith.constant dense<0.000000e+00> : vector<80x256xf32>
    %dot_general3A_29 = tpu.matmul %slice3A_25, %concatenate3A_27, %dot_general3A_28 {dimension_numbers = #tpu.dot_dimension_numbers<[1], [0], [0], [1], [0, 0, 1, 1], [], []>, transpose_lhs_hint = false} : vector<80x128xf32>, vector<128x256xf32>, vector<80x256xf32> -> vector<80x256xf32>
    %slice3A_30 = vector.extract_strided_slice %get3A_1 {offsets = [320, 0], sizes = [80, 128], strides = [1, 1]} : vector<1280x128xf32> to vector<80x128xf32>
    %slice3A_31 = vector.extract_strided_slice %convert_element_type3A {offsets = [320, 0], sizes = [80, 256], strides = [1, 1]} : vector<1280x512xf32> to vector<80x256xf32>
    %concatenate3A_32 = tpu.concatenate %slice3A_31, %broadcast_in_dim3A_11 in 0 : vector<80x256xf32>, vector<48x256xf32> -> vector<128x256xf32>
    %dot_general3A_33 = arith.constant dense<0.000000e+00> : vector<80x256xf32>
    %dot_general3A_34 = tpu.matmul %slice3A_30, %concatenate3A_32, %dot_general3A_33 {dimension_numbers = #tpu.dot_dimension_numbers<[1], [0], [0], [1], [0, 0, 1, 1], [], []>, transpose_lhs_hint = false} : vector<80x128xf32>, vector<128x256xf32>, vector<80x256xf32> -> vector<80x256xf32>
    %slice3A_35 = vector.extract_strided_slice %get3A_1 {offsets = [400, 0], sizes = [80, 128], strides = [1, 1]} : vector<1280x128xf32> to vector<80x128xf32>
    %slice3A_36 = vector.extract_strided_slice %convert_element_type3A {offsets = [400, 0], sizes = [80, 256], strides = [1, 1]} : vector<1280x512xf32> to vector<80x256xf32>
    %concatenate3A_37 = tpu.concatenate %slice3A_36, %broadcast_in_dim3A_11 in 0 : vector<80x256xf32>, vector<48x256xf32> -> vector<128x256xf32>
    %dot_general3A_38 = arith.constant dense<0.000000e+00> : vector<80x256xf32>
    %dot_general3A_39 = tpu.matmul %slice3A_35, %concatenate3A_37, %dot_general3A_38 {dimension_numbers = #tpu.dot_dimension_numbers<[1], [0], [0], [1], [0, 0, 1, 1], [], []>, transpose_lhs_hint = false} : vector<80x128xf32>, vector<128x256xf32>, vector<80x256xf32> -> vector<80x256xf32>
    %slice3A_40 = vector.extract_strided_slice %get3A_1 {offsets = [480, 0], sizes = [80, 128], strides = [1, 1]} : vector<1280x128xf32> to vector<80x128xf32>
    %slice3A_41 = vector.extract_strided_slice %convert_element_type3A {offsets = [480, 0], sizes = [80, 256], strides = [1, 1]} : vector<1280x512xf32> to vector<80x256xf32>
    %concatenate3A_42 = tpu.concatenate %slice3A_41, %broadcast_in_dim3A_11 in 0 : vector<80x256xf32>, vector<48x256xf32> -> vector<128x256xf32>
    %dot_general3A_43 = arith.constant dense<0.000000e+00> : vector<80x256xf32>
    %dot_general3A_44 = tpu.matmul %slice3A_40, %concatenate3A_42, %dot_general3A_43 {dimension_numbers = #tpu.dot_dimension_numbers<[1], [0], [0], [1], [0, 0, 1, 1], [], []>, transpose_lhs_hint = false} : vector<80x128xf32>, vector<128x256xf32>, vector<80x256xf32> -> vector<80x256xf32>
    %slice3A_45 = vector.extract_strided_slice %get3A_1 {offsets = [560, 0], sizes = [80, 128], strides = [1, 1]} : vector<1280x128xf32> to vector<80x128xf32>
    %slice3A_46 = vector.extract_strided_slice %convert_element_type3A {offsets = [560, 0], sizes = [80, 256], strides = [1, 1]} : vector<1280x512xf32> to vector<80x256xf32>
    %concatenate3A_47 = tpu.concatenate %slice3A_46, %broadcast_in_dim3A_11 in 0 : vector<80x256xf32>, vector<48x256xf32> -> vector<128x256xf32>
    %dot_general3A_48 = arith.constant dense<0.000000e+00> : vector<80x256xf32>
    %dot_general3A_49 = tpu.matmul %slice3A_45, %concatenate3A_47, %dot_general3A_48 {dimension_numbers = #tpu.dot_dimension_numbers<[1], [0], [0], [1], [0, 0, 1, 1], [], []>, transpose_lhs_hint = false} : vector<80x128xf32>, vector<128x256xf32>, vector<80x256xf32> -> vector<80x256xf32>
    %slice3A_50 = vector.extract_strided_slice %get3A_1 {offsets = [640, 0], sizes = [80, 128], strides = [1, 1]} : vector<1280x128xf32> to vector<80x128xf32>
    %slice3A_51 = vector.extract_strided_slice %convert_element_type3A {offsets = [640, 0], sizes = [80, 256], strides = [1, 1]} : vector<1280x512xf32> to vector<80x256xf32>
    %concatenate3A_52 = tpu.concatenate %slice3A_51, %broadcast_in_dim3A_11 in 0 : vector<80x256xf32>, vector<48x256xf32> -> vector<128x256xf32>
    %dot_general3A_53 = arith.constant dense<0.000000e+00> : vector<80x256xf32>
    %dot_general3A_54 = tpu.matmul %slice3A_50, %concatenate3A_52, %dot_general3A_53 {dimension_numbers = #tpu.dot_dimension_numbers<[1], [0], [0], [1], [0, 0, 1, 1], [], []>, transpose_lhs_hint = false} : vector<80x128xf32>, vector<128x256xf32>, vector<80x256xf32> -> vector<80x256xf32>
    %slice3A_55 = vector.extract_strided_slice %get3A_1 {offsets = [720, 0], sizes = [80, 128], strides = [1, 1]} : vector<1280x128xf32> to vector<80x128xf32>
    %slice3A_56 = vector.extract_strided_slice %convert_element_type3A {offsets = [720, 0], sizes = [80, 256], strides = [1, 1]} : vector<1280x512xf32> to vector<80x256xf32>
    %concatenate3A_57 = tpu.concatenate %slice3A_56, %broadcast_in_dim3A_11 in 0 : vector<80x256xf32>, vector<48x256xf32> -> vector<128x256xf32>
    %dot_general3A_58 = arith.constant dense<0.000000e+00> : vector<80x256xf32>
    %dot_general3A_59 = tpu.matmul %slice3A_55, %concatenate3A_57, %dot_general3A_58 {dimension_numbers = #tpu.dot_dimension_numbers<[1], [0], [0], [1], [0, 0, 1, 1], [], []>, transpose_lhs_hint = false} : vector<80x128xf32>, vector<128x256xf32>, vector<80x256xf32> -> vector<80x256xf32>
    %slice3A_60 = vector.extract_strided_slice %get3A_1 {offsets = [800, 0], sizes = [80, 128], strides = [1, 1]} : vector<1280x128xf32> to vector<80x128xf32>
    %slice3A_61 = vector.extract_strided_slice %convert_element_type3A {offsets = [800, 0], sizes = [80, 256], strides = [1, 1]} : vector<1280x512xf32> to vector<80x256xf32>
    %concatenate3A_62 = tpu.concatenate %slice3A_61, %broadcast_in_dim3A_11 in 0 : vector<80x256xf32>, vector<48x256xf32> -> vector<128x256xf32>
    %dot_general3A_63 = arith.constant dense<0.000000e+00> : vector<80x256xf32>
    %dot_general3A_64 = tpu.matmul %slice3A_60, %concatenate3A_62, %dot_general3A_63 {dimension_numbers = #tpu.dot_dimension_numbers<[1], [0], [0], [1], [0, 0, 1, 1], [], []>, transpose_lhs_hint = false} : vector<80x128xf32>, vector<128x256xf32>, vector<80x256xf32> -> vector<80x256xf32>
    %slice3A_65 = vector.extract_strided_slice %get3A_1 {offsets = [880, 0], sizes = [80, 128], strides = [1, 1]} : vector<1280x128xf32> to vector<80x128xf32>
    %slice3A_66 = vector.extract_strided_slice %convert_element_type3A {offsets = [880, 0], sizes = [80, 256], strides = [1, 1]} : vector<1280x512xf32> to vector<80x256xf32>
    %concatenate3A_67 = tpu.concatenate %slice3A_66, %broadcast_in_dim3A_11 in 0 : vector<80x256xf32>, vector<48x256xf32> -> vector<128x256xf32>
    %dot_general3A_68 = arith.constant dense<0.000000e+00> : vector<80x256xf32>
    %dot_general3A_69 = tpu.matmul %slice3A_65, %concatenate3A_67, %dot_general3A_68 {dimension_numbers = #tpu.dot_dimension_numbers<[1], [0], [0], [1], [0, 0, 1, 1], [], []>, transpose_lhs_hint = false} : vector<80x128xf32>, vector<128x256xf32>, vector<80x256xf32> -> vector<80x256xf32>
    %slice3A_70 = vector.extract_strided_slice %get3A_1 {offsets = [960, 0], sizes = [80, 128], strides = [1, 1]} : vector<1280x128xf32> to vector<80x128xf32>
    %slice3A_71 = vector.extract_strided_slice %convert_element_type3A {offsets = [960, 0], sizes = [80, 256], strides = [1, 1]} : vector<1280x512xf32> to vector<80x256xf32>
    %concatenate3A_72 = tpu.concatenate %slice3A_71, %broadcast_in_dim3A_11 in 0 : vector<80x256xf32>, vector<48x256xf32> -> vector<128x256xf32>
    %dot_general3A_73 = arith.constant dense<0.000000e+00> : vector<80x256xf32>
    %dot_general3A_74 = tpu.matmul %slice3A_70, %concatenate3A_72, %dot_general3A_73 {dimension_numbers = #tpu.dot_dimension_numbers<[1], [0], [0], [1], [0, 0, 1, 1], [], []>, transpose_lhs_hint = false} : vector<80x128xf32>, vector<128x256xf32>, vector<80x256xf32> -> vector<80x256xf32>
    %slice3A_75 = vector.extract_strided_slice %get3A_1 {offsets = [1040, 0], sizes = [80, 128], strides = [1, 1]} : vector<1280x128xf32> to vector<80x128xf32>
    %slice3A_76 = vector.extract_strided_slice %convert_element_type3A {offsets = [1040, 0], sizes = [80, 256], strides = [1, 1]} : vector<1280x512xf32> to vector<80x256xf32>
    %concatenate3A_77 = tpu.concatenate %slice3A_76, %broadcast_in_dim3A_11 in 0 : vector<80x256xf32>, vector<48x256xf32> -> vector<128x256xf32>
    %dot_general3A_78 = arith.constant dense<0.000000e+00> : vector<80x256xf32>
    %dot_general3A_79 = tpu.matmul %slice3A_75, %concatenate3A_77, %dot_general3A_78 {dimension_numbers = #tpu.dot_dimension_numbers<[1], [0], [0], [1], [0, 0, 1, 1], [], []>, transpose_lhs_hint = false} : vector<80x128xf32>, vector<128x256xf32>, vector<80x256xf32> -> vector<80x256xf32>
    %slice3A_80 = vector.extract_strided_slice %get3A_1 {offsets = [1120, 0], sizes = [80, 128], strides = [1, 1]} : vector<1280x128xf32> to vector<80x128xf32>
    %slice3A_81 = vector.extract_strided_slice %convert_element_type3A {offsets = [1120, 0], sizes = [80, 256], strides = [1, 1]} : vector<1280x512xf32> to vector<80x256xf32>
    %concatenate3A_82 = tpu.concatenate %slice3A_81, %broadcast_in_dim3A_11 in 0 : vector<80x256xf32>, vector<48x256xf32> -> vector<128x256xf32>
    %dot_general3A_83 = arith.constant dense<0.000000e+00> : vector<80x256xf32>
    %dot_general3A_84 = tpu.matmul %slice3A_80, %concatenate3A_82, %dot_general3A_83 {dimension_numbers = #tpu.dot_dimension_numbers<[1], [0], [0], [1], [0, 0, 1, 1], [], []>, transpose_lhs_hint = false} : vector<80x128xf32>, vector<128x256xf32>, vector<80x256xf32> -> vector<80x256xf32>
    %slice3A_85 = vector.extract_strided_slice %get3A_1 {offsets = [1200, 0], sizes = [80, 128], strides = [1, 1]} : vector<1280x128xf32> to vector<80x128xf32>
    %slice3A_86 = vector.extract_strided_slice %convert_element_type3A {offsets = [1200, 0], sizes = [80, 256], strides = [1, 1]} : vector<1280x512xf32> to vector<80x256xf32>
    %concatenate3A_87 = tpu.concatenate %slice3A_86, %broadcast_in_dim3A_11 in 0 : vector<80x256xf32>, vector<48x256xf32> -> vector<128x256xf32>
    %dot_general3A_88 = arith.constant dense<0.000000e+00> : vector<80x256xf32>
    %dot_general3A_89 = tpu.matmul %slice3A_85, %concatenate3A_87, %dot_general3A_88 {dimension_numbers = #tpu.dot_dimension_numbers<[1], [0], [0], [1], [0, 0, 1, 1], [], []>, transpose_lhs_hint = false} : vector<80x128xf32>, vector<128x256xf32>, vector<80x256xf32> -> vector<80x256xf32>
    %concatenate3A_90 = tpu.concatenate %dot_general3A_14, %dot_general3A_19, %dot_general3A_24, %dot_general3A_29, %dot_general3A_34, %dot_general3A_39, %dot_general3A_44, %dot_general3A_49, %dot_general3A_54, %dot_general3A_59, %dot_general3A_64, %dot_general3A_69, %dot_general3A_74, %dot_general3A_79, %dot_general3A_84, %dot_general3A_89 in 0 : vector<80x256xf32>, vector<80x256xf32>, vector<80x256xf32>, vector<80x256xf32>, vector<80x256xf32>, vector<80x256xf32>, vector<80x256xf32>, vector<80x256xf32>, vector<80x256xf32>, vector<80x256xf32>, vector<80x256xf32>, vector<80x256xf32>, vector<80x256xf32>, vector<80x256xf32>, vector<80x256xf32>, vector<80x256xf32> -> vector<1280x256xf32>
    %lt3A = arith.constant 80 : i32
    %lt3A_91 = vector.broadcast %lt3A : i32 to vector<1280x128xi32>
    %lt3A_92 = arith.cmpi slt, %iota3A, %lt3A_91 : vector<1280x128xi32>
    %jit3A = arith.constant 0.000000e+00 : f32
    %broadcast_in_dim3A_93 = vector.broadcast %jit3A : f32 to vector<1280x128xf32>
    %select_n3A = arith.select %lt3A_92, %get3A_1, %broadcast_in_dim3A_93 : vector<1280x128xi1>, vector<1280x128xf32>
    %reduce_sum3A = arith.constant dense<0.000000e+00> : vector<1280xf32>
    %reduce_sum3A_94 = vector.multi_reduction <add>, %select_n3A, %reduce_sum3A [1] : vector<1280x128xf32> to vector<1280xf32>
    %broadcast_in_dim3A_95 = vector.shape_cast %reduce_sum3A_94 : vector<1280xf32> to vector<1280x1xf32>
    %add3A = arith.constant 1.000000e-16 : f32
    %add3A_96 = vector.broadcast %add3A : f32 to vector<1280x1xf32>
    %add3A_97 = arith.addf %broadcast_in_dim3A_95, %add3A_96 : vector<1280x1xf32>
    %div3A = vector.broadcast %add3A_97 : vector<1280x1xf32> to vector<1280x256xf32>
    %div3A_98 = arith.divf %concatenate3A_90, %div3A : vector<1280x256xf32>
    %slice3A_99 = vector.extract_strided_slice %convert_element_type3A {offsets = [0, 256], sizes = [1280, 256], strides = [1, 1]} : vector<1280x512xf32> to vector<1280x256xf32>
    %add3A_100 = arith.addf %div3A_98, %slice3A_99 : vector<1280x256xf32>
    %max3A = arith.constant 0.000000e+00 : f32
    %max3A_101 = vector.broadcast %max3A : f32 to vector<1280x256xf32>
    %max3A_102 = arith.maximumf %add3A_100, %max3A_101 : vector<1280x256xf32>
    %eq3A = arith.constant 1 : i32
    %eq3A_103 = vector.broadcast %eq3A : i32 to vector<1280x128xi32>
    %eq3A_104 = arith.cmpi eq, %iota3A_12, %eq3A_103 : vector<1280x128xi32>
    %jit3A_105 = arith.constant 0.000000e+00 : f32
    %broadcast_in_dim3A_106 = vector.broadcast %jit3A_105 : f32 to vector<1280x128xf32>
    %select_n3A_107 = arith.select %eq3A_104, %get3A_7, %broadcast_in_dim3A_106 : vector<1280x128xi1>, vector<1280x128xf32>
    %slice3A_108 = vector.extract_strided_slice %select_n3A_107 {offsets = [0, 0], sizes = [80, 128], strides = [1, 1]} : vector<1280x128xf32> to vector<80x128xf32>
    %reduce_sum3A_109 = vector.shape_cast %slice3A_108 : vector<80x128xf32> to vector<1x80x128xf32>
    %reduce_sum3A_110 = arith.constant dense<0.000000e+00> : vector<1xf32>
    %reduce_sum3A_111 = vector.multi_reduction <add>, %reduce_sum3A_109, %reduce_sum3A_110 [1, 2] : vector<1x80x128xf32> to vector<1xf32>
    %reduce_sum3A_112 = vector.shape_cast %reduce_sum3A_111 : vector<1xf32> to vector<1x1x1xf32>
    %reduce_sum3A_113 = vector.extract %reduce_sum3A_112[0, 0, 0] : f32 from vector<1x1x1xf32>
    %broadcast_in_dim3A_114 = vector.broadcast %reduce_sum3A_113 : f32 to vector<80x1xf32>
    %slice3A_115 = vector.extract_strided_slice %select_n3A_107 {offsets = [80, 0], sizes = [80, 128], strides = [1, 1]} : vector<1280x128xf32> to vector<80x128xf32>
    %reduce_sum3A_116 = vector.shape_cast %slice3A_115 : vector<80x128xf32> to vector<1x80x128xf32>
    %reduce_sum3A_117 = arith.constant dense<0.000000e+00> : vector<1xf32>
    %reduce_sum3A_118 = vector.multi_reduction <add>, %reduce_sum3A_116, %reduce_sum3A_117 [1, 2] : vector<1x80x128xf32> to vector<1xf32>
    %reduce_sum3A_119 = vector.shape_cast %reduce_sum3A_118 : vector<1xf32> to vector<1x1x1xf32>
    %reduce_sum3A_120 = vector.extract %reduce_sum3A_119[0, 0, 0] : f32 from vector<1x1x1xf32>
    %broadcast_in_dim3A_121 = vector.broadcast %reduce_sum3A_120 : f32 to vector<80x1xf32>
    %slice3A_122 = vector.extract_strided_slice %select_n3A_107 {offsets = [160, 0], sizes = [80, 128], strides = [1, 1]} : vector<1280x128xf32> to vector<80x128xf32>
    %reduce_sum3A_123 = vector.shape_cast %slice3A_122 : vector<80x128xf32> to vector<1x80x128xf32>
    %reduce_sum3A_124 = arith.constant dense<0.000000e+00> : vector<1xf32>
    %reduce_sum3A_125 = vector.multi_reduction <add>, %reduce_sum3A_123, %reduce_sum3A_124 [1, 2] : vector<1x80x128xf32> to vector<1xf32>
    %reduce_sum3A_126 = vector.shape_cast %reduce_sum3A_125 : vector<1xf32> to vector<1x1x1xf32>
    %reduce_sum3A_127 = vector.extract %reduce_sum3A_126[0, 0, 0] : f32 from vector<1x1x1xf32>
    %broadcast_in_dim3A_128 = vector.broadcast %reduce_sum3A_127 : f32 to vector<80x1xf32>
    %slice3A_129 = vector.extract_strided_slice %select_n3A_107 {offsets = [240, 0], sizes = [80, 128], strides = [1, 1]} : vector<1280x128xf32> to vector<80x128xf32>
    %reduce_sum3A_130 = vector.shape_cast %slice3A_129 : vector<80x128xf32> to vector<1x80x128xf32>
    %reduce_sum3A_131 = arith.constant dense<0.000000e+00> : vector<1xf32>
    %reduce_sum3A_132 = vector.multi_reduction <add>, %reduce_sum3A_130, %reduce_sum3A_131 [1, 2] : vector<1x80x128xf32> to vector<1xf32>
    %reduce_sum3A_133 = vector.shape_cast %reduce_sum3A_132 : vector<1xf32> to vector<1x1x1xf32>
    %reduce_sum3A_134 = vector.extract %reduce_sum3A_133[0, 0, 0] : f32 from vector<1x1x1xf32>
    %broadcast_in_dim3A_135 = vector.broadcast %reduce_sum3A_134 : f32 to vector<80x1xf32>
    %slice3A_136 = vector.extract_strided_slice %select_n3A_107 {offsets = [320, 0], sizes = [80, 128], strides = [1, 1]} : vector<1280x128xf32> to vector<80x128xf32>
    %reduce_sum3A_137 = vector.shape_cast %slice3A_136 : vector<80x128xf32> to vector<1x80x128xf32>
    %reduce_sum3A_138 = arith.constant dense<0.000000e+00> : vector<1xf32>
    %reduce_sum3A_139 = vector.multi_reduction <add>, %reduce_sum3A_137, %reduce_sum3A_138 [1, 2] : vector<1x80x128xf32> to vector<1xf32>
    %reduce_sum3A_140 = vector.shape_cast %reduce_sum3A_139 : vector<1xf32> to vector<1x1x1xf32>
    %reduce_sum3A_141 = vector.extract %reduce_sum3A_140[0, 0, 0] : f32 from vector<1x1x1xf32>
    %broadcast_in_dim3A_142 = vector.broadcast %reduce_sum3A_141 : f32 to vector<80x1xf32>
    %slice3A_143 = vector.extract_strided_slice %select_n3A_107 {offsets = [400, 0], sizes = [80, 128], strides = [1, 1]} : vector<1280x128xf32> to vector<80x128xf32>
    %reduce_sum3A_144 = vector.shape_cast %slice3A_143 : vector<80x128xf32> to vector<1x80x128xf32>
    %reduce_sum3A_145 = arith.constant dense<0.000000e+00> : vector<1xf32>
    %reduce_sum3A_146 = vector.multi_reduction <add>, %reduce_sum3A_144, %reduce_sum3A_145 [1, 2] : vector<1x80x128xf32> to vector<1xf32>
    %reduce_sum3A_147 = vector.shape_cast %reduce_sum3A_146 : vector<1xf32> to vector<1x1x1xf32>
    %reduce_sum3A_148 = vector.extract %reduce_sum3A_147[0, 0, 0] : f32 from vector<1x1x1xf32>
    %broadcast_in_dim3A_149 = vector.broadcast %reduce_sum3A_148 : f32 to vector<80x1xf32>
    %slice3A_150 = vector.extract_strided_slice %select_n3A_107 {offsets = [480, 0], sizes = [80, 128], strides = [1, 1]} : vector<1280x128xf32> to vector<80x128xf32>
    %reduce_sum3A_151 = vector.shape_cast %slice3A_150 : vector<80x128xf32> to vector<1x80x128xf32>
    %reduce_sum3A_152 = arith.constant dense<0.000000e+00> : vector<1xf32>
    %reduce_sum3A_153 = vector.multi_reduction <add>, %reduce_sum3A_151, %reduce_sum3A_152 [1, 2] : vector<1x80x128xf32> to vector<1xf32>
    %reduce_sum3A_154 = vector.shape_cast %reduce_sum3A_153 : vector<1xf32> to vector<1x1x1xf32>
    %reduce_sum3A_155 = vector.extract %reduce_sum3A_154[0, 0, 0] : f32 from vector<1x1x1xf32>
    %broadcast_in_dim3A_156 = vector.broadcast %reduce_sum3A_155 : f32 to vector<80x1xf32>
    %slice3A_157 = vector.extract_strided_slice %select_n3A_107 {offsets = [560, 0], sizes = [80, 128], strides = [1, 1]} : vector<1280x128xf32> to vector<80x128xf32>
    %reduce_sum3A_158 = vector.shape_cast %slice3A_157 : vector<80x128xf32> to vector<1x80x128xf32>
    %reduce_sum3A_159 = arith.constant dense<0.000000e+00> : vector<1xf32>
    %reduce_sum3A_160 = vector.multi_reduction <add>, %reduce_sum3A_158, %reduce_sum3A_159 [1, 2] : vector<1x80x128xf32> to vector<1xf32>
    %reduce_sum3A_161 = vector.shape_cast %reduce_sum3A_160 : vector<1xf32> to vector<1x1x1xf32>
    %reduce_sum3A_162 = vector.extract %reduce_sum3A_161[0, 0, 0] : f32 from vector<1x1x1xf32>
    %broadcast_in_dim3A_163 = vector.broadcast %reduce_sum3A_162 : f32 to vector<80x1xf32>
    %slice3A_164 = vector.extract_strided_slice %select_n3A_107 {offsets = [640, 0], sizes = [80, 128], strides = [1, 1]} : vector<1280x128xf32> to vector<80x128xf32>
    %reduce_sum3A_165 = vector.shape_cast %slice3A_164 : vector<80x128xf32> to vector<1x80x128xf32>
    %reduce_sum3A_166 = arith.constant dense<0.000000e+00> : vector<1xf32>
    %reduce_sum3A_167 = vector.multi_reduction <add>, %reduce_sum3A_165, %reduce_sum3A_166 [1, 2] : vector<1x80x128xf32> to vector<1xf32>
    %reduce_sum3A_168 = vector.shape_cast %reduce_sum3A_167 : vector<1xf32> to vector<1x1x1xf32>
    %reduce_sum3A_169 = vector.extract %reduce_sum3A_168[0, 0, 0] : f32 from vector<1x1x1xf32>
    %broadcast_in_dim3A_170 = vector.broadcast %reduce_sum3A_169 : f32 to vector<80x1xf32>
    %slice3A_171 = vector.extract_strided_slice %select_n3A_107 {offsets = [720, 0], sizes = [80, 128], strides = [1, 1]} : vector<1280x128xf32> to vector<80x128xf32>
    %reduce_sum3A_172 = vector.shape_cast %slice3A_171 : vector<80x128xf32> to vector<1x80x128xf32>
    %reduce_sum3A_173 = arith.constant dense<0.000000e+00> : vector<1xf32>
    %reduce_sum3A_174 = vector.multi_reduction <add>, %reduce_sum3A_172, %reduce_sum3A_173 [1, 2] : vector<1x80x128xf32> to vector<1xf32>
    %reduce_sum3A_175 = vector.shape_cast %reduce_sum3A_174 : vector<1xf32> to vector<1x1x1xf32>
    %reduce_sum3A_176 = vector.extract %reduce_sum3A_175[0, 0, 0] : f32 from vector<1x1x1xf32>
    %broadcast_in_dim3A_177 = vector.broadcast %reduce_sum3A_176 : f32 to vector<80x1xf32>
    %slice3A_178 = vector.extract_strided_slice %select_n3A_107 {offsets = [800, 0], sizes = [80, 128], strides = [1, 1]} : vector<1280x128xf32> to vector<80x128xf32>
    %reduce_sum3A_179 = vector.shape_cast %slice3A_178 : vector<80x128xf32> to vector<1x80x128xf32>
    %reduce_sum3A_180 = arith.constant dense<0.000000e+00> : vector<1xf32>
    %reduce_sum3A_181 = vector.multi_reduction <add>, %reduce_sum3A_179, %reduce_sum3A_180 [1, 2] : vector<1x80x128xf32> to vector<1xf32>
    %reduce_sum3A_182 = vector.shape_cast %reduce_sum3A_181 : vector<1xf32> to vector<1x1x1xf32>
    %reduce_sum3A_183 = vector.extract %reduce_sum3A_182[0, 0, 0] : f32 from vector<1x1x1xf32>
    %broadcast_in_dim3A_184 = vector.broadcast %reduce_sum3A_183 : f32 to vector<80x1xf32>
    %slice3A_185 = vector.extract_strided_slice %select_n3A_107 {offsets = [880, 0], sizes = [80, 128], strides = [1, 1]} : vector<1280x128xf32> to vector<80x128xf32>
    %reduce_sum3A_186 = vector.shape_cast %slice3A_185 : vector<80x128xf32> to vector<1x80x128xf32>
    %reduce_sum3A_187 = arith.constant dense<0.000000e+00> : vector<1xf32>
    %reduce_sum3A_188 = vector.multi_reduction <add>, %reduce_sum3A_186, %reduce_sum3A_187 [1, 2] : vector<1x80x128xf32> to vector<1xf32>
    %reduce_sum3A_189 = vector.shape_cast %reduce_sum3A_188 : vector<1xf32> to vector<1x1x1xf32>
    %reduce_sum3A_190 = vector.extract %reduce_sum3A_189[0, 0, 0] : f32 from vector<1x1x1xf32>
    %broadcast_in_dim3A_191 = vector.broadcast %reduce_sum3A_190 : f32 to vector<80x1xf32>
    %slice3A_192 = vector.extract_strided_slice %select_n3A_107 {offsets = [960, 0], sizes = [80, 128], strides = [1, 1]} : vector<1280x128xf32> to vector<80x128xf32>
    %reduce_sum3A_193 = vector.shape_cast %slice3A_192 : vector<80x128xf32> to vector<1x80x128xf32>
    %reduce_sum3A_194 = arith.constant dense<0.000000e+00> : vector<1xf32>
    %reduce_sum3A_195 = vector.multi_reduction <add>, %reduce_sum3A_193, %reduce_sum3A_194 [1, 2] : vector<1x80x128xf32> to vector<1xf32>
    %reduce_sum3A_196 = vector.shape_cast %reduce_sum3A_195 : vector<1xf32> to vector<1x1x1xf32>
    %reduce_sum3A_197 = vector.extract %reduce_sum3A_196[0, 0, 0] : f32 from vector<1x1x1xf32>
    %broadcast_in_dim3A_198 = vector.broadcast %reduce_sum3A_197 : f32 to vector<80x1xf32>
    %slice3A_199 = vector.extract_strided_slice %select_n3A_107 {offsets = [1040, 0], sizes = [80, 128], strides = [1, 1]} : vector<1280x128xf32> to vector<80x128xf32>
    %reduce_sum3A_200 = vector.shape_cast %slice3A_199 : vector<80x128xf32> to vector<1x80x128xf32>
    %reduce_sum3A_201 = arith.constant dense<0.000000e+00> : vector<1xf32>
    %reduce_sum3A_202 = vector.multi_reduction <add>, %reduce_sum3A_200, %reduce_sum3A_201 [1, 2] : vector<1x80x128xf32> to vector<1xf32>
    %reduce_sum3A_203 = vector.shape_cast %reduce_sum3A_202 : vector<1xf32> to vector<1x1x1xf32>
    %reduce_sum3A_204 = vector.extract %reduce_sum3A_203[0, 0, 0] : f32 from vector<1x1x1xf32>
    %broadcast_in_dim3A_205 = vector.broadcast %reduce_sum3A_204 : f32 to vector<80x1xf32>
    %slice3A_206 = vector.extract_strided_slice %select_n3A_107 {offsets = [1120, 0], sizes = [80, 128], strides = [1, 1]} : vector<1280x128xf32> to vector<80x128xf32>
    %reduce_sum3A_207 = vector.shape_cast %slice3A_206 : vector<80x128xf32> to vector<1x80x128xf32>
    %reduce_sum3A_208 = arith.constant dense<0.000000e+00> : vector<1xf32>
    %reduce_sum3A_209 = vector.multi_reduction <add>, %reduce_sum3A_207, %reduce_sum3A_208 [1, 2] : vector<1x80x128xf32> to vector<1xf32>
    %reduce_sum3A_210 = vector.shape_cast %reduce_sum3A_209 : vector<1xf32> to vector<1x1x1xf32>
    %reduce_sum3A_211 = vector.extract %reduce_sum3A_210[0, 0, 0] : f32 from vector<1x1x1xf32>
    %broadcast_in_dim3A_212 = vector.broadcast %reduce_sum3A_211 : f32 to vector<80x1xf32>
    %slice3A_213 = vector.extract_strided_slice %select_n3A_107 {offsets = [1200, 0], sizes = [80, 128], strides = [1, 1]} : vector<1280x128xf32> to vector<80x128xf32>
    %reduce_sum3A_214 = vector.shape_cast %slice3A_213 : vector<80x128xf32> to vector<1x80x128xf32>
    %reduce_sum3A_215 = arith.constant dense<0.000000e+00> : vector<1xf32>
    %reduce_sum3A_216 = vector.multi_reduction <add>, %reduce_sum3A_214, %reduce_sum3A_215 [1, 2] : vector<1x80x128xf32> to vector<1xf32>
    %reduce_sum3A_217 = vector.shape_cast %reduce_sum3A_216 : vector<1xf32> to vector<1x1x1xf32>
    %reduce_sum3A_218 = vector.extract %reduce_sum3A_217[0, 0, 0] : f32 from vector<1x1x1xf32>
    %broadcast_in_dim3A_219 = vector.broadcast %reduce_sum3A_218 : f32 to vector<80x1xf32>
    %concatenate3A_220 = tpu.concatenate %broadcast_in_dim3A_114, %broadcast_in_dim3A_121, %broadcast_in_dim3A_128, %broadcast_in_dim3A_135, %broadcast_in_dim3A_142, %broadcast_in_dim3A_149, %broadcast_in_dim3A_156, %broadcast_in_dim3A_163, %broadcast_in_dim3A_170, %broadcast_in_dim3A_177, %broadcast_in_dim3A_184, %broadcast_in_dim3A_191, %broadcast_in_dim3A_198, %broadcast_in_dim3A_205, %broadcast_in_dim3A_212, %broadcast_in_dim3A_219 in 0 : vector<80x1xf32>, vector<80x1xf32>, vector<80x1xf32>, vector<80x1xf32>, vector<80x1xf32>, vector<80x1xf32>, vector<80x1xf32>, vector<80x1xf32>, vector<80x1xf32>, vector<80x1xf32>, vector<80x1xf32>, vector<80x1xf32>, vector<80x1xf32>, vector<80x1xf32>, vector<80x1xf32>, vector<80x1xf32> -> vector<1280x1xf32>
    %get3A_221 = arith.constant 0 : index
    %get3A_222 = arith.constant 0 : index
    %get3A_223 = vector.load %arg5[%get3A_221, %get3A_222] : memref<256x256xf32, #tpu.memory_space<vmem>>, vector<256x256xf32>
    %dot_general3A_224 = arith.constant dense<0.000000e+00> : vector<1280x256xf32>
    %dot_general3A_225 = tpu.matmul %max3A_102, %get3A_223, %dot_general3A_224 {dimension_numbers = #tpu.dot_dimension_numbers<[1], [0], [0], [1], [0, 0, 1, 1], [], []>, transpose_lhs_hint = false} : vector<1280x256xf32>, vector<256x256xf32>, vector<1280x256xf32> -> vector<1280x256xf32>
    %get3A_226 = arith.constant 0 : index
    %get3A_227 = arith.constant 0 : index
    %get3A_228 = vector.load %arg6[%get3A_226, %get3A_227] : memref<128x256xf32, #tpu.memory_space<vmem>>, vector<128x256xf32>
    %dot_general3A_229 = arith.constant dense<0.000000e+00> : vector<1280x256xf32>
    %dot_general3A_230 = tpu.matmul %get3A_7, %get3A_228, %dot_general3A_229 {dimension_numbers = #tpu.dot_dimension_numbers<[1], [0], [0], [1], [0, 0, 1, 1], [], []>, transpose_lhs_hint = false} : vector<1280x128xf32>, vector<128x256xf32>, vector<1280x256xf32> -> vector<1280x256xf32>
    %add3A_231 = arith.addf %dot_general3A_225, %dot_general3A_230 : vector<1280x256xf32>
    %get3A_232 = arith.constant 0 : index
    %get3A_233 = arith.constant 0 : index
    %get3A_234 = vector.load %arg7[%get3A_232, %get3A_233] : memref<1x256xf32, #tpu.memory_space<vmem>>, vector<1x256xf32>
    %mul3A = vector.broadcast %concatenate3A_220 : vector<1280x1xf32> to vector<1280x256xf32>
    %mul3A_235 = vector.broadcast %get3A_234 : vector<1x256xf32> to vector<1280x256xf32>
    %mul3A_236 = arith.mulf %mul3A, %mul3A_235 : vector<1280x256xf32>
    %add3A_237 = arith.addf %add3A_231, %mul3A_236 : vector<1280x256xf32>
    %get3A_238 = arith.constant 0 : index
    %get3A_239 = arith.constant 0 : index
    %get3A_240 = vector.load %arg8[%get3A_238, %get3A_239] : memref<1x256xf32, #tpu.memory_space<vmem>>, vector<1x256xf32>
    %add3A_241 = vector.broadcast %get3A_240 : vector<1x256xf32> to vector<1280x256xf32>
    %add3A_242 = arith.addf %add3A_237, %add3A_241 : vector<1280x256xf32>
    %get3A_243 = arith.constant 0 : index
    %get3A_244 = arith.constant 0 : index
    %get3A_245 = vector.load %arg9[%get3A_243, %get3A_244] : memref<1x256xf32, #tpu.memory_space<vmem>>, vector<1x256xf32>
    %get3A_246 = arith.constant 0 : index
    %get3A_247 = arith.constant 0 : index
    %get3A_248 = vector.load %arg10[%get3A_246, %get3A_247] : memref<1x256xf32, #tpu.memory_space<vmem>>, vector<1x256xf32>
    %reduce_sum3A_249 = arith.constant dense<0.000000e+00> : vector<1280xf32>
    %reduce_sum3A_250 = vector.multi_reduction <add>, %add3A_242, %reduce_sum3A_249 [1] : vector<1280x256xf32> to vector<1280xf32>
    %broadcast_in_dim3A_251 = vector.shape_cast %reduce_sum3A_250 : vector<1280xf32> to vector<1280x1xf32>
    %div3A_252 = arith.constant 2.560000e+02 : f32
    %div3A_253 = vector.broadcast %div3A_252 : f32 to vector<1280x1xf32>
    %div3A_254 = arith.divf %broadcast_in_dim3A_251, %div3A_253 : vector<1280x1xf32>
    %sub3A = vector.broadcast %div3A_254 : vector<1280x1xf32> to vector<1280x256xf32>
    %sub3A_255 = arith.subf %add3A_242, %sub3A : vector<1280x256xf32>
    %integer_pow3A = arith.mulf %sub3A_255, %sub3A_255 : vector<1280x256xf32>
    %reduce_sum3A_256 = arith.constant dense<0.000000e+00> : vector<1280xf32>
    %reduce_sum3A_257 = vector.multi_reduction <add>, %integer_pow3A, %reduce_sum3A_256 [1] : vector<1280x256xf32> to vector<1280xf32>
    %broadcast_in_dim3A_258 = vector.shape_cast %reduce_sum3A_257 : vector<1280xf32> to vector<1280x1xf32>
    %div3A_259 = arith.constant 2.560000e+02 : f32
    %div3A_260 = vector.broadcast %div3A_259 : f32 to vector<1280x1xf32>
    %div3A_261 = arith.divf %broadcast_in_dim3A_258, %div3A_260 : vector<1280x1xf32>
    %sub3A_262 = vector.broadcast %div3A_254 : vector<1280x1xf32> to vector<1280x256xf32>
    %sub3A_263 = arith.subf %add3A_242, %sub3A_262 : vector<1280x256xf32>
    %add3A_264 = arith.constant 9.99999974E-6 : f32
    %add3A_265 = vector.broadcast %add3A_264 : f32 to vector<1280x1xf32>
    %add3A_266 = arith.addf %div3A_261, %add3A_265 : vector<1280x1xf32>
    %sqrt3A = math.sqrt %add3A_266 : vector<1280x1xf32>
    %div3A_267 = vector.broadcast %sqrt3A : vector<1280x1xf32> to vector<1280x256xf32>
    %div3A_268 = arith.divf %sub3A_263, %div3A_267 : vector<1280x256xf32>
    %mul3A_269 = vector.broadcast %get3A_245 : vector<1x256xf32> to vector<1280x256xf32>
    %mul3A_270 = arith.mulf %div3A_268, %mul3A_269 : vector<1280x256xf32>
    %add3A_271 = vector.broadcast %get3A_248 : vector<1x256xf32> to vector<1280x256xf32>
    %add3A_272 = arith.addf %mul3A_270, %add3A_271 : vector<1280x256xf32>
    %ge3A = arith.constant 0.000000e+00 : f32
    %ge3A_273 = vector.broadcast %ge3A : f32 to vector<1280x256xf32>
    %ge3A_274 = arith.cmpf oge, %add3A_272, %ge3A_273 : vector<1280x256xf32>
    %mul3A_275 = arith.constant 0.00999999977 : f32
    %mul3A_276 = vector.broadcast %mul3A_275 : f32 to vector<1280x256xf32>
    %mul3A_277 = arith.mulf %mul3A_276, %add3A_272 : vector<1280x256xf32>
    %select_n3A_278 = arith.select %ge3A_274, %add3A_272, %mul3A_277 : vector<1280x256xi1>, vector<1280x256xf32>
    %get3A_279 = arith.constant 0 : index
    %get3A_280 = arith.constant 0 : index
    %get3A_281 = vector.load %arg11[%get3A_279, %get3A_280] : memref<256x256xf32, #tpu.memory_space<vmem>>, vector<256x256xf32>
    %dot_general3A_282 = arith.constant dense<0.000000e+00> : vector<1280x256xf32>
    %dot_general3A_283 = tpu.matmul %select_n3A_278, %get3A_281, %dot_general3A_282 {dimension_numbers = #tpu.dot_dimension_numbers<[1], [0], [0], [1], [0, 0, 1, 1], [], []>, transpose_lhs_hint = false} : vector<1280x256xf32>, vector<256x256xf32>, vector<1280x256xf32> -> vector<1280x256xf32>
    %get3A_284 = arith.constant 0 : index
    %get3A_285 = arith.constant 0 : index
    %get3A_286 = vector.load %arg12[%get3A_284, %get3A_285] : memref<1x256xf32, #tpu.memory_space<vmem>>, vector<1x256xf32>
    %add3A_287 = vector.broadcast %get3A_286 : vector<1x256xf32> to vector<1280x256xf32>
    %add3A_288 = arith.addf %dot_general3A_283, %add3A_287 : vector<1280x256xf32>
    %get3A_289 = arith.constant 0 : index
    %get3A_290 = arith.constant 0 : index
    %get3A_291 = vector.load %arg13[%get3A_289, %get3A_290] : memref<1x256xf32, #tpu.memory_space<vmem>>, vector<1x256xf32>
    %get3A_292 = arith.constant 0 : index
    %get3A_293 = arith.constant 0 : index
    %get3A_294 = vector.load %arg14[%get3A_292, %get3A_293] : memref<1x256xf32, #tpu.memory_space<vmem>>, vector<1x256xf32>
    %reduce_sum3A_295 = arith.constant dense<0.000000e+00> : vector<1280xf32>
    %reduce_sum3A_296 = vector.multi_reduction <add>, %add3A_288, %reduce_sum3A_295 [1] : vector<1280x256xf32> to vector<1280xf32>
    %broadcast_in_dim3A_297 = vector.shape_cast %reduce_sum3A_296 : vector<1280xf32> to vector<1280x1xf32>
    %div3A_298 = arith.constant 2.560000e+02 : f32
    %div3A_299 = vector.broadcast %div3A_298 : f32 to vector<1280x1xf32>
    %div3A_300 = arith.divf %broadcast_in_dim3A_297, %div3A_299 : vector<1280x1xf32>
    %sub3A_301 = vector.broadcast %div3A_300 : vector<1280x1xf32> to vector<1280x256xf32>
    %sub3A_302 = arith.subf %add3A_288, %sub3A_301 : vector<1280x256xf32>
    %integer_pow3A_303 = arith.mulf %sub3A_302, %sub3A_302 : vector<1280x256xf32>
    %reduce_sum3A_304 = arith.constant dense<0.000000e+00> : vector<1280xf32>
    %reduce_sum3A_305 = vector.multi_reduction <add>, %integer_pow3A_303, %reduce_sum3A_304 [1] : vector<1280x256xf32> to vector<1280xf32>
    %broadcast_in_dim3A_306 = vector.shape_cast %reduce_sum3A_305 : vector<1280xf32> to vector<1280x1xf32>
    %div3A_307 = arith.constant 2.560000e+02 : f32
    %div3A_308 = vector.broadcast %div3A_307 : f32 to vector<1280x1xf32>
    %div3A_309 = arith.divf %broadcast_in_dim3A_306, %div3A_308 : vector<1280x1xf32>
    %sub3A_310 = vector.broadcast %div3A_300 : vector<1280x1xf32> to vector<1280x256xf32>
    %sub3A_311 = arith.subf %add3A_288, %sub3A_310 : vector<1280x256xf32>
    %add3A_312 = arith.constant 9.99999974E-6 : f32
    %add3A_313 = vector.broadcast %add3A_312 : f32 to vector<1280x1xf32>
    %add3A_314 = arith.addf %div3A_309, %add3A_313 : vector<1280x1xf32>
    %sqrt3A_315 = math.sqrt %add3A_314 : vector<1280x1xf32>
    %div3A_316 = vector.broadcast %sqrt3A_315 : vector<1280x1xf32> to vector<1280x256xf32>
    %div3A_317 = arith.divf %sub3A_311, %div3A_316 : vector<1280x256xf32>
    %mul3A_318 = vector.broadcast %get3A_291 : vector<1x256xf32> to vector<1280x256xf32>
    %mul3A_319 = arith.mulf %div3A_317, %mul3A_318 : vector<1280x256xf32>
    %add3A_320 = vector.broadcast %get3A_294 : vector<1x256xf32> to vector<1280x256xf32>
    %add3A_321 = arith.addf %mul3A_319, %add3A_320 : vector<1280x256xf32>
    %ge3A_322 = arith.constant 0.000000e+00 : f32
    %ge3A_323 = vector.broadcast %ge3A_322 : f32 to vector<1280x256xf32>
    %ge3A_324 = arith.cmpf oge, %add3A_321, %ge3A_323 : vector<1280x256xf32>
    %mul3A_325 = arith.constant 0.00999999977 : f32
    %mul3A_326 = vector.broadcast %mul3A_325 : f32 to vector<1280x256xf32>
    %mul3A_327 = arith.mulf %mul3A_326, %add3A_321 : vector<1280x256xf32>
    %select_n3A_328 = arith.select %ge3A_324, %add3A_321, %mul3A_327 : vector<1280x256xi1>, vector<1280x256xf32>
    %get3A_329 = arith.constant 0 : index
    %get3A_330 = arith.constant 0 : index
    %get3A_331 = vector.load %arg15[%get3A_329, %get3A_330] : memref<1x256xf32, #tpu.memory_space<vmem>>, vector<1x256xf32>
    %mul3A_332 = vector.broadcast %get3A_331 : vector<1x256xf32> to vector<1280x256xf32>
    %mul3A_333 = arith.mulf %select_n3A_328, %mul3A_332 : vector<1280x256xf32>
    %reduce_sum3A_334 = arith.constant dense<0.000000e+00> : vector<1280xf32>
    %reduce_sum3A_335 = vector.multi_reduction <add>, %mul3A_333, %reduce_sum3A_334 [1] : vector<1280x256xf32> to vector<1280xf32>
    %broadcast_in_dim3A_336 = vector.shape_cast %reduce_sum3A_335 : vector<1280xf32> to vector<1280x1xf32>
    %get3A_337 = arith.constant 0 : index
    %get3A_338 = arith.constant 0 : index
    %get3A_339 = vector.load %arg16[%get3A_337, %get3A_338] : memref<1x1xf32, #tpu.memory_space<vmem>>, vector<1x1xf32>
    %get3A_340 = vector.extract %get3A_339[0, 0] : f32 from vector<1x1xf32>
    %add3A_341 = vector.broadcast %get3A_340 : f32 to vector<1280x1xf32>
    %add3A_342 = arith.addf %broadcast_in_dim3A_336, %add3A_341 : vector<1280x1xf32>
    %max3A_343 = arith.constant 0.000000e+00 : f32
    %max3A_344 = vector.broadcast %max3A_343 : f32 to vector<1280x1xf32>
    %max3A_345 = arith.maximumf %add3A_342, %max3A_344 : vector<1280x1xf32>
    %abs3A = math.absf %add3A_342 : vector<1280x1xf32>
    %neg3A = arith.constant 0.000000e+00 : f32
    %neg3A_346 = vector.broadcast %neg3A : f32 to vector<1280x1xf32>
    %neg3A_347 = arith.subf %neg3A_346, %abs3A : vector<1280x1xf32>
    %exp3A = math.exp %neg3A_347 : vector<1280x1xf32>
    %add3A_348 = arith.constant 1.000000e+00 : f32
    %add3A_349 = vector.broadcast %add3A_348 : f32 to vector<1280x1xf32>
    %add3A_350 = arith.addf %add3A_349, %exp3A : vector<1280x1xf32>
    %log3A = math.log %add3A_350 : vector<1280x1xf32>
    %add3A_351 = arith.addf %max3A_345, %log3A : vector<1280x1xf32>
    %iota3A_352 = tpu.iota {dimensions = array<i32: 0>} : vector<1280x1xi32>
    %jit3A_353 = arith.constant 80 : i32
    %eq3A_354 = arith.constant 0 : i32
    %eq3A_355 = arith.cmpi eq, %jit3A_353, %eq3A_354 : i32
    %jit3A_356 = arith.constant 1 : i32
    %select_n3A_357 = arith.select %eq3A_355, %jit3A_356, %jit3A_353 : i32
    %rem3A = vector.broadcast %select_n3A_357 : i32 to vector<1280x1xi32>
    %rem3A_358 = arith.remsi %iota3A_352, %rem3A : vector<1280x1xi32>
    %ne3A = arith.constant 0 : i32
    %ne3A_359 = vector.broadcast %ne3A : i32 to vector<1280x1xi32>
    %ne3A_360 = arith.cmpi ne, %rem3A_358, %ne3A_359 : vector<1280x1xi32>
    %lt3A_361 = arith.constant 0 : i32
    %lt3A_362 = vector.broadcast %lt3A_361 : i32 to vector<1280x1xi32>
    %lt3A_363 = arith.cmpi slt, %rem3A_358, %lt3A_362 : vector<1280x1xi32>
    %lt3A_364 = arith.constant 0 : i32
    %lt3A_365 = arith.cmpi slt, %select_n3A_357, %lt3A_364 : i32
    %ne3A_366 = vector.broadcast %lt3A_365 : i1 to vector<1280x1xi1>
    %ne3A_367 = vector.broadcast %ne3A_366 : vector<1280x1xi1> to vector<1280x1xi1>
    %ne3A_368 = arith.xori %lt3A_363, %ne3A_367 : vector<1280x1xi1>
    %and3A = arith.andi %ne3A_368, %ne3A_360 : vector<1280x1xi1>
    %add3A_369 = vector.broadcast %select_n3A_357 : i32 to vector<1280x1xi32>
    %add3A_370 = arith.addi %rem3A_358, %add3A_369 : vector<1280x1xi32>
    %select_n3A_371 = arith.select %and3A, %add3A_370, %rem3A_358 : vector<1280x1xi1>, vector<1280x1xi32>
    %lt3A_372 = arith.constant 79 : i32
    %lt3A_373 = vector.broadcast %lt3A_372 : i32 to vector<1280x1xi32>
    %lt3A_374 = arith.cmpi slt, %select_n3A_371, %lt3A_373 : vector<1280x1xi32>
    %jit3A_375 = arith.constant 0.000000e+00 : f32
    %broadcast_in_dim3A_376 = vector.broadcast %jit3A_375 : f32 to vector<1280x1xf32>
    %select_n3A_377 = arith.select %lt3A_374, %add3A_351, %broadcast_in_dim3A_376 : vector<1280x1xi1>, vector<1280x1xf32>
    %abs3A_378 = math.absf %select_n3A_377 : vector<1280x1xf32>
    %reduce_sum3A_379 = vector.shape_cast %abs3A_378 : vector<1280x1xf32> to vector<1x1280x1xf32>
    %reduce_sum3A_380 = arith.constant dense<0.000000e+00> : vector<1xf32>
    %reduce_sum3A_381 = vector.multi_reduction <add>, %reduce_sum3A_379, %reduce_sum3A_380 [1, 2] : vector<1x1280x1xf32> to vector<1xf32>
    %reduce_sum3A_382 = vector.shape_cast %reduce_sum3A_381 : vector<1xf32> to vector<1x1x1xf32>
    %reduce_sum3A_383 = vector.extract %reduce_sum3A_382[0, 0, 0] : f32 from vector<1x1x1xf32>
    %slice3A_384 = vector.extract_strided_slice %select_n3A_377 {offsets = [0, 0], sizes = [80, 1], strides = [1, 1]} : vector<1280x1xf32> to vector<80x1xf32>
    %reduce_sum3A_385 = vector.shape_cast %slice3A_384 : vector<80x1xf32> to vector<1x80x1xf32>
    %reduce_sum3A_386 = arith.constant dense<0.000000e+00> : vector<1xf32>
    %reduce_sum3A_387 = vector.multi_reduction <add>, %reduce_sum3A_385, %reduce_sum3A_386 [1, 2] : vector<1x80x1xf32> to vector<1xf32>
    %reduce_sum3A_388 = vector.shape_cast %reduce_sum3A_387 : vector<1xf32> to vector<1x1x1xf32>
    %reduce_sum3A_389 = vector.extract %reduce_sum3A_388[0, 0, 0] : f32 from vector<1x1x1xf32>
    %add3A_390 = arith.constant 9.99999968E-21 : f32
    %add3A_391 = arith.addf %reduce_sum3A_389, %add3A_390 : f32
    %div3A_392 = vector.broadcast %add3A_391 : f32 to vector<80x1xf32>
    %div3A_393 = arith.divf %slice3A_384, %div3A_392 : vector<80x1xf32>
    %swap3A = arith.constant 0 : index
    %swap3A_394 = arith.constant 0 : index
    %swap3A_395 = vector.load %arg17[%swap3A, %swap3A_394] : memref<1280x1xf32, #tpu.memory_space<vmem>>, vector<80x1xf32>
    tpu.vector_store %arg17[%swap3A, %swap3A_394], %div3A_393 {strides = array<i32>} : memref<1280x1xf32, #tpu.memory_space<vmem>>, vector<80x1xf32>,
    %slice3A_396 = vector.extract_strided_slice %select_n3A_377 {offsets = [80, 0], sizes = [80, 1], strides = [1, 1]} : vector<1280x1xf32> to vector<80x1xf32>
    %reduce_sum3A_397 = vector.shape_cast %slice3A_396 : vector<80x1xf32> to vector<1x80x1xf32>
    %reduce_sum3A_398 = arith.constant dense<0.000000e+00> : vector<1xf32>
    %reduce_sum3A_399 = vector.multi_reduction <add>, %reduce_sum3A_397, %reduce_sum3A_398 [1, 2] : vector<1x80x1xf32> to vector<1xf32>
    %reduce_sum3A_400 = vector.shape_cast %reduce_sum3A_399 : vector<1xf32> to vector<1x1x1xf32>
    %reduce_sum3A_401 = vector.extract %reduce_sum3A_400[0, 0, 0] : f32 from vector<1x1x1xf32>
    %add3A_402 = arith.constant 9.99999968E-21 : f32
    %add3A_403 = arith.addf %reduce_sum3A_401, %add3A_402 : f32
    %div3A_404 = vector.broadcast %add3A_403 : f32 to vector<80x1xf32>
    %div3A_405 = arith.divf %slice3A_396, %div3A_404 : vector<80x1xf32>
    %swap3A_406 = arith.constant 80 : index
    %swap3A_407 = arith.constant 0 : index
    %swap3A_408 = vector.load %arg17[%swap3A_406, %swap3A_407] : memref<1280x1xf32, #tpu.memory_space<vmem>>, vector<80x1xf32>
    tpu.vector_store %arg17[%swap3A_406, %swap3A_407], %div3A_405 {strides = array<i32>} : memref<1280x1xf32, #tpu.memory_space<vmem>>, vector<80x1xf32>,
    %slice3A_409 = vector.extract_strided_slice %select_n3A_377 {offsets = [160, 0], sizes = [80, 1], strides = [1, 1]} : vector<1280x1xf32> to vector<80x1xf32>
    %reduce_sum3A_410 = vector.shape_cast %slice3A_409 : vector<80x1xf32> to vector<1x80x1xf32>
    %reduce_sum3A_411 = arith.constant dense<0.000000e+00> : vector<1xf32>
    %reduce_sum3A_412 = vector.multi_reduction <add>, %reduce_sum3A_410, %reduce_sum3A_411 [1, 2] : vector<1x80x1xf32> to vector<1xf32>
    %reduce_sum3A_413 = vector.shape_cast %reduce_sum3A_412 : vector<1xf32> to vector<1x1x1xf32>
    %reduce_sum3A_414 = vector.extract %reduce_sum3A_413[0, 0, 0] : f32 from vector<1x1x1xf32>
    %add3A_415 = arith.constant 9.99999968E-21 : f32
    %add3A_416 = arith.addf %reduce_sum3A_414, %add3A_415 : f32
    %div3A_417 = vector.broadcast %add3A_416 : f32 to vector<80x1xf32>
    %div3A_418 = arith.divf %slice3A_409, %div3A_417 : vector<80x1xf32>
    %swap3A_419 = arith.constant 160 : index
    %swap3A_420 = arith.constant 0 : index
    %swap3A_421 = vector.load %arg17[%swap3A_419, %swap3A_420] : memref<1280x1xf32, #tpu.memory_space<vmem>>, vector<80x1xf32>
    tpu.vector_store %arg17[%swap3A_419, %swap3A_420], %div3A_418 {strides = array<i32>} : memref<1280x1xf32, #tpu.memory_space<vmem>>, vector<80x1xf32>,
    %slice3A_422 = vector.extract_strided_slice %select_n3A_377 {offsets = [240, 0], sizes = [80, 1], strides = [1, 1]} : vector<1280x1xf32> to vector<80x1xf32>
    %reduce_sum3A_423 = vector.shape_cast %slice3A_422 : vector<80x1xf32> to vector<1x80x1xf32>
    %reduce_sum3A_424 = arith.constant dense<0.000000e+00> : vector<1xf32>
    %reduce_sum3A_425 = vector.multi_reduction <add>, %reduce_sum3A_423, %reduce_sum3A_424 [1, 2] : vector<1x80x1xf32> to vector<1xf32>
    %reduce_sum3A_426 = vector.shape_cast %reduce_sum3A_425 : vector<1xf32> to vector<1x1x1xf32>
    %reduce_sum3A_427 = vector.extract %reduce_sum3A_426[0, 0, 0] : f32 from vector<1x1x1xf32>
    %add3A_428 = arith.constant 9.99999968E-21 : f32
    %add3A_429 = arith.addf %reduce_sum3A_427, %add3A_428 : f32
    %div3A_430 = vector.broadcast %add3A_429 : f32 to vector<80x1xf32>
    %div3A_431 = arith.divf %slice3A_422, %div3A_430 : vector<80x1xf32>
    %swap3A_432 = arith.constant 240 : index
    %swap3A_433 = arith.constant 0 : index
    %swap3A_434 = vector.load %arg17[%swap3A_432, %swap3A_433] : memref<1280x1xf32, #tpu.memory_space<vmem>>, vector<80x1xf32>
    tpu.vector_store %arg17[%swap3A_432, %swap3A_433], %div3A_431 {strides = array<i32>} : memref<1280x1xf32, #tpu.memory_space<vmem>>, vector<80x1xf32>,
    %slice3A_435 = vector.extract_strided_slice %select_n3A_377 {offsets = [320, 0], sizes = [80, 1], strides = [1, 1]} : vector<1280x1xf32> to vector<80x1xf32>
    %reduce_sum3A_436 = vector.shape_cast %slice3A_435 : vector<80x1xf32> to vector<1x80x1xf32>
    %reduce_sum3A_437 = arith.constant dense<0.000000e+00> : vector<1xf32>
    %reduce_sum3A_438 = vector.multi_reduction <add>, %reduce_sum3A_436, %reduce_sum3A_437 [1, 2] : vector<1x80x1xf32> to vector<1xf32>
    %reduce_sum3A_439 = vector.shape_cast %reduce_sum3A_438 : vector<1xf32> to vector<1x1x1xf32>
    %reduce_sum3A_440 = vector.extract %reduce_sum3A_439[0, 0, 0] : f32 from vector<1x1x1xf32>
    %add3A_441 = arith.constant 9.99999968E-21 : f32
    %add3A_442 = arith.addf %reduce_sum3A_440, %add3A_441 : f32
    %div3A_443 = vector.broadcast %add3A_442 : f32 to vector<80x1xf32>
    %div3A_444 = arith.divf %slice3A_435, %div3A_443 : vector<80x1xf32>
    %swap3A_445 = arith.constant 320 : index
    %swap3A_446 = arith.constant 0 : index
    %swap3A_447 = vector.load %arg17[%swap3A_445, %swap3A_446] : memref<1280x1xf32, #tpu.memory_space<vmem>>, vector<80x1xf32>
    tpu.vector_store %arg17[%swap3A_445, %swap3A_446], %div3A_444 {strides = array<i32>} : memref<1280x1xf32, #tpu.memory_space<vmem>>, vector<80x1xf32>,
    %slice3A_448 = vector.extract_strided_slice %select_n3A_377 {offsets = [400, 0], sizes = [80, 1], strides = [1, 1]} : vector<1280x1xf32> to vector<80x1xf32>
    %reduce_sum3A_449 = vector.shape_cast %slice3A_448 : vector<80x1xf32> to vector<1x80x1xf32>
    %reduce_sum3A_450 = arith.constant dense<0.000000e+00> : vector<1xf32>
    %reduce_sum3A_451 = vector.multi_reduction <add>, %reduce_sum3A_449, %reduce_sum3A_450 [1, 2] : vector<1x80x1xf32> to vector<1xf32>
    %reduce_sum3A_452 = vector.shape_cast %reduce_sum3A_451 : vector<1xf32> to vector<1x1x1xf32>
    %reduce_sum3A_453 = vector.extract %reduce_sum3A_452[0, 0, 0] : f32 from vector<1x1x1xf32>
    %add3A_454 = arith.constant 9.99999968E-21 : f32
    %add3A_455 = arith.addf %reduce_sum3A_453, %add3A_454 : f32
    %div3A_456 = vector.broadcast %add3A_455 : f32 to vector<80x1xf32>
    %div3A_457 = arith.divf %slice3A_448, %div3A_456 : vector<80x1xf32>
    %swap3A_458 = arith.constant 400 : index
    %swap3A_459 = arith.constant 0 : index
    %swap3A_460 = vector.load %arg17[%swap3A_458, %swap3A_459] : memref<1280x1xf32, #tpu.memory_space<vmem>>, vector<80x1xf32>
    tpu.vector_store %arg17[%swap3A_458, %swap3A_459], %div3A_457 {strides = array<i32>} : memref<1280x1xf32, #tpu.memory_space<vmem>>, vector<80x1xf32>,
    %slice3A_461 = vector.extract_strided_slice %select_n3A_377 {offsets = [480, 0], sizes = [80, 1], strides = [1, 1]} : vector<1280x1xf32> to vector<80x1xf32>
    %reduce_sum3A_462 = vector.shape_cast %slice3A_461 : vector<80x1xf32> to vector<1x80x1xf32>
    %reduce_sum3A_463 = arith.constant dense<0.000000e+00> : vector<1xf32>
    %reduce_sum3A_464 = vector.multi_reduction <add>, %reduce_sum3A_462, %reduce_sum3A_463 [1, 2] : vector<1x80x1xf32> to vector<1xf32>
    %reduce_sum3A_465 = vector.shape_cast %reduce_sum3A_464 : vector<1xf32> to vector<1x1x1xf32>
    %reduce_sum3A_466 = vector.extract %reduce_sum3A_465[0, 0, 0] : f32 from vector<1x1x1xf32>
    %add3A_467 = arith.constant 9.99999968E-21 : f32
    %add3A_468 = arith.addf %reduce_sum3A_466, %add3A_467 : f32
    %div3A_469 = vector.broadcast %add3A_468 : f32 to vector<80x1xf32>
    %div3A_470 = arith.divf %slice3A_461, %div3A_469 : vector<80x1xf32>
    %swap3A_471 = arith.constant 480 : index
    %swap3A_472 = arith.constant 0 : index
    %swap3A_473 = vector.load %arg17[%swap3A_471, %swap3A_472] : memref<1280x1xf32, #tpu.memory_space<vmem>>, vector<80x1xf32>
    tpu.vector_store %arg17[%swap3A_471, %swap3A_472], %div3A_470 {strides = array<i32>} : memref<1280x1xf32, #tpu.memory_space<vmem>>, vector<80x1xf32>,
    %slice3A_474 = vector.extract_strided_slice %select_n3A_377 {offsets = [560, 0], sizes = [80, 1], strides = [1, 1]} : vector<1280x1xf32> to vector<80x1xf32>
    %reduce_sum3A_475 = vector.shape_cast %slice3A_474 : vector<80x1xf32> to vector<1x80x1xf32>
    %reduce_sum3A_476 = arith.constant dense<0.000000e+00> : vector<1xf32>
    %reduce_sum3A_477 = vector.multi_reduction <add>, %reduce_sum3A_475, %reduce_sum3A_476 [1, 2] : vector<1x80x1xf32> to vector<1xf32>
    %reduce_sum3A_478 = vector.shape_cast %reduce_sum3A_477 : vector<1xf32> to vector<1x1x1xf32>
    %reduce_sum3A_479 = vector.extract %reduce_sum3A_478[0, 0, 0] : f32 from vector<1x1x1xf32>
    %add3A_480 = arith.constant 9.99999968E-21 : f32
    %add3A_481 = arith.addf %reduce_sum3A_479, %add3A_480 : f32
    %div3A_482 = vector.broadcast %add3A_481 : f32 to vector<80x1xf32>
    %div3A_483 = arith.divf %slice3A_474, %div3A_482 : vector<80x1xf32>
    %swap3A_484 = arith.constant 560 : index
    %swap3A_485 = arith.constant 0 : index
    %swap3A_486 = vector.load %arg17[%swap3A_484, %swap3A_485] : memref<1280x1xf32, #tpu.memory_space<vmem>>, vector<80x1xf32>
    tpu.vector_store %arg17[%swap3A_484, %swap3A_485], %div3A_483 {strides = array<i32>} : memref<1280x1xf32, #tpu.memory_space<vmem>>, vector<80x1xf32>,
    %slice3A_487 = vector.extract_strided_slice %select_n3A_377 {offsets = [640, 0], sizes = [80, 1], strides = [1, 1]} : vector<1280x1xf32> to vector<80x1xf32>
    %reduce_sum3A_488 = vector.shape_cast %slice3A_487 : vector<80x1xf32> to vector<1x80x1xf32>
    %reduce_sum3A_489 = arith.constant dense<0.000000e+00> : vector<1xf32>
    %reduce_sum3A_490 = vector.multi_reduction <add>, %reduce_sum3A_488, %reduce_sum3A_489 [1, 2] : vector<1x80x1xf32> to vector<1xf32>
    %reduce_sum3A_491 = vector.shape_cast %reduce_sum3A_490 : vector<1xf32> to vector<1x1x1xf32>
    %reduce_sum3A_492 = vector.extract %reduce_sum3A_491[0, 0, 0] : f32 from vector<1x1x1xf32>
    %add3A_493 = arith.constant 9.99999968E-21 : f32
    %add3A_494 = arith.addf %reduce_sum3A_492, %add3A_493 : f32
    %div3A_495 = vector.broadcast %add3A_494 : f32 to vector<80x1xf32>
    %div3A_496 = arith.divf %slice3A_487, %div3A_495 : vector<80x1xf32>
    %swap3A_497 = arith.constant 640 : index
    %swap3A_498 = arith.constant 0 : index
    %swap3A_499 = vector.load %arg17[%swap3A_497, %swap3A_498] : memref<1280x1xf32, #tpu.memory_space<vmem>>, vector<80x1xf32>
    tpu.vector_store %arg17[%swap3A_497, %swap3A_498], %div3A_496 {strides = array<i32>} : memref<1280x1xf32, #tpu.memory_space<vmem>>, vector<80x1xf32>,
    %slice3A_500 = vector.extract_strided_slice %select_n3A_377 {offsets = [720, 0], sizes = [80, 1], strides = [1, 1]} : vector<1280x1xf32> to vector<80x1xf32>
    %reduce_sum3A_501 = vector.shape_cast %slice3A_500 : vector<80x1xf32> to vector<1x80x1xf32>
    %reduce_sum3A_502 = arith.constant dense<0.000000e+00> : vector<1xf32>
    %reduce_sum3A_503 = vector.multi_reduction <add>, %reduce_sum3A_501, %reduce_sum3A_502 [1, 2] : vector<1x80x1xf32> to vector<1xf32>
    %reduce_sum3A_504 = vector.shape_cast %reduce_sum3A_503 : vector<1xf32> to vector<1x1x1xf32>
    %reduce_sum3A_505 = vector.extract %reduce_sum3A_504[0, 0, 0] : f32 from vector<1x1x1xf32>
    %add3A_506 = arith.constant 9.99999968E-21 : f32
    %add3A_507 = arith.addf %reduce_sum3A_505, %add3A_506 : f32
    %div3A_508 = vector.broadcast %add3A_507 : f32 to vector<80x1xf32>
    %div3A_509 = arith.divf %slice3A_500, %div3A_508 : vector<80x1xf32>
    %swap3A_510 = arith.constant 720 : index
    %swap3A_511 = arith.constant 0 : index
    %swap3A_512 = vector.load %arg17[%swap3A_510, %swap3A_511] : memref<1280x1xf32, #tpu.memory_space<vmem>>, vector<80x1xf32>
    tpu.vector_store %arg17[%swap3A_510, %swap3A_511], %div3A_509 {strides = array<i32>} : memref<1280x1xf32, #tpu.memory_space<vmem>>, vector<80x1xf32>,
    %slice3A_513 = vector.extract_strided_slice %select_n3A_377 {offsets = [800, 0], sizes = [80, 1], strides = [1, 1]} : vector<1280x1xf32> to vector<80x1xf32>
    %reduce_sum3A_514 = vector.shape_cast %slice3A_513 : vector<80x1xf32> to vector<1x80x1xf32>
    %reduce_sum3A_515 = arith.constant dense<0.000000e+00> : vector<1xf32>
    %reduce_sum3A_516 = vector.multi_reduction <add>, %reduce_sum3A_514, %reduce_sum3A_515 [1, 2] : vector<1x80x1xf32> to vector<1xf32>
    %reduce_sum3A_517 = vector.shape_cast %reduce_sum3A_516 : vector<1xf32> to vector<1x1x1xf32>
    %reduce_sum3A_518 = vector.extract %reduce_sum3A_517[0, 0, 0] : f32 from vector<1x1x1xf32>
    %add3A_519 = arith.constant 9.99999968E-21 : f32
    %add3A_520 = arith.addf %reduce_sum3A_518, %add3A_519 : f32
    %div3A_521 = vector.broadcast %add3A_520 : f32 to vector<80x1xf32>
    %div3A_522 = arith.divf %slice3A_513, %div3A_521 : vector<80x1xf32>
    %swap3A_523 = arith.constant 800 : index
    %swap3A_524 = arith.constant 0 : index
    %swap3A_525 = vector.load %arg17[%swap3A_523, %swap3A_524] : memref<1280x1xf32, #tpu.memory_space<vmem>>, vector<80x1xf32>
    tpu.vector_store %arg17[%swap3A_523, %swap3A_524], %div3A_522 {strides = array<i32>} : memref<1280x1xf32, #tpu.memory_space<vmem>>, vector<80x1xf32>,
    %slice3A_526 = vector.extract_strided_slice %select_n3A_377 {offsets = [880, 0], sizes = [80, 1], strides = [1, 1]} : vector<1280x1xf32> to vector<80x1xf32>
    %reduce_sum3A_527 = vector.shape_cast %slice3A_526 : vector<80x1xf32> to vector<1x80x1xf32>
    %reduce_sum3A_528 = arith.constant dense<0.000000e+00> : vector<1xf32>
    %reduce_sum3A_529 = vector.multi_reduction <add>, %reduce_sum3A_527, %reduce_sum3A_528 [1, 2] : vector<1x80x1xf32> to vector<1xf32>
    %reduce_sum3A_530 = vector.shape_cast %reduce_sum3A_529 : vector<1xf32> to vector<1x1x1xf32>
    %reduce_sum3A_531 = vector.extract %reduce_sum3A_530[0, 0, 0] : f32 from vector<1x1x1xf32>
    %add3A_532 = arith.constant 9.99999968E-21 : f32
    %add3A_533 = arith.addf %reduce_sum3A_531, %add3A_532 : f32
    %div3A_534 = vector.broadcast %add3A_533 : f32 to vector<80x1xf32>
    %div3A_535 = arith.divf %slice3A_526, %div3A_534 : vector<80x1xf32>
    %swap3A_536 = arith.constant 880 : index
    %swap3A_537 = arith.constant 0 : index
    %swap3A_538 = vector.load %arg17[%swap3A_536, %swap3A_537] : memref<1280x1xf32, #tpu.memory_space<vmem>>, vector<80x1xf32>
    tpu.vector_store %arg17[%swap3A_536, %swap3A_537], %div3A_535 {strides = array<i32>} : memref<1280x1xf32, #tpu.memory_space<vmem>>, vector<80x1xf32>,
    %slice3A_539 = vector.extract_strided_slice %select_n3A_377 {offsets = [960, 0], sizes = [80, 1], strides = [1, 1]} : vector<1280x1xf32> to vector<80x1xf32>
    %reduce_sum3A_540 = vector.shape_cast %slice3A_539 : vector<80x1xf32> to vector<1x80x1xf32>
    %reduce_sum3A_541 = arith.constant dense<0.000000e+00> : vector<1xf32>
    %reduce_sum3A_542 = vector.multi_reduction <add>, %reduce_sum3A_540, %reduce_sum3A_541 [1, 2] : vector<1x80x1xf32> to vector<1xf32>
    %reduce_sum3A_543 = vector.shape_cast %reduce_sum3A_542 : vector<1xf32> to vector<1x1x1xf32>
    %reduce_sum3A_544 = vector.extract %reduce_sum3A_543[0, 0, 0] : f32 from vector<1x1x1xf32>
    %add3A_545 = arith.constant 9.99999968E-21 : f32
    %add3A_546 = arith.addf %reduce_sum3A_544, %add3A_545 : f32
    %div3A_547 = vector.broadcast %add3A_546 : f32 to vector<80x1xf32>
    %div3A_548 = arith.divf %slice3A_539, %div3A_547 : vector<80x1xf32>
    %swap3A_549 = arith.constant 960 : index
    %swap3A_550 = arith.constant 0 : index
    %swap3A_551 = vector.load %arg17[%swap3A_549, %swap3A_550] : memref<1280x1xf32, #tpu.memory_space<vmem>>, vector<80x1xf32>
    tpu.vector_store %arg17[%swap3A_549, %swap3A_550], %div3A_548 {strides = array<i32>} : memref<1280x1xf32, #tpu.memory_space<vmem>>, vector<80x1xf32>,
    %slice3A_552 = vector.extract_strided_slice %select_n3A_377 {offsets = [1040, 0], sizes = [80, 1], strides = [1, 1]} : vector<1280x1xf32> to vector<80x1xf32>
    %reduce_sum3A_553 = vector.shape_cast %slice3A_552 : vector<80x1xf32> to vector<1x80x1xf32>
    %reduce_sum3A_554 = arith.constant dense<0.000000e+00> : vector<1xf32>
    %reduce_sum3A_555 = vector.multi_reduction <add>, %reduce_sum3A_553, %reduce_sum3A_554 [1, 2] : vector<1x80x1xf32> to vector<1xf32>
    %reduce_sum3A_556 = vector.shape_cast %reduce_sum3A_555 : vector<1xf32> to vector<1x1x1xf32>
    %reduce_sum3A_557 = vector.extract %reduce_sum3A_556[0, 0, 0] : f32 from vector<1x1x1xf32>
    %add3A_558 = arith.constant 9.99999968E-21 : f32
    %add3A_559 = arith.addf %reduce_sum3A_557, %add3A_558 : f32
    %div3A_560 = vector.broadcast %add3A_559 : f32 to vector<80x1xf32>
    %div3A_561 = arith.divf %slice3A_552, %div3A_560 : vector<80x1xf32>
    %swap3A_562 = arith.constant 1040 : index
    %swap3A_563 = arith.constant 0 : index
    %swap3A_564 = vector.load %arg17[%swap3A_562, %swap3A_563] : memref<1280x1xf32, #tpu.memory_space<vmem>>, vector<80x1xf32>
    tpu.vector_store %arg17[%swap3A_562, %swap3A_563], %div3A_561 {strides = array<i32>} : memref<1280x1xf32, #tpu.memory_space<vmem>>, vector<80x1xf32>,
    %slice3A_565 = vector.extract_strided_slice %select_n3A_377 {offsets = [1120, 0], sizes = [80, 1], strides = [1, 1]} : vector<1280x1xf32> to vector<80x1xf32>
    %reduce_sum3A_566 = vector.shape_cast %slice3A_565 : vector<80x1xf32> to vector<1x80x1xf32>
    %reduce_sum3A_567 = arith.constant dense<0.000000e+00> : vector<1xf32>
    %reduce_sum3A_568 = vector.multi_reduction <add>, %reduce_sum3A_566, %reduce_sum3A_567 [1, 2] : vector<1x80x1xf32> to vector<1xf32>
    %reduce_sum3A_569 = vector.shape_cast %reduce_sum3A_568 : vector<1xf32> to vector<1x1x1xf32>
    %reduce_sum3A_570 = vector.extract %reduce_sum3A_569[0, 0, 0] : f32 from vector<1x1x1xf32>
    %add3A_571 = arith.constant 9.99999968E-21 : f32
    %add3A_572 = arith.addf %reduce_sum3A_570, %add3A_571 : f32
    %div3A_573 = vector.broadcast %add3A_572 : f32 to vector<80x1xf32>
    %div3A_574 = arith.divf %slice3A_565, %div3A_573 : vector<80x1xf32>
    %swap3A_575 = arith.constant 1120 : index
    %swap3A_576 = arith.constant 0 : index
    %swap3A_577 = vector.load %arg17[%swap3A_575, %swap3A_576] : memref<1280x1xf32, #tpu.memory_space<vmem>>, vector<80x1xf32>
    tpu.vector_store %arg17[%swap3A_575, %swap3A_576], %div3A_574 {strides = array<i32>} : memref<1280x1xf32, #tpu.memory_space<vmem>>, vector<80x1xf32>,
    %slice3A_578 = vector.extract_strided_slice %select_n3A_377 {offsets = [1200, 0], sizes = [80, 1], strides = [1, 1]} : vector<1280x1xf32> to vector<80x1xf32>
    %reduce_sum3A_579 = vector.shape_cast %slice3A_578 : vector<80x1xf32> to vector<1x80x1xf32>
    %reduce_sum3A_580 = arith.constant dense<0.000000e+00> : vector<1xf32>
    %reduce_sum3A_581 = vector.multi_reduction <add>, %reduce_sum3A_579, %reduce_sum3A_580 [1, 2] : vector<1x80x1xf32> to vector<1xf32>
    %reduce_sum3A_582 = vector.shape_cast %reduce_sum3A_581 : vector<1xf32> to vector<1x1x1xf32>
    %reduce_sum3A_583 = vector.extract %reduce_sum3A_582[0, 0, 0] : f32 from vector<1x1x1xf32>
    %add3A_584 = arith.constant 9.99999968E-21 : f32
    %add3A_585 = arith.addf %reduce_sum3A_583, %add3A_584 : f32
    %div3A_586 = vector.broadcast %add3A_585 : f32 to vector<80x1xf32>
    %div3A_587 = arith.divf %slice3A_578, %div3A_586 : vector<80x1xf32>
    %swap3A_588 = arith.constant 1200 : index
    %swap3A_589 = arith.constant 0 : index
    %swap3A_590 = vector.load %arg17[%swap3A_588, %swap3A_589] : memref<1280x1xf32, #tpu.memory_space<vmem>>, vector<80x1xf32>
    tpu.vector_store %arg17[%swap3A_588, %swap3A_589], %div3A_587 {strides = array<i32>} : memref<1280x1xf32, #tpu.memory_space<vmem>>, vector<80x1xf32>,
    %eq3A_591 = arith.constant 0 : i32
    %eq3A_592 = arith.cmpi eq, %arg0, %eq3A_591 : i32
    %get3A_593 = arith.constant 0 : index
    %get3A_594 = arith.constant 0 : index
    %get3A_595 = vector.load %arg18[%get3A_593, %get3A_594] : memref<1x1xf32, #tpu.memory_space<vmem>>, vector<1x1xf32>
    %jit3A_596 = arith.constant 0.000000e+00 : f32
    %broadcast_in_dim3A_597 = vector.broadcast %jit3A_596 : f32 to vector<1x1xf32>
    %select_n3A_598 = arith.select %eq3A_592, %broadcast_in_dim3A_597, %get3A_595 : vector<1x1xf32>
    %add3A_599 = vector.broadcast %reduce_sum3A_383 : f32 to vector<1x1xf32>
    %add3A_600 = arith.addf %select_n3A_598, %add3A_599 : vector<1x1xf32>
    %eq3A_601 = arith.constant 7 : i32
    %eq3A_602 = arith.cmpi eq, %arg0, %eq3A_601 : i32
    %div3A_603 = arith.constant 2.022400e+04 : f32
    %div3A_604 = vector.broadcast %div3A_603 : f32 to vector<1x1xf32>
    %div3A_605 = arith.divf %add3A_600, %div3A_604 : vector<1x1xf32>
    %select_n3A_606 = arith.select %eq3A_602, %div3A_605, %add3A_600 : vector<1x1xf32>
    %swap3A_607 = arith.constant 0 : index
    %swap3A_608 = arith.constant 0 : index
    %swap3A_609 = vector.load %arg18[%swap3A_607, %swap3A_608] : memref<1x1xf32, #tpu.memory_space<vmem>>, vector<1x1xf32>
    tpu.vector_store %arg18[%swap3A_607, %swap3A_608], %select_n3A_606 {strides = array<i32>} : memref<1x1xf32, #tpu.memory_space<vmem>>, vector<1x1xf32>,
    return
  }
  func.func @transform_0(%arg0: i32) -> (i32, i32) {
    %c0_i32 = arith.constant 0 : i32
    %c0_i32_0 = arith.constant 0 : i32
    return %arg0, %c0_i32 : i32, i32
  }
  func.func @transform_1(%arg0: i32) -> (i32, i32) {
    %c0_i32 = arith.constant 0 : i32
    %c0_i32_0 = arith.constant 0 : i32
    return %arg0, %c0_i32 : i32, i32
  }
  func.func @transform_2(%arg0: i32) -> (i32, i32) {
    %c0_i32 = arith.constant 0 : i32
    %c0_i32_0 = arith.constant 0 : i32
    return %arg0, %c0_i32 : i32, i32
  }
  func.func @transform_3(%arg0: i32) -> (i32, i32) {
    %c0_i32 = arith.constant 0 : i32
    %c0_i32_0 = arith.constant 0 : i32
    %c0_i32_1 = arith.constant 0 : i32
    return %c0_i32, %c0_i32_0 : i32, i32
  }
  func.func @transform_4(%arg0: i32) -> (i32, i32) {
    %c0_i32 = arith.constant 0 : i32
    %c0_i32_0 = arith.constant 0 : i32
    %c0_i32_1 = arith.constant 0 : i32
    return %c0_i32, %c0_i32_0 : i32, i32
  }
  func.func @transform_5(%arg0: i32) -> (i32, i32) {
    %c0_i32 = arith.constant 0 : i32
    %c0_i32_0 = arith.constant 0 : i32
    %c0_i32_1 = arith.constant 0 : i32
    return %c0_i32, %c0_i32_0 : i32, i32
  }
  func.func @transform_6(%arg0: i32) -> (i32, i32) {
    %c0_i32 = arith.constant 0 : i32
    %c0_i32_0 = arith.constant 0 : i32
    %c0_i32_1 = arith.constant 0 : i32
    return %c0_i32, %c0_i32_0 : i32, i32
  }
  func.func @transform_7(%arg0: i32) -> (i32, i32) {
    %c0_i32 = arith.constant 0 : i32
    %c0_i32_0 = arith.constant 0 : i32
    %c0_i32_1 = arith.constant 0 : i32
    return %c0_i32, %c0_i32_0 : i32, i32
  }
  func.func @transform_8(%arg0: i32) -> (i32, i32) {
    %c0_i32 = arith.constant 0 : i32
    %c0_i32_0 = arith.constant 0 : i32
    %c0_i32_1 = arith.constant 0 : i32
    return %c0_i32, %c0_i32_0 : i32, i32
  }
  func.func @transform_9(%arg0: i32) -> (i32, i32) {
    %c0_i32 = arith.constant 0 : i32
    %c0_i32_0 = arith.constant 0 : i32
    %c0_i32_1 = arith.constant 0 : i32
    return %c0_i32, %c0_i32_0 : i32, i32
  }
  func.func @transform_10(%arg0: i32) -> (i32, i32) {
    %c0_i32 = arith.constant 0 : i32
    %c0_i32_0 = arith.constant 0 : i32
    %c0_i32_1 = arith.constant 0 : i32
    return %c0_i32, %c0_i32_0 : i32, i32
  }
  func.func @transform_11(%arg0: i32) -> (i32, i32) {
    %c0_i32 = arith.constant 0 : i32
    %c0_i32_0 = arith.constant 0 : i32
    %c0_i32_1 = arith.constant 0 : i32
    return %c0_i32, %c0_i32_0 : i32, i32
  }
  func.func @transform_12(%arg0: i32) -> (i32, i32) {
    %c0_i32 = arith.constant 0 : i32
    %c0_i32_0 = arith.constant 0 : i32
    %c0_i32_1 = arith.constant 0 : i32
    return %c0_i32, %c0_i32_0 : i32, i32
  }
  func.func @transform_13(%arg0: i32) -> (i32, i32) {
    %c0_i32 = arith.constant 0 : i32
    %c0_i32_0 = arith.constant 0 : i32
    %c0_i32_1 = arith.constant 0 : i32
    return %c0_i32, %c0_i32_0 : i32, i32
  }
  func.func @transform_14(%arg0: i32) -> (i32, i32) {
    %c0_i32 = arith.constant 0 : i32
    %c0_i32_0 = arith.constant 0 : i32
    %c0_i32_1 = arith.constant 0 : i32
    return %c0_i32, %c0_i32_0 : i32, i32
  }
  func.func @transform_15(%arg0: i32) -> (i32, i32) {
    %c0_i32 = arith.constant 0 : i32
    %c0_i32_0 = arith.constant 0 : i32
    %c0_i32_1 = arith.constant 0 : i32
    return %c0_i32, %c0_i32_0 : i32, i32
  }
  func.func @transform_16(%arg0: i32) -> (i32, i32) {
    %c0_i32 = arith.constant 0 : i32
    %c0_i32_0 = arith.constant 0 : i32
    return %arg0, %c0_i32 : i32, i32
  }
  func.func @transform_17(%arg0: i32) -> (i32, i32) {
    %c0_i32 = arith.constant 0 : i32
    %c0_i32_0 = arith.constant 0 : i32
    %c0_i32_1 = arith.constant 0 : i32
    return %c0_i32, %c0_i32_0 : i32, i32
  }
}

</mosaic_0001>

<sc_bundles>
// kernel: kernel.11.cloned.1.call-start
scs
__scs_entry_jumppad:
0x0: {  	(pc) =	sbr.rel $0x88, $3  }
0x1: {  	(tag) =	ssettag $0x0;
	lr =	simm.s32 $0x1  }
0x2: {  	[smem:$0x3F8B] =	sst lr;
	_ =	strace $0xD0000000  }
0x3: {  	_ = 	snop  }
0x4: {  	_ = 	snop  }
0x5: {  	_ = 	snop  }
0x6: {  	_ = 	snop  }
0x7: {  	_ = 	snop  }
__scs_overlays_trampoline_lowered:
0x8: {  	[smem:$0x3F9A] =	sst s0  }
0x9: {  	[smem:$0x3F9B] =	sst s1  }
0xa: {  	[smem:$0x3F9C] =	sst s2  }
0xb: {  	[smem:$0x3F9D] =	sst s3  }
0xc: {  	[smem:$0x3F9E] =	sst s4  }
0xd: {  	[smem:$0x3F9F] =	sst s5  }
0xe: {  	[smem:$0x3FA0] =	sst s6  }
0xf: {  	[smem:$0x3FA1] =	sst s7  }
0x10: {  	[smem:$0x3FA2] =	sst s8  }
0x11: {  	[smem:$0x3FA3] =	sst s9;
	s0 =	simm.s32 @!p0 $0x0  }
0x12: {  	s1 =	sld [smem:$0x3F89];
	s0 =	simm.s32 @p0 $0x1  }
0x13: {  	[smem:$0x3FA4] =	sst s0;
	s0 =	simm.s32 @!p1 $0x0  }
0x14: {  	s2 =	sld [smem:$0x3F88];
	s0 =	simm.s32 @p1 $0x1  }
0x15: {  	[smem:$0x3FA5] =	sst s0;
	s0 =	simm.s32 @!p2 $0x0  }
0x16: {  	s3 =	sld [smem:$0x3FDB];
	s0 =	simm.s32 @p2 $0x1  }
0x17: {  	s4 =	simm.s32 $0x1BF5;
	[smem:$0x3FA7] =	sst s0  }
0x18: {  	s0 =	sld [smem:$0x3F8A];
	_ =	swait.ge [sflag:s4], $0x0  }
0x19: {  	s7 =	sld [smem:$0x3F8B]  }
0x1a: {  	s8 =	sadd.s32 $0xFFFFE003, lr  }
0x1b: {  	s9 =	sadd.s32 $0xFFFFFEF7, lr;
	s5 =	simm.s32 $0xFFFFFFFF;
	p2 =	slt.u32 s8, $0xFFFFF086  }
0x1c: {  	p1 =	slt.u32 s9, $0xF7A;
	s5 =	simm.s32 @!p2 $0x0  }
0x1d: {  	s5 =	simm.s32 @p1 $0x1;
	p0 =	seq.s32 s7, s2  }
0x1e: {  	s7 =	smul.u32 @!p0 $0xF7A, s2;
	p2 =	seq.s32 @!p0 s5, $0x0  }
0x1f: {  	s9 =	smul.u32 $0xF7A, s1;
	s8 =	simm.s32 @!p0 $0x1BF5;
	p2 =	por !p2, p0  }
0x20: {  	[sflag:s8] =	ssyncset.s32 @!p0 $0xFFFFF086;
	s6 =	sadd.s32 @!p0 s3, s7;
	s7 =	simm.s32 @!p0 $0x108  }
0x21: {  	s3 =	sadd.s32 s3, s9;
	s6 =	sadd.s32 @!p0 $0x88, s6;
	s7 =	simm.s32 @p2 $0x1082  }
0x22: {  	[simem:s7], [sflag:s8] =	dma.local @!p0 [hbm:s6], $0xF7A  }
0x23: {  	s9 =	sor.u32 $0xD0000000, s2;
	s6 =	simm.s32 $0x108;
	_ =	swait.ge @!p0 [sflag:s8], $0x0  }
0x24: {  	s3 =	sadd.s32 $0x88, s3;
	s6 =	simm.s32 @!p1 $0x1082;
	[sflag:s4] =	ssyncset.s32 $0xFFFFF086  }
0x25: {  	[simem:s6], [sflag:s4] =	dma.local [hbm:s3], $0xF7A  }
0x26: {  	[smem:$0x3F8B] =	sst s1;
	(tag) =	ssettag s2;
	_ =	strace s9  }
0x27: {  	s1 =	sld [smem:$0x3F9B]  }
0x28: {  	s2 =	sld [smem:$0x3F9C]  }
0x29: {  	s4 =	sld [smem:$0x3F9E]  }
0x2a: {  	p0 =	seq.s32 s5, $0x0;
	s5 =	sld [smem:$0x3F9F]  }
0x2b: {  	s6 =	sld [smem:$0x3FA0]  }
0x2c: {  	s7 =	sld [smem:$0x3FA1]  }
0x2d: {  	s3 =	simm.s32 $0x108;
	s8 =	sld [smem:$0x3FA2]  }
0x2e: {  	s3 =	simm.s32 @!p0 $0x1082;
	s9 =	sld [smem:$0x3FA3]  }
0x2f: {  	lr =	sadd.s32 s0, s3;
	s0 =	sld [smem:$0x3F9A]  }
0x30: {  	s3 =	sld [smem:$0x3F9D]  }
0x31: {  	[smem:$0x3FA6] =	sst s10  }
0x32: {  	s10 =	sld [smem:$0x3FA4];
	_ =	sdelay $0x3  }
0x33: {  	p0 =	seq.s32 s10, $0x1;
	s10 =	sld [smem:$0x3FA6];
	_ =	sdelay $0x3  }
0x34: {  	[smem:$0x3FA6] =	sst s10  }
0x35: {  	s10 =	sld [smem:$0x3FA5];
	_ =	sdelay $0x3  }
0x36: {  	p1 =	seq.s32 s10, $0x1;
	s10 =	sld [smem:$0x3FA6];
	_ =	sdelay $0x3  }
0x37: {  	[smem:$0x3FA6] =	sst s10  }
0x38: {  	s10 =	sld [smem:$0x3FA7]  }
0x39: {  	_ = 	snop;
	(pc) =	sbr.ind lr, $3  }
0x3a: {  	_ = 	snop  }
0x3b: {  	_ = 	snop  }
0x3c: {  	p2 =	seq.s32 s10, $0x1;
	s10 =	sld [smem:$0x3FA6]  }
0x3d: {  	_ =	shalt  }
0x3e: {  	_ =	shalt  }
0x3f: {  	_ =	shalt  }
0x40: {  	_ =	shalt  }
0x41: {  	_ =	shalt  }
0x42: {  	_ =	shalt  }
0x43: {  	_ =	shalt  }
0x44: {  	_ =	shalt  }
0x45: {  	_ =	shalt  }
0x46: {  	_ =	shalt  }
0x47: {  	_ =	shalt  }
0x48: {  	_ =	shalt  }
0x49: {  	_ =	shalt  }
0x4a: {  	_ =	shalt  }
0x4b: {  	_ =	shalt  }
0x4c: {  	_ =	shalt  }
0x4d: {  	_ =	shalt  }
0x4e: {  	_ =	shalt  }
0x4f: {  	_ =	shalt  }
0x50: {  	_ =	shalt  }
0x51: {  	_ =	shalt  }
0x52: {  	_ =	shalt  }
0x53: {  	_ =	shalt  }
0x54: {  	_ =	shalt  }
0x55: {  	_ =	shalt  }
0x56: {  	_ =	shalt  }
0x57: {  	_ =	shalt  }
0x58: {  	_ =	shalt  }
0x59: {  	_ =	shalt  }
0x5a: {  	_ =	shalt  }
0x5b: {  	_ =	shalt  }
0x5c: {  	_ =	shalt  }
0x5d: {  	_ =	shalt  }
0x5e: {  	_ =	shalt  }
0x5f: {  	_ =	shalt  }
0x60: {  	_ =	shalt  }
0x61: {  	_ =	shalt  }
0x62: {  	_ =	shalt  }
0x63: {  	_ =	shalt  }
0x64: {  	_ =	shalt  }
0x65: {  	_ =	shalt  }
0x66: {  	_ =	shalt  }
0x67: {  	_ =	shalt  }
0x68: {  	_ =	shalt  }
0x69: {  	_ =	shalt  }
0x6a: {  	_ =	shalt  }
0x6b: {  	_ =	shalt  }
0x6c: {  	_ =	shalt  }
0x6d: {  	_ =	shalt  }
0x6e: {  	_ =	shalt  }
0x6f: {  	_ =	shalt  }
0x70: {  	_ =	shalt  }
0x71: {  	_ =	shalt  }
0x72: {  	_ =	shalt  }
0x73: {  	_ =	shalt  }
0x74: {  	_ =	shalt  }
0x75: {  	_ =	shalt  }
0x76: {  	_ =	shalt  }
0x77: {  	_ =	shalt  }
0x78: {  	_ =	shalt  }
0x79: {  	_ =	shalt  }
0x7a: {  	_ =	shalt  }
0x7b: {  	_ =	shalt  }
0x7c: {  	_ =	shalt  }
0x7d: {  	_ =	shalt  }
0x7e: {  	_ =	shalt  }
0x7f: {  	_ =	shalt  }
0x80: {  	_ =	shalt  }
0x81: {  	_ =	shalt  }
0x82: {  	_ =	shalt  }
0x83: {  	_ =	shalt  }
0x84: {  	_ =	shalt  }
0x85: {  	_ =	shalt  }
0x86: {  	_ =	shalt  }
0x87: {  	_ =	shalt  }
.Lfunc_end0:
.L_simem_size_0:
called_computation.1_lowered:
.L_overlay_start_0:
0x88: {  	s2 =	sld [smem:$0x3FD9]  }
0x89: {  	s3 =	sld [smem:$0x3FFE];
	_ =	sdelay $0x1  }
0x8a: {  	s1 =	srdreg.scid  }
0x8b: {  	s0 =	sand.u32 $0x1, s1  }
0x8c: {  	s15 =	sshll.u32 s0, $0xA;
	s2 =	sadd.s32 s3, s2  }
0x8d: {  	s2 =	sadd.s32 s2, s15  }
0x8e: {  	[smem:$0x3FB2] =	sst s2  }
0x8f: {  	_ = 	snop  }
0x90: {  	s4 =	sld [smem:$0x3FD0];
	_ =	sdelay $0x1  }
0x91: {  	s2 =	sld [smem:$0x3FC8]  }
0x92: {  	s5 =	simm.s32 $0xB;
	s6 =	simm.s32 $0x10;
	s16 =	sld [smem:$0x3FC7]  }
0x93: {  	[smem:s6], [sflag:s5] =	dma.local [hbm:s4], $0x1  }
0x94: {  	_ =	swait.eq [sflag:s5], $0x1  }
0x95: {  	[sflag:s5] =	ssyncset.done $0x0  }
0x96: {  	[sflag:s5] =	ssyncadd.s32 $0xFFFFFFFF  }
0x97: {  	s17 =	sld [smem:$0x10];
	(tm) =	ssettm $0x1  }
0x98: {  	s18 =	sld [smem:$0x3FFB];
	_ =	sdelay $0x3  }
0x99: {  	_ =	strace s18  }
0x9a: {  	s4 =	sld [smem:$0x3FFC];
	_ =	sdelay $0x3  }
0x9b: {  	_ =	strace s4  }
0x9c: {  	s4 =	sld [smem:$0x3FFD];
	_ =	sdelay $0x3  }
0x9d: {  	_ =	strace s4  }
0x9e: {  	_ =	strace $0x8FFFFFFF  }
0x9f: {  	s19 =	sld [smem:$0x3FDB];
	_ =	sdelay $0x1  }
0xa0: {  	s20 =	simm.s32 $_scs_section_size  }
0xa1: {  	s7 =	simm.s32 $_size__tile_overlayer_lowered;
	s8 =	simm.s32 $_tile_overlayer_lowered  }
0xa2: {  	s9 =	simm.s32 $0x1BFF;
	s21 =	sshll.u32 s8, $0x1;
	s6 =	sadd.s32 s20, s19  }
0xa3: {  	s22 =	simm.s32 $0x0;
	s7 =	sshll.u32 s7, $0x1;
	s8 =	sadd.s32 s21, s6  }
0xa4: {  	[timem:s22], [sflag:s9] =	dma.local [hbm:s8], s7  }
0xa5: {  	_ =	swait.ge [sflag:s9], s7  }
0xa6: {  	s7 =	ssub.s32 $0x0, s7;
	[sflag:s9] =	ssyncset.done $0x0  }
0xa7: {  	[sflag:s9] =	ssyncadd.s32 s7;
	_ =	sdelay $0x1  }
0xa8: {  	s23 =	simm.s32 $0x1B8B  }
0xa9: {  	_ =	swait.ge [sflag:s23], $0x1  }
0xaa: {  	[sflag:s23] =	ssyncset.done $0x0  }
0xab: {  	[sflag:s23] =	ssyncadd.s32 $0xFFFFFFFF  }
0xac: {  	s7 =	sld [smem:$0x0]  }
0xad: {  	s8 =	sand.u32 $0xFFFFFFFE, s1  }
0xae: {  	p0 =	sne.s32 s1, s8  }
0xaf: {  	s8 =	sshll.u32 @p0 s8, $0xE  }
0xb0: {  	s8 =	sadd.s32 @p0 $0x11B8D, s8;
	s9 =	sshll.u32 @p0 s7, $0x11  }
0xb1: {  	s8 =	sor.u32 @p0 s9, s8  }
0xb2: {  	[sflag:s8] =	ssyncadd.remote.s32 @p0 $0x1;
	_ =	sdelay $0x1  }
0xb3: {  	s8 =	simm.s32 @p0 $0x1B8D  }
0xb4: {  	_ =	swait.eq @p0 [sflag:s8], $0x1  }
0xb5: {  	[sflag:s8] =	ssyncadd.s32 @p0 $0xFFFFFFFF  }
0xb6: {  	s9 =	sshll.u32 @!p0 s1, $0xE  }
0xb7: {  	s9 =	sor.u32 @!p0 $0x4000, s9;
	s8 =	simm.s32 @!p0 $0x1B8D  }
0xb8: {  	s7 =	sshll.u32 @!p0 s7, $0x11;
	s9 =	sadd.s32 @!p0 $0x11B8D, s9;
	_ =	swait.eq @!p0 [sflag:s8], $0x1  }
0xb9: {  	s7 =	sor.u32 @!p0 s7, s9;
	[sflag:s8] =	ssyncadd.s32 @!p0 $0xFFFFFFFF  }
0xba: {  	s25 =	simm.s32 $0x1B8E;
	s24 =	sld [smem:$0x3FFE];
	[sflag:s7] =	ssyncadd.remote.s32 @!p0 $0x1  }
0xbb: {  	s26 =	simm.s32 $execute0_lowered;
	[smem:$0x3FD2] =	sst s25  }
0xbc: {  	s8 =	sshll.u32 s26, $0x1;
	_ =	strace $0x80000049;
	[dreg:$0x1] =	wrdreg $0xFFFFFFFF  }
0xbd: {  	s28 =	simm.s32 $_size_execute0_lowered;
	s6 =	sadd.s32 s6, s8;
	[dreg:$0x0] =	wrdreg $0x0  }
0xbe: {  	s8 =	sshll.u32 s28, $0x1;
	[dreg:$0x2] =	wrdreg s6  }
0xbf: {  	[dreg:$0x3] =	wrdreg s8  }
0xc0: {  	[dreg:$0x4] =	wrdreg $0xC0  }
0xc1: {  	_ =	task [dreg:s22], $0x5FFFF  }
0xc2: {  	[dreg:$0x1] =	wrdreg $0xFFFFFFFF  }
0xc3: {  	[dreg:$0x0] =	wrdreg $0x60  }
0xc4: {  	[dreg:$0x2] =	wrdreg s24  }
0xc5: {  	[dreg:$0x3] =	wrdreg s2  }
0xc6: {  	[dreg:$0x4] =	wrdreg s16  }
0xc7: {  	[dreg:$0x5] =	wrdreg s17  }
0xc8: {  	[dreg:$0x6] =	wrdreg $0xA  }
0xc9: {  	_ =	task.clear_ibuf [dreg:s22], $0x7FFFF;
	_ =	strace $0x90000049  }
0xca: {  	s29 =	simm.s32 $0xA;
	_ =	strace $0x8000004B  }
0xcb: {  	_ =	swait.ge [sflag:s29], $0x1  }
0xcc: {  	[sflag:s29] =	ssyncadd.s32 $0xFFFFFFFF  }
0xcd: {  	_ =	strace $0x9000004B  }
0xce: {  	_ =	sfence  }
0xcf: {  	s30 =	sld [smem:$0x0];
	_ =	sdelay $0x2  }
0xd0: {  	s31 =	sshll.u32 s1, $0xD;
	s1 =	sshrl.u32 s1, $0x2  }
0xd1: {  	s3 =	sand.u32 $0x4000, s31;
	s1 =	sadd.s32 s1, s30  }
0xd2: {  	s0 =	sor.u32 s3, s0;
	s1 =	sshll.u32 s1, $0x11  }
0xd3: {  	s0 =	sor.u32 s1, s0  }
0xd4: {  	s0 =	sadd.s32 $0x8F2B, s0  }
0xd5: {  	[sflag:s0] =	ssyncadd.remote.s32 $0x1  }
0xd6: {  	_ =	sfence.sel $0xFFFF  }
0xd7: {  	[dreg:$0x0] =	wrdreg $0xFFFFFFFF;
	(pc) =	sbr.abs _section_cstart, $3  }
0xd8: {  	[dreg:$0x1] =	wrdreg $0xFFFFFFFF  }
0xd9: {  	_ =	task.clear_ibuf [dreg:s22], $0x2FFFF;
	_ =	strace $0x9FFFFFFF  }
0xda: {  	(tm) =	ssettm $0x7FFFFFFF  }
0xdb: {  	_ =	shalt  }
tec
execute0_lowered:
.L_overlay_start_1:
0x0: {  	(tag) =	ssettag $0x1  }
0x1: {  	s0 =	rddreg [dreg:$0x0]  }
0x2: {  	s7 =	rddreg [dreg:$0x1]  }
0x3: {  	s4 =	rddreg [dreg:$0x3];
	s1 =	srdreg.scid  }
0x4: {  	s2 =	stileid.u32;
	s5 =	simm.s32 $0x0;
	s16 =	simm.s32 $0x80  }
0x5: {  	s17 =	simm.s32 $0x100;
	s18 =	simm.s32 $0x7;
	s21 =	simm.s32 $0x1800  }
0x6: {  	s22 =	simm.s32 $0x6800;
	s23 =	simm.s32 $0x1;
	s24 =	simm.s32 $0x3  }
0x7: {  	s25 =	simm.s32 $0x4000;
	s28 =	simm.s32 $0x2;
	s29 =	simm.s32 $0x4  }
0x8: {  	s30 =	simm.s32 $0x5;
	s1 =	sand.u32 $0x1, s1;
	s2 =	sshll.u32 s2, $0x1  }
0x9: {  	s31 =	simm.s32 $0x6;
	[smem:$0x7FF] =	sst s5;
	s2 =	sor.u32 s1, s2  }
0xa: {  	s12 =	sadd.s32 $0xA3C00, s0;
	s1 =	ssub.s32 $0x2, s1;
	s3 =	smul.u32 $0xA000, s2  }
0xb: {  	s0 =	sadd.s32 $0x11BC00, s0;
	s6 =	sshrl.u32 s1, $0x1;
	s2 =	smul.u32 $0x1400, s2  }
0xc: {  	_ =	strace $0x8000004A;
	s1 =	ssub.s32 s1, s6;
	s6 =	sadd.s32 $0x10, s7  }
0xd: {  	s3 =	sshrl.u32 s3, $0x3;
	s7 =	sadd.s32 s12, s2;
	s9 =	sadd.s32 s0, s2  }
0xe: {  	s15 =	smax.u32 s1, $0x1;
	s11 =	sadd.s32 $0x500, s3;
	s13 =	sadd.s32 $0xA00, s3  }
0xf: {  	s26 =	sadd.s32 $0xF00, s3;
	s8 =	sadd.s32 s12, s11;
	s10 =	sadd.s32 s12, s13  }
0x10: {  	v0 =	vlaneseq.u32;
	s11 =	sadd.s32 s0, s11;
	s12 =	sadd.s32 s12, s26;
	s13 =	sadd.s32 s0, s13  }
0x11: {  	v0 =	vor.u32 $0x50, v0;
	s14 =	sadd.s32 s0, s26;
	s26 =	simm.s32 $0x9000;
	s0 =	simm.s32 $0x0  }
.LBB2_1:
0x12: {  	s1 =	rddreg [dreg:$0x1]  }
0x13: {  	[tilespmem:s5], [sflag:$0x7] =	stream.strided.gather [hbm4b:s1+s16], $0x800, s17, s16, $0x38;
	[tilespmem:$0xB800] =	vst v63  }
0x14: {  	_ =	swait.ge [sflag:s18], $0x800  }
0x15: {  	[sflag:s18] =	ssyncset.done $0x0  }
0x16: {  	s3 =	simm.s32 $0x800;
	[sflag:s18] =	ssyncadd.s32 $0xFFFFF800  }
0x17: {  	[tilespmem:s3], [sflag:$0x7] =	stream.strided.gather [hbm4b:s6+s16], $0x800, s17, s16, $0x38;
	[tilespmem:$0xB800] =	vst v63  }
0x18: {  	_ =	swait.ge [sflag:s18], $0x800  }
0x19: {  	[sflag:s18] =	ssyncset.done $0x0  }
0x1a: {  	[sflag:s18] =	ssyncadd.s32 $0xFFFFF800  }
0x1b: {  	s2 =	simm.s32 $0x1000;
	s19 =	rddreg [dreg:$0x2]  }
0x1c: {  	[tilespmem:s2], [sflag:$0x7] =	stream.linear.gather [hbm4b:s19+s5], $0x800, $0x38;
	[tilespmem:$0xB800] =	vst v63  }
0x1d: {  	_ =	swait.ge [sflag:s18], $0x800  }
0x1e: {  	[sflag:s18] =	ssyncset.done $0x0  }
0x1f: {  	s20 =	simm.s32 $0x840;
	[sflag:s18] =	ssyncadd.s32 $0xFFFFF800  }
0x20: {  	s2 =	simm.s32 $0x40;
	v1 =	vld [tilespmem:s20+$0x30]  }
0x21: {  	v2 =	vld [tilespmem:s2+$0x30]  }
0x22: {  	v3 =	vld [tilespmem:s20+$0xFFFFFFD0]  }
0x23: {  	v4 =	vld [tilespmem:s20+$0xFFFFFFE0]  }
0x24: {  	v9 =	vld [tilespmem:s20+$0xFFFFFFF0]  }
0x25: {  	v10 =	vld [tilespmem:s20+$0x0]  }
0x26: {  	v11 =	vld [tilespmem:s20+$0x10]  }
0x27: {  	v12 =	vld [tilespmem:s20+$0x20]  }
0x28: {  	v7 =	vld [tilespmem:s20+$0xFFFFFFC0]  }
0x29: {  	v13 =	vld [tilespmem:s2+$0xFFFFFFC0]  }
0x2a: {  	v14 =	vld [tilespmem:s2+$0xFFFFFFD0]  }
0x2b: {  	v8 =	vld [tilespmem:s2+$0xFFFFFFE0]  }
0x2c: {  	v6 =	vld [tilespmem:s2+$0xFFFFFFF0];
	v1 =	vshll.u32 v1, $0x7;
	v15 =	vshll.u32 v3, $0x7  }
0x2d: {  	v5 =	vshll.u32 v4, $0x7;
	v3 =	vshll.u32 v7, $0x7;
	v7 =	vld [tilespmem:s2+$0x0];
	v1 =	vadd.s32 v2, v1  }
0x2e: {  	v4 =	vshll.u32 v9, $0x7;
	v9 =	vld [tilespmem:s2+$0x10];
	v2 =	vshll.u32 v10, $0x7;
	v10 =	vadd.s32 v13, v3;
	[tilespmem:s2+$0x30] =	vst v1  }
0x2f: {  	s3 =	simm.s32 $0x0;
	s19 =	simm.s32 $0x8C0;
	s20 =	simm.s32 $0x40;
	v3 =	vshll.u32 v11, $0x7;
	v11 =	vadd.s32 v14, v15;
	v1 =	vshll.u32 v12, $0x7;
	[tilespmem:s2+$0xFFFFFFC0] =	vst v10;
	v10 =	vld [tilespmem:s2+$0x20]  }
.LBB2_2:
0x30: {  	v12 =	vld [tilespmem:s19+$0x30];
	s3 =	sadd.s32 $0x8, s3;
	[tilespmem:s2+$0xFFFFFFD0] =	vst v11;
	v5 =	vadd.s32 v8, v5;
	s20 =	sadd.s32 $0x80, s20  }
0x31: {  	v8 =	vld [tilespmem:s20+$0x30];
	p0 =	slt.u32 s3, $0x70;
	[tilespmem:s2+$0xFFFFFFE0] =	vst v5;
	v4 =	vadd.s32 v6, v4  }
0x32: {  	v5 =	vld [tilespmem:s19+$0xFFFFFFD0];
	[tilespmem:s2+$0xFFFFFFF0] =	vst v4;
	v2 =	vadd.s32 v7, v2  }
0x33: {  	v4 =	vld [tilespmem:s19+$0xFFFFFFE0];
	[tilespmem:s2+$0x0] =	vst v2;
	v2 =	vadd.s32 v9, v3  }
0x34: {  	v3 =	vld [tilespmem:s19+$0xFFFFFFF0];
	[tilespmem:s2+$0x10] =	vst v2;
	v1 =	vadd.s32 v10, v1  }
0x35: {  	v2 =	vld [tilespmem:s19+$0x0];
	v6 =	vshll.u32 v12, $0x7;
	[tilespmem:s2+$0x20] =	vst v1;
	s2 =	smov.u32 s20  }
0x36: {  	v1 =	vld [tilespmem:s19+$0x10];
	v6 =	vadd.s32 v8, v6  }
0x37: {  	s1 =	simm.s32 $0x0;
	v10 =	vshll.u32 v5, $0x7;
	v7 =	vld [tilespmem:s19+$0x20];
	[tilespmem:s20+$0x30] =	vst v6  }
0x38: {  	v9 =	vld [tilespmem:s19+$0xFFFFFFC0];
	v5 =	vshll.u32 v4, $0x7  }
0x39: {  	v11 =	vld [tilespmem:s20+$0xFFFFFFC0];
	v4 =	vshll.u32 v3, $0x7  }
0x3a: {  	v12 =	vld [tilespmem:s20+$0xFFFFFFD0];
	v2 =	vshll.u32 v2, $0x7  }
.Ltmp0:
0x3b: {  	v8 =	vld [tilespmem:s20+$0xFFFFFFE0];
	v3 =	vshll.u32 v1, $0x7;
	(pc) =	sbr.rel @p0 .LBB2_2-.Ltmp0, $4  }
0x3c: {  	v6 =	vld [tilespmem:s20+$0xFFFFFFF0];
	v1 =	vshll.u32 v7, $0x7  }
0x3d: {  	v9 =	vshll.u32 v9, $0x7;
	v7 =	vld [tilespmem:s20+$0x0]  }
0x3e: {  	v11 =	vadd.s32 v11, v9;
	v9 =	vld [tilespmem:s20+$0x10]  }
0x3f: {  	s19 =	sadd.s32 $0x80, s19;
	[tilespmem:s20+$0xFFFFFFC0] =	vst v11;
	v11 =	vadd.s32 v12, v10;
	v10 =	vld [tilespmem:s20+$0x20]  }
0x40: {  	[tilespmem:s2+$0xFFFFFFD0] =	vst v11;
	v5 =	vadd.s32 v8, v5  }
0x41: {  	[tilespmem:s2+$0xFFFFFFE0] =	vst v5;
	v4 =	vadd.s32 v6, v4  }
0x42: {  	[tilespmem:s2+$0xFFFFFFF0] =	vst v4;
	v2 =	vadd.s32 v7, v2  }
0x43: {  	[tilespmem:s2+$0x0] =	vst v2;
	v2 =	vadd.s32 v9, v3  }
0x44: {  	[tilespmem:s2+$0x10] =	vst v2;
	v1 =	vadd.s32 v10, v1  }
0x45: {  	[tilespmem:s2+$0x20] =	vst v1  }
.LBB2_4:
0x46: {  	s2 =	sshra.s32 s1, $0x2  }
0x47: {  	v1 =	vld [tilespmem:s2+$0xF80]  }
0x48: {  	v2 =	vld [tilespmem:s2+$0x780]  }
0x49: {  	p0 =	sne.s32 s1, $0x100  }
.Ltmp1:
0x4a: {  	_ = 	snop;
	(pc) =	sbr.rel @p0 .LBB2_4-.Ltmp1, $4  }
0x4b: {  	_ = 	snop  }
0x4c: {  	v1 =	vshll.u32 v1, $0x7  }
0x4d: {  	v1 =	vadd.s32 v2, v1  }
0x4e: {  	s1 =	sadd.s32 $0x40, s1;
	[tilespmem:s2+$0x780] =	vst v1  }
0x4f: {  	[tilespmem:s21], [sflag:$0x1] =	stream.linear.gather [hbm4b:s7+s5], $0x2800, $0x38;
	[tilespmem:$0xB800] =	vst v63  }
0x50: {  	_ = 	snop  }
0x51: {  	[tilespmem:s22], [sflag:$0x3] =	stream.linear.gather [hbm4b:s4+s5], $0x2800, $0x38;
	[tilespmem:$0xB800] =	vst v63  }
0x52: {  	_ =	swait.ge [sflag:s23], $0x2800  }
0x53: {  	[sflag:s23] =	ssyncset.done $0x0  }
0x54: {  	[sflag:s23] =	ssyncadd.s32 $0xFFFFD800  }
0x55: {  	_ =	swait.ge [sflag:s24], $0x2800  }
0x56: {  	[sflag:s24] =	ssyncset.done $0x0  }
0x57: {  	[sflag:s24] =	ssyncadd.s32 $0xFFFFD800  }
0x58: {  	[tilespmem:s25], [sflag:$0x2] =	stream.linear.gather [hbm4b:s8+s5], $0x2800, $0x38;
	[tilespmem:$0xB800] =	vst v63  }
0x59: {  	s1 =	simm.s32 $0x40  }
0x5a: {  	[tilespmem:s26], [sflag:$0x4] =	stream.linear.gather [hbm4b:s4+s5], $0x2800, $0x38;
	[tilespmem:$0xB800] =	vst v63  }
0x5b: {  	v2 =	vld [tilespmem:s1+$0x10]  }
0x5c: {  	v10 =	vld [tilespmem:s1+$0xFFFFFFE0]  }
0x5d: {  	v11 =	vld [tilespmem:s1+$0xFFFFFFF0]  }
0x5e: {  	v12 =	vld [tilespmem:s1+$0xFFFFFFC0]  }
0x5f: {  	s2 =	simm.s32 $0x1040;
	v3 =	vld [tilespmem:s1+$0x20]  }
0x60: {  	v6 =	vld [tilespmem:s2+$0x30]  }
0x61: {  	v9 =	vld [tilespmem:s1+$0x30]  }
0x62: {  	v7 =	vld [tilespmem:s2+$0xFFFFFFE0];
	v16 =	vand.u32 $0xFFFFFF80, v10  }
0x63: {  	v1 =	vld [tilespmem:s1+$0xFFFFFFD0];
	v13 =	vor.u32 $0x50, v16  }
0x64: {  	v14 =	vld [tilespmem:s2+$0xFFFFFFC0];
	v20 =	vand.u32 $0xFFFFFF80, v12  }
0x65: {  	v4 =	vld [tilespmem:s2+$0xFFFFFFF0];
	v5 =	vand.u32 $0xFFFFFF80, v11;
	v18 =	vor.u32 $0x50, v20  }
0x66: {  	v17 =	vor.u32 $0x50, v5;
	v26 =	vld.idx.msk [tilespmem:v10+s21+$0x0], $0xffff  }
0x67: {  	v19 =	vand.u32 $0xFFFFFF80, v9;
	v24 =	vld.idx.msk [tilespmem:v12+s21+$0x0], $0xffff  }
0x68: {  	v22 =	vld.idx.msk [tilespmem:v13+s21+$0x0], $0xffff;
	v13 =	vor.u32 $0x50, v19  }
0x69: {  	v8 =	vand.u32 $0xFFFFFF80, v3;
	v30 =	vld.idx.msk [tilespmem:v9+s21+$0x0], $0xffff  }
0x6a: {  	v15 =	vand.u32 $0xFFFFFF80, v1;
	v21 =	vor.u32 $0x50, v8;
	v23 =	vld.idx.msk [tilespmem:v18+s21+$0x0], $0xffff  }
0x6b: {  	v27 =	vld.idx.msk [tilespmem:v17+s21+$0x0], $0xffff;
	v17 =	vor.u32 $0x50, v15  }
0x6c: {  	v32 =	vld.idx.msk [tilespmem:v1+s21+$0x0], $0xffff  }
0x6d: {  	v28 =	vld.idx.msk [tilespmem:v13+s21+$0x0], $0xffff  }
0x6e: {  	v13 =	vld [tilespmem:s1+$0x0]  }
0x6f: {  	v25 =	vld.idx.msk [tilespmem:v21+s21+$0x0], $0xffff;
	v33 =	vmul.f32 v23, v14  }
0x70: {  	v29 =	vld.idx.msk [tilespmem:v17+s21+$0x0], $0xffff;
	v17 =	vand.u32 $0xFFFFFF80, v2  }
0x71: {  	v18 =	vld [tilespmem:s2+$0xFFFFFFD0];
	v31 =	vor.u32 $0x50, v17;
	v33 =	vadd.f32 v33, v24  }
0x72: {  	v21 =	vld [tilespmem:s2+$0x20];
	v34 =	vmul.f32 v22, v7  }
0x73: {  	v22 =	vld [tilespmem:s2+$0x0];
	v33 =	vmul.f32 $1.442695020e+00, v33;
	v23 =	vand.u32 $0xFFFFFF80, v13  }
0x74: {  	v24 =	vld [tilespmem:s2+$0x10];
	v34 =	vadd.f32 v34, v26;
	v28 =	vmul.f32 v28, v6;
	v35 =	vor.u32 $0x50, v23  }
0x75: {  	v26 =	vld.idx.msk [tilespmem:v2+s21+$0x0], $0xffff;
	(erf) = vpow2.f32 v33  }
0x76: {  	v34 =	vmul.f32 $1.442695020e+00, v34;
	v29 =	vmul.f32 v29, v18;
	v31 =	vld.idx.msk [tilespmem:v31+s21+$0x0], $0xffff;
	v28 =	vadd.f32 v28, v30  }
0x77: {  	v30 =	vld.idx.msk [tilespmem:v11+s21+$0x0], $0xffff  }
0x78: {  	v33 =	vld.idx.msk [tilespmem:v3+s21+$0x0], $0xffff;
	v63 =	vadd.f32 v29, v32;
	(erf) = vpow2.f32 v34;
	v36 =	vmul.f32 $1.442695020e+00, v28  }
0x79: {  	v27 =	vmul.f32 v27, v4;
	v32 =	vld.idx.msk [tilespmem:v35+s21+$0x0], $0xffff  }
0x7a: {  	s3 =	simm.s32 $0x0;
	s19 =	simm.s32 $0xC0;
	v29 =	vld.idx.msk [tilespmem:v13+s21+$0x0], $0xffff;
	v28 =	vmul.f32 $1.442695020e+00, v63;
	(erf) = vpow2.f32 v36  }
.LBB2_6:
0x7b: {  	v34 =	vld [tilespmem:s19+$0x10];
	s3 =	sadd.s32 $0x8, s3;
	s2 =	sadd.s32 $0x80, s2  }
0x7c: {  	v27 =	vadd.f32 v27, v30;
	v35 =	vld [tilespmem:s2+$0x30];
	p0 =	slt.u32 s3, $0x70  }
0x7d: {  	v31 =	vmul.f32 v31, v24;
	v30 =	vld [tilespmem:s2+$0xFFFFFFE0]  }
0x7e: {  	v25 =	vmul.f32 v25, v21;
	v40 =	vmul.f32 v32, v22;
	v36 =	vld [tilespmem:s2+$0xFFFFFFC0];
	v37 =	vpop (erf)  }
0x7f: {  	v26 =	vadd.f32 v31, v26;
	v38 =	vld [tilespmem:s2+$0xFFFFFFF0];
	v39 =	vmul.f32 v37, v14;
	v14 =	vmul.f32 $1.442695020e+00, v27  }
0x80: {  	v29 =	vadd.f32 v40, v29;
	v25 =	vadd.f32 v25, v33;
	v27 =	vld [tilespmem:s19+$0x20]  }
0x81: {  	v40 =	vmul.f32 $1.442695020e+00, v26;
	v31 =	vld [tilespmem:s19+$0x30];
	v32 =	vpop (erf);
	(erf) = vpow2.f32 v14  }
0x82: {  	v41 =	vmul.f32 $1.442695020e+00, v25;
	v33 =	vld [tilespmem:s19+$0xFFFFFFD0];
	(erf) = vpow2.f32 v28  }
0x83: {  	v19 =	vor.u32 v0, v19;
	v25 =	vmul.f32 $1.442695020e+00, v29;
	[tilespmem:v10+s22+$0x0] =	vst.idx.add.f32.msk $0xffff, v32;
	(erf) = vpow2.f32 v40;
	v26 =	vpop (erf)  }
0x84: {  	v14 =	vmov v36;
	v10 =	vld [tilespmem:s19+$0xFFFFFFE0];
	(erf) = vpow2.f32 v41  }
0x85: {  	v16 =	vor.u32 v0, v16;
	[tilespmem:v12+s22+$0x0] =	vst.idx.add.f32.msk $0xffff, v37;
	(erf) = vpow2.f32 v25  }
0x86: {  	v20 =	vor.u32 v0, v20;
	v12 =	vmul.f32 v26, v6;
	v6 =	vmov v35;
	[tilespmem:v9+s22+$0x0] =	vst.idx.add.f32.msk $0xffff, v26  }
0x87: {  	v9 =	vmov v31;
	v25 =	vand.u32 $0xFFFFFF80, v33;
	v26 =	vld [tilespmem:s19+$0xFFFFFFF0]  }
0x88: {  	v28 =	vmul.f32 v32, v7;
	v7 =	vmov v30;
	[tilespmem:v19+s22+$0x0] =	vst.idx.add.f32.msk $0xffff, v12  }
0x89: {  	v29 =	vand.u32 $0xFFFFFF80, v34;
	v12 =	vld [tilespmem:s19+$0xFFFFFFC0]  }
0x8a: {  	v30 =	vor.u32 v0, v15;
	v15 =	vor.u32 v0, v17;
	v31 =	vor.u32 $0x50, v29;
	[tilespmem:v16+s22+$0x0] =	vst.idx.add.f32.msk $0xffff, v28;
	v17 =	vpop (erf)  }
0x8b: {  	v28 =	vor.u32 v0, v5;
	[tilespmem:v20+s22+$0x0] =	vst.idx.add.f32.msk $0xffff, v39;
	v20 =	vmul.f32 v17, v4;
	v32 =	vpop (erf);
	v4 =	vmov v38  }
0x8c: {  	v19 =	vand.u32 $0xFFFFFF80, v9;
	v16 =	vand.u32 $0xFFFFFF80, v10;
	v5 =	vand.u32 $0xFFFFFF80, v26;
	[tilespmem:v11+s22+$0x0] =	vst.idx.add.f32.msk $0xffff, v17;
	v11 =	vpop (erf)  }
0x8d: {  	v35 =	vor.u32 $0x50, v16;
	v18 =	vmul.f32 v32, v18;
	[tilespmem:v2+s22+$0x0] =	vst.idx.add.f32.msk $0xffff, v11;
	v36 =	vmul.f32 v11, v24;
	v2 =	vpop (erf)  }
0x8e: {  	v23 =	vor.u32 v0, v23;
	[tilespmem:v3+s22+$0x0] =	vst.idx.add.f32.msk $0xffff, v2;
	v21 =	vmul.f32 v2, v21;
	v24 =	vpop (erf);
	v2 =	vmov v34  }
0x8f: {  	v34 =	vor.u32 v0, v8;
	v3 =	vmov v27;
	v22 =	vmul.f32 v24, v22;
	[tilespmem:v15+s22+$0x0] =	vst.idx.add.f32.msk $0xffff, v36  }
0x90: {  	v17 =	vmovc v29;
	v11 =	vmov v26;
	v15 =	vmov v25;
	[tilespmem:v1+s22+$0x0] =	vst.idx.add.f32.msk $0xffff, v32;
	v1 =	vmov v33  }
0x91: {  	[tilespmem:v28+s22+$0x0] =	vst.idx.add.f32.msk $0xffff, v20  }
0x92: {  	v20 =	vand.u32 $0xFFFFFF80, v12;
	[tilespmem:v13+s22+$0x0] =	vst.idx.add.f32.msk $0xffff, v24  }
0x93: {  	v8 =	vand.u32 $0xFFFFFF80, v3;
	v13 =	vor.u32 $0x50, v5;
	[tilespmem:v23+s22+$0x0] =	vst.idx.add.f32.msk $0xffff, v22  }
0x94: {  	v22 =	vor.u32 $0x50, v20;
	[tilespmem:v34+s22+$0x0] =	vst.idx.add.f32.msk $0xffff, v21  }
0x95: {  	v21 =	vor.u32 $0x50, v8;
	[tilespmem:v30+s22+$0x0] =	vst.idx.add.f32.msk $0xffff, v18  }
0x96: {  	v18 =	vld.idx.msk [tilespmem:v10+s21+$0x0], $0xffff  }
0x97: {  	v24 =	vor.u32 $0x50, v19;
	v23 =	vld.idx.msk [tilespmem:v35+s21+$0x0], $0xffff  }
0x98: {  	v26 =	vld.idx.msk [tilespmem:v13+s21+$0x0], $0xffff  }
0x99: {  	v27 =	vor.u32 $0x50, v15;
	v22 =	vld.idx.msk [tilespmem:v22+s21+$0x0], $0xffff  }
0x9a: {  	v25 =	vld.idx.msk [tilespmem:v21+s21+$0x0], $0xffff  }
0x9b: {  	v21 =	vld.idx.msk [tilespmem:v12+s21+$0x0], $0xffff  }
0x9c: {  	v24 =	vld.idx.msk [tilespmem:v24+s21+$0x0], $0xffff  }
0x9d: {  	v23 =	vmul.f32 v23, v7;
	v13 =	vld [tilespmem:s19+$0x0]  }
0x9e: {  	v28 =	vld.idx.msk [tilespmem:v27+s21+$0x0], $0xffff;
	v27 =	vmul.f32 v26, v4  }
0x9f: {  	v22 =	vmul.f32 v22, v14;
	v23 =	vadd.f32 v23, v18;
	v29 =	vld.idx.msk [tilespmem:v9+s21+$0x0], $0xffff  }
0xa0: {  	v18 =	vld [tilespmem:s2+$0xFFFFFFD0]  }
0xa1: {  	v22 =	vadd.f32 v22, v21;
	v32 =	vld.idx.msk [tilespmem:v33+s21+$0x0], $0xffff;
	v33 =	vmul.f32 $1.442695020e+00, v23  }
0xa2: {  	v23 =	vand.u32 $0xFFFFFF80, v13;
	v21 =	vld [tilespmem:s2+$0x20]  }
0xa3: {  	v35 =	vmul.f32 v24, v6;
	v30 =	vmul.f32 $1.442695020e+00, v22;
	v22 =	vld [tilespmem:s2+$0x0];
	v34 =	vor.u32 $0x50, v23  }
0xa4: {  	v24 =	vld [tilespmem:s2+$0x10]  }
0xa5: {  	v29 =	vadd.f32 v35, v29;
	v28 =	vmul.f32 v28, v18;
	v26 =	vld.idx.msk [tilespmem:v2+s21+$0x0], $0xffff;
	(erf) = vpow2.f32 v30  }
.Ltmp2:
0xa6: {  	v30 =	vld.idx.msk [tilespmem:v11+s21+$0x0], $0xffff;
	(pc) =	sbr.rel @p0 .LBB2_6-.Ltmp2, $4  }
0xa7: {  	v35 =	vmul.f32 $1.442695020e+00, v29;
	v28 =	vadd.f32 v28, v32;
	v31 =	vld.idx.msk [tilespmem:v31+s21+$0x0], $0xffff  }
0xa8: {  	v32 =	vld.idx.msk [tilespmem:v34+s21+$0x0], $0xffff;
	(erf) = vpow2.f32 v33  }
0xa9: {  	v28 =	vmul.f32 $1.442695020e+00, v28;
	v29 =	vld.idx.msk [tilespmem:v13+s21+$0x0], $0xffff  }
0xaa: {  	s19 =	sadd.s32 $0x80, s19;
	v33 =	vld.idx.msk [tilespmem:v3+s21+$0x0], $0xffff;
	(erf) = vpow2.f32 v35  }
0xab: {  	_ = 	snop  }
0xac: {  	v27 =	vadd.f32 v27, v30;
	v48 =	vmul.f32 v31, v24;
	_ =	sdelay $0x1  }
0xad: {  	v27 =	vmul.f32 $1.442695020e+00, v27;
	v26 =	vadd.f32 v48, v26  }
0xae: {  	v25 =	vmul.f32 v25, v21;
	v49 =	vmul.f32 v32, v22  }
0xaf: {  	v20 =	vor.u32 v0, v20;
	(erf) = vpow2.f32 v27;
	v26 =	vmul.f32 $1.442695020e+00, v26  }
0xb0: {  	v25 =	vadd.f32 v25, v33;
	(erf) = vpow2.f32 v28  }
0xb1: {  	v51 =	vpop (erf);
	v50 =	vadd.f32 v49, v29;
	(erf) = vpow2.f32 v26  }
0xb2: {  	v16 =	vor.u32 v0, v16;
	v54 =	vmul.f32 v51, v14;
	v25 =	vmul.f32 $1.442695020e+00, v25  }
0xb3: {  	v19 =	vor.u32 v0, v19;
	[tilespmem:v12+s22+$0x0] =	vst.idx.add.f32.msk $0xffff, v51;
	v27 =	vmul.f32 $1.442695020e+00, v50  }
0xb4: {  	v52 =	vpop (erf);
	[tilespmem:v20+s22+$0x0] =	vst.idx.add.f32.msk $0xffff, v54;
	(erf) = vpow2.f32 v25  }
0xb5: {  	[tilespmem:v10+s22+$0x0] =	vst.idx.add.f32.msk $0xffff, v52;
	v7 =	vmul.f32 v52, v7;
	v53 =	vpop (erf);
	(erf) = vpow2.f32 v27  }
0xb6: {  	v6 =	vmul.f32 v53, v6;
	[tilespmem:v9+s22+$0x0] =	vst.idx.add.f32.msk $0xffff, v53  }
0xb7: {  	v61 =	vor.u32 v0, v15;
	[tilespmem:v16+s22+$0x0] =	vst.idx.add.f32.msk $0xffff, v7  }
0xb8: {  	v55 =	vor.u32 v0, v17;
	[tilespmem:v19+s22+$0x0] =	vst.idx.add.f32.msk $0xffff, v6;
	v56 =	vpop (erf)  }
0xb9: {  	v57 =	vpop (erf);
	[tilespmem:v11+s22+$0x0] =	vst.idx.add.f32.msk $0xffff, v56  }
0xba: {  	[tilespmem:v1+s22+$0x0] =	vst.idx.add.f32.msk $0xffff, v57;
	v63 =	vmul.f32 v57, v18;
	v58 =	vpop (erf)  }
0xbb: {  	v5 =	vor.u32 v0, v5;
	[tilespmem:v2+s22+$0x0] =	vst.idx.add.f32.msk $0xffff, v58;
	v2 =	vmul.f32 v58, v24  }
0xbc: {  	v60 =	vor.u32 v0, v23;
	[tilespmem:v61+s22+$0x0] =	vst.idx.add.f32.msk $0xffff, v63  }
0xbd: {  	v59 =	vpop (erf);
	[tilespmem:v55+s22+$0x0] =	vst.idx.add.f32.msk $0xffff, v2;
	v2 =	vor.u32 v0, v8  }
0xbe: {  	[tilespmem:v3+s22+$0x0] =	vst.idx.add.f32.msk $0xffff, v59;
	v3 =	vmul.f32 v56, v4;
	v62 =	vpop (erf)  }
0xbf: {  	v1 =	vmul.f32 v62, v22;
	[tilespmem:v13+s22+$0x0] =	vst.idx.add.f32.msk $0xffff, v62  }
0xc0: {  	[tilespmem:v5+s22+$0x0] =	vst.idx.add.f32.msk $0xffff, v3;
	v3 =	vmul.f32 v59, v21  }
0xc1: {  	[tilespmem:v60+s22+$0x0] =	vst.idx.add.f32.msk $0xffff, v1  }
0xc2: {  	s1 =	simm.s32 $0x0;
	[tilespmem:v2+s22+$0x0] =	vst.idx.add.f32.msk $0xffff, v3  }
.LBB2_8:
0xc3: {  	s2 =	sshra.s32 s1, $0x2  }
0xc4: {  	v1 =	vld [tilespmem:s2+$0x780];
	_ =	sdelay $0x4  }
0xc5: {  	v2 =	vand.u32 $0xFFFFFF80, v1  }
0xc6: {  	v3 =	vor.u32 $0x50, v2;
	_ =	sdelay $0x3  }
0xc7: {  	v4 =	vld [tilespmem:s2+$0x1780]  }
0xc8: {  	v3 =	vld.idx.msk [tilespmem:v3+s21+$0x0], $0xffff;
	_ =	sdelay $0x1  }
0xc9: {  	v5 =	vld.idx.msk [tilespmem:v1+s21+$0x0], $0xffff;
	_ =	sdelay $0x2  }
0xca: {  	v3 =	vmul.f32 v3, v4;
	_ =	sdelay $0x1  }
0xcb: {  	v3 =	vadd.f32 v3, v5;
	_ =	sdelay $0x1  }
0xcc: {  	v3 =	vmul.f32 $1.442695020e+00, v3;
	_ =	sdelay $0x1  }
0xcd: {  	(erf) = vpow2.f32 v3;
	_ =	sdelay $0x6  }
0xce: {  	p0 =	sne.s32 s1, $0x100;
	v2 =	vor.u32 v0, v2  }
.Ltmp3:
0xcf: {  	_ = 	snop;
	(pc) =	sbr.rel @p0 .LBB2_8-.Ltmp3, $4  }
0xd0: {  	v3 =	vpop (erf)  }
0xd1: {  	v4 =	vmul.f32 v3, v4  }
0xd2: {  	[tilespmem:v1+s22+$0x0] =	vst.idx.add.f32.msk $0xffff, v3  }
0xd3: {  	s1 =	sadd.s32 $0x40, s1;
	[tilespmem:v2+s22+$0x0] =	vst.idx.add.f32.msk $0xffff, v4  }
0xd4: {  	[hbm4b:s9+s5] =	stream.linear.scatter [tilespmem:s22], [sflag:$0x5], $0x2800, $0x38;
	[tilespmem:$0xB800] =	vst v63  }
0xd5: {  	_ =	swait.ge [sflag:s28], $0x2800  }
0xd6: {  	[sflag:s28] =	ssyncset.done $0x0  }
0xd7: {  	[sflag:s28] =	ssyncadd.s32 $0xFFFFD800  }
0xd8: {  	_ =	swait.ge [sflag:s29], $0x2800  }
0xd9: {  	[sflag:s29] =	ssyncset.done $0x0  }
0xda: {  	[sflag:s29] =	ssyncadd.s32 $0xFFFFD800  }
0xdb: {  	_ =	swait.ge [sflag:s30], $0x2800  }
0xdc: {  	[sflag:s30] =	ssyncset.done $0x0  }
0xdd: {  	[sflag:s30] =	ssyncadd.s32 $0xFFFFD800  }
0xde: {  	[tilespmem:s21], [sflag:$0x1] =	stream.linear.gather [hbm4b:s10+s5], $0x2800, $0x38;
	[tilespmem:$0xB800] =	vst v63  }
0xdf: {  	s1 =	simm.s32 $0x40  }
0xe0: {  	[tilespmem:s22], [sflag:$0x3] =	stream.linear.gather [hbm4b:s4+s5], $0x2800, $0x38;
	[tilespmem:$0xB800] =	vst v63  }
0xe1: {  	v2 =	vld [tilespmem:s1+$0x10]  }
0xe2: {  	v10 =	vld [tilespmem:s1+$0xFFFFFFE0]  }
0xe3: {  	v11 =	vld [tilespmem:s1+$0xFFFFFFF0]  }
0xe4: {  	v12 =	vld [tilespmem:s1+$0xFFFFFFC0]  }
0xe5: {  	s2 =	simm.s32 $0x1040;
	v3 =	vld [tilespmem:s1+$0x20]  }
0xe6: {  	v6 =	vld [tilespmem:s2+$0x30]  }
0xe7: {  	v9 =	vld [tilespmem:s1+$0x30]  }
0xe8: {  	v7 =	vld [tilespmem:s2+$0xFFFFFFE0];
	v16 =	vand.u32 $0xFFFFFF80, v10  }
0xe9: {  	v1 =	vld [tilespmem:s1+$0xFFFFFFD0];
	v13 =	vor.u32 $0x50, v16  }
0xea: {  	v14 =	vld [tilespmem:s2+$0xFFFFFFC0];
	v20 =	vand.u32 $0xFFFFFF80, v12  }
0xeb: {  	v4 =	vld [tilespmem:s2+$0xFFFFFFF0];
	v5 =	vand.u32 $0xFFFFFF80, v11;
	v18 =	vor.u32 $0x50, v20  }
0xec: {  	v17 =	vor.u32 $0x50, v5;
	v26 =	vld.idx.msk [tilespmem:v10+s25+$0x0], $0xffff  }
0xed: {  	v19 =	vand.u32 $0xFFFFFF80, v9;
	v24 =	vld.idx.msk [tilespmem:v12+s25+$0x0], $0xffff  }
0xee: {  	v22 =	vld.idx.msk [tilespmem:v13+s25+$0x0], $0xffff;
	v13 =	vor.u32 $0x50, v19  }
0xef: {  	v8 =	vand.u32 $0xFFFFFF80, v3;
	v30 =	vld.idx.msk [tilespmem:v9+s25+$0x0], $0xffff  }
0xf0: {  	v15 =	vand.u32 $0xFFFFFF80, v1;
	v21 =	vor.u32 $0x50, v8;
	v23 =	vld.idx.msk [tilespmem:v18+s25+$0x0], $0xffff  }
0xf1: {  	v27 =	vld.idx.msk [tilespmem:v17+s25+$0x0], $0xffff;
	v17 =	vor.u32 $0x50, v15  }
0xf2: {  	v32 =	vld.idx.msk [tilespmem:v1+s25+$0x0], $0xffff  }
0xf3: {  	v28 =	vld.idx.msk [tilespmem:v13+s25+$0x0], $0xffff  }
0xf4: {  	v13 =	vld [tilespmem:s1+$0x0]  }
0xf5: {  	v25 =	vld.idx.msk [tilespmem:v21+s25+$0x0], $0xffff;
	v33 =	vmul.f32 v23, v14  }
0xf6: {  	v29 =	vld.idx.msk [tilespmem:v17+s25+$0x0], $0xffff;
	v17 =	vand.u32 $0xFFFFFF80, v2  }
0xf7: {  	v18 =	vld [tilespmem:s2+$0xFFFFFFD0];
	v31 =	vor.u32 $0x50, v17;
	v33 =	vadd.f32 v33, v24  }
0xf8: {  	v21 =	vld [tilespmem:s2+$0x20];
	v34 =	vmul.f32 v22, v7  }
0xf9: {  	v22 =	vld [tilespmem:s2+$0x0];
	v33 =	vmul.f32 $1.442695020e+00, v33;
	v23 =	vand.u32 $0xFFFFFF80, v13  }
0xfa: {  	v24 =	vld [tilespmem:s2+$0x10];
	v34 =	vadd.f32 v34, v26;
	v28 =	vmul.f32 v28, v6;
	v35 =	vor.u32 $0x50, v23  }
0xfb: {  	v26 =	vld.idx.msk [tilespmem:v2+s25+$0x0], $0xffff;
	(erf) = vpow2.f32 v33  }
0xfc: {  	v34 =	vmul.f32 $1.442695020e+00, v34;
	v29 =	vmul.f32 v29, v18;
	v31 =	vld.idx.msk [tilespmem:v31+s25+$0x0], $0xffff;
	v28 =	vadd.f32 v28, v30  }
0xfd: {  	v30 =	vld.idx.msk [tilespmem:v11+s25+$0x0], $0xffff  }
0xfe: {  	v33 =	vld.idx.msk [tilespmem:v3+s25+$0x0], $0xffff;
	v63 =	vadd.f32 v29, v32;
	(erf) = vpow2.f32 v34;
	v36 =	vmul.f32 $1.442695020e+00, v28  }
0xff: {  	v27 =	vmul.f32 v27, v4;
	v32 =	vld.idx.msk [tilespmem:v35+s25+$0x0], $0xffff  }
0x100: {  	s3 =	simm.s32 $0x0;
	s19 =	simm.s32 $0xC0;
	v29 =	vld.idx.msk [tilespmem:v13+s25+$0x0], $0xffff;
	v28 =	vmul.f32 $1.442695020e+00, v63;
	(erf) = vpow2.f32 v36  }
.LBB2_10:
0x101: {  	v34 =	vld [tilespmem:s19+$0x10];
	s3 =	sadd.s32 $0x8, s3;
	s2 =	sadd.s32 $0x80, s2  }
0x102: {  	v27 =	vadd.f32 v27, v30;
	v35 =	vld [tilespmem:s2+$0x30];
	p0 =	slt.u32 s3, $0x70  }
0x103: {  	v31 =	vmul.f32 v31, v24;
	v30 =	vld [tilespmem:s2+$0xFFFFFFE0]  }
0x104: {  	v25 =	vmul.f32 v25, v21;
	v40 =	vmul.f32 v32, v22;
	v36 =	vld [tilespmem:s2+$0xFFFFFFC0];
	v37 =	vpop (erf)  }
0x105: {  	v26 =	vadd.f32 v31, v26;
	v38 =	vld [tilespmem:s2+$0xFFFFFFF0];
	v39 =	vmul.f32 v37, v14;
	v14 =	vmul.f32 $1.442695020e+00, v27  }
0x106: {  	v29 =	vadd.f32 v40, v29;
	v25 =	vadd.f32 v25, v33;
	v27 =	vld [tilespmem:s19+$0x20]  }
0x107: {  	v40 =	vmul.f32 $1.442695020e+00, v26;
	v31 =	vld [tilespmem:s19+$0x30];
	v32 =	vpop (erf);
	(erf) = vpow2.f32 v14  }
0x108: {  	v41 =	vmul.f32 $1.442695020e+00, v25;
	v33 =	vld [tilespmem:s19+$0xFFFFFFD0];
	(erf) = vpow2.f32 v28  }
0x109: {  	v19 =	vor.u32 v0, v19;
	v25 =	vmul.f32 $1.442695020e+00, v29;
	[tilespmem:v10+s26+$0x0] =	vst.idx.add.f32.msk $0xffff, v32;
	(erf) = vpow2.f32 v40;
	v26 =	vpop (erf)  }
0x10a: {  	v14 =	vmov v36;
	v10 =	vld [tilespmem:s19+$0xFFFFFFE0];
	(erf) = vpow2.f32 v41  }
0x10b: {  	v16 =	vor.u32 v0, v16;
	[tilespmem:v12+s26+$0x0] =	vst.idx.add.f32.msk $0xffff, v37;
	(erf) = vpow2.f32 v25  }
0x10c: {  	v20 =	vor.u32 v0, v20;
	v12 =	vmul.f32 v26, v6;
	v6 =	vmov v35;
	[tilespmem:v9+s26+$0x0] =	vst.idx.add.f32.msk $0xffff, v26  }
0x10d: {  	v9 =	vmov v31;
	v25 =	vand.u32 $0xFFFFFF80, v33;
	v26 =	vld [tilespmem:s19+$0xFFFFFFF0]  }
0x10e: {  	v28 =	vmul.f32 v32, v7;
	v7 =	vmov v30;
	[tilespmem:v19+s26+$0x0] =	vst.idx.add.f32.msk $0xffff, v12  }
0x10f: {  	v29 =	vand.u32 $0xFFFFFF80, v34;
	v12 =	vld [tilespmem:s19+$0xFFFFFFC0]  }
0x110: {  	v30 =	vor.u32 v0, v15;
	v15 =	vor.u32 v0, v17;
	v31 =	vor.u32 $0x50, v29;
	[tilespmem:v16+s26+$0x0] =	vst.idx.add.f32.msk $0xffff, v28;
	v17 =	vpop (erf)  }
0x111: {  	v28 =	vor.u32 v0, v5;
	[tilespmem:v20+s26+$0x0] =	vst.idx.add.f32.msk $0xffff, v39;
	v20 =	vmul.f32 v17, v4;
	v32 =	vpop (erf);
	v4 =	vmov v38  }
0x112: {  	v19 =	vand.u32 $0xFFFFFF80, v9;
	v16 =	vand.u32 $0xFFFFFF80, v10;
	v5 =	vand.u32 $0xFFFFFF80, v26;
	[tilespmem:v11+s26+$0x0] =	vst.idx.add.f32.msk $0xffff, v17;
	v11 =	vpop (erf)  }
0x113: {  	v35 =	vor.u32 $0x50, v16;
	v18 =	vmul.f32 v32, v18;
	[tilespmem:v2+s26+$0x0] =	vst.idx.add.f32.msk $0xffff, v11;
	v36 =	vmul.f32 v11, v24;
	v2 =	vpop (erf)  }
0x114: {  	v23 =	vor.u32 v0, v23;
	[tilespmem:v3+s26+$0x0] =	vst.idx.add.f32.msk $0xffff, v2;
	v21 =	vmul.f32 v2, v21;
	v24 =	vpop (erf);
	v2 =	vmov v34  }
0x115: {  	v34 =	vor.u32 v0, v8;
	v3 =	vmov v27;
	v22 =	vmul.f32 v24, v22;
	[tilespmem:v15+s26+$0x0] =	vst.idx.add.f32.msk $0xffff, v36  }
0x116: {  	v17 =	vmovc v29;
	v11 =	vmov v26;
	v15 =	vmov v25;
	[tilespmem:v1+s26+$0x0] =	vst.idx.add.f32.msk $0xffff, v32;
	v1 =	vmov v33  }
0x117: {  	[tilespmem:v28+s26+$0x0] =	vst.idx.add.f32.msk $0xffff, v20  }
0x118: {  	v20 =	vand.u32 $0xFFFFFF80, v12;
	[tilespmem:v13+s26+$0x0] =	vst.idx.add.f32.msk $0xffff, v24  }
0x119: {  	v8 =	vand.u32 $0xFFFFFF80, v3;
	v13 =	vor.u32 $0x50, v5;
	[tilespmem:v23+s26+$0x0] =	vst.idx.add.f32.msk $0xffff, v22  }
0x11a: {  	v22 =	vor.u32 $0x50, v20;
	[tilespmem:v34+s26+$0x0] =	vst.idx.add.f32.msk $0xffff, v21  }
0x11b: {  	v21 =	vor.u32 $0x50, v8;
	[tilespmem:v30+s26+$0x0] =	vst.idx.add.f32.msk $0xffff, v18  }
0x11c: {  	v18 =	vld.idx.msk [tilespmem:v10+s25+$0x0], $0xffff  }
0x11d: {  	v24 =	vor.u32 $0x50, v19;
	v23 =	vld.idx.msk [tilespmem:v35+s25+$0x0], $0xffff  }
0x11e: {  	v26 =	vld.idx.msk [tilespmem:v13+s25+$0x0], $0xffff  }
0x11f: {  	v27 =	vor.u32 $0x50, v15;
	v22 =	vld.idx.msk [tilespmem:v22+s25+$0x0], $0xffff  }
0x120: {  	v25 =	vld.idx.msk [tilespmem:v21+s25+$0x0], $0xffff  }
0x121: {  	v21 =	vld.idx.msk [tilespmem:v12+s25+$0x0], $0xffff  }
0x122: {  	v24 =	vld.idx.msk [tilespmem:v24+s25+$0x0], $0xffff  }
0x123: {  	v23 =	vmul.f32 v23, v7;
	v13 =	vld [tilespmem:s19+$0x0]  }
0x124: {  	v28 =	vld.idx.msk [tilespmem:v27+s25+$0x0], $0xffff;
	v27 =	vmul.f32 v26, v4  }
0x125: {  	v22 =	vmul.f32 v22, v14;
	v23 =	vadd.f32 v23, v18;
	v29 =	vld.idx.msk [tilespmem:v9+s25+$0x0], $0xffff  }
0x126: {  	v18 =	vld [tilespmem:s2+$0xFFFFFFD0]  }
0x127: {  	v22 =	vadd.f32 v22, v21;
	v32 =	vld.idx.msk [tilespmem:v33+s25+$0x0], $0xffff;
	v33 =	vmul.f32 $1.442695020e+00, v23  }
0x128: {  	v23 =	vand.u32 $0xFFFFFF80, v13;
	v21 =	vld [tilespmem:s2+$0x20]  }
0x129: {  	v35 =	vmul.f32 v24, v6;
	v30 =	vmul.f32 $1.442695020e+00, v22;
	v22 =	vld [tilespmem:s2+$0x0];
	v34 =	vor.u32 $0x50, v23  }
0x12a: {  	v24 =	vld [tilespmem:s2+$0x10]  }
0x12b: {  	v29 =	vadd.f32 v35, v29;
	v28 =	vmul.f32 v28, v18;
	v26 =	vld.idx.msk [tilespmem:v2+s25+$0x0], $0xffff;
	(erf) = vpow2.f32 v30  }
.Ltmp4:
0x12c: {  	v30 =	vld.idx.msk [tilespmem:v11+s25+$0x0], $0xffff;
	(pc) =	sbr.rel @p0 .LBB2_10-.Ltmp4, $4  }
0x12d: {  	v35 =	vmul.f32 $1.442695020e+00, v29;
	v28 =	vadd.f32 v28, v32;
	v31 =	vld.idx.msk [tilespmem:v31+s25+$0x0], $0xffff  }
0x12e: {  	v32 =	vld.idx.msk [tilespmem:v34+s25+$0x0], $0xffff;
	(erf) = vpow2.f32 v33  }
0x12f: {  	v28 =	vmul.f32 $1.442695020e+00, v28;
	v29 =	vld.idx.msk [tilespmem:v13+s25+$0x0], $0xffff  }
0x130: {  	s19 =	sadd.s32 $0x80, s19;
	v33 =	vld.idx.msk [tilespmem:v3+s25+$0x0], $0xffff;
	(erf) = vpow2.f32 v35  }
0x131: {  	_ = 	snop  }
0x132: {  	v27 =	vadd.f32 v27, v30;
	v48 =	vmul.f32 v31, v24;
	_ =	sdelay $0x1  }
0x133: {  	v27 =	vmul.f32 $1.442695020e+00, v27;
	v26 =	vadd.f32 v48, v26  }
0x134: {  	v25 =	vmul.f32 v25, v21;
	v49 =	vmul.f32 v32, v22  }
0x135: {  	v20 =	vor.u32 v0, v20;
	(erf) = vpow2.f32 v27;
	v26 =	vmul.f32 $1.442695020e+00, v26  }
0x136: {  	v25 =	vadd.f32 v25, v33;
	(erf) = vpow2.f32 v28  }
0x137: {  	v51 =	vpop (erf);
	v50 =	vadd.f32 v49, v29;
	(erf) = vpow2.f32 v26  }
0x138: {  	v16 =	vor.u32 v0, v16;
	v54 =	vmul.f32 v51, v14;
	v25 =	vmul.f32 $1.442695020e+00, v25  }
0x139: {  	v19 =	vor.u32 v0, v19;
	[tilespmem:v12+s26+$0x0] =	vst.idx.add.f32.msk $0xffff, v51;
	v27 =	vmul.f32 $1.442695020e+00, v50  }
0x13a: {  	v52 =	vpop (erf);
	[tilespmem:v20+s26+$0x0] =	vst.idx.add.f32.msk $0xffff, v54;
	(erf) = vpow2.f32 v25  }
0x13b: {  	[tilespmem:v10+s26+$0x0] =	vst.idx.add.f32.msk $0xffff, v52;
	v7 =	vmul.f32 v52, v7;
	v53 =	vpop (erf);
	(erf) = vpow2.f32 v27  }
0x13c: {  	v6 =	vmul.f32 v53, v6;
	[tilespmem:v9+s26+$0x0] =	vst.idx.add.f32.msk $0xffff, v53  }
0x13d: {  	v61 =	vor.u32 v0, v15;
	[tilespmem:v16+s26+$0x0] =	vst.idx.add.f32.msk $0xffff, v7  }
0x13e: {  	v55 =	vor.u32 v0, v17;
	[tilespmem:v19+s26+$0x0] =	vst.idx.add.f32.msk $0xffff, v6;
	v56 =	vpop (erf)  }
0x13f: {  	v57 =	vpop (erf);
	[tilespmem:v11+s26+$0x0] =	vst.idx.add.f32.msk $0xffff, v56  }
0x140: {  	[tilespmem:v1+s26+$0x0] =	vst.idx.add.f32.msk $0xffff, v57;
	v63 =	vmul.f32 v57, v18;
	v58 =	vpop (erf)  }
0x141: {  	v5 =	vor.u32 v0, v5;
	[tilespmem:v2+s26+$0x0] =	vst.idx.add.f32.msk $0xffff, v58;
	v2 =	vmul.f32 v58, v24  }
0x142: {  	v60 =	vor.u32 v0, v23;
	[tilespmem:v61+s26+$0x0] =	vst.idx.add.f32.msk $0xffff, v63  }
0x143: {  	v59 =	vpop (erf);
	[tilespmem:v55+s26+$0x0] =	vst.idx.add.f32.msk $0xffff, v2;
	v2 =	vor.u32 v0, v8  }
0x144: {  	[tilespmem:v3+s26+$0x0] =	vst.idx.add.f32.msk $0xffff, v59;
	v3 =	vmul.f32 v56, v4;
	v62 =	vpop (erf)  }
0x145: {  	v1 =	vmul.f32 v62, v22;
	[tilespmem:v13+s26+$0x0] =	vst.idx.add.f32.msk $0xffff, v62  }
0x146: {  	[tilespmem:v5+s26+$0x0] =	vst.idx.add.f32.msk $0xffff, v3;
	v3 =	vmul.f32 v59, v21  }
0x147: {  	[tilespmem:v60+s26+$0x0] =	vst.idx.add.f32.msk $0xffff, v1  }
0x148: {  	s1 =	simm.s32 $0x0;
	[tilespmem:v2+s26+$0x0] =	vst.idx.add.f32.msk $0xffff, v3  }
.LBB2_12:
0x149: {  	s2 =	sshra.s32 s1, $0x2  }
0x14a: {  	v1 =	vld [tilespmem:s2+$0x780];
	_ =	sdelay $0x4  }
0x14b: {  	v2 =	vand.u32 $0xFFFFFF80, v1  }
0x14c: {  	v3 =	vor.u32 $0x50, v2;
	_ =	sdelay $0x3  }
0x14d: {  	v4 =	vld [tilespmem:s2+$0x1780]  }
0x14e: {  	v3 =	vld.idx.msk [tilespmem:v3+s25+$0x0], $0xffff;
	_ =	sdelay $0x1  }
0x14f: {  	v5 =	vld.idx.msk [tilespmem:v1+s25+$0x0], $0xffff;
	_ =	sdelay $0x2  }
0x150: {  	v3 =	vmul.f32 v3, v4;
	_ =	sdelay $0x1  }
0x151: {  	v3 =	vadd.f32 v3, v5;
	_ =	sdelay $0x1  }
0x152: {  	v3 =	vmul.f32 $1.442695020e+00, v3;
	_ =	sdelay $0x1  }
0x153: {  	(erf) = vpow2.f32 v3;
	_ =	sdelay $0x6  }
0x154: {  	p0 =	sne.s32 s1, $0x100;
	v2 =	vor.u32 v0, v2  }
.Ltmp5:
0x155: {  	_ = 	snop;
	(pc) =	sbr.rel @p0 .LBB2_12-.Ltmp5, $4  }
0x156: {  	v3 =	vpop (erf)  }
0x157: {  	v4 =	vmul.f32 v3, v4  }
0x158: {  	[tilespmem:v1+s26+$0x0] =	vst.idx.add.f32.msk $0xffff, v3  }
0x159: {  	s1 =	sadd.s32 $0x40, s1;
	[tilespmem:v2+s26+$0x0] =	vst.idx.add.f32.msk $0xffff, v4  }
0x15a: {  	[hbm4b:s11+s5] =	stream.linear.scatter [tilespmem:s26], [sflag:$0x6], $0x2800, $0x38;
	[tilespmem:$0xB800] =	vst v63  }
0x15b: {  	_ =	swait.ge [sflag:s23], $0x2800  }
0x15c: {  	[sflag:s23] =	ssyncset.done $0x0  }
0x15d: {  	[sflag:s23] =	ssyncadd.s32 $0xFFFFD800  }
0x15e: {  	_ =	swait.ge [sflag:s24], $0x2800  }
0x15f: {  	[sflag:s24] =	ssyncset.done $0x0  }
0x160: {  	[sflag:s24] =	ssyncadd.s32 $0xFFFFD800  }
0x161: {  	_ =	swait.ge [sflag:s31], $0x2800  }
0x162: {  	[sflag:s31] =	ssyncset.done $0x0  }
0x163: {  	[sflag:s31] =	ssyncadd.s32 $0xFFFFD800  }
0x164: {  	[tilespmem:s25], [sflag:$0x2] =	stream.linear.gather [hbm4b:s12+s5], $0x2800, $0x38;
	[tilespmem:$0xB800] =	vst v63  }
0x165: {  	s1 =	simm.s32 $0x40  }
0x166: {  	[tilespmem:s26], [sflag:$0x4] =	stream.linear.gather [hbm4b:s4+s5], $0x2800, $0x38;
	[tilespmem:$0xB800] =	vst v63  }
0x167: {  	v2 =	vld [tilespmem:s1+$0x10]  }
0x168: {  	v10 =	vld [tilespmem:s1+$0xFFFFFFE0]  }
0x169: {  	v11 =	vld [tilespmem:s1+$0xFFFFFFF0]  }
0x16a: {  	v12 =	vld [tilespmem:s1+$0xFFFFFFC0]  }
0x16b: {  	s2 =	simm.s32 $0x1040;
	v3 =	vld [tilespmem:s1+$0x20]  }
0x16c: {  	v6 =	vld [tilespmem:s2+$0x30]  }
0x16d: {  	v9 =	vld [tilespmem:s1+$0x30]  }
0x16e: {  	v7 =	vld [tilespmem:s2+$0xFFFFFFE0];
	v16 =	vand.u32 $0xFFFFFF80, v10  }
0x16f: {  	v1 =	vld [tilespmem:s1+$0xFFFFFFD0];
	v13 =	vor.u32 $0x50, v16  }
0x170: {  	v14 =	vld [tilespmem:s2+$0xFFFFFFC0];
	v20 =	vand.u32 $0xFFFFFF80, v12  }
0x171: {  	v4 =	vld [tilespmem:s2+$0xFFFFFFF0];
	v5 =	vand.u32 $0xFFFFFF80, v11;
	v18 =	vor.u32 $0x50, v20  }
0x172: {  	v17 =	vor.u32 $0x50, v5;
	v26 =	vld.idx.msk [tilespmem:v10+s21+$0x0], $0xffff  }
0x173: {  	v19 =	vand.u32 $0xFFFFFF80, v9;
	v24 =	vld.idx.msk [tilespmem:v12+s21+$0x0], $0xffff  }
0x174: {  	v22 =	vld.idx.msk [tilespmem:v13+s21+$0x0], $0xffff;
	v13 =	vor.u32 $0x50, v19  }
0x175: {  	v8 =	vand.u32 $0xFFFFFF80, v3;
	v30 =	vld.idx.msk [tilespmem:v9+s21+$0x0], $0xffff  }
0x176: {  	v15 =	vand.u32 $0xFFFFFF80, v1;
	v21 =	vor.u32 $0x50, v8;
	v23 =	vld.idx.msk [tilespmem:v18+s21+$0x0], $0xffff  }
0x177: {  	v27 =	vld.idx.msk [tilespmem:v17+s21+$0x0], $0xffff;
	v17 =	vor.u32 $0x50, v15  }
0x178: {  	v32 =	vld.idx.msk [tilespmem:v1+s21+$0x0], $0xffff  }
0x179: {  	v28 =	vld.idx.msk [tilespmem:v13+s21+$0x0], $0xffff  }
0x17a: {  	v13 =	vld [tilespmem:s1+$0x0]  }
0x17b: {  	v25 =	vld.idx.msk [tilespmem:v21+s21+$0x0], $0xffff;
	v33 =	vmul.f32 v23, v14  }
0x17c: {  	v29 =	vld.idx.msk [tilespmem:v17+s21+$0x0], $0xffff;
	v17 =	vand.u32 $0xFFFFFF80, v2  }
0x17d: {  	v18 =	vld [tilespmem:s2+$0xFFFFFFD0];
	v31 =	vor.u32 $0x50, v17;
	v33 =	vadd.f32 v33, v24  }
0x17e: {  	v21 =	vld [tilespmem:s2+$0x20];
	v34 =	vmul.f32 v22, v7  }
0x17f: {  	v22 =	vld [tilespmem:s2+$0x0];
	v33 =	vmul.f32 $1.442695020e+00, v33;
	v23 =	vand.u32 $0xFFFFFF80, v13  }
0x180: {  	v24 =	vld [tilespmem:s2+$0x10];
	v34 =	vadd.f32 v34, v26;
	v28 =	vmul.f32 v28, v6;
	v35 =	vor.u32 $0x50, v23  }
0x181: {  	v26 =	vld.idx.msk [tilespmem:v2+s21+$0x0], $0xffff;
	(erf) = vpow2.f32 v33  }
0x182: {  	v34 =	vmul.f32 $1.442695020e+00, v34;
	v29 =	vmul.f32 v29, v18;
	v31 =	vld.idx.msk [tilespmem:v31+s21+$0x0], $0xffff;
	v28 =	vadd.f32 v28, v30  }
0x183: {  	v30 =	vld.idx.msk [tilespmem:v11+s21+$0x0], $0xffff  }
0x184: {  	v33 =	vld.idx.msk [tilespmem:v3+s21+$0x0], $0xffff;
	v63 =	vadd.f32 v29, v32;
	(erf) = vpow2.f32 v34;
	v36 =	vmul.f32 $1.442695020e+00, v28  }
0x185: {  	v27 =	vmul.f32 v27, v4;
	v32 =	vld.idx.msk [tilespmem:v35+s21+$0x0], $0xffff  }
0x186: {  	s3 =	simm.s32 $0x0;
	s19 =	simm.s32 $0xC0;
	v29 =	vld.idx.msk [tilespmem:v13+s21+$0x0], $0xffff;
	v28 =	vmul.f32 $1.442695020e+00, v63;
	(erf) = vpow2.f32 v36  }
.LBB2_14:
0x187: {  	v34 =	vld [tilespmem:s19+$0x10];
	s3 =	sadd.s32 $0x8, s3;
	s2 =	sadd.s32 $0x80, s2  }
0x188: {  	v27 =	vadd.f32 v27, v30;
	v35 =	vld [tilespmem:s2+$0x30];
	p0 =	slt.u32 s3, $0x70  }
0x189: {  	v31 =	vmul.f32 v31, v24;
	v30 =	vld [tilespmem:s2+$0xFFFFFFE0]  }
0x18a: {  	v25 =	vmul.f32 v25, v21;
	v40 =	vmul.f32 v32, v22;
	v36 =	vld [tilespmem:s2+$0xFFFFFFC0];
	v37 =	vpop (erf)  }
0x18b: {  	v26 =	vadd.f32 v31, v26;
	v38 =	vld [tilespmem:s2+$0xFFFFFFF0];
	v39 =	vmul.f32 v37, v14;
	v14 =	vmul.f32 $1.442695020e+00, v27  }
0x18c: {  	v29 =	vadd.f32 v40, v29;
	v25 =	vadd.f32 v25, v33;
	v27 =	vld [tilespmem:s19+$0x20]  }
0x18d: {  	v40 =	vmul.f32 $1.442695020e+00, v26;
	v31 =	vld [tilespmem:s19+$0x30];
	v32 =	vpop (erf);
	(erf) = vpow2.f32 v14  }
0x18e: {  	v41 =	vmul.f32 $1.442695020e+00, v25;
	v33 =	vld [tilespmem:s19+$0xFFFFFFD0];
	(erf) = vpow2.f32 v28  }
0x18f: {  	v19 =	vor.u32 v0, v19;
	v25 =	vmul.f32 $1.442695020e+00, v29;
	[tilespmem:v10+s22+$0x0] =	vst.idx.add.f32.msk $0xffff, v32;
	(erf) = vpow2.f32 v40;
	v26 =	vpop (erf)  }
0x190: {  	v14 =	vmov v36;
	v10 =	vld [tilespmem:s19+$0xFFFFFFE0];
	(erf) = vpow2.f32 v41  }
0x191: {  	v16 =	vor.u32 v0, v16;
	[tilespmem:v12+s22+$0x0] =	vst.idx.add.f32.msk $0xffff, v37;
	(erf) = vpow2.f32 v25  }
0x192: {  	v20 =	vor.u32 v0, v20;
	v12 =	vmul.f32 v26, v6;
	v6 =	vmov v35;
	[tilespmem:v9+s22+$0x0] =	vst.idx.add.f32.msk $0xffff, v26  }
0x193: {  	v9 =	vmov v31;
	v25 =	vand.u32 $0xFFFFFF80, v33;
	v26 =	vld [tilespmem:s19+$0xFFFFFFF0]  }
0x194: {  	v28 =	vmul.f32 v32, v7;
	v7 =	vmov v30;
	[tilespmem:v19+s22+$0x0] =	vst.idx.add.f32.msk $0xffff, v12  }
0x195: {  	v29 =	vand.u32 $0xFFFFFF80, v34;
	v12 =	vld [tilespmem:s19+$0xFFFFFFC0]  }
0x196: {  	v30 =	vor.u32 v0, v15;
	v15 =	vor.u32 v0, v17;
	v31 =	vor.u32 $0x50, v29;
	[tilespmem:v16+s22+$0x0] =	vst.idx.add.f32.msk $0xffff, v28;
	v17 =	vpop (erf)  }
0x197: {  	v28 =	vor.u32 v0, v5;
	[tilespmem:v20+s22+$0x0] =	vst.idx.add.f32.msk $0xffff, v39;
	v20 =	vmul.f32 v17, v4;
	v32 =	vpop (erf);
	v4 =	vmov v38  }
0x198: {  	v19 =	vand.u32 $0xFFFFFF80, v9;
	v16 =	vand.u32 $0xFFFFFF80, v10;
	v5 =	vand.u32 $0xFFFFFF80, v26;
	[tilespmem:v11+s22+$0x0] =	vst.idx.add.f32.msk $0xffff, v17;
	v11 =	vpop (erf)  }
0x199: {  	v35 =	vor.u32 $0x50, v16;
	v18 =	vmul.f32 v32, v18;
	[tilespmem:v2+s22+$0x0] =	vst.idx.add.f32.msk $0xffff, v11;
	v36 =	vmul.f32 v11, v24;
	v2 =	vpop (erf)  }
0x19a: {  	v23 =	vor.u32 v0, v23;
	[tilespmem:v3+s22+$0x0] =	vst.idx.add.f32.msk $0xffff, v2;
	v21 =	vmul.f32 v2, v21;
	v24 =	vpop (erf);
	v2 =	vmov v34  }
0x19b: {  	v34 =	vor.u32 v0, v8;
	v3 =	vmov v27;
	v22 =	vmul.f32 v24, v22;
	[tilespmem:v15+s22+$0x0] =	vst.idx.add.f32.msk $0xffff, v36  }
0x19c: {  	v17 =	vmovc v29;
	v11 =	vmov v26;
	v15 =	vmov v25;
	[tilespmem:v1+s22+$0x0] =	vst.idx.add.f32.msk $0xffff, v32;
	v1 =	vmov v33  }
0x19d: {  	[tilespmem:v28+s22+$0x0] =	vst.idx.add.f32.msk $0xffff, v20  }
0x19e: {  	v20 =	vand.u32 $0xFFFFFF80, v12;
	[tilespmem:v13+s22+$0x0] =	vst.idx.add.f32.msk $0xffff, v24  }
0x19f: {  	v8 =	vand.u32 $0xFFFFFF80, v3;
	v13 =	vor.u32 $0x50, v5;
	[tilespmem:v23+s22+$0x0] =	vst.idx.add.f32.msk $0xffff, v22  }
0x1a0: {  	v22 =	vor.u32 $0x50, v20;
	[tilespmem:v34+s22+$0x0] =	vst.idx.add.f32.msk $0xffff, v21  }
0x1a1: {  	v21 =	vor.u32 $0x50, v8;
	[tilespmem:v30+s22+$0x0] =	vst.idx.add.f32.msk $0xffff, v18  }
0x1a2: {  	v18 =	vld.idx.msk [tilespmem:v10+s21+$0x0], $0xffff  }
0x1a3: {  	v24 =	vor.u32 $0x50, v19;
	v23 =	vld.idx.msk [tilespmem:v35+s21+$0x0], $0xffff  }
0x1a4: {  	v26 =	vld.idx.msk [tilespmem:v13+s21+$0x0], $0xffff  }
0x1a5: {  	v27 =	vor.u32 $0x50, v15;
	v22 =	vld.idx.msk [tilespmem:v22+s21+$0x0], $0xffff  }
0x1a6: {  	v25 =	vld.idx.msk [tilespmem:v21+s21+$0x0], $0xffff  }
0x1a7: {  	v21 =	vld.idx.msk [tilespmem:v12+s21+$0x0], $0xffff  }
0x1a8: {  	v24 =	vld.idx.msk [tilespmem:v24+s21+$0x0], $0xffff  }
0x1a9: {  	v23 =	vmul.f32 v23, v7;
	v13 =	vld [tilespmem:s19+$0x0]  }
0x1aa: {  	v28 =	vld.idx.msk [tilespmem:v27+s21+$0x0], $0xffff;
	v27 =	vmul.f32 v26, v4  }
0x1ab: {  	v22 =	vmul.f32 v22, v14;
	v23 =	vadd.f32 v23, v18;
	v29 =	vld.idx.msk [tilespmem:v9+s21+$0x0], $0xffff  }
0x1ac: {  	v18 =	vld [tilespmem:s2+$0xFFFFFFD0]  }
0x1ad: {  	v22 =	vadd.f32 v22, v21;
	v32 =	vld.idx.msk [tilespmem:v33+s21+$0x0], $0xffff;
	v33 =	vmul.f32 $1.442695020e+00, v23  }
0x1ae: {  	v23 =	vand.u32 $0xFFFFFF80, v13;
	v21 =	vld [tilespmem:s2+$0x20]  }
0x1af: {  	v35 =	vmul.f32 v24, v6;
	v30 =	vmul.f32 $1.442695020e+00, v22;
	v22 =	vld [tilespmem:s2+$0x0];
	v34 =	vor.u32 $0x50, v23  }
0x1b0: {  	v24 =	vld [tilespmem:s2+$0x10]  }
0x1b1: {  	v29 =	vadd.f32 v35, v29;
	v28 =	vmul.f32 v28, v18;
	v26 =	vld.idx.msk [tilespmem:v2+s21+$0x0], $0xffff;
	(erf) = vpow2.f32 v30  }
.Ltmp6:
0x1b2: {  	v30 =	vld.idx.msk [tilespmem:v11+s21+$0x0], $0xffff;
	(pc) =	sbr.rel @p0 .LBB2_14-.Ltmp6, $4  }
0x1b3: {  	v35 =	vmul.f32 $1.442695020e+00, v29;
	v28 =	vadd.f32 v28, v32;
	v31 =	vld.idx.msk [tilespmem:v31+s21+$0x0], $0xffff  }
0x1b4: {  	v32 =	vld.idx.msk [tilespmem:v34+s21+$0x0], $0xffff;
	(erf) = vpow2.f32 v33  }
0x1b5: {  	v28 =	vmul.f32 $1.442695020e+00, v28;
	v29 =	vld.idx.msk [tilespmem:v13+s21+$0x0], $0xffff  }
0x1b6: {  	s19 =	sadd.s32 $0x80, s19;
	v33 =	vld.idx.msk [tilespmem:v3+s21+$0x0], $0xffff;
	(erf) = vpow2.f32 v35  }
0x1b7: {  	_ = 	snop  }
0x1b8: {  	v27 =	vadd.f32 v27, v30;
	v48 =	vmul.f32 v31, v24;
	_ =	sdelay $0x1  }
0x1b9: {  	v27 =	vmul.f32 $1.442695020e+00, v27;
	v26 =	vadd.f32 v48, v26  }
0x1ba: {  	v25 =	vmul.f32 v25, v21;
	v49 =	vmul.f32 v32, v22  }
0x1bb: {  	v20 =	vor.u32 v0, v20;
	(erf) = vpow2.f32 v27;
	v26 =	vmul.f32 $1.442695020e+00, v26  }
0x1bc: {  	v25 =	vadd.f32 v25, v33;
	(erf) = vpow2.f32 v28  }
0x1bd: {  	v51 =	vpop (erf);
	v50 =	vadd.f32 v49, v29;
	(erf) = vpow2.f32 v26  }
0x1be: {  	v16 =	vor.u32 v0, v16;
	v54 =	vmul.f32 v51, v14;
	v25 =	vmul.f32 $1.442695020e+00, v25  }
0x1bf: {  	v19 =	vor.u32 v0, v19;
	[tilespmem:v12+s22+$0x0] =	vst.idx.add.f32.msk $0xffff, v51;
	v27 =	vmul.f32 $1.442695020e+00, v50  }
0x1c0: {  	v52 =	vpop (erf);
	[tilespmem:v20+s22+$0x0] =	vst.idx.add.f32.msk $0xffff, v54;
	(erf) = vpow2.f32 v25  }
0x1c1: {  	[tilespmem:v10+s22+$0x0] =	vst.idx.add.f32.msk $0xffff, v52;
	v7 =	vmul.f32 v52, v7;
	v53 =	vpop (erf);
	(erf) = vpow2.f32 v27  }
0x1c2: {  	v6 =	vmul.f32 v53, v6;
	[tilespmem:v9+s22+$0x0] =	vst.idx.add.f32.msk $0xffff, v53  }
0x1c3: {  	v61 =	vor.u32 v0, v15;
	[tilespmem:v16+s22+$0x0] =	vst.idx.add.f32.msk $0xffff, v7  }
0x1c4: {  	v55 =	vor.u32 v0, v17;
	[tilespmem:v19+s22+$0x0] =	vst.idx.add.f32.msk $0xffff, v6;
	v56 =	vpop (erf)  }
0x1c5: {  	v57 =	vpop (erf);
	[tilespmem:v11+s22+$0x0] =	vst.idx.add.f32.msk $0xffff, v56  }
0x1c6: {  	[tilespmem:v1+s22+$0x0] =	vst.idx.add.f32.msk $0xffff, v57;
	v63 =	vmul.f32 v57, v18;
	v58 =	vpop (erf)  }
0x1c7: {  	v5 =	vor.u32 v0, v5;
	[tilespmem:v2+s22+$0x0] =	vst.idx.add.f32.msk $0xffff, v58;
	v2 =	vmul.f32 v58, v24  }
0x1c8: {  	v60 =	vor.u32 v0, v23;
	[tilespmem:v61+s22+$0x0] =	vst.idx.add.f32.msk $0xffff, v63  }
0x1c9: {  	v59 =	vpop (erf);
	[tilespmem:v55+s22+$0x0] =	vst.idx.add.f32.msk $0xffff, v2;
	v2 =	vor.u32 v0, v8  }
0x1ca: {  	[tilespmem:v3+s22+$0x0] =	vst.idx.add.f32.msk $0xffff, v59;
	v3 =	vmul.f32 v56, v4;
	v62 =	vpop (erf)  }
0x1cb: {  	v1 =	vmul.f32 v62, v22;
	[tilespmem:v13+s22+$0x0] =	vst.idx.add.f32.msk $0xffff, v62  }
0x1cc: {  	[tilespmem:v5+s22+$0x0] =	vst.idx.add.f32.msk $0xffff, v3;
	v3 =	vmul.f32 v59, v21  }
0x1cd: {  	[tilespmem:v60+s22+$0x0] =	vst.idx.add.f32.msk $0xffff, v1  }
0x1ce: {  	s1 =	simm.s32 $0x0;
	[tilespmem:v2+s22+$0x0] =	vst.idx.add.f32.msk $0xffff, v3  }
.LBB2_16:
0x1cf: {  	s2 =	sshra.s32 s1, $0x2  }
0x1d0: {  	v1 =	vld [tilespmem:s2+$0x780];
	_ =	sdelay $0x4  }
0x1d1: {  	v2 =	vand.u32 $0xFFFFFF80, v1  }
0x1d2: {  	v3 =	vor.u32 $0x50, v2;
	_ =	sdelay $0x3  }
0x1d3: {  	v4 =	vld [tilespmem:s2+$0x1780]  }
0x1d4: {  	v3 =	vld.idx.msk [tilespmem:v3+s21+$0x0], $0xffff;
	_ =	sdelay $0x1  }
0x1d5: {  	v5 =	vld.idx.msk [tilespmem:v1+s21+$0x0], $0xffff;
	_ =	sdelay $0x2  }
0x1d6: {  	v3 =	vmul.f32 v3, v4;
	_ =	sdelay $0x1  }
0x1d7: {  	v3 =	vadd.f32 v3, v5;
	_ =	sdelay $0x1  }
0x1d8: {  	v3 =	vmul.f32 $1.442695020e+00, v3;
	_ =	sdelay $0x1  }
0x1d9: {  	(erf) = vpow2.f32 v3;
	_ =	sdelay $0x6  }
0x1da: {  	p0 =	sne.s32 s1, $0x100;
	v2 =	vor.u32 v0, v2  }
.Ltmp7:
0x1db: {  	_ = 	snop;
	(pc) =	sbr.rel @p0 .LBB2_16-.Ltmp7, $4  }
0x1dc: {  	v3 =	vpop (erf)  }
0x1dd: {  	v4 =	vmul.f32 v3, v4  }
0x1de: {  	[tilespmem:v1+s22+$0x0] =	vst.idx.add.f32.msk $0xffff, v3  }
0x1df: {  	s1 =	sadd.s32 $0x40, s1;
	[tilespmem:v2+s22+$0x0] =	vst.idx.add.f32.msk $0xffff, v4  }
0x1e0: {  	[hbm4b:s13+s5] =	stream.linear.scatter [tilespmem:s22], [sflag:$0x5], $0x2800, $0x38;
	[tilespmem:$0xB800] =	vst v63  }
0x1e1: {  	_ =	swait.ge [sflag:s28], $0x2800  }
0x1e2: {  	[sflag:s28] =	ssyncset.done $0x0  }
0x1e3: {  	[sflag:s28] =	ssyncadd.s32 $0xFFFFD800  }
0x1e4: {  	_ =	swait.ge [sflag:s29], $0x2800  }
0x1e5: {  	[sflag:s29] =	ssyncset.done $0x0  }
0x1e6: {  	s1 =	simm.s32 $0x40;
	[sflag:s29] =	ssyncadd.s32 $0xFFFFD800  }
0x1e7: {  	v2 =	vld [tilespmem:s1+$0x10]  }
0x1e8: {  	v10 =	vld [tilespmem:s1+$0xFFFFFFE0]  }
0x1e9: {  	v11 =	vld [tilespmem:s1+$0xFFFFFFF0]  }
0x1ea: {  	v12 =	vld [tilespmem:s1+$0xFFFFFFC0]  }
0x1eb: {  	s2 =	simm.s32 $0x1040;
	v3 =	vld [tilespmem:s1+$0x20]  }
0x1ec: {  	v6 =	vld [tilespmem:s2+$0x30]  }
0x1ed: {  	v9 =	vld [tilespmem:s1+$0x30]  }
0x1ee: {  	v7 =	vld [tilespmem:s2+$0xFFFFFFE0];
	v16 =	vand.u32 $0xFFFFFF80, v10  }
0x1ef: {  	v1 =	vld [tilespmem:s1+$0xFFFFFFD0];
	v13 =	vor.u32 $0x50, v16  }
0x1f0: {  	v14 =	vld [tilespmem:s2+$0xFFFFFFC0];
	v20 =	vand.u32 $0xFFFFFF80, v12  }
0x1f1: {  	v4 =	vld [tilespmem:s2+$0xFFFFFFF0];
	v5 =	vand.u32 $0xFFFFFF80, v11;
	v18 =	vor.u32 $0x50, v20  }
0x1f2: {  	v17 =	vor.u32 $0x50, v5;
	v26 =	vld.idx.msk [tilespmem:v10+s25+$0x0], $0xffff  }
0x1f3: {  	v19 =	vand.u32 $0xFFFFFF80, v9;
	v24 =	vld.idx.msk [tilespmem:v12+s25+$0x0], $0xffff  }
0x1f4: {  	v22 =	vld.idx.msk [tilespmem:v13+s25+$0x0], $0xffff;
	v13 =	vor.u32 $0x50, v19  }
0x1f5: {  	v8 =	vand.u32 $0xFFFFFF80, v3;
	v30 =	vld.idx.msk [tilespmem:v9+s25+$0x0], $0xffff  }
0x1f6: {  	v15 =	vand.u32 $0xFFFFFF80, v1;
	v21 =	vor.u32 $0x50, v8;
	v23 =	vld.idx.msk [tilespmem:v18+s25+$0x0], $0xffff  }
0x1f7: {  	v27 =	vld.idx.msk [tilespmem:v17+s25+$0x0], $0xffff;
	v17 =	vor.u32 $0x50, v15  }
0x1f8: {  	v32 =	vld.idx.msk [tilespmem:v1+s25+$0x0], $0xffff  }
0x1f9: {  	v28 =	vld.idx.msk [tilespmem:v13+s25+$0x0], $0xffff  }
0x1fa: {  	v13 =	vld [tilespmem:s1+$0x0]  }
0x1fb: {  	v25 =	vld.idx.msk [tilespmem:v21+s25+$0x0], $0xffff;
	v33 =	vmul.f32 v23, v14  }
0x1fc: {  	v29 =	vld.idx.msk [tilespmem:v17+s25+$0x0], $0xffff;
	v17 =	vand.u32 $0xFFFFFF80, v2  }
0x1fd: {  	v18 =	vld [tilespmem:s2+$0xFFFFFFD0];
	v31 =	vor.u32 $0x50, v17;
	v33 =	vadd.f32 v33, v24  }
0x1fe: {  	v21 =	vld [tilespmem:s2+$0x20];
	v34 =	vmul.f32 v22, v7  }
0x1ff: {  	v22 =	vld [tilespmem:s2+$0x0];
	v33 =	vmul.f32 $1.442695020e+00, v33;
	v23 =	vand.u32 $0xFFFFFF80, v13  }
0x200: {  	v24 =	vld [tilespmem:s2+$0x10];
	v34 =	vadd.f32 v34, v26;
	v28 =	vmul.f32 v28, v6;
	v35 =	vor.u32 $0x50, v23  }
0x201: {  	v26 =	vld.idx.msk [tilespmem:v2+s25+$0x0], $0xffff;
	(erf) = vpow2.f32 v33  }
0x202: {  	v34 =	vmul.f32 $1.442695020e+00, v34;
	v29 =	vmul.f32 v29, v18;
	v31 =	vld.idx.msk [tilespmem:v31+s25+$0x0], $0xffff;
	v28 =	vadd.f32 v28, v30  }
0x203: {  	v30 =	vld.idx.msk [tilespmem:v11+s25+$0x0], $0xffff  }
0x204: {  	v33 =	vld.idx.msk [tilespmem:v3+s25+$0x0], $0xffff;
	v63 =	vadd.f32 v29, v32;
	(erf) = vpow2.f32 v34;
	v36 =	vmul.f32 $1.442695020e+00, v28  }
0x205: {  	v27 =	vmul.f32 v27, v4;
	v32 =	vld.idx.msk [tilespmem:v35+s25+$0x0], $0xffff  }
0x206: {  	s3 =	simm.s32 $0x0;
	s19 =	simm.s32 $0xC0;
	v29 =	vld.idx.msk [tilespmem:v13+s25+$0x0], $0xffff;
	v28 =	vmul.f32 $1.442695020e+00, v63;
	(erf) = vpow2.f32 v36  }
.LBB2_18:
0x207: {  	v34 =	vld [tilespmem:s19+$0x10];
	s3 =	sadd.s32 $0x8, s3;
	s2 =	sadd.s32 $0x80, s2  }
0x208: {  	v27 =	vadd.f32 v27, v30;
	v35 =	vld [tilespmem:s2+$0x30];
	p0 =	slt.u32 s3, $0x70  }
0x209: {  	v31 =	vmul.f32 v31, v24;
	v30 =	vld [tilespmem:s2+$0xFFFFFFE0]  }
0x20a: {  	v25 =	vmul.f32 v25, v21;
	v40 =	vmul.f32 v32, v22;
	v36 =	vld [tilespmem:s2+$0xFFFFFFC0];
	v37 =	vpop (erf)  }
0x20b: {  	v26 =	vadd.f32 v31, v26;
	v38 =	vld [tilespmem:s2+$0xFFFFFFF0];
	v39 =	vmul.f32 v37, v14;
	v14 =	vmul.f32 $1.442695020e+00, v27  }
0x20c: {  	v29 =	vadd.f32 v40, v29;
	v25 =	vadd.f32 v25, v33;
	v27 =	vld [tilespmem:s19+$0x20]  }
0x20d: {  	v40 =	vmul.f32 $1.442695020e+00, v26;
	v31 =	vld [tilespmem:s19+$0x30];
	v32 =	vpop (erf);
	(erf) = vpow2.f32 v14  }
0x20e: {  	v41 =	vmul.f32 $1.442695020e+00, v25;
	v33 =	vld [tilespmem:s19+$0xFFFFFFD0];
	(erf) = vpow2.f32 v28  }
0x20f: {  	v19 =	vor.u32 v0, v19;
	v25 =	vmul.f32 $1.442695020e+00, v29;
	[tilespmem:v10+s26+$0x0] =	vst.idx.add.f32.msk $0xffff, v32;
	(erf) = vpow2.f32 v40;
	v26 =	vpop (erf)  }
0x210: {  	v14 =	vmov v36;
	v10 =	vld [tilespmem:s19+$0xFFFFFFE0];
	(erf) = vpow2.f32 v41  }
0x211: {  	v16 =	vor.u32 v0, v16;
	[tilespmem:v12+s26+$0x0] =	vst.idx.add.f32.msk $0xffff, v37;
	(erf) = vpow2.f32 v25  }
0x212: {  	v20 =	vor.u32 v0, v20;
	v12 =	vmul.f32 v26, v6;
	v6 =	vmov v35;
	[tilespmem:v9+s26+$0x0] =	vst.idx.add.f32.msk $0xffff, v26  }
0x213: {  	v9 =	vmov v31;
	v25 =	vand.u32 $0xFFFFFF80, v33;
	v26 =	vld [tilespmem:s19+$0xFFFFFFF0]  }
0x214: {  	v28 =	vmul.f32 v32, v7;
	v7 =	vmov v30;
	[tilespmem:v19+s26+$0x0] =	vst.idx.add.f32.msk $0xffff, v12  }
0x215: {  	v29 =	vand.u32 $0xFFFFFF80, v34;
	v12 =	vld [tilespmem:s19+$0xFFFFFFC0]  }
0x216: {  	v30 =	vor.u32 v0, v15;
	v15 =	vor.u32 v0, v17;
	v31 =	vor.u32 $0x50, v29;
	[tilespmem:v16+s26+$0x0] =	vst.idx.add.f32.msk $0xffff, v28;
	v17 =	vpop (erf)  }
0x217: {  	v28 =	vor.u32 v0, v5;
	[tilespmem:v20+s26+$0x0] =	vst.idx.add.f32.msk $0xffff, v39;
	v20 =	vmul.f32 v17, v4;
	v32 =	vpop (erf);
	v4 =	vmov v38  }
0x218: {  	v19 =	vand.u32 $0xFFFFFF80, v9;
	v16 =	vand.u32 $0xFFFFFF80, v10;
	v5 =	vand.u32 $0xFFFFFF80, v26;
	[tilespmem:v11+s26+$0x0] =	vst.idx.add.f32.msk $0xffff, v17;
	v11 =	vpop (erf)  }
0x219: {  	v35 =	vor.u32 $0x50, v16;
	v18 =	vmul.f32 v32, v18;
	[tilespmem:v2+s26+$0x0] =	vst.idx.add.f32.msk $0xffff, v11;
	v36 =	vmul.f32 v11, v24;
	v2 =	vpop (erf)  }
0x21a: {  	v23 =	vor.u32 v0, v23;
	[tilespmem:v3+s26+$0x0] =	vst.idx.add.f32.msk $0xffff, v2;
	v21 =	vmul.f32 v2, v21;
	v24 =	vpop (erf);
	v2 =	vmov v34  }
0x21b: {  	v34 =	vor.u32 v0, v8;
	v3 =	vmov v27;
	v22 =	vmul.f32 v24, v22;
	[tilespmem:v15+s26+$0x0] =	vst.idx.add.f32.msk $0xffff, v36  }
0x21c: {  	v17 =	vmovc v29;
	v11 =	vmov v26;
	v15 =	vmov v25;
	[tilespmem:v1+s26+$0x0] =	vst.idx.add.f32.msk $0xffff, v32;
	v1 =	vmov v33  }
0x21d: {  	[tilespmem:v28+s26+$0x0] =	vst.idx.add.f32.msk $0xffff, v20  }
0x21e: {  	v20 =	vand.u32 $0xFFFFFF80, v12;
	[tilespmem:v13+s26+$0x0] =	vst.idx.add.f32.msk $0xffff, v24  }
0x21f: {  	v8 =	vand.u32 $0xFFFFFF80, v3;
	v13 =	vor.u32 $0x50, v5;
	[tilespmem:v23+s26+$0x0] =	vst.idx.add.f32.msk $0xffff, v22  }
0x220: {  	v22 =	vor.u32 $0x50, v20;
	[tilespmem:v34+s26+$0x0] =	vst.idx.add.f32.msk $0xffff, v21  }
0x221: {  	v21 =	vor.u32 $0x50, v8;
	[tilespmem:v30+s26+$0x0] =	vst.idx.add.f32.msk $0xffff, v18  }
0x222: {  	v18 =	vld.idx.msk [tilespmem:v10+s25+$0x0], $0xffff  }
0x223: {  	v24 =	vor.u32 $0x50, v19;
	v23 =	vld.idx.msk [tilespmem:v35+s25+$0x0], $0xffff  }
0x224: {  	v26 =	vld.idx.msk [tilespmem:v13+s25+$0x0], $0xffff  }
0x225: {  	v27 =	vor.u32 $0x50, v15;
	v22 =	vld.idx.msk [tilespmem:v22+s25+$0x0], $0xffff  }
0x226: {  	v25 =	vld.idx.msk [tilespmem:v21+s25+$0x0], $0xffff  }
0x227: {  	v21 =	vld.idx.msk [tilespmem:v12+s25+$0x0], $0xffff  }
0x228: {  	v24 =	vld.idx.msk [tilespmem:v24+s25+$0x0], $0xffff  }
0x229: {  	v23 =	vmul.f32 v23, v7;
	v13 =	vld [tilespmem:s19+$0x0]  }
0x22a: {  	v28 =	vld.idx.msk [tilespmem:v27+s25+$0x0], $0xffff;
	v27 =	vmul.f32 v26, v4  }
0x22b: {  	v22 =	vmul.f32 v22, v14;
	v23 =	vadd.f32 v23, v18;
	v29 =	vld.idx.msk [tilespmem:v9+s25+$0x0], $0xffff  }
0x22c: {  	v18 =	vld [tilespmem:s2+$0xFFFFFFD0]  }
0x22d: {  	v22 =	vadd.f32 v22, v21;
	v32 =	vld.idx.msk [tilespmem:v33+s25+$0x0], $0xffff;
	v33 =	vmul.f32 $1.442695020e+00, v23  }
0x22e: {  	v23 =	vand.u32 $0xFFFFFF80, v13;
	v21 =	vld [tilespmem:s2+$0x20]  }
0x22f: {  	v35 =	vmul.f32 v24, v6;
	v30 =	vmul.f32 $1.442695020e+00, v22;
	v22 =	vld [tilespmem:s2+$0x0];
	v34 =	vor.u32 $0x50, v23  }
0x230: {  	v24 =	vld [tilespmem:s2+$0x10]  }
0x231: {  	v29 =	vadd.f32 v35, v29;
	v28 =	vmul.f32 v28, v18;
	v26 =	vld.idx.msk [tilespmem:v2+s25+$0x0], $0xffff;
	(erf) = vpow2.f32 v30  }
.Ltmp8:
0x232: {  	v30 =	vld.idx.msk [tilespmem:v11+s25+$0x0], $0xffff;
	(pc) =	sbr.rel @p0 .LBB2_18-.Ltmp8, $4  }
0x233: {  	v35 =	vmul.f32 $1.442695020e+00, v29;
	v28 =	vadd.f32 v28, v32;
	v31 =	vld.idx.msk [tilespmem:v31+s25+$0x0], $0xffff  }
0x234: {  	v32 =	vld.idx.msk [tilespmem:v34+s25+$0x0], $0xffff;
	(erf) = vpow2.f32 v33  }
0x235: {  	v28 =	vmul.f32 $1.442695020e+00, v28;
	v29 =	vld.idx.msk [tilespmem:v13+s25+$0x0], $0xffff  }
0x236: {  	s19 =	sadd.s32 $0x80, s19;
	v33 =	vld.idx.msk [tilespmem:v3+s25+$0x0], $0xffff;
	(erf) = vpow2.f32 v35  }
0x237: {  	_ = 	snop  }
0x238: {  	v27 =	vadd.f32 v27, v30;
	v48 =	vmul.f32 v31, v24;
	_ =	sdelay $0x1  }
0x239: {  	v27 =	vmul.f32 $1.442695020e+00, v27;
	v26 =	vadd.f32 v48, v26  }
0x23a: {  	v25 =	vmul.f32 v25, v21;
	v49 =	vmul.f32 v32, v22  }
0x23b: {  	v20 =	vor.u32 v0, v20;
	(erf) = vpow2.f32 v27;
	v26 =	vmul.f32 $1.442695020e+00, v26  }
0x23c: {  	v25 =	vadd.f32 v25, v33;
	(erf) = vpow2.f32 v28  }
0x23d: {  	v51 =	vpop (erf);
	v50 =	vadd.f32 v49, v29;
	(erf) = vpow2.f32 v26  }
0x23e: {  	v16 =	vor.u32 v0, v16;
	v54 =	vmul.f32 v51, v14;
	v25 =	vmul.f32 $1.442695020e+00, v25  }
0x23f: {  	v19 =	vor.u32 v0, v19;
	[tilespmem:v12+s26+$0x0] =	vst.idx.add.f32.msk $0xffff, v51;
	v27 =	vmul.f32 $1.442695020e+00, v50  }
0x240: {  	v52 =	vpop (erf);
	[tilespmem:v20+s26+$0x0] =	vst.idx.add.f32.msk $0xffff, v54;
	(erf) = vpow2.f32 v25  }
0x241: {  	[tilespmem:v10+s26+$0x0] =	vst.idx.add.f32.msk $0xffff, v52;
	v7 =	vmul.f32 v52, v7;
	v53 =	vpop (erf);
	(erf) = vpow2.f32 v27  }
0x242: {  	v6 =	vmul.f32 v53, v6;
	[tilespmem:v9+s26+$0x0] =	vst.idx.add.f32.msk $0xffff, v53  }
0x243: {  	v61 =	vor.u32 v0, v15;
	[tilespmem:v16+s26+$0x0] =	vst.idx.add.f32.msk $0xffff, v7  }
0x244: {  	v55 =	vor.u32 v0, v17;
	[tilespmem:v19+s26+$0x0] =	vst.idx.add.f32.msk $0xffff, v6;
	v56 =	vpop (erf)  }
0x245: {  	v57 =	vpop (erf);
	[tilespmem:v11+s26+$0x0] =	vst.idx.add.f32.msk $0xffff, v56  }
0x246: {  	[tilespmem:v1+s26+$0x0] =	vst.idx.add.f32.msk $0xffff, v57;
	v63 =	vmul.f32 v57, v18;
	v58 =	vpop (erf)  }
0x247: {  	v5 =	vor.u32 v0, v5;
	[tilespmem:v2+s26+$0x0] =	vst.idx.add.f32.msk $0xffff, v58;
	v2 =	vmul.f32 v58, v24  }
0x248: {  	v60 =	vor.u32 v0, v23;
	[tilespmem:v61+s26+$0x0] =	vst.idx.add.f32.msk $0xffff, v63  }
0x249: {  	v59 =	vpop (erf);
	[tilespmem:v55+s26+$0x0] =	vst.idx.add.f32.msk $0xffff, v2;
	v2 =	vor.u32 v0, v8  }
0x24a: {  	[tilespmem:v3+s26+$0x0] =	vst.idx.add.f32.msk $0xffff, v59;
	v3 =	vmul.f32 v56, v4;
	v62 =	vpop (erf)  }
0x24b: {  	v1 =	vmul.f32 v62, v22;
	[tilespmem:v13+s26+$0x0] =	vst.idx.add.f32.msk $0xffff, v62  }
0x24c: {  	[tilespmem:v5+s26+$0x0] =	vst.idx.add.f32.msk $0xffff, v3;
	v3 =	vmul.f32 v59, v21  }
0x24d: {  	[tilespmem:v60+s26+$0x0] =	vst.idx.add.f32.msk $0xffff, v1  }
0x24e: {  	s1 =	simm.s32 $0x0;
	[tilespmem:v2+s26+$0x0] =	vst.idx.add.f32.msk $0xffff, v3  }
.LBB2_20:
0x24f: {  	s2 =	sshra.s32 s1, $0x2  }
0x250: {  	v1 =	vld [tilespmem:s2+$0x780];
	_ =	sdelay $0x4  }
0x251: {  	v2 =	vand.u32 $0xFFFFFF80, v1  }
0x252: {  	v3 =	vor.u32 $0x50, v2;
	_ =	sdelay $0x3  }
0x253: {  	v4 =	vld [tilespmem:s2+$0x1780]  }
0x254: {  	v3 =	vld.idx.msk [tilespmem:v3+s25+$0x0], $0xffff;
	_ =	sdelay $0x1  }
0x255: {  	v5 =	vld.idx.msk [tilespmem:v1+s25+$0x0], $0xffff;
	_ =	sdelay $0x2  }
0x256: {  	v3 =	vmul.f32 v3, v4;
	_ =	sdelay $0x1  }
0x257: {  	v3 =	vadd.f32 v3, v5;
	_ =	sdelay $0x1  }
0x258: {  	v3 =	vmul.f32 $1.442695020e+00, v3;
	_ =	sdelay $0x1  }
0x259: {  	(erf) = vpow2.f32 v3;
	_ =	sdelay $0x6  }
0x25a: {  	p0 =	sne.s32 s1, $0x100;
	v2 =	vor.u32 v0, v2  }
.Ltmp9:
0x25b: {  	_ = 	snop;
	(pc) =	sbr.rel @p0 .LBB2_20-.Ltmp9, $4  }
0x25c: {  	v3 =	vpop (erf)  }
0x25d: {  	v4 =	vmul.f32 v3, v4  }
0x25e: {  	[tilespmem:v1+s26+$0x0] =	vst.idx.add.f32.msk $0xffff, v3  }
0x25f: {  	s1 =	sadd.s32 $0x40, s1;
	[tilespmem:v2+s26+$0x0] =	vst.idx.add.f32.msk $0xffff, v4  }
0x260: {  	[hbm4b:s14+s5] =	stream.linear.scatter [tilespmem:s26], [sflag:$0x6], $0x2800, $0x38;
	[tilespmem:$0xB800] =	vst v63  }
0x261: {  	s0 =	sadd.s32 $0x1, s0  }
0x262: {  	_ =	swait.ge [sflag:s30], $0x2800;
	p0 =	sne.s32 s0, s15  }
.Ltmp10:
0x263: {  	[sflag:s30] =	ssyncset.done $0x0;
	(pc) =	sbr.rel @p0 .LBB2_1-.Ltmp10, $4  }
0x264: {  	[sflag:s30] =	ssyncadd.s32 $0xFFFFD800  }
0x265: {  	_ =	swait.ge [sflag:s31], $0x2800  }
0x266: {  	[sflag:s31] =	ssyncset.done $0x0  }
0x267: {  	[sflag:s31] =	ssyncadd.s32 $0xFFFFD800  }
0x268: {  	_ =	sfence.sel $0x180000  }
0x269: {  	[bflag:$0x0] =	sbarrier.arrive $0xFFFF  }
0x26a: {  	_ =	strace $0x9000004A  }
0x26b: {  	s0 =	stileid.u32;
	[bflag:$0x2] =	sbarrier.arrive $0xFFFF  }
0x26c: {  	p0 =	sne.s32 s0, $0x0;
	s0 =	rddreg [dreg:$0x4]  }
0x26d: {  	s0 =	sadd.s32 @!p0 $0x100000, s0  }
0x26e: {  	[sflag:s0] =	ssyncadd.tile.s32 @!p0 $0x1;
	_ =	shalt  }
.Lfunc_end2:
_tile_overlayer_lowered:
.L_overlay_start_2:
0x26f: {  	(tag) =	ssettag $0x2  }
0x270: {  	s0 =	rddreg [dreg:$0x0];
	s2 =	stileid.u32  }
0x271: {  	s1 =	rddreg [dreg:$0x1];
	p0 =	sne.s32 s2, $0x0  }
0x272: {  	s3 =	rddreg [dreg:$0x2];
	[bflag:$0x3] =	sbarrier.arrive $0xFFFF;
	s2 =	simm.s32 @!p0 $0x1C07  }
0x273: {  	[timem:s3], [sflag:s2] =	dma.local @!p0 [hbm:s0], s1  }
0x274: {  	s0 =	simm.s32 @!p0 $0x7  }
0x275: {  	_ =	swait.ge @!p0 [sflag:s0], s1  }
0x276: {  	s1 =	ssub.s32 @!p0 $0x0, s1;
	[sflag:s0] =	ssyncset.done @!p0 $0x0  }
0x277: {  	[sflag:s0] =	ssyncadd.s32 @!p0 s1  }
0x278: {  	[bflag:$0x3] =	sbarrier.arrive $0xFFFF  }
0x279: {  	_ =	shalt  }

// kernel: kernel.8.cloned.1.call-start
scs
__scs_entry_jumppad:
0x0: {  	(pc) =	sbr.rel $0x88, $3  }
0x1: {  	(tag) =	ssettag $0x0;
	lr =	simm.s32 $0x1  }
0x2: {  	[smem:$0x3F8B] =	sst lr;
	_ =	strace $0xD0000000  }
0x3: {  	_ = 	snop  }
0x4: {  	_ = 	snop  }
0x5: {  	_ = 	snop  }
0x6: {  	_ = 	snop  }
0x7: {  	_ = 	snop  }
__scs_overlays_trampoline_lowered:
0x8: {  	[smem:$0x3F9A] =	sst s0  }
0x9: {  	[smem:$0x3F9B] =	sst s1  }
0xa: {  	[smem:$0x3F9C] =	sst s2  }
0xb: {  	[smem:$0x3F9D] =	sst s3  }
0xc: {  	[smem:$0x3F9E] =	sst s4  }
0xd: {  	[smem:$0x3F9F] =	sst s5  }
0xe: {  	[smem:$0x3FA0] =	sst s6  }
0xf: {  	[smem:$0x3FA1] =	sst s7  }
0x10: {  	[smem:$0x3FA2] =	sst s8  }
0x11: {  	[smem:$0x3FA3] =	sst s9;
	s0 =	simm.s32 @!p0 $0x0  }
0x12: {  	s1 =	sld [smem:$0x3F89];
	s0 =	simm.s32 @p0 $0x1  }
0x13: {  	[smem:$0x3FA4] =	sst s0;
	s0 =	simm.s32 @!p1 $0x0  }
0x14: {  	s2 =	sld [smem:$0x3F88];
	s0 =	simm.s32 @p1 $0x1  }
0x15: {  	[smem:$0x3FA5] =	sst s0;
	s0 =	simm.s32 @!p2 $0x0  }
0x16: {  	s3 =	sld [smem:$0x3FDB];
	s0 =	simm.s32 @p2 $0x1  }
0x17: {  	s4 =	simm.s32 $0x1BF5;
	[smem:$0x3FA7] =	sst s0  }
0x18: {  	s0 =	sld [smem:$0x3F8A];
	_ =	swait.ge [sflag:s4], $0x0  }
0x19: {  	s7 =	sld [smem:$0x3F8B]  }
0x1a: {  	s8 =	sadd.s32 $0xFFFFE003, lr  }
0x1b: {  	s9 =	sadd.s32 $0xFFFFFEF7, lr;
	s5 =	simm.s32 $0xFFFFFFFF;
	p2 =	slt.u32 s8, $0xFFFFF086  }
0x1c: {  	p1 =	slt.u32 s9, $0xF7A;
	s5 =	simm.s32 @!p2 $0x0  }
0x1d: {  	s5 =	simm.s32 @p1 $0x1;
	p0 =	seq.s32 s7, s2  }
0x1e: {  	s7 =	smul.u32 @!p0 $0xF7A, s2;
	p2 =	seq.s32 @!p0 s5, $0x0  }
0x1f: {  	s9 =	smul.u32 $0xF7A, s1;
	s8 =	simm.s32 @!p0 $0x1BF5;
	p2 =	por !p2, p0  }
0x20: {  	[sflag:s8] =	ssyncset.s32 @!p0 $0xFFFFF086;
	s6 =	sadd.s32 @!p0 s3, s7;
	s7 =	simm.s32 @!p0 $0x108  }
0x21: {  	s3 =	sadd.s32 s3, s9;
	s6 =	sadd.s32 @!p0 $0x88, s6;
	s7 =	simm.s32 @p2 $0x1082  }
0x22: {  	[simem:s7], [sflag:s8] =	dma.local @!p0 [hbm:s6], $0xF7A  }
0x23: {  	s9 =	sor.u32 $0xD0000000, s2;
	s6 =	simm.s32 $0x108;
	_ =	swait.ge @!p0 [sflag:s8], $0x0  }
0x24: {  	s3 =	sadd.s32 $0x88, s3;
	s6 =	simm.s32 @!p1 $0x1082;
	[sflag:s4] =	ssyncset.s32 $0xFFFFF086  }
0x25: {  	[simem:s6], [sflag:s4] =	dma.local [hbm:s3], $0xF7A  }
0x26: {  	[smem:$0x3F8B] =	sst s1;
	(tag) =	ssettag s2;
	_ =	strace s9  }
0x27: {  	s1 =	sld [smem:$0x3F9B]  }
0x28: {  	s2 =	sld [smem:$0x3F9C]  }
0x29: {  	s4 =	sld [smem:$0x3F9E]  }
0x2a: {  	p0 =	seq.s32 s5, $0x0;
	s5 =	sld [smem:$0x3F9F]  }
0x2b: {  	s6 =	sld [smem:$0x3FA0]  }
0x2c: {  	s7 =	sld [smem:$0x3FA1]  }
0x2d: {  	s3 =	simm.s32 $0x108;
	s8 =	sld [smem:$0x3FA2]  }
0x2e: {  	s3 =	simm.s32 @!p0 $0x1082;
	s9 =	sld [smem:$0x3FA3]  }
0x2f: {  	lr =	sadd.s32 s0, s3;
	s0 =	sld [smem:$0x3F9A]  }
0x30: {  	s3 =	sld [smem:$0x3F9D]  }
0x31: {  	[smem:$0x3FA6] =	sst s10  }
0x32: {  	s10 =	sld [smem:$0x3FA4];
	_ =	sdelay $0x3  }
0x33: {  	p0 =	seq.s32 s10, $0x1;
	s10 =	sld [smem:$0x3FA6];
	_ =	sdelay $0x3  }
0x34: {  	[smem:$0x3FA6] =	sst s10  }
0x35: {  	s10 =	sld [smem:$0x3FA5];
	_ =	sdelay $0x3  }
0x36: {  	p1 =	seq.s32 s10, $0x1;
	s10 =	sld [smem:$0x3FA6];
	_ =	sdelay $0x3  }
0x37: {  	[smem:$0x3FA6] =	sst s10  }
0x38: {  	s10 =	sld [smem:$0x3FA7]  }
0x39: {  	_ = 	snop;
	(pc) =	sbr.ind lr, $3  }
0x3a: {  	_ = 	snop  }
0x3b: {  	_ = 	snop  }
0x3c: {  	p2 =	seq.s32 s10, $0x1;
	s10 =	sld [smem:$0x3FA6]  }
0x3d: {  	_ =	shalt  }
0x3e: {  	_ =	shalt  }
0x3f: {  	_ =	shalt  }
0x40: {  	_ =	shalt  }
0x41: {  	_ =	shalt  }
0x42: {  	_ =	shalt  }
0x43: {  	_ =	shalt  }
0x44: {  	_ =	shalt  }
0x45: {  	_ =	shalt  }
0x46: {  	_ =	shalt  }
0x47: {  	_ =	shalt  }
0x48: {  	_ =	shalt  }
0x49: {  	_ =	shalt  }
0x4a: {  	_ =	shalt  }
0x4b: {  	_ =	shalt  }
0x4c: {  	_ =	shalt  }
0x4d: {  	_ =	shalt  }
0x4e: {  	_ =	shalt  }
0x4f: {  	_ =	shalt  }
0x50: {  	_ =	shalt  }
0x51: {  	_ =	shalt  }
0x52: {  	_ =	shalt  }
0x53: {  	_ =	shalt  }
0x54: {  	_ =	shalt  }
0x55: {  	_ =	shalt  }
0x56: {  	_ =	shalt  }
0x57: {  	_ =	shalt  }
0x58: {  	_ =	shalt  }
0x59: {  	_ =	shalt  }
0x5a: {  	_ =	shalt  }
0x5b: {  	_ =	shalt  }
0x5c: {  	_ =	shalt  }
0x5d: {  	_ =	shalt  }
0x5e: {  	_ =	shalt  }
0x5f: {  	_ =	shalt  }
0x60: {  	_ =	shalt  }
0x61: {  	_ =	shalt  }
0x62: {  	_ =	shalt  }
0x63: {  	_ =	shalt  }
0x64: {  	_ =	shalt  }
0x65: {  	_ =	shalt  }
0x66: {  	_ =	shalt  }
0x67: {  	_ =	shalt  }
0x68: {  	_ =	shalt  }
0x69: {  	_ =	shalt  }
0x6a: {  	_ =	shalt  }
0x6b: {  	_ =	shalt  }
0x6c: {  	_ =	shalt  }
0x6d: {  	_ =	shalt  }
0x6e: {  	_ =	shalt  }
0x6f: {  	_ =	shalt  }
0x70: {  	_ =	shalt  }
0x71: {  	_ =	shalt  }
0x72: {  	_ =	shalt  }
0x73: {  	_ =	shalt  }
0x74: {  	_ =	shalt  }
0x75: {  	_ =	shalt  }
0x76: {  	_ =	shalt  }
0x77: {  	_ =	shalt  }
0x78: {  	_ =	shalt  }
0x79: {  	_ =	shalt  }
0x7a: {  	_ =	shalt  }
0x7b: {  	_ =	shalt  }
0x7c: {  	_ =	shalt  }
0x7d: {  	_ =	shalt  }
0x7e: {  	_ =	shalt  }
0x7f: {  	_ =	shalt  }
0x80: {  	_ =	shalt  }
0x81: {  	_ =	shalt  }
0x82: {  	_ =	shalt  }
0x83: {  	_ =	shalt  }
0x84: {  	_ =	shalt  }
0x85: {  	_ =	shalt  }
0x86: {  	_ =	shalt  }
0x87: {  	_ =	shalt  }
.Lfunc_end0:
.L_simem_size_0:
called_computation_lowered:
.L_overlay_start_0:
0x88: {  	s2 =	sld [smem:$0x3FD9]  }
0x89: {  	s3 =	sld [smem:$0x3FFE];
	_ =	sdelay $0x1  }
0x8a: {  	s1 =	srdreg.scid  }
0x8b: {  	s0 =	sand.u32 $0x1, s1  }
0x8c: {  	s14 =	sshll.u32 s0, $0xA;
	s2 =	sadd.s32 s3, s2  }
0x8d: {  	s2 =	sadd.s32 s2, s14  }
0x8e: {  	[smem:$0x3FB2] =	sst s2  }
0x8f: {  	_ = 	snop  }
0x90: {  	s2 =	sld [smem:$0x3FD0];
	_ =	sdelay $0x1  }
0x91: {  	s15 =	sld [smem:$0x3FC8]  }
0x92: {  	s5 =	simm.s32 $0xB;
	s6 =	simm.s32 $0x10;
	s4 =	sld [smem:$0x3FC7]  }
0x93: {  	[smem:s6], [sflag:s5] =	dma.local [hbm:s2], $0x1  }
0x94: {  	_ =	swait.eq [sflag:s5], $0x1  }
0x95: {  	[sflag:s5] =	ssyncset.done $0x0  }
0x96: {  	[sflag:s5] =	ssyncadd.s32 $0xFFFFFFFF  }
0x97: {  	s16 =	sld [smem:$0x10];
	(tm) =	ssettm $0x1  }
0x98: {  	s17 =	sld [smem:$0x3FFB];
	_ =	sdelay $0x3  }
0x99: {  	_ =	strace s17  }
0x9a: {  	s5 =	sld [smem:$0x3FFC];
	_ =	sdelay $0x3  }
0x9b: {  	_ =	strace s5  }
0x9c: {  	s5 =	sld [smem:$0x3FFD];
	_ =	sdelay $0x3  }
0x9d: {  	_ =	strace s5  }
0x9e: {  	_ =	strace $0x8FFFFFFF  }
0x9f: {  	s18 =	sld [smem:$0x3FDB];
	_ =	sdelay $0x1  }
0xa0: {  	s19 =	simm.s32 $_scs_section_size  }
0xa1: {  	s7 =	simm.s32 $_size__tile_overlayer_lowered;
	s8 =	simm.s32 $_tile_overlayer_lowered  }
0xa2: {  	s22 =	simm.s32 $0x1BFF;
	s21 =	sshll.u32 s8, $0x1;
	s5 =	sadd.s32 s19, s18  }
0xa3: {  	s9 =	simm.s32 $0x0;
	s20 =	sshll.u32 s7, $0x1;
	s7 =	sadd.s32 s21, s5  }
0xa4: {  	[timem:s9], [sflag:s22] =	dma.local [hbm:s7], s20  }
0xa5: {  	_ =	swait.ge [sflag:s22], s20  }
0xa6: {  	s6 =	ssub.s32 $0x0, s20;
	[sflag:s22] =	ssyncset.done $0x0  }
0xa7: {  	[sflag:s22] =	ssyncadd.s32 s6;
	_ =	sdelay $0x1  }
0xa8: {  	s23 =	simm.s32 $0x1B8B  }
0xa9: {  	_ =	swait.ge [sflag:s23], $0x1  }
0xaa: {  	[sflag:s23] =	ssyncset.done $0x0  }
0xab: {  	s25 =	simm.s32 $0x1B8E;
	s24 =	sld [smem:$0x3FFE];
	[sflag:s23] =	ssyncadd.s32 $0xFFFFFFFF  }
0xac: {  	s26 =	simm.s32 $execute0_lowered;
	[smem:$0x3FD2] =	sst s25  }
0xad: {  	s7 =	sshll.u32 s26, $0x1;
	_ =	strace $0x80000046;
	[dreg:$0x1] =	wrdreg $0xFFFFFFFF  }
0xae: {  	s28 =	simm.s32 $_size_execute0_lowered;
	s5 =	sadd.s32 s5, s7;
	[dreg:$0x0] =	wrdreg $0x0  }
0xaf: {  	s7 =	sshll.u32 s28, $0x1;
	[dreg:$0x2] =	wrdreg s5  }
0xb0: {  	[dreg:$0x3] =	wrdreg s7  }
0xb1: {  	[dreg:$0x4] =	wrdreg $0xC0  }
0xb2: {  	_ =	task [dreg:s9], $0x5FFFF  }
0xb3: {  	[dreg:$0x1] =	wrdreg $0xFFFFFFFF  }
0xb4: {  	[dreg:$0x0] =	wrdreg $0x60  }
0xb5: {  	[dreg:$0x2] =	wrdreg s24  }
0xb6: {  	[dreg:$0x3] =	wrdreg s15  }
0xb7: {  	[dreg:$0x4] =	wrdreg s4  }
0xb8: {  	[dreg:$0x5] =	wrdreg s16  }
0xb9: {  	[dreg:$0x6] =	wrdreg $0x9  }
0xba: {  	_ =	task.clear_ibuf [dreg:s9], $0x7FFFF;
	_ =	strace $0x90000046  }
0xbb: {  	s29 =	simm.s32 $0x9;
	_ =	strace $0x80000048  }
0xbc: {  	_ =	swait.ge [sflag:s29], $0x1  }
0xbd: {  	[sflag:s29] =	ssyncadd.s32 $0xFFFFFFFF  }
0xbe: {  	_ =	strace $0x90000048  }
0xbf: {  	_ =	sfence  }
0xc0: {  	s30 =	sld [smem:$0x0];
	_ =	sdelay $0x2  }
0xc1: {  	s31 =	sshll.u32 s1, $0xD;
	s1 =	sshrl.u32 s1, $0x2  }
0xc2: {  	s3 =	sand.u32 $0x4000, s31;
	s1 =	sadd.s32 s1, s30  }
0xc3: {  	s0 =	sor.u32 s3, s0;
	s1 =	sshll.u32 s1, $0x11  }
0xc4: {  	s0 =	sor.u32 s1, s0  }
0xc5: {  	s0 =	sadd.s32 $0x8F2B, s0  }
0xc6: {  	[sflag:s0] =	ssyncadd.remote.s32 $0x1  }
0xc7: {  	_ =	sfence.sel $0xFFFF  }
0xc8: {  	[dreg:$0x0] =	wrdreg $0xFFFFFFFF;
	(pc) =	sbr.abs _section_cstart, $3  }
0xc9: {  	[dreg:$0x1] =	wrdreg $0xFFFFFFFF  }
0xca: {  	_ =	task.clear_ibuf [dreg:s9], $0x2FFFF;
	_ =	strace $0x9FFFFFFF  }
0xcb: {  	(tm) =	ssettm $0x7FFFFFFF  }
tec
execute0_lowered:
.L_overlay_start_1:
0x0: {  	(tag) =	ssettag $0x1  }
0x1: {  	s0 =	rddreg [dreg:$0x0]  }
0x2: {  	s7 =	rddreg [dreg:$0x1]  }
0x3: {  	s4 =	rddreg [dreg:$0x3];
	s1 =	srdreg.scid  }
0x4: {  	s2 =	stileid.u32;
	s5 =	simm.s32 $0x0;
	s16 =	simm.s32 $0x80  }
0x5: {  	s17 =	simm.s32 $0x100;
	s18 =	simm.s32 $0x7;
	s21 =	simm.s32 $0x1800  }
0x6: {  	s22 =	simm.s32 $0x6800;
	s23 =	simm.s32 $0x1;
	s24 =	simm.s32 $0x3  }
0x7: {  	s25 =	simm.s32 $0x4000;
	s28 =	simm.s32 $0x2;
	s29 =	simm.s32 $0x4  }
0x8: {  	s30 =	simm.s32 $0x5;
	s1 =	sand.u32 $0x1, s1;
	s2 =	sshll.u32 s2, $0x1  }
0x9: {  	s31 =	simm.s32 $0x6;
	[smem:$0x7FF] =	sst s5;
	s2 =	sor.u32 s1, s2  }
0xa: {  	s12 =	sadd.s32 $0x3C00, s0;
	s1 =	ssub.s32 $0x2, s1;
	s3 =	smul.u32 $0xA000, s2  }
0xb: {  	s0 =	sadd.s32 $0x7BC00, s0;
	s6 =	sshrl.u32 s1, $0x1;
	s2 =	smul.u32 $0x1400, s2  }
0xc: {  	_ =	strace $0x80000047;
	s1 =	ssub.s32 s1, s6;
	s6 =	sadd.s32 $0x10, s7  }
0xd: {  	s3 =	sshrl.u32 s3, $0x3;
	s7 =	sadd.s32 s12, s2;
	s9 =	sadd.s32 s0, s2  }
0xe: {  	s15 =	smax.u32 s1, $0x1;
	s11 =	sadd.s32 $0x500, s3;
	s13 =	sadd.s32 $0xA00, s3  }
0xf: {  	s26 =	sadd.s32 $0xF00, s3;
	s8 =	sadd.s32 s12, s11;
	s10 =	sadd.s32 s12, s13  }
0x10: {  	v0 =	vlaneseq.u32;
	s11 =	sadd.s32 s0, s11;
	s12 =	sadd.s32 s12, s26;
	s13 =	sadd.s32 s0, s13  }
0x11: {  	v0 =	vor.u32 $0x50, v0;
	s14 =	sadd.s32 s0, s26;
	s26 =	simm.s32 $0x9000;
	s0 =	simm.s32 $0x0  }
.LBB2_1:
0x12: {  	s1 =	rddreg [dreg:$0x1]  }
0x13: {  	[tilespmem:s5], [sflag:$0x7] =	stream.strided.gather [hbm4b:s1+s16], $0x800, s17, s16, $0x38;
	[tilespmem:$0xB800] =	vst v63  }
0x14: {  	_ =	swait.ge [sflag:s18], $0x800  }
0x15: {  	[sflag:s18] =	ssyncset.done $0x0  }
0x16: {  	s3 =	simm.s32 $0x800;
	[sflag:s18] =	ssyncadd.s32 $0xFFFFF800  }
0x17: {  	[tilespmem:s3], [sflag:$0x7] =	stream.strided.gather [hbm4b:s6+s16], $0x800, s17, s16, $0x38;
	[tilespmem:$0xB800] =	vst v63  }
0x18: {  	_ =	swait.ge [sflag:s18], $0x800  }
0x19: {  	[sflag:s18] =	ssyncset.done $0x0  }
0x1a: {  	[sflag:s18] =	ssyncadd.s32 $0xFFFFF800  }
0x1b: {  	s2 =	simm.s32 $0x1000;
	s19 =	rddreg [dreg:$0x2]  }
0x1c: {  	[tilespmem:s2], [sflag:$0x7] =	stream.linear.gather [hbm4b:s19+s5], $0x800, $0x38;
	[tilespmem:$0xB800] =	vst v63  }
0x1d: {  	_ =	swait.ge [sflag:s18], $0x800  }
0x1e: {  	[sflag:s18] =	ssyncset.done $0x0  }
0x1f: {  	s20 =	simm.s32 $0x840;
	[sflag:s18] =	ssyncadd.s32 $0xFFFFF800  }
0x20: {  	s2 =	simm.s32 $0x40;
	v1 =	vld [tilespmem:s20+$0x30]  }
0x21: {  	v2 =	vld [tilespmem:s2+$0x30]  }
0x22: {  	v3 =	vld [tilespmem:s20+$0xFFFFFFD0]  }
0x23: {  	v4 =	vld [tilespmem:s20+$0xFFFFFFE0]  }
0x24: {  	v9 =	vld [tilespmem:s20+$0xFFFFFFF0]  }
0x25: {  	v10 =	vld [tilespmem:s20+$0x0]  }
0x26: {  	v11 =	vld [tilespmem:s20+$0x10]  }
0x27: {  	v12 =	vld [tilespmem:s20+$0x20]  }
0x28: {  	v7 =	vld [tilespmem:s20+$0xFFFFFFC0]  }
0x29: {  	v13 =	vld [tilespmem:s2+$0xFFFFFFC0]  }
0x2a: {  	v14 =	vld [tilespmem:s2+$0xFFFFFFD0]  }
0x2b: {  	v8 =	vld [tilespmem:s2+$0xFFFFFFE0]  }
0x2c: {  	v6 =	vld [tilespmem:s2+$0xFFFFFFF0];
	v1 =	vshll.u32 v1, $0x7;
	v15 =	vshll.u32 v3, $0x7  }
0x2d: {  	v5 =	vshll.u32 v4, $0x7;
	v3 =	vshll.u32 v7, $0x7;
	v7 =	vld [tilespmem:s2+$0x0];
	v1 =	vadd.s32 v2, v1  }
0x2e: {  	v4 =	vshll.u32 v9, $0x7;
	v9 =	vld [tilespmem:s2+$0x10];
	v2 =	vshll.u32 v10, $0x7;
	v10 =	vadd.s32 v13, v3;
	[tilespmem:s2+$0x30] =	vst v1  }
0x2f: {  	s3 =	simm.s32 $0x0;
	s19 =	simm.s32 $0x8C0;
	s20 =	simm.s32 $0x40;
	v3 =	vshll.u32 v11, $0x7;
	v11 =	vadd.s32 v14, v15;
	v1 =	vshll.u32 v12, $0x7;
	[tilespmem:s2+$0xFFFFFFC0] =	vst v10;
	v10 =	vld [tilespmem:s2+$0x20]  }
.LBB2_2:
0x30: {  	v12 =	vld [tilespmem:s19+$0x30];
	s3 =	sadd.s32 $0x8, s3;
	[tilespmem:s2+$0xFFFFFFD0] =	vst v11;
	v5 =	vadd.s32 v8, v5;
	s20 =	sadd.s32 $0x80, s20  }
0x31: {  	v8 =	vld [tilespmem:s20+$0x30];
	p0 =	slt.u32 s3, $0x70;
	[tilespmem:s2+$0xFFFFFFE0] =	vst v5;
	v4 =	vadd.s32 v6, v4  }
0x32: {  	v5 =	vld [tilespmem:s19+$0xFFFFFFD0];
	[tilespmem:s2+$0xFFFFFFF0] =	vst v4;
	v2 =	vadd.s32 v7, v2  }
0x33: {  	v4 =	vld [tilespmem:s19+$0xFFFFFFE0];
	[tilespmem:s2+$0x0] =	vst v2;
	v2 =	vadd.s32 v9, v3  }
0x34: {  	v3 =	vld [tilespmem:s19+$0xFFFFFFF0];
	[tilespmem:s2+$0x10] =	vst v2;
	v1 =	vadd.s32 v10, v1  }
0x35: {  	v2 =	vld [tilespmem:s19+$0x0];
	v6 =	vshll.u32 v12, $0x7;
	[tilespmem:s2+$0x20] =	vst v1;
	s2 =	smov.u32 s20  }
0x36: {  	v1 =	vld [tilespmem:s19+$0x10];
	v6 =	vadd.s32 v8, v6  }
0x37: {  	s1 =	simm.s32 $0x0;
	v10 =	vshll.u32 v5, $0x7;
	v7 =	vld [tilespmem:s19+$0x20];
	[tilespmem:s20+$0x30] =	vst v6  }
0x38: {  	v9 =	vld [tilespmem:s19+$0xFFFFFFC0];
	v5 =	vshll.u32 v4, $0x7  }
0x39: {  	v11 =	vld [tilespmem:s20+$0xFFFFFFC0];
	v4 =	vshll.u32 v3, $0x7  }
0x3a: {  	v12 =	vld [tilespmem:s20+$0xFFFFFFD0];
	v2 =	vshll.u32 v2, $0x7  }
.Ltmp0:
0x3b: {  	v8 =	vld [tilespmem:s20+$0xFFFFFFE0];
	v3 =	vshll.u32 v1, $0x7;
	(pc) =	sbr.rel @p0 .LBB2_2-.Ltmp0, $4  }
0x3c: {  	v6 =	vld [tilespmem:s20+$0xFFFFFFF0];
	v1 =	vshll.u32 v7, $0x7  }
0x3d: {  	v9 =	vshll.u32 v9, $0x7;
	v7 =	vld [tilespmem:s20+$0x0]  }
0x3e: {  	v11 =	vadd.s32 v11, v9;
	v9 =	vld [tilespmem:s20+$0x10]  }
0x3f: {  	s19 =	sadd.s32 $0x80, s19;
	[tilespmem:s20+$0xFFFFFFC0] =	vst v11;
	v11 =	vadd.s32 v12, v10;
	v10 =	vld [tilespmem:s20+$0x20]  }
0x40: {  	[tilespmem:s2+$0xFFFFFFD0] =	vst v11;
	v5 =	vadd.s32 v8, v5  }
0x41: {  	[tilespmem:s2+$0xFFFFFFE0] =	vst v5;
	v4 =	vadd.s32 v6, v4  }
0x42: {  	[tilespmem:s2+$0xFFFFFFF0] =	vst v4;
	v2 =	vadd.s32 v7, v2  }
0x43: {  	[tilespmem:s2+$0x0] =	vst v2;
	v2 =	vadd.s32 v9, v3  }
0x44: {  	[tilespmem:s2+$0x10] =	vst v2;
	v1 =	vadd.s32 v10, v1  }
0x45: {  	[tilespmem:s2+$0x20] =	vst v1  }
.LBB2_4:
0x46: {  	s2 =	sshra.s32 s1, $0x2  }
0x47: {  	v1 =	vld [tilespmem:s2+$0xF80]  }
0x48: {  	v2 =	vld [tilespmem:s2+$0x780]  }
0x49: {  	p0 =	sne.s32 s1, $0x100  }
.Ltmp1:
0x4a: {  	_ = 	snop;
	(pc) =	sbr.rel @p0 .LBB2_4-.Ltmp1, $4  }
0x4b: {  	_ = 	snop  }
0x4c: {  	v1 =	vshll.u32 v1, $0x7  }
0x4d: {  	v1 =	vadd.s32 v2, v1  }
0x4e: {  	s1 =	sadd.s32 $0x40, s1;
	[tilespmem:s2+$0x780] =	vst v1  }
0x4f: {  	[tilespmem:s21], [sflag:$0x1] =	stream.linear.gather [hbm4b:s7+s5], $0x2800, $0x38;
	[tilespmem:$0xB800] =	vst v63  }
0x50: {  	_ = 	snop  }
0x51: {  	[tilespmem:s22], [sflag:$0x3] =	stream.linear.gather [hbm4b:s4+s5], $0x2800, $0x38;
	[tilespmem:$0xB800] =	vst v63  }
0x52: {  	_ =	swait.ge [sflag:s23], $0x2800  }
0x53: {  	[sflag:s23] =	ssyncset.done $0x0  }
0x54: {  	[sflag:s23] =	ssyncadd.s32 $0xFFFFD800  }
0x55: {  	_ =	swait.ge [sflag:s24], $0x2800  }
0x56: {  	[sflag:s24] =	ssyncset.done $0x0  }
0x57: {  	[sflag:s24] =	ssyncadd.s32 $0xFFFFD800  }
0x58: {  	[tilespmem:s25], [sflag:$0x2] =	stream.linear.gather [hbm4b:s8+s5], $0x2800, $0x38;
	[tilespmem:$0xB800] =	vst v63  }
0x59: {  	s1 =	simm.s32 $0x40  }
0x5a: {  	[tilespmem:s26], [sflag:$0x4] =	stream.linear.gather [hbm4b:s4+s5], $0x2800, $0x38;
	[tilespmem:$0xB800] =	vst v63  }
0x5b: {  	v2 =	vld [tilespmem:s1+$0x10]  }
0x5c: {  	v10 =	vld [tilespmem:s1+$0xFFFFFFE0]  }
0x5d: {  	v11 =	vld [tilespmem:s1+$0xFFFFFFF0]  }
0x5e: {  	v12 =	vld [tilespmem:s1+$0xFFFFFFC0]  }
0x5f: {  	s2 =	simm.s32 $0x1040;
	v3 =	vld [tilespmem:s1+$0x20]  }
0x60: {  	v6 =	vld [tilespmem:s2+$0x30]  }
0x61: {  	v9 =	vld [tilespmem:s1+$0x30]  }
0x62: {  	v7 =	vld [tilespmem:s2+$0xFFFFFFE0];
	v16 =	vand.u32 $0xFFFFFF80, v10  }
0x63: {  	v1 =	vld [tilespmem:s1+$0xFFFFFFD0];
	v13 =	vor.u32 $0x50, v16  }
0x64: {  	v14 =	vld [tilespmem:s2+$0xFFFFFFC0];
	v20 =	vand.u32 $0xFFFFFF80, v12  }
0x65: {  	v4 =	vld [tilespmem:s2+$0xFFFFFFF0];
	v5 =	vand.u32 $0xFFFFFF80, v11;
	v18 =	vor.u32 $0x50, v20  }
0x66: {  	v17 =	vor.u32 $0x50, v5;
	v26 =	vld.idx.msk [tilespmem:v10+s21+$0x0], $0xffff  }
0x67: {  	v19 =	vand.u32 $0xFFFFFF80, v9;
	v24 =	vld.idx.msk [tilespmem:v12+s21+$0x0], $0xffff  }
0x68: {  	v22 =	vld.idx.msk [tilespmem:v13+s21+$0x0], $0xffff;
	v13 =	vor.u32 $0x50, v19  }
0x69: {  	v8 =	vand.u32 $0xFFFFFF80, v3;
	v30 =	vld.idx.msk [tilespmem:v9+s21+$0x0], $0xffff  }
0x6a: {  	v15 =	vand.u32 $0xFFFFFF80, v1;
	v21 =	vor.u32 $0x50, v8;
	v23 =	vld.idx.msk [tilespmem:v18+s21+$0x0], $0xffff  }
0x6b: {  	v27 =	vld.idx.msk [tilespmem:v17+s21+$0x0], $0xffff;
	v17 =	vor.u32 $0x50, v15  }
0x6c: {  	v32 =	vld.idx.msk [tilespmem:v1+s21+$0x0], $0xffff  }
0x6d: {  	v28 =	vld.idx.msk [tilespmem:v13+s21+$0x0], $0xffff  }
0x6e: {  	v13 =	vld [tilespmem:s1+$0x0]  }
0x6f: {  	v25 =	vld.idx.msk [tilespmem:v21+s21+$0x0], $0xffff;
	v33 =	vmul.f32 v23, v14  }
0x70: {  	v29 =	vld.idx.msk [tilespmem:v17+s21+$0x0], $0xffff;
	v17 =	vand.u32 $0xFFFFFF80, v2  }
0x71: {  	v18 =	vld [tilespmem:s2+$0xFFFFFFD0];
	v31 =	vor.u32 $0x50, v17;
	v33 =	vadd.f32 v33, v24  }
0x72: {  	v21 =	vld [tilespmem:s2+$0x20];
	v34 =	vmul.f32 v22, v7  }
0x73: {  	v22 =	vld [tilespmem:s2+$0x0];
	v33 =	vmul.f32 $1.442695020e+00, v33;
	v23 =	vand.u32 $0xFFFFFF80, v13  }
0x74: {  	v24 =	vld [tilespmem:s2+$0x10];
	v34 =	vadd.f32 v34, v26;
	v28 =	vmul.f32 v28, v6;
	v35 =	vor.u32 $0x50, v23  }
0x75: {  	v26 =	vld.idx.msk [tilespmem:v2+s21+$0x0], $0xffff;
	(erf) = vpow2.f32 v33  }
0x76: {  	v34 =	vmul.f32 $1.442695020e+00, v34;
	v29 =	vmul.f32 v29, v18;
	v31 =	vld.idx.msk [tilespmem:v31+s21+$0x0], $0xffff;
	v28 =	vadd.f32 v28, v30  }
0x77: {  	v30 =	vld.idx.msk [tilespmem:v11+s21+$0x0], $0xffff  }
0x78: {  	v33 =	vld.idx.msk [tilespmem:v3+s21+$0x0], $0xffff;
	v63 =	vadd.f32 v29, v32;
	(erf) = vpow2.f32 v34;
	v36 =	vmul.f32 $1.442695020e+00, v28  }
0x79: {  	v27 =	vmul.f32 v27, v4;
	v32 =	vld.idx.msk [tilespmem:v35+s21+$0x0], $0xffff  }
0x7a: {  	s3 =	simm.s32 $0x0;
	s19 =	simm.s32 $0xC0;
	v29 =	vld.idx.msk [tilespmem:v13+s21+$0x0], $0xffff;
	v28 =	vmul.f32 $1.442695020e+00, v63;
	(erf) = vpow2.f32 v36  }
.LBB2_6:
0x7b: {  	v34 =	vld [tilespmem:s19+$0x10];
	s3 =	sadd.s32 $0x8, s3;
	s2 =	sadd.s32 $0x80, s2  }
0x7c: {  	v27 =	vadd.f32 v27, v30;
	v35 =	vld [tilespmem:s2+$0x30];
	p0 =	slt.u32 s3, $0x70  }
0x7d: {  	v31 =	vmul.f32 v31, v24;
	v30 =	vld [tilespmem:s2+$0xFFFFFFE0]  }
0x7e: {  	v25 =	vmul.f32 v25, v21;
	v40 =	vmul.f32 v32, v22;
	v36 =	vld [tilespmem:s2+$0xFFFFFFC0];
	v37 =	vpop (erf)  }
0x7f: {  	v26 =	vadd.f32 v31, v26;
	v38 =	vld [tilespmem:s2+$0xFFFFFFF0];
	v39 =	vmul.f32 v37, v14;
	v14 =	vmul.f32 $1.442695020e+00, v27  }
0x80: {  	v29 =	vadd.f32 v40, v29;
	v25 =	vadd.f32 v25, v33;
	v27 =	vld [tilespmem:s19+$0x20]  }
0x81: {  	v40 =	vmul.f32 $1.442695020e+00, v26;
	v31 =	vld [tilespmem:s19+$0x30];
	v32 =	vpop (erf);
	(erf) = vpow2.f32 v14  }
0x82: {  	v41 =	vmul.f32 $1.442695020e+00, v25;
	v33 =	vld [tilespmem:s19+$0xFFFFFFD0];
	(erf) = vpow2.f32 v28  }
0x83: {  	v19 =	vor.u32 v0, v19;
	v25 =	vmul.f32 $1.442695020e+00, v29;
	[tilespmem:v10+s22+$0x0] =	vst.idx.add.f32.msk $0xffff, v32;
	(erf) = vpow2.f32 v40;
	v26 =	vpop (erf)  }
0x84: {  	v14 =	vmov v36;
	v10 =	vld [tilespmem:s19+$0xFFFFFFE0];
	(erf) = vpow2.f32 v41  }
0x85: {  	v16 =	vor.u32 v0, v16;
	[tilespmem:v12+s22+$0x0] =	vst.idx.add.f32.msk $0xffff, v37;
	(erf) = vpow2.f32 v25  }
0x86: {  	v20 =	vor.u32 v0, v20;
	v12 =	vmul.f32 v26, v6;
	v6 =	vmov v35;
	[tilespmem:v9+s22+$0x0] =	vst.idx.add.f32.msk $0xffff, v26  }
0x87: {  	v9 =	vmov v31;
	v25 =	vand.u32 $0xFFFFFF80, v33;
	v26 =	vld [tilespmem:s19+$0xFFFFFFF0]  }
0x88: {  	v28 =	vmul.f32 v32, v7;
	v7 =	vmov v30;
	[tilespmem:v19+s22+$0x0] =	vst.idx.add.f32.msk $0xffff, v12  }
0x89: {  	v29 =	vand.u32 $0xFFFFFF80, v34;
	v12 =	vld [tilespmem:s19+$0xFFFFFFC0]  }
0x8a: {  	v30 =	vor.u32 v0, v15;
	v15 =	vor.u32 v0, v17;
	v31 =	vor.u32 $0x50, v29;
	[tilespmem:v16+s22+$0x0] =	vst.idx.add.f32.msk $0xffff, v28;
	v17 =	vpop (erf)  }
0x8b: {  	v28 =	vor.u32 v0, v5;
	[tilespmem:v20+s22+$0x0] =	vst.idx.add.f32.msk $0xffff, v39;
	v20 =	vmul.f32 v17, v4;
	v32 =	vpop (erf);
	v4 =	vmov v38  }
0x8c: {  	v19 =	vand.u32 $0xFFFFFF80, v9;
	v16 =	vand.u32 $0xFFFFFF80, v10;
	v5 =	vand.u32 $0xFFFFFF80, v26;
	[tilespmem:v11+s22+$0x0] =	vst.idx.add.f32.msk $0xffff, v17;
	v11 =	vpop (erf)  }
0x8d: {  	v35 =	vor.u32 $0x50, v16;
	v18 =	vmul.f32 v32, v18;
	[tilespmem:v2+s22+$0x0] =	vst.idx.add.f32.msk $0xffff, v11;
	v36 =	vmul.f32 v11, v24;
	v2 =	vpop (erf)  }
0x8e: {  	v23 =	vor.u32 v0, v23;
	[tilespmem:v3+s22+$0x0] =	vst.idx.add.f32.msk $0xffff, v2;
	v21 =	vmul.f32 v2, v21;
	v24 =	vpop (erf);
	v2 =	vmov v34  }
0x8f: {  	v34 =	vor.u32 v0, v8;
	v3 =	vmov v27;
	v22 =	vmul.f32 v24, v22;
	[tilespmem:v15+s22+$0x0] =	vst.idx.add.f32.msk $0xffff, v36  }
0x90: {  	v17 =	vmovc v29;
	v11 =	vmov v26;
	v15 =	vmov v25;
	[tilespmem:v1+s22+$0x0] =	vst.idx.add.f32.msk $0xffff, v32;
	v1 =	vmov v33  }
0x91: {  	[tilespmem:v28+s22+$0x0] =	vst.idx.add.f32.msk $0xffff, v20  }
0x92: {  	v20 =	vand.u32 $0xFFFFFF80, v12;
	[tilespmem:v13+s22+$0x0] =	vst.idx.add.f32.msk $0xffff, v24  }
0x93: {  	v8 =	vand.u32 $0xFFFFFF80, v3;
	v13 =	vor.u32 $0x50, v5;
	[tilespmem:v23+s22+$0x0] =	vst.idx.add.f32.msk $0xffff, v22  }
0x94: {  	v22 =	vor.u32 $0x50, v20;
	[tilespmem:v34+s22+$0x0] =	vst.idx.add.f32.msk $0xffff, v21  }
0x95: {  	v21 =	vor.u32 $0x50, v8;
	[tilespmem:v30+s22+$0x0] =	vst.idx.add.f32.msk $0xffff, v18  }
0x96: {  	v18 =	vld.idx.msk [tilespmem:v10+s21+$0x0], $0xffff  }
0x97: {  	v24 =	vor.u32 $0x50, v19;
	v23 =	vld.idx.msk [tilespmem:v35+s21+$0x0], $0xffff  }
0x98: {  	v26 =	vld.idx.msk [tilespmem:v13+s21+$0x0], $0xffff  }
0x99: {  	v27 =	vor.u32 $0x50, v15;
	v22 =	vld.idx.msk [tilespmem:v22+s21+$0x0], $0xffff  }
0x9a: {  	v25 =	vld.idx.msk [tilespmem:v21+s21+$0x0], $0xffff  }
0x9b: {  	v21 =	vld.idx.msk [tilespmem:v12+s21+$0x0], $0xffff  }
0x9c: {  	v24 =	vld.idx.msk [tilespmem:v24+s21+$0x0], $0xffff  }
0x9d: {  	v23 =	vmul.f32 v23, v7;
	v13 =	vld [tilespmem:s19+$0x0]  }
0x9e: {  	v28 =	vld.idx.msk [tilespmem:v27+s21+$0x0], $0xffff;
	v27 =	vmul.f32 v26, v4  }
0x9f: {  	v22 =	vmul.f32 v22, v14;
	v23 =	vadd.f32 v23, v18;
	v29 =	vld.idx.msk [tilespmem:v9+s21+$0x0], $0xffff  }
0xa0: {  	v18 =	vld [tilespmem:s2+$0xFFFFFFD0]  }
0xa1: {  	v22 =	vadd.f32 v22, v21;
	v32 =	vld.idx.msk [tilespmem:v33+s21+$0x0], $0xffff;
	v33 =	vmul.f32 $1.442695020e+00, v23  }
0xa2: {  	v23 =	vand.u32 $0xFFFFFF80, v13;
	v21 =	vld [tilespmem:s2+$0x20]  }
0xa3: {  	v35 =	vmul.f32 v24, v6;
	v30 =	vmul.f32 $1.442695020e+00, v22;
	v22 =	vld [tilespmem:s2+$0x0];
	v34 =	vor.u32 $0x50, v23  }
0xa4: {  	v24 =	vld [tilespmem:s2+$0x10]  }
0xa5: {  	v29 =	vadd.f32 v35, v29;
	v28 =	vmul.f32 v28, v18;
	v26 =	vld.idx.msk [tilespmem:v2+s21+$0x0], $0xffff;
	(erf) = vpow2.f32 v30  }
.Ltmp2:
0xa6: {  	v30 =	vld.idx.msk [tilespmem:v11+s21+$0x0], $0xffff;
	(pc) =	sbr.rel @p0 .LBB2_6-.Ltmp2, $4  }
0xa7: {  	v35 =	vmul.f32 $1.442695020e+00, v29;
	v28 =	vadd.f32 v28, v32;
	v31 =	vld.idx.msk [tilespmem:v31+s21+$0x0], $0xffff  }
0xa8: {  	v32 =	vld.idx.msk [tilespmem:v34+s21+$0x0], $0xffff;
	(erf) = vpow2.f32 v33  }
0xa9: {  	v28 =	vmul.f32 $1.442695020e+00, v28;
	v29 =	vld.idx.msk [tilespmem:v13+s21+$0x0], $0xffff  }
0xaa: {  	s19 =	sadd.s32 $0x80, s19;
	v33 =	vld.idx.msk [tilespmem:v3+s21+$0x0], $0xffff;
	(erf) = vpow2.f32 v35  }
0xab: {  	_ = 	snop  }
0xac: {  	v27 =	vadd.f32 v27, v30;
	v48 =	vmul.f32 v31, v24;
	_ =	sdelay $0x1  }
0xad: {  	v27 =	vmul.f32 $1.442695020e+00, v27;
	v26 =	vadd.f32 v48, v26  }
0xae: {  	v25 =	vmul.f32 v25, v21;
	v49 =	vmul.f32 v32, v22  }
0xaf: {  	v20 =	vor.u32 v0, v20;
	(erf) = vpow2.f32 v27;
	v26 =	vmul.f32 $1.442695020e+00, v26  }
0xb0: {  	v25 =	vadd.f32 v25, v33;
	(erf) = vpow2.f32 v28  }
0xb1: {  	v51 =	vpop (erf);
	v50 =	vadd.f32 v49, v29;
	(erf) = vpow2.f32 v26  }
0xb2: {  	v16 =	vor.u32 v0, v16;
	v54 =	vmul.f32 v51, v14;
	v25 =	vmul.f32 $1.442695020e+00, v25  }
0xb3: {  	v19 =	vor.u32 v0, v19;
	[tilespmem:v12+s22+$0x0] =	vst.idx.add.f32.msk $0xffff, v51;
	v27 =	vmul.f32 $1.442695020e+00, v50  }
0xb4: {  	v52 =	vpop (erf);
	[tilespmem:v20+s22+$0x0] =	vst.idx.add.f32.msk $0xffff, v54;
	(erf) = vpow2.f32 v25  }
0xb5: {  	[tilespmem:v10+s22+$0x0] =	vst.idx.add.f32.msk $0xffff, v52;
	v7 =	vmul.f32 v52, v7;
	v53 =	vpop (erf);
	(erf) = vpow2.f32 v27  }
0xb6: {  	v6 =	vmul.f32 v53, v6;
	[tilespmem:v9+s22+$0x0] =	vst.idx.add.f32.msk $0xffff, v53  }
0xb7: {  	v61 =	vor.u32 v0, v15;
	[tilespmem:v16+s22+$0x0] =	vst.idx.add.f32.msk $0xffff, v7  }
0xb8: {  	v55 =	vor.u32 v0, v17;
	[tilespmem:v19+s22+$0x0] =	vst.idx.add.f32.msk $0xffff, v6;
	v56 =	vpop (erf)  }
0xb9: {  	v57 =	vpop (erf);
	[tilespmem:v11+s22+$0x0] =	vst.idx.add.f32.msk $0xffff, v56  }
0xba: {  	[tilespmem:v1+s22+$0x0] =	vst.idx.add.f32.msk $0xffff, v57;
	v63 =	vmul.f32 v57, v18;
	v58 =	vpop (erf)  }
0xbb: {  	v5 =	vor.u32 v0, v5;
	[tilespmem:v2+s22+$0x0] =	vst.idx.add.f32.msk $0xffff, v58;
	v2 =	vmul.f32 v58, v24  }
0xbc: {  	v60 =	vor.u32 v0, v23;
	[tilespmem:v61+s22+$0x0] =	vst.idx.add.f32.msk $0xffff, v63  }
0xbd: {  	v59 =	vpop (erf);
	[tilespmem:v55+s22+$0x0] =	vst.idx.add.f32.msk $0xffff, v2;
	v2 =	vor.u32 v0, v8  }
0xbe: {  	[tilespmem:v3+s22+$0x0] =	vst.idx.add.f32.msk $0xffff, v59;
	v3 =	vmul.f32 v56, v4;
	v62 =	vpop (erf)  }
0xbf: {  	v1 =	vmul.f32 v62, v22;
	[tilespmem:v13+s22+$0x0] =	vst.idx.add.f32.msk $0xffff, v62  }
0xc0: {  	[tilespmem:v5+s22+$0x0] =	vst.idx.add.f32.msk $0xffff, v3;
	v3 =	vmul.f32 v59, v21  }
0xc1: {  	[tilespmem:v60+s22+$0x0] =	vst.idx.add.f32.msk $0xffff, v1  }
0xc2: {  	s1 =	simm.s32 $0x0;
	[tilespmem:v2+s22+$0x0] =	vst.idx.add.f32.msk $0xffff, v3  }
.LBB2_8:
0xc3: {  	s2 =	sshra.s32 s1, $0x2  }
0xc4: {  	v1 =	vld [tilespmem:s2+$0x780];
	_ =	sdelay $0x4  }
0xc5: {  	v2 =	vand.u32 $0xFFFFFF80, v1  }
0xc6: {  	v3 =	vor.u32 $0x50, v2;
	_ =	sdelay $0x3  }
0xc7: {  	v4 =	vld [tilespmem:s2+$0x1780]  }
0xc8: {  	v3 =	vld.idx.msk [tilespmem:v3+s21+$0x0], $0xffff;
	_ =	sdelay $0x1  }
0xc9: {  	v5 =	vld.idx.msk [tilespmem:v1+s21+$0x0], $0xffff;
	_ =	sdelay $0x2  }
0xca: {  	v3 =	vmul.f32 v3, v4;
	_ =	sdelay $0x1  }
0xcb: {  	v3 =	vadd.f32 v3, v5;
	_ =	sdelay $0x1  }
0xcc: {  	v3 =	vmul.f32 $1.442695020e+00, v3;
	_ =	sdelay $0x1  }
0xcd: {  	(erf) = vpow2.f32 v3;
	_ =	sdelay $0x6  }
0xce: {  	p0 =	sne.s32 s1, $0x100;
	v2 =	vor.u32 v0, v2  }
.Ltmp3:
0xcf: {  	_ = 	snop;
	(pc) =	sbr.rel @p0 .LBB2_8-.Ltmp3, $4  }
0xd0: {  	v3 =	vpop (erf)  }
0xd1: {  	v4 =	vmul.f32 v3, v4  }
0xd2: {  	[tilespmem:v1+s22+$0x0] =	vst.idx.add.f32.msk $0xffff, v3  }
0xd3: {  	s1 =	sadd.s32 $0x40, s1;
	[tilespmem:v2+s22+$0x0] =	vst.idx.add.f32.msk $0xffff, v4  }
0xd4: {  	[hbm4b:s9+s5] =	stream.linear.scatter [tilespmem:s22], [sflag:$0x5], $0x2800, $0x38;
	[tilespmem:$0xB800] =	vst v63  }
0xd5: {  	_ =	swait.ge [sflag:s28], $0x2800  }
0xd6: {  	[sflag:s28] =	ssyncset.done $0x0  }
0xd7: {  	[sflag:s28] =	ssyncadd.s32 $0xFFFFD800  }
0xd8: {  	_ =	swait.ge [sflag:s29], $0x2800  }
0xd9: {  	[sflag:s29] =	ssyncset.done $0x0  }
0xda: {  	[sflag:s29] =	ssyncadd.s32 $0xFFFFD800  }
0xdb: {  	_ =	swait.ge [sflag:s30], $0x2800  }
0xdc: {  	[sflag:s30] =	ssyncset.done $0x0  }
0xdd: {  	[sflag:s30] =	ssyncadd.s32 $0xFFFFD800  }
0xde: {  	[tilespmem:s21], [sflag:$0x1] =	stream.linear.gather [hbm4b:s10+s5], $0x2800, $0x38;
	[tilespmem:$0xB800] =	vst v63  }
0xdf: {  	s1 =	simm.s32 $0x40  }
0xe0: {  	[tilespmem:s22], [sflag:$0x3] =	stream.linear.gather [hbm4b:s4+s5], $0x2800, $0x38;
	[tilespmem:$0xB800] =	vst v63  }
0xe1: {  	v2 =	vld [tilespmem:s1+$0x10]  }
0xe2: {  	v10 =	vld [tilespmem:s1+$0xFFFFFFE0]  }
0xe3: {  	v11 =	vld [tilespmem:s1+$0xFFFFFFF0]  }
0xe4: {  	v12 =	vld [tilespmem:s1+$0xFFFFFFC0]  }
0xe5: {  	s2 =	simm.s32 $0x1040;
	v3 =	vld [tilespmem:s1+$0x20]  }
0xe6: {  	v6 =	vld [tilespmem:s2+$0x30]  }
0xe7: {  	v9 =	vld [tilespmem:s1+$0x30]  }
0xe8: {  	v7 =	vld [tilespmem:s2+$0xFFFFFFE0];
	v16 =	vand.u32 $0xFFFFFF80, v10  }
0xe9: {  	v1 =	vld [tilespmem:s1+$0xFFFFFFD0];
	v13 =	vor.u32 $0x50, v16  }
0xea: {  	v14 =	vld [tilespmem:s2+$0xFFFFFFC0];
	v20 =	vand.u32 $0xFFFFFF80, v12  }
0xeb: {  	v4 =	vld [tilespmem:s2+$0xFFFFFFF0];
	v5 =	vand.u32 $0xFFFFFF80, v11;
	v18 =	vor.u32 $0x50, v20  }
0xec: {  	v17 =	vor.u32 $0x50, v5;
	v26 =	vld.idx.msk [tilespmem:v10+s25+$0x0], $0xffff  }
0xed: {  	v19 =	vand.u32 $0xFFFFFF80, v9;
	v24 =	vld.idx.msk [tilespmem:v12+s25+$0x0], $0xffff  }
0xee: {  	v22 =	vld.idx.msk [tilespmem:v13+s25+$0x0], $0xffff;
	v13 =	vor.u32 $0x50, v19  }
0xef: {  	v8 =	vand.u32 $0xFFFFFF80, v3;
	v30 =	vld.idx.msk [tilespmem:v9+s25+$0x0], $0xffff  }
0xf0: {  	v15 =	vand.u32 $0xFFFFFF80, v1;
	v21 =	vor.u32 $0x50, v8;
	v23 =	vld.idx.msk [tilespmem:v18+s25+$0x0], $0xffff  }
0xf1: {  	v27 =	vld.idx.msk [tilespmem:v17+s25+$0x0], $0xffff;
	v17 =	vor.u32 $0x50, v15  }
0xf2: {  	v32 =	vld.idx.msk [tilespmem:v1+s25+$0x0], $0xffff  }
0xf3: {  	v28 =	vld.idx.msk [tilespmem:v13+s25+$0x0], $0xffff  }
0xf4: {  	v13 =	vld [tilespmem:s1+$0x0]  }
0xf5: {  	v25 =	vld.idx.msk [tilespmem:v21+s25+$0x0], $0xffff;
	v33 =	vmul.f32 v23, v14  }
0xf6: {  	v29 =	vld.idx.msk [tilespmem:v17+s25+$0x0], $0xffff;
	v17 =	vand.u32 $0xFFFFFF80, v2  }
0xf7: {  	v18 =	vld [tilespmem:s2+$0xFFFFFFD0];
	v31 =	vor.u32 $0x50, v17;
	v33 =	vadd.f32 v33, v24  }
0xf8: {  	v21 =	vld [tilespmem:s2+$0x20];
	v34 =	vmul.f32 v22, v7  }
0xf9: {  	v22 =	vld [tilespmem:s2+$0x0];
	v33 =	vmul.f32 $1.442695020e+00, v33;
	v23 =	vand.u32 $0xFFFFFF80, v13  }
0xfa: {  	v24 =	vld [tilespmem:s2+$0x10];
	v34 =	vadd.f32 v34, v26;
	v28 =	vmul.f32 v28, v6;
	v35 =	vor.u32 $0x50, v23  }
0xfb: {  	v26 =	vld.idx.msk [tilespmem:v2+s25+$0x0], $0xffff;
	(erf) = vpow2.f32 v33  }
0xfc: {  	v34 =	vmul.f32 $1.442695020e+00, v34;
	v29 =	vmul.f32 v29, v18;
	v31 =	vld.idx.msk [tilespmem:v31+s25+$0x0], $0xffff;
	v28 =	vadd.f32 v28, v30  }
0xfd: {  	v30 =	vld.idx.msk [tilespmem:v11+s25+$0x0], $0xffff  }
0xfe: {  	v33 =	vld.idx.msk [tilespmem:v3+s25+$0x0], $0xffff;
	v63 =	vadd.f32 v29, v32;
	(erf) = vpow2.f32 v34;
	v36 =	vmul.f32 $1.442695020e+00, v28  }
0xff: {  	v27 =	vmul.f32 v27, v4;
	v32 =	vld.idx.msk [tilespmem:v35+s25+$0x0], $0xffff  }
0x100: {  	s3 =	simm.s32 $0x0;
	s19 =	simm.s32 $0xC0;
	v29 =	vld.idx.msk [tilespmem:v13+s25+$0x0], $0xffff;
	v28 =	vmul.f32 $1.442695020e+00, v63;
	(erf) = vpow2.f32 v36  }
.LBB2_10:
0x101: {  	v34 =	vld [tilespmem:s19+$0x10];
	s3 =	sadd.s32 $0x8, s3;
	s2 =	sadd.s32 $0x80, s2  }
0x102: {  	v27 =	vadd.f32 v27, v30;
	v35 =	vld [tilespmem:s2+$0x30];
	p0 =	slt.u32 s3, $0x70  }
0x103: {  	v31 =	vmul.f32 v31, v24;
	v30 =	vld [tilespmem:s2+$0xFFFFFFE0]  }
0x104: {  	v25 =	vmul.f32 v25, v21;
	v40 =	vmul.f32 v32, v22;
	v36 =	vld [tilespmem:s2+$0xFFFFFFC0];
	v37 =	vpop (erf)  }
0x105: {  	v26 =	vadd.f32 v31, v26;
	v38 =	vld [tilespmem:s2+$0xFFFFFFF0];
	v39 =	vmul.f32 v37, v14;
	v14 =	vmul.f32 $1.442695020e+00, v27  }
0x106: {  	v29 =	vadd.f32 v40, v29;
	v25 =	vadd.f32 v25, v33;
	v27 =	vld [tilespmem:s19+$0x20]  }
0x107: {  	v40 =	vmul.f32 $1.442695020e+00, v26;
	v31 =	vld [tilespmem:s19+$0x30];
	v32 =	vpop (erf);
	(erf) = vpow2.f32 v14  }
0x108: {  	v41 =	vmul.f32 $1.442695020e+00, v25;
	v33 =	vld [tilespmem:s19+$0xFFFFFFD0];
	(erf) = vpow2.f32 v28  }
0x109: {  	v19 =	vor.u32 v0, v19;
	v25 =	vmul.f32 $1.442695020e+00, v29;
	[tilespmem:v10+s26+$0x0] =	vst.idx.add.f32.msk $0xffff, v32;
	(erf) = vpow2.f32 v40;
	v26 =	vpop (erf)  }
0x10a: {  	v14 =	vmov v36;
	v10 =	vld [tilespmem:s19+$0xFFFFFFE0];
	(erf) = vpow2.f32 v41  }
0x10b: {  	v16 =	vor.u32 v0, v16;
	[tilespmem:v12+s26+$0x0] =	vst.idx.add.f32.msk $0xffff, v37;
	(erf) = vpow2.f32 v25  }
0x10c: {  	v20 =	vor.u32 v0, v20;
	v12 =	vmul.f32 v26, v6;
	v6 =	vmov v35;
	[tilespmem:v9+s26+$0x0] =	vst.idx.add.f32.msk $0xffff, v26  }
0x10d: {  	v9 =	vmov v31;
	v25 =	vand.u32 $0xFFFFFF80, v33;
	v26 =	vld [tilespmem:s19+$0xFFFFFFF0]  }
0x10e: {  	v28 =	vmul.f32 v32, v7;
	v7 =	vmov v30;
	[tilespmem:v19+s26+$0x0] =	vst.idx.add.f32.msk $0xffff, v12  }
0x10f: {  	v29 =	vand.u32 $0xFFFFFF80, v34;
	v12 =	vld [tilespmem:s19+$0xFFFFFFC0]  }
0x110: {  	v30 =	vor.u32 v0, v15;
	v15 =	vor.u32 v0, v17;
	v31 =	vor.u32 $0x50, v29;
	[tilespmem:v16+s26+$0x0] =	vst.idx.add.f32.msk $0xffff, v28;
	v17 =	vpop (erf)  }
0x111: {  	v28 =	vor.u32 v0, v5;
	[tilespmem:v20+s26+$0x0] =	vst.idx.add.f32.msk $0xffff, v39;
	v20 =	vmul.f32 v17, v4;
	v32 =	vpop (erf);
	v4 =	vmov v38  }
0x112: {  	v19 =	vand.u32 $0xFFFFFF80, v9;
	v16 =	vand.u32 $0xFFFFFF80, v10;
	v5 =	vand.u32 $0xFFFFFF80, v26;
	[tilespmem:v11+s26+$0x0] =	vst.idx.add.f32.msk $0xffff, v17;
	v11 =	vpop (erf)  }
0x113: {  	v35 =	vor.u32 $0x50, v16;
	v18 =	vmul.f32 v32, v18;
	[tilespmem:v2+s26+$0x0] =	vst.idx.add.f32.msk $0xffff, v11;
	v36 =	vmul.f32 v11, v24;
	v2 =	vpop (erf)  }
0x114: {  	v23 =	vor.u32 v0, v23;
	[tilespmem:v3+s26+$0x0] =	vst.idx.add.f32.msk $0xffff, v2;
	v21 =	vmul.f32 v2, v21;
	v24 =	vpop (erf);
	v2 =	vmov v34  }
0x115: {  	v34 =	vor.u32 v0, v8;
	v3 =	vmov v27;
	v22 =	vmul.f32 v24, v22;
	[tilespmem:v15+s26+$0x0] =	vst.idx.add.f32.msk $0xffff, v36  }
0x116: {  	v17 =	vmovc v29;
	v11 =	vmov v26;
	v15 =	vmov v25;
	[tilespmem:v1+s26+$0x0] =	vst.idx.add.f32.msk $0xffff, v32;
	v1 =	vmov v33  }
0x117: {  	[tilespmem:v28+s26+$0x0] =	vst.idx.add.f32.msk $0xffff, v20  }
0x118: {  	v20 =	vand.u32 $0xFFFFFF80, v12;
	[tilespmem:v13+s26+$0x0] =	vst.idx.add.f32.msk $0xffff, v24  }
0x119: {  	v8 =	vand.u32 $0xFFFFFF80, v3;
	v13 =	vor.u32 $0x50, v5;
	[tilespmem:v23+s26+$0x0] =	vst.idx.add.f32.msk $0xffff, v22  }
0x11a: {  	v22 =	vor.u32 $0x50, v20;
	[tilespmem:v34+s26+$0x0] =	vst.idx.add.f32.msk $0xffff, v21  }
0x11b: {  	v21 =	vor.u32 $0x50, v8;
	[tilespmem:v30+s26+$0x0] =	vst.idx.add.f32.msk $0xffff, v18  }
0x11c: {  	v18 =	vld.idx.msk [tilespmem:v10+s25+$0x0], $0xffff  }
0x11d: {  	v24 =	vor.u32 $0x50, v19;
	v23 =	vld.idx.msk [tilespmem:v35+s25+$0x0], $0xffff  }
0x11e: {  	v26 =	vld.idx.msk [tilespmem:v13+s25+$0x0], $0xffff  }
0x11f: {  	v27 =	vor.u32 $0x50, v15;
	v22 =	vld.idx.msk [tilespmem:v22+s25+$0x0], $0xffff  }
0x120: {  	v25 =	vld.idx.msk [tilespmem:v21+s25+$0x0], $0xffff  }
0x121: {  	v21 =	vld.idx.msk [tilespmem:v12+s25+$0x0], $0xffff  }
0x122: {  	v24 =	vld.idx.msk [tilespmem:v24+s25+$0x0], $0xffff  }
0x123: {  	v23 =	vmul.f32 v23, v7;
	v13 =	vld [tilespmem:s19+$0x0]  }
0x124: {  	v28 =	vld.idx.msk [tilespmem:v27+s25+$0x0], $0xffff;
	v27 =	vmul.f32 v26, v4  }
0x125: {  	v22 =	vmul.f32 v22, v14;
	v23 =	vadd.f32 v23, v18;
	v29 =	vld.idx.msk [tilespmem:v9+s25+$0x0], $0xffff  }
0x126: {  	v18 =	vld [tilespmem:s2+$0xFFFFFFD0]  }
0x127: {  	v22 =	vadd.f32 v22, v21;
	v32 =	vld.idx.msk [tilespmem:v33+s25+$0x0], $0xffff;
	v33 =	vmul.f32 $1.442695020e+00, v23  }
0x128: {  	v23 =	vand.u32 $0xFFFFFF80, v13;
	v21 =	vld [tilespmem:s2+$0x20]  }
0x129: {  	v35 =	vmul.f32 v24, v6;
	v30 =	vmul.f32 $1.442695020e+00, v22;
	v22 =	vld [tilespmem:s2+$0x0];
	v34 =	vor.u32 $0x50, v23  }
0x12a: {  	v24 =	vld [tilespmem:s2+$0x10]  }
0x12b: {  	v29 =	vadd.f32 v35, v29;
	v28 =	vmul.f32 v28, v18;
	v26 =	vld.idx.msk [tilespmem:v2+s25+$0x0], $0xffff;
	(erf) = vpow2.f32 v30  }
.Ltmp4:
0x12c: {  	v30 =	vld.idx.msk [tilespmem:v11+s25+$0x0], $0xffff;
	(pc) =	sbr.rel @p0 .LBB2_10-.Ltmp4, $4  }
0x12d: {  	v35 =	vmul.f32 $1.442695020e+00, v29;
	v28 =	vadd.f32 v28, v32;
	v31 =	vld.idx.msk [tilespmem:v31+s25+$0x0], $0xffff  }
0x12e: {  	v32 =	vld.idx.msk [tilespmem:v34+s25+$0x0], $0xffff;
	(erf) = vpow2.f32 v33  }
0x12f: {  	v28 =	vmul.f32 $1.442695020e+00, v28;
	v29 =	vld.idx.msk [tilespmem:v13+s25+$0x0], $0xffff  }
0x130: {  	s19 =	sadd.s32 $0x80, s19;
	v33 =	vld.idx.msk [tilespmem:v3+s25+$0x0], $0xffff;
	(erf) = vpow2.f32 v35  }
0x131: {  	_ = 	snop  }
0x132: {  	v27 =	vadd.f32 v27, v30;
	v48 =	vmul.f32 v31, v24;
	_ =	sdelay $0x1  }
0x133: {  	v27 =	vmul.f32 $1.442695020e+00, v27;
	v26 =	vadd.f32 v48, v26  }
0x134: {  	v25 =	vmul.f32 v25, v21;
	v49 =	vmul.f32 v32, v22  }
0x135: {  	v20 =	vor.u32 v0, v20;
	(erf) = vpow2.f32 v27;
	v26 =	vmul.f32 $1.442695020e+00, v26  }
0x136: {  	v25 =	vadd.f32 v25, v33;
	(erf) = vpow2.f32 v28  }
0x137: {  	v51 =	vpop (erf);
	v50 =	vadd.f32 v49, v29;
	(erf) = vpow2.f32 v26  }
0x138: {  	v16 =	vor.u32 v0, v16;
	v54 =	vmul.f32 v51, v14;
	v25 =	vmul.f32 $1.442695020e+00, v25  }
0x139: {  	v19 =	vor.u32 v0, v19;
	[tilespmem:v12+s26+$0x0] =	vst.idx.add.f32.msk $0xffff, v51;
	v27 =	vmul.f32 $1.442695020e+00, v50  }
0x13a: {  	v52 =	vpop (erf);
	[tilespmem:v20+s26+$0x0] =	vst.idx.add.f32.msk $0xffff, v54;
	(erf) = vpow2.f32 v25  }
0x13b: {  	[tilespmem:v10+s26+$0x0] =	vst.idx.add.f32.msk $0xffff, v52;
	v7 =	vmul.f32 v52, v7;
	v53 =	vpop (erf);
	(erf) = vpow2.f32 v27  }
0x13c: {  	v6 =	vmul.f32 v53, v6;
	[tilespmem:v9+s26+$0x0] =	vst.idx.add.f32.msk $0xffff, v53  }
0x13d: {  	v61 =	vor.u32 v0, v15;
	[tilespmem:v16+s26+$0x0] =	vst.idx.add.f32.msk $0xffff, v7  }
0x13e: {  	v55 =	vor.u32 v0, v17;
	[tilespmem:v19+s26+$0x0] =	vst.idx.add.f32.msk $0xffff, v6;
	v56 =	vpop (erf)  }
0x13f: {  	v57 =	vpop (erf);
	[tilespmem:v11+s26+$0x0] =	vst.idx.add.f32.msk $0xffff, v56  }
0x140: {  	[tilespmem:v1+s26+$0x0] =	vst.idx.add.f32.msk $0xffff, v57;
	v63 =	vmul.f32 v57, v18;
	v58 =	vpop (erf)  }
0x141: {  	v5 =	vor.u32 v0, v5;
	[tilespmem:v2+s26+$0x0] =	vst.idx.add.f32.msk $0xffff, v58;
	v2 =	vmul.f32 v58, v24  }
0x142: {  	v60 =	vor.u32 v0, v23;
	[tilespmem:v61+s26+$0x0] =	vst.idx.add.f32.msk $0xffff, v63  }
0x143: {  	v59 =	vpop (erf);
	[tilespmem:v55+s26+$0x0] =	vst.idx.add.f32.msk $0xffff, v2;
	v2 =	vor.u32 v0, v8  }
0x144: {  	[tilespmem:v3+s26+$0x0] =	vst.idx.add.f32.msk $0xffff, v59;
	v3 =	vmul.f32 v56, v4;
	v62 =	vpop (erf)  }
0x145: {  	v1 =	vmul.f32 v62, v22;
	[tilespmem:v13+s26+$0x0] =	vst.idx.add.f32.msk $0xffff, v62  }
0x146: {  	[tilespmem:v5+s26+$0x0] =	vst.idx.add.f32.msk $0xffff, v3;
	v3 =	vmul.f32 v59, v21  }
0x147: {  	[tilespmem:v60+s26+$0x0] =	vst.idx.add.f32.msk $0xffff, v1  }
0x148: {  	s1 =	simm.s32 $0x0;
	[tilespmem:v2+s26+$0x0] =	vst.idx.add.f32.msk $0xffff, v3  }
.LBB2_12:
0x149: {  	s2 =	sshra.s32 s1, $0x2  }
0x14a: {  	v1 =	vld [tilespmem:s2+$0x780];
	_ =	sdelay $0x4  }
0x14b: {  	v2 =	vand.u32 $0xFFFFFF80, v1  }
0x14c: {  	v3 =	vor.u32 $0x50, v2;
	_ =	sdelay $0x3  }
0x14d: {  	v4 =	vld [tilespmem:s2+$0x1780]  }
0x14e: {  	v3 =	vld.idx.msk [tilespmem:v3+s25+$0x0], $0xffff;
	_ =	sdelay $0x1  }
0x14f: {  	v5 =	vld.idx.msk [tilespmem:v1+s25+$0x0], $0xffff;
	_ =	sdelay $0x2  }
0x150: {  	v3 =	vmul.f32 v3, v4;
	_ =	sdelay $0x1  }
0x151: {  	v3 =	vadd.f32 v3, v5;
	_ =	sdelay $0x1  }
0x152: {  	v3 =	vmul.f32 $1.442695020e+00, v3;
	_ =	sdelay $0x1  }
0x153: {  	(erf) = vpow2.f32 v3;
	_ =	sdelay $0x6  }
0x154: {  	p0 =	sne.s32 s1, $0x100;
	v2 =	vor.u32 v0, v2  }
.Ltmp5:
0x155: {  	_ = 	snop;
	(pc) =	sbr.rel @p0 .LBB2_12-.Ltmp5, $4  }
0x156: {  	v3 =	vpop (erf)  }
0x157: {  	v4 =	vmul.f32 v3, v4  }
0x158: {  	[tilespmem:v1+s26+$0x0] =	vst.idx.add.f32.msk $0xffff, v3  }
0x159: {  	s1 =	sadd.s32 $0x40, s1;
	[tilespmem:v2+s26+$0x0] =	vst.idx.add.f32.msk $0xffff, v4  }
0x15a: {  	[hbm4b:s11+s5] =	stream.linear.scatter [tilespmem:s26], [sflag:$0x6], $0x2800, $0x38;
	[tilespmem:$0xB800] =	vst v63  }
0x15b: {  	_ =	swait.ge [sflag:s23], $0x2800  }
0x15c: {  	[sflag:s23] =	ssyncset.done $0x0  }
0x15d: {  	[sflag:s23] =	ssyncadd.s32 $0xFFFFD800  }
0x15e: {  	_ =	swait.ge [sflag:s24], $0x2800  }
0x15f: {  	[sflag:s24] =	ssyncset.done $0x0  }
0x160: {  	[sflag:s24] =	ssyncadd.s32 $0xFFFFD800  }
0x161: {  	_ =	swait.ge [sflag:s31], $0x2800  }
0x162: {  	[sflag:s31] =	ssyncset.done $0x0  }
0x163: {  	[sflag:s31] =	ssyncadd.s32 $0xFFFFD800  }
0x164: {  	[tilespmem:s25], [sflag:$0x2] =	stream.linear.gather [hbm4b:s12+s5], $0x2800, $0x38;
	[tilespmem:$0xB800] =	vst v63  }
0x165: {  	s1 =	simm.s32 $0x40  }
0x166: {  	[tilespmem:s26], [sflag:$0x4] =	stream.linear.gather [hbm4b:s4+s5], $0x2800, $0x38;
	[tilespmem:$0xB800] =	vst v63  }
0x167: {  	v2 =	vld [tilespmem:s1+$0x10]  }
0x168: {  	v10 =	vld [tilespmem:s1+$0xFFFFFFE0]  }
0x169: {  	v11 =	vld [tilespmem:s1+$0xFFFFFFF0]  }
0x16a: {  	v12 =	vld [tilespmem:s1+$0xFFFFFFC0]  }
0x16b: {  	s2 =	simm.s32 $0x1040;
	v3 =	vld [tilespmem:s1+$0x20]  }
0x16c: {  	v6 =	vld [tilespmem:s2+$0x30]  }
0x16d: {  	v9 =	vld [tilespmem:s1+$0x30]  }
0x16e: {  	v7 =	vld [tilespmem:s2+$0xFFFFFFE0];
	v16 =	vand.u32 $0xFFFFFF80, v10  }
0x16f: {  	v1 =	vld [tilespmem:s1+$0xFFFFFFD0];
	v13 =	vor.u32 $0x50, v16  }
0x170: {  	v14 =	vld [tilespmem:s2+$0xFFFFFFC0];
	v20 =	vand.u32 $0xFFFFFF80, v12  }
0x171: {  	v4 =	vld [tilespmem:s2+$0xFFFFFFF0];
	v5 =	vand.u32 $0xFFFFFF80, v11;
	v18 =	vor.u32 $0x50, v20  }
0x172: {  	v17 =	vor.u32 $0x50, v5;
	v26 =	vld.idx.msk [tilespmem:v10+s21+$0x0], $0xffff  }
0x173: {  	v19 =	vand.u32 $0xFFFFFF80, v9;
	v24 =	vld.idx.msk [tilespmem:v12+s21+$0x0], $0xffff  }
0x174: {  	v22 =	vld.idx.msk [tilespmem:v13+s21+$0x0], $0xffff;
	v13 =	vor.u32 $0x50, v19  }
0x175: {  	v8 =	vand.u32 $0xFFFFFF80, v3;
	v30 =	vld.idx.msk [tilespmem:v9+s21+$0x0], $0xffff  }
0x176: {  	v15 =	vand.u32 $0xFFFFFF80, v1;
	v21 =	vor.u32 $0x50, v8;
	v23 =	vld.idx.msk [tilespmem:v18+s21+$0x0], $0xffff  }
0x177: {  	v27 =	vld.idx.msk [tilespmem:v17+s21+$0x0], $0xffff;
	v17 =	vor.u32 $0x50, v15  }
0x178: {  	v32 =	vld.idx.msk [tilespmem:v1+s21+$0x0], $0xffff  }
0x179: {  	v28 =	vld.idx.msk [tilespmem:v13+s21+$0x0], $0xffff  }
0x17a: {  	v13 =	vld [tilespmem:s1+$0x0]  }
0x17b: {  	v25 =	vld.idx.msk [tilespmem:v21+s21+$0x0], $0xffff;
	v33 =	vmul.f32 v23, v14  }
0x17c: {  	v29 =	vld.idx.msk [tilespmem:v17+s21+$0x0], $0xffff;
	v17 =	vand.u32 $0xFFFFFF80, v2  }
0x17d: {  	v18 =	vld [tilespmem:s2+$0xFFFFFFD0];
	v31 =	vor.u32 $0x50, v17;
	v33 =	vadd.f32 v33, v24  }
0x17e: {  	v21 =	vld [tilespmem:s2+$0x20];
	v34 =	vmul.f32 v22, v7  }
0x17f: {  	v22 =	vld [tilespmem:s2+$0x0];
	v33 =	vmul.f32 $1.442695020e+00, v33;
	v23 =	vand.u32 $0xFFFFFF80, v13  }
0x180: {  	v24 =	vld [tilespmem:s2+$0x10];
	v34 =	vadd.f32 v34, v26;
	v28 =	vmul.f32 v28, v6;
	v35 =	vor.u32 $0x50, v23  }
0x181: {  	v26 =	vld.idx.msk [tilespmem:v2+s21+$0x0], $0xffff;
	(erf) = vpow2.f32 v33  }
0x182: {  	v34 =	vmul.f32 $1.442695020e+00, v34;
	v29 =	vmul.f32 v29, v18;
	v31 =	vld.idx.msk [tilespmem:v31+s21+$0x0], $0xffff;
	v28 =	vadd.f32 v28, v30  }
0x183: {  	v30 =	vld.idx.msk [tilespmem:v11+s21+$0x0], $0xffff  }
0x184: {  	v33 =	vld.idx.msk [tilespmem:v3+s21+$0x0], $0xffff;
	v63 =	vadd.f32 v29, v32;
	(erf) = vpow2.f32 v34;
	v36 =	vmul.f32 $1.442695020e+00, v28  }
0x185: {  	v27 =	vmul.f32 v27, v4;
	v32 =	vld.idx.msk [tilespmem:v35+s21+$0x0], $0xffff  }
0x186: {  	s3 =	simm.s32 $0x0;
	s19 =	simm.s32 $0xC0;
	v29 =	vld.idx.msk [tilespmem:v13+s21+$0x0], $0xffff;
	v28 =	vmul.f32 $1.442695020e+00, v63;
	(erf) = vpow2.f32 v36  }
.LBB2_14:
0x187: {  	v34 =	vld [tilespmem:s19+$0x10];
	s3 =	sadd.s32 $0x8, s3;
	s2 =	sadd.s32 $0x80, s2  }
0x188: {  	v27 =	vadd.f32 v27, v30;
	v35 =	vld [tilespmem:s2+$0x30];
	p0 =	slt.u32 s3, $0x70  }
0x189: {  	v31 =	vmul.f32 v31, v24;
	v30 =	vld [tilespmem:s2+$0xFFFFFFE0]  }
0x18a: {  	v25 =	vmul.f32 v25, v21;
	v40 =	vmul.f32 v32, v22;
	v36 =	vld [tilespmem:s2+$0xFFFFFFC0];
	v37 =	vpop (erf)  }
0x18b: {  	v26 =	vadd.f32 v31, v26;
	v38 =	vld [tilespmem:s2+$0xFFFFFFF0];
	v39 =	vmul.f32 v37, v14;
	v14 =	vmul.f32 $1.442695020e+00, v27  }
0x18c: {  	v29 =	vadd.f32 v40, v29;
	v25 =	vadd.f32 v25, v33;
	v27 =	vld [tilespmem:s19+$0x20]  }
0x18d: {  	v40 =	vmul.f32 $1.442695020e+00, v26;
	v31 =	vld [tilespmem:s19+$0x30];
	v32 =	vpop (erf);
	(erf) = vpow2.f32 v14  }
0x18e: {  	v41 =	vmul.f32 $1.442695020e+00, v25;
	v33 =	vld [tilespmem:s19+$0xFFFFFFD0];
	(erf) = vpow2.f32 v28  }
0x18f: {  	v19 =	vor.u32 v0, v19;
	v25 =	vmul.f32 $1.442695020e+00, v29;
	[tilespmem:v10+s22+$0x0] =	vst.idx.add.f32.msk $0xffff, v32;
	(erf) = vpow2.f32 v40;
	v26 =	vpop (erf)  }
0x190: {  	v14 =	vmov v36;
	v10 =	vld [tilespmem:s19+$0xFFFFFFE0];
	(erf) = vpow2.f32 v41  }
0x191: {  	v16 =	vor.u32 v0, v16;
	[tilespmem:v12+s22+$0x0] =	vst.idx.add.f32.msk $0xffff, v37;
	(erf) = vpow2.f32 v25  }
0x192: {  	v20 =	vor.u32 v0, v20;
	v12 =	vmul.f32 v26, v6;
	v6 =	vmov v35;
	[tilespmem:v9+s22+$0x0] =	vst.idx.add.f32.msk $0xffff, v26  }
0x193: {  	v9 =	vmov v31;
	v25 =	vand.u32 $0xFFFFFF80, v33;
	v26 =	vld [tilespmem:s19+$0xFFFFFFF0]  }
0x194: {  	v28 =	vmul.f32 v32, v7;
	v7 =	vmov v30;
	[tilespmem:v19+s22+$0x0] =	vst.idx.add.f32.msk $0xffff, v12  }
0x195: {  	v29 =	vand.u32 $0xFFFFFF80, v34;
	v12 =	vld [tilespmem:s19+$0xFFFFFFC0]  }
0x196: {  	v30 =	vor.u32 v0, v15;
	v15 =	vor.u32 v0, v17;
	v31 =	vor.u32 $0x50, v29;
	[tilespmem:v16+s22+$0x0] =	vst.idx.add.f32.msk $0xffff, v28;
	v17 =	vpop (erf)  }
0x197: {  	v28 =	vor.u32 v0, v5;
	[tilespmem:v20+s22+$0x0] =	vst.idx.add.f32.msk $0xffff, v39;
	v20 =	vmul.f32 v17, v4;
	v32 =	vpop (erf);
	v4 =	vmov v38  }
0x198: {  	v19 =	vand.u32 $0xFFFFFF80, v9;
	v16 =	vand.u32 $0xFFFFFF80, v10;
	v5 =	vand.u32 $0xFFFFFF80, v26;
	[tilespmem:v11+s22+$0x0] =	vst.idx.add.f32.msk $0xffff, v17;
	v11 =	vpop (erf)  }
0x199: {  	v35 =	vor.u32 $0x50, v16;
	v18 =	vmul.f32 v32, v18;
	[tilespmem:v2+s22+$0x0] =	vst.idx.add.f32.msk $0xffff, v11;
	v36 =	vmul.f32 v11, v24;
	v2 =	vpop (erf)  }
0x19a: {  	v23 =	vor.u32 v0, v23;
	[tilespmem:v3+s22+$0x0] =	vst.idx.add.f32.msk $0xffff, v2;
	v21 =	vmul.f32 v2, v21;
	v24 =	vpop (erf);
	v2 =	vmov v34  }
0x19b: {  	v34 =	vor.u32 v0, v8;
	v3 =	vmov v27;
	v22 =	vmul.f32 v24, v22;
	[tilespmem:v15+s22+$0x0] =	vst.idx.add.f32.msk $0xffff, v36  }
0x19c: {  	v17 =	vmovc v29;
	v11 =	vmov v26;
	v15 =	vmov v25;
	[tilespmem:v1+s22+$0x0] =	vst.idx.add.f32.msk $0xffff, v32;
	v1 =	vmov v33  }
0x19d: {  	[tilespmem:v28+s22+$0x0] =	vst.idx.add.f32.msk $0xffff, v20  }
0x19e: {  	v20 =	vand.u32 $0xFFFFFF80, v12;
	[tilespmem:v13+s22+$0x0] =	vst.idx.add.f32.msk $0xffff, v24  }
0x19f: {  	v8 =	vand.u32 $0xFFFFFF80, v3;
	v13 =	vor.u32 $0x50, v5;
	[tilespmem:v23+s22+$0x0] =	vst.idx.add.f32.msk $0xffff, v22  }
0x1a0: {  	v22 =	vor.u32 $0x50, v20;
	[tilespmem:v34+s22+$0x0] =	vst.idx.add.f32.msk $0xffff, v21  }
0x1a1: {  	v21 =	vor.u32 $0x50, v8;
	[tilespmem:v30+s22+$0x0] =	vst.idx.add.f32.msk $0xffff, v18  }
0x1a2: {  	v18 =	vld.idx.msk [tilespmem:v10+s21+$0x0], $0xffff  }
0x1a3: {  	v24 =	vor.u32 $0x50, v19;
	v23 =	vld.idx.msk [tilespmem:v35+s21+$0x0], $0xffff  }
0x1a4: {  	v26 =	vld.idx.msk [tilespmem:v13+s21+$0x0], $0xffff  }
0x1a5: {  	v27 =	vor.u32 $0x50, v15;
	v22 =	vld.idx.msk [tilespmem:v22+s21+$0x0], $0xffff  }
0x1a6: {  	v25 =	vld.idx.msk [tilespmem:v21+s21+$0x0], $0xffff  }
0x1a7: {  	v21 =	vld.idx.msk [tilespmem:v12+s21+$0x0], $0xffff  }
0x1a8: {  	v24 =	vld.idx.msk [tilespmem:v24+s21+$0x0], $0xffff  }
0x1a9: {  	v23 =	vmul.f32 v23, v7;
	v13 =	vld [tilespmem:s19+$0x0]  }
0x1aa: {  	v28 =	vld.idx.msk [tilespmem:v27+s21+$0x0], $0xffff;
	v27 =	vmul.f32 v26, v4  }
0x1ab: {  	v22 =	vmul.f32 v22, v14;
	v23 =	vadd.f32 v23, v18;
	v29 =	vld.idx.msk [tilespmem:v9+s21+$0x0], $0xffff  }
0x1ac: {  	v18 =	vld [tilespmem:s2+$0xFFFFFFD0]  }
0x1ad: {  	v22 =	vadd.f32 v22, v21;
	v32 =	vld.idx.msk [tilespmem:v33+s21+$0x0], $0xffff;
	v33 =	vmul.f32 $1.442695020e+00, v23  }
0x1ae: {  	v23 =	vand.u32 $0xFFFFFF80, v13;
	v21 =	vld [tilespmem:s2+$0x20]  }
0x1af: {  	v35 =	vmul.f32 v24, v6;
	v30 =	vmul.f32 $1.442695020e+00, v22;
	v22 =	vld [tilespmem:s2+$0x0];
	v34 =	vor.u32 $0x50, v23  }
0x1b0: {  	v24 =	vld [tilespmem:s2+$0x10]  }
0x1b1: {  	v29 =	vadd.f32 v35, v29;
	v28 =	vmul.f32 v28, v18;
	v26 =	vld.idx.msk [tilespmem:v2+s21+$0x0], $0xffff;
	(erf) = vpow2.f32 v30  }
.Ltmp6:
0x1b2: {  	v30 =	vld.idx.msk [tilespmem:v11+s21+$0x0], $0xffff;
	(pc) =	sbr.rel @p0 .LBB2_14-.Ltmp6, $4  }
0x1b3: {  	v35 =	vmul.f32 $1.442695020e+00, v29;
	v28 =	vadd.f32 v28, v32;
	v31 =	vld.idx.msk [tilespmem:v31+s21+$0x0], $0xffff  }
0x1b4: {  	v32 =	vld.idx.msk [tilespmem:v34+s21+$0x0], $0xffff;
	(erf) = vpow2.f32 v33  }
0x1b5: {  	v28 =	vmul.f32 $1.442695020e+00, v28;
	v29 =	vld.idx.msk [tilespmem:v13+s21+$0x0], $0xffff  }
0x1b6: {  	s19 =	sadd.s32 $0x80, s19;
	v33 =	vld.idx.msk [tilespmem:v3+s21+$0x0], $0xffff;
	(erf) = vpow2.f32 v35  }
0x1b7: {  	_ = 	snop  }
0x1b8: {  	v27 =	vadd.f32 v27, v30;
	v48 =	vmul.f32 v31, v24;
	_ =	sdelay $0x1  }
0x1b9: {  	v27 =	vmul.f32 $1.442695020e+00, v27;
	v26 =	vadd.f32 v48, v26  }
0x1ba: {  	v25 =	vmul.f32 v25, v21;
	v49 =	vmul.f32 v32, v22  }
0x1bb: {  	v20 =	vor.u32 v0, v20;
	(erf) = vpow2.f32 v27;
	v26 =	vmul.f32 $1.442695020e+00, v26  }
0x1bc: {  	v25 =	vadd.f32 v25, v33;
	(erf) = vpow2.f32 v28  }
0x1bd: {  	v51 =	vpop (erf);
	v50 =	vadd.f32 v49, v29;
	(erf) = vpow2.f32 v26  }
0x1be: {  	v16 =	vor.u32 v0, v16;
	v54 =	vmul.f32 v51, v14;
	v25 =	vmul.f32 $1.442695020e+00, v25  }
0x1bf: {  	v19 =	vor.u32 v0, v19;
	[tilespmem:v12+s22+$0x0] =	vst.idx.add.f32.msk $0xffff, v51;
	v27 =	vmul.f32 $1.442695020e+00, v50  }
0x1c0: {  	v52 =	vpop (erf);
	[tilespmem:v20+s22+$0x0] =	vst.idx.add.f32.msk $0xffff, v54;
	(erf) = vpow2.f32 v25  }
0x1c1: {  	[tilespmem:v10+s22+$0x0] =	vst.idx.add.f32.msk $0xffff, v52;
	v7 =	vmul.f32 v52, v7;
	v53 =	vpop (erf);
	(erf) = vpow2.f32 v27  }
0x1c2: {  	v6 =	vmul.f32 v53, v6;
	[tilespmem:v9+s22+$0x0] =	vst.idx.add.f32.msk $0xffff, v53  }
0x1c3: {  	v61 =	vor.u32 v0, v15;
	[tilespmem:v16+s22+$0x0] =	vst.idx.add.f32.msk $0xffff, v7  }
0x1c4: {  	v55 =	vor.u32 v0, v17;
	[tilespmem:v19+s22+$0x0] =	vst.idx.add.f32.msk $0xffff, v6;
	v56 =	vpop (erf)  }
0x1c5: {  	v57 =	vpop (erf);
	[tilespmem:v11+s22+$0x0] =	vst.idx.add.f32.msk $0xffff, v56  }
0x1c6: {  	[tilespmem:v1+s22+$0x0] =	vst.idx.add.f32.msk $0xffff, v57;
	v63 =	vmul.f32 v57, v18;
	v58 =	vpop (erf)  }
0x1c7: {  	v5 =	vor.u32 v0, v5;
	[tilespmem:v2+s22+$0x0] =	vst.idx.add.f32.msk $0xffff, v58;
	v2 =	vmul.f32 v58, v24  }
0x1c8: {  	v60 =	vor.u32 v0, v23;
	[tilespmem:v61+s22+$0x0] =	vst.idx.add.f32.msk $0xffff, v63  }
0x1c9: {  	v59 =	vpop (erf);
	[tilespmem:v55+s22+$0x0] =	vst.idx.add.f32.msk $0xffff, v2;
	v2 =	vor.u32 v0, v8  }
0x1ca: {  	[tilespmem:v3+s22+$0x0] =	vst.idx.add.f32.msk $0xffff, v59;
	v3 =	vmul.f32 v56, v4;
	v62 =	vpop (erf)  }
0x1cb: {  	v1 =	vmul.f32 v62, v22;
	[tilespmem:v13+s22+$0x0] =	vst.idx.add.f32.msk $0xffff, v62  }
0x1cc: {  	[tilespmem:v5+s22+$0x0] =	vst.idx.add.f32.msk $0xffff, v3;
	v3 =	vmul.f32 v59, v21  }
0x1cd: {  	[tilespmem:v60+s22+$0x0] =	vst.idx.add.f32.msk $0xffff, v1  }
0x1ce: {  	s1 =	simm.s32 $0x0;
	[tilespmem:v2+s22+$0x0] =	vst.idx.add.f32.msk $0xffff, v3  }
.LBB2_16:
0x1cf: {  	s2 =	sshra.s32 s1, $0x2  }
0x1d0: {  	v1 =	vld [tilespmem:s2+$0x780];
	_ =	sdelay $0x4  }
0x1d1: {  	v2 =	vand.u32 $0xFFFFFF80, v1  }
0x1d2: {  	v3 =	vor.u32 $0x50, v2;
	_ =	sdelay $0x3  }
0x1d3: {  	v4 =	vld [tilespmem:s2+$0x1780]  }
0x1d4: {  	v3 =	vld.idx.msk [tilespmem:v3+s21+$0x0], $0xffff;
	_ =	sdelay $0x1  }
0x1d5: {  	v5 =	vld.idx.msk [tilespmem:v1+s21+$0x0], $0xffff;
	_ =	sdelay $0x2  }
0x1d6: {  	v3 =	vmul.f32 v3, v4;
	_ =	sdelay $0x1  }
0x1d7: {  	v3 =	vadd.f32 v3, v5;
	_ =	sdelay $0x1  }
0x1d8: {  	v3 =	vmul.f32 $1.442695020e+00, v3;
	_ =	sdelay $0x1  }
0x1d9: {  	(erf) = vpow2.f32 v3;
	_ =	sdelay $0x6  }
0x1da: {  	p0 =	sne.s32 s1, $0x100;
	v2 =	vor.u32 v0, v2  }
.Ltmp7:
0x1db: {  	_ = 	snop;
	(pc) =	sbr.rel @p0 .LBB2_16-.Ltmp7, $4  }
0x1dc: {  	v3 =	vpop (erf)  }
0x1dd: {  	v4 =	vmul.f32 v3, v4  }
0x1de: {  	[tilespmem:v1+s22+$0x0] =	vst.idx.add.f32.msk $0xffff, v3  }
0x1df: {  	s1 =	sadd.s32 $0x40, s1;
	[tilespmem:v2+s22+$0x0] =	vst.idx.add.f32.msk $0xffff, v4  }
0x1e0: {  	[hbm4b:s13+s5] =	stream.linear.scatter [tilespmem:s22], [sflag:$0x5], $0x2800, $0x38;
	[tilespmem:$0xB800] =	vst v63  }
0x1e1: {  	_ =	swait.ge [sflag:s28], $0x2800  }
0x1e2: {  	[sflag:s28] =	ssyncset.done $0x0  }
0x1e3: {  	[sflag:s28] =	ssyncadd.s32 $0xFFFFD800  }
0x1e4: {  	_ =	swait.ge [sflag:s29], $0x2800  }
0x1e5: {  	[sflag:s29] =	ssyncset.done $0x0  }
0x1e6: {  	s1 =	simm.s32 $0x40;
	[sflag:s29] =	ssyncadd.s32 $0xFFFFD800  }
0x1e7: {  	v2 =	vld [tilespmem:s1+$0x10]  }
0x1e8: {  	v10 =	vld [tilespmem:s1+$0xFFFFFFE0]  }
0x1e9: {  	v11 =	vld [tilespmem:s1+$0xFFFFFFF0]  }
0x1ea: {  	v12 =	vld [tilespmem:s1+$0xFFFFFFC0]  }
0x1eb: {  	s2 =	simm.s32 $0x1040;
	v3 =	vld [tilespmem:s1+$0x20]  }
0x1ec: {  	v6 =	vld [tilespmem:s2+$0x30]  }
0x1ed: {  	v9 =	vld [tilespmem:s1+$0x30]  }
0x1ee: {  	v7 =	vld [tilespmem:s2+$0xFFFFFFE0];
	v16 =	vand.u32 $0xFFFFFF80, v10  }
0x1ef: {  	v1 =	vld [tilespmem:s1+$0xFFFFFFD0];
	v13 =	vor.u32 $0x50, v16  }
0x1f0: {  	v14 =	vld [tilespmem:s2+$0xFFFFFFC0];
	v20 =	vand.u32 $0xFFFFFF80, v12  }
0x1f1: {  	v4 =	vld [tilespmem:s2+$0xFFFFFFF0];
	v5 =	vand.u32 $0xFFFFFF80, v11;
	v18 =	vor.u32 $0x50, v20  }
0x1f2: {  	v17 =	vor.u32 $0x50, v5;
	v26 =	vld.idx.msk [tilespmem:v10+s25+$0x0], $0xffff  }
0x1f3: {  	v19 =	vand.u32 $0xFFFFFF80, v9;
	v24 =	vld.idx.msk [tilespmem:v12+s25+$0x0], $0xffff  }
0x1f4: {  	v22 =	vld.idx.msk [tilespmem:v13+s25+$0x0], $0xffff;
	v13 =	vor.u32 $0x50, v19  }
0x1f5: {  	v8 =	vand.u32 $0xFFFFFF80, v3;
	v30 =	vld.idx.msk [tilespmem:v9+s25+$0x0], $0xffff  }
0x1f6: {  	v15 =	vand.u32 $0xFFFFFF80, v1;
	v21 =	vor.u32 $0x50, v8;
	v23 =	vld.idx.msk [tilespmem:v18+s25+$0x0], $0xffff  }
0x1f7: {  	v27 =	vld.idx.msk [tilespmem:v17+s25+$0x0], $0xffff;
	v17 =	vor.u32 $0x50, v15  }
0x1f8: {  	v32 =	vld.idx.msk [tilespmem:v1+s25+$0x0], $0xffff  }
0x1f9: {  	v28 =	vld.idx.msk [tilespmem:v13+s25+$0x0], $0xffff  }
0x1fa: {  	v13 =	vld [tilespmem:s1+$0x0]  }
0x1fb: {  	v25 =	vld.idx.msk [tilespmem:v21+s25+$0x0], $0xffff;
	v33 =	vmul.f32 v23, v14  }
0x1fc: {  	v29 =	vld.idx.msk [tilespmem:v17+s25+$0x0], $0xffff;
	v17 =	vand.u32 $0xFFFFFF80, v2  }
0x1fd: {  	v18 =	vld [tilespmem:s2+$0xFFFFFFD0];
	v31 =	vor.u32 $0x50, v17;
	v33 =	vadd.f32 v33, v24  }
0x1fe: {  	v21 =	vld [tilespmem:s2+$0x20];
	v34 =	vmul.f32 v22, v7  }
0x1ff: {  	v22 =	vld [tilespmem:s2+$0x0];
	v33 =	vmul.f32 $1.442695020e+00, v33;
	v23 =	vand.u32 $0xFFFFFF80, v13  }
0x200: {  	v24 =	vld [tilespmem:s2+$0x10];
	v34 =	vadd.f32 v34, v26;
	v28 =	vmul.f32 v28, v6;
	v35 =	vor.u32 $0x50, v23  }
0x201: {  	v26 =	vld.idx.msk [tilespmem:v2+s25+$0x0], $0xffff;
	(erf) = vpow2.f32 v33  }
0x202: {  	v34 =	vmul.f32 $1.442695020e+00, v34;
	v29 =	vmul.f32 v29, v18;
	v31 =	vld.idx.msk [tilespmem:v31+s25+$0x0], $0xffff;
	v28 =	vadd.f32 v28, v30  }
0x203: {  	v30 =	vld.idx.msk [tilespmem:v11+s25+$0x0], $0xffff  }
0x204: {  	v33 =	vld.idx.msk [tilespmem:v3+s25+$0x0], $0xffff;
	v63 =	vadd.f32 v29, v32;
	(erf) = vpow2.f32 v34;
	v36 =	vmul.f32 $1.442695020e+00, v28  }
0x205: {  	v27 =	vmul.f32 v27, v4;
	v32 =	vld.idx.msk [tilespmem:v35+s25+$0x0], $0xffff  }
0x206: {  	s3 =	simm.s32 $0x0;
	s19 =	simm.s32 $0xC0;
	v29 =	vld.idx.msk [tilespmem:v13+s25+$0x0], $0xffff;
	v28 =	vmul.f32 $1.442695020e+00, v63;
	(erf) = vpow2.f32 v36  }
.LBB2_18:
0x207: {  	v34 =	vld [tilespmem:s19+$0x10];
	s3 =	sadd.s32 $0x8, s3;
	s2 =	sadd.s32 $0x80, s2  }
0x208: {  	v27 =	vadd.f32 v27, v30;
	v35 =	vld [tilespmem:s2+$0x30];
	p0 =	slt.u32 s3, $0x70  }
0x209: {  	v31 =	vmul.f32 v31, v24;
	v30 =	vld [tilespmem:s2+$0xFFFFFFE0]  }
0x20a: {  	v25 =	vmul.f32 v25, v21;
	v40 =	vmul.f32 v32, v22;
	v36 =	vld [tilespmem:s2+$0xFFFFFFC0];
	v37 =	vpop (erf)  }
0x20b: {  	v26 =	vadd.f32 v31, v26;
	v38 =	vld [tilespmem:s2+$0xFFFFFFF0];
	v39 =	vmul.f32 v37, v14;
	v14 =	vmul.f32 $1.442695020e+00, v27  }
0x20c: {  	v29 =	vadd.f32 v40, v29;
	v25 =	vadd.f32 v25, v33;
	v27 =	vld [tilespmem:s19+$0x20]  }
0x20d: {  	v40 =	vmul.f32 $1.442695020e+00, v26;
	v31 =	vld [tilespmem:s19+$0x30];
	v32 =	vpop (erf);
	(erf) = vpow2.f32 v14  }
0x20e: {  	v41 =	vmul.f32 $1.442695020e+00, v25;
	v33 =	vld [tilespmem:s19+$0xFFFFFFD0];
	(erf) = vpow2.f32 v28  }
0x20f: {  	v19 =	vor.u32 v0, v19;
	v25 =	vmul.f32 $1.442695020e+00, v29;
	[tilespmem:v10+s26+$0x0] =	vst.idx.add.f32.msk $0xffff, v32;
	(erf) = vpow2.f32 v40;
	v26 =	vpop (erf)  }
0x210: {  	v14 =	vmov v36;
	v10 =	vld [tilespmem:s19+$0xFFFFFFE0];
	(erf) = vpow2.f32 v41  }
0x211: {  	v16 =	vor.u32 v0, v16;
	[tilespmem:v12+s26+$0x0] =	vst.idx.add.f32.msk $0xffff, v37;
	(erf) = vpow2.f32 v25  }
0x212: {  	v20 =	vor.u32 v0, v20;
	v12 =	vmul.f32 v26, v6;
	v6 =	vmov v35;
	[tilespmem:v9+s26+$0x0] =	vst.idx.add.f32.msk $0xffff, v26  }
0x213: {  	v9 =	vmov v31;
	v25 =	vand.u32 $0xFFFFFF80, v33;
	v26 =	vld [tilespmem:s19+$0xFFFFFFF0]  }
0x214: {  	v28 =	vmul.f32 v32, v7;
	v7 =	vmov v30;
	[tilespmem:v19+s26+$0x0] =	vst.idx.add.f32.msk $0xffff, v12  }
0x215: {  	v29 =	vand.u32 $0xFFFFFF80, v34;
	v12 =	vld [tilespmem:s19+$0xFFFFFFC0]  }
0x216: {  	v30 =	vor.u32 v0, v15;
	v15 =	vor.u32 v0, v17;
	v31 =	vor.u32 $0x50, v29;
	[tilespmem:v16+s26+$0x0] =	vst.idx.add.f32.msk $0xffff, v28;
	v17 =	vpop (erf)  }
0x217: {  	v28 =	vor.u32 v0, v5;
	[tilespmem:v20+s26+$0x0] =	vst.idx.add.f32.msk $0xffff, v39;
	v20 =	vmul.f32 v17, v4;
	v32 =	vpop (erf);
	v4 =	vmov v38  }
0x218: {  	v19 =	vand.u32 $0xFFFFFF80, v9;
	v16 =	vand.u32 $0xFFFFFF80, v10;
	v5 =	vand.u32 $0xFFFFFF80, v26;
	[tilespmem:v11+s26+$0x0] =	vst.idx.add.f32.msk $0xffff, v17;
	v11 =	vpop (erf)  }
0x219: {  	v35 =	vor.u32 $0x50, v16;
	v18 =	vmul.f32 v32, v18;
	[tilespmem:v2+s26+$0x0] =	vst.idx.add.f32.msk $0xffff, v11;
	v36 =	vmul.f32 v11, v24;
	v2 =	vpop (erf)  }
0x21a: {  	v23 =	vor.u32 v0, v23;
	[tilespmem:v3+s26+$0x0] =	vst.idx.add.f32.msk $0xffff, v2;
	v21 =	vmul.f32 v2, v21;
	v24 =	vpop (erf);
	v2 =	vmov v34  }
0x21b: {  	v34 =	vor.u32 v0, v8;
	v3 =	vmov v27;
	v22 =	vmul.f32 v24, v22;
	[tilespmem:v15+s26+$0x0] =	vst.idx.add.f32.msk $0xffff, v36  }
0x21c: {  	v17 =	vmovc v29;
	v11 =	vmov v26;
	v15 =	vmov v25;
	[tilespmem:v1+s26+$0x0] =	vst.idx.add.f32.msk $0xffff, v32;
	v1 =	vmov v33  }
0x21d: {  	[tilespmem:v28+s26+$0x0] =	vst.idx.add.f32.msk $0xffff, v20  }
0x21e: {  	v20 =	vand.u32 $0xFFFFFF80, v12;
	[tilespmem:v13+s26+$0x0] =	vst.idx.add.f32.msk $0xffff, v24  }
0x21f: {  	v8 =	vand.u32 $0xFFFFFF80, v3;
	v13 =	vor.u32 $0x50, v5;
	[tilespmem:v23+s26+$0x0] =	vst.idx.add.f32.msk $0xffff, v22  }
0x220: {  	v22 =	vor.u32 $0x50, v20;
	[tilespmem:v34+s26+$0x0] =	vst.idx.add.f32.msk $0xffff, v21  }
0x221: {  	v21 =	vor.u32 $0x50, v8;
	[tilespmem:v30+s26+$0x0] =	vst.idx.add.f32.msk $0xffff, v18  }
0x222: {  	v18 =	vld.idx.msk [tilespmem:v10+s25+$0x0], $0xffff  }
0x223: {  	v24 =	vor.u32 $0x50, v19;
	v23 =	vld.idx.msk [tilespmem:v35+s25+$0x0], $0xffff  }
0x224: {  	v26 =	vld.idx.msk [tilespmem:v13+s25+$0x0], $0xffff  }
0x225: {  	v27 =	vor.u32 $0x50, v15;
	v22 =	vld.idx.msk [tilespmem:v22+s25+$0x0], $0xffff  }
0x226: {  	v25 =	vld.idx.msk [tilespmem:v21+s25+$0x0], $0xffff  }
0x227: {  	v21 =	vld.idx.msk [tilespmem:v12+s25+$0x0], $0xffff  }
0x228: {  	v24 =	vld.idx.msk [tilespmem:v24+s25+$0x0], $0xffff  }
0x229: {  	v23 =	vmul.f32 v23, v7;
	v13 =	vld [tilespmem:s19+$0x0]  }
0x22a: {  	v28 =	vld.idx.msk [tilespmem:v27+s25+$0x0], $0xffff;
	v27 =	vmul.f32 v26, v4  }
0x22b: {  	v22 =	vmul.f32 v22, v14;
	v23 =	vadd.f32 v23, v18;
	v29 =	vld.idx.msk [tilespmem:v9+s25+$0x0], $0xffff  }
0x22c: {  	v18 =	vld [tilespmem:s2+$0xFFFFFFD0]  }
0x22d: {  	v22 =	vadd.f32 v22, v21;
	v32 =	vld.idx.msk [tilespmem:v33+s25+$0x0], $0xffff;
	v33 =	vmul.f32 $1.442695020e+00, v23  }
0x22e: {  	v23 =	vand.u32 $0xFFFFFF80, v13;
	v21 =	vld [tilespmem:s2+$0x20]  }
0x22f: {  	v35 =	vmul.f32 v24, v6;
	v30 =	vmul.f32 $1.442695020e+00, v22;
	v22 =	vld [tilespmem:s2+$0x0];
	v34 =	vor.u32 $0x50, v23  }
0x230: {  	v24 =	vld [tilespmem:s2+$0x10]  }
0x231: {  	v29 =	vadd.f32 v35, v29;
	v28 =	vmul.f32 v28, v18;
	v26 =	vld.idx.msk [tilespmem:v2+s25+$0x0], $0xffff;
	(erf) = vpow2.f32 v30  }
.Ltmp8:
0x232: {  	v30 =	vld.idx.msk [tilespmem:v11+s25+$0x0], $0xffff;
	(pc) =	sbr.rel @p0 .LBB2_18-.Ltmp8, $4  }
0x233: {  	v35 =	vmul.f32 $1.442695020e+00, v29;
	v28 =	vadd.f32 v28, v32;
	v31 =	vld.idx.msk [tilespmem:v31+s25+$0x0], $0xffff  }
0x234: {  	v32 =	vld.idx.msk [tilespmem:v34+s25+$0x0], $0xffff;
	(erf) = vpow2.f32 v33  }
0x235: {  	v28 =	vmul.f32 $1.442695020e+00, v28;
	v29 =	vld.idx.msk [tilespmem:v13+s25+$0x0], $0xffff  }
0x236: {  	s19 =	sadd.s32 $0x80, s19;
	v33 =	vld.idx.msk [tilespmem:v3+s25+$0x0], $0xffff;
	(erf) = vpow2.f32 v35  }
0x237: {  	_ = 	snop  }
0x238: {  	v27 =	vadd.f32 v27, v30;
	v48 =	vmul.f32 v31, v24;
	_ =	sdelay $0x1  }
0x239: {  	v27 =	vmul.f32 $1.442695020e+00, v27;
	v26 =	vadd.f32 v48, v26  }
0x23a: {  	v25 =	vmul.f32 v25, v21;
	v49 =	vmul.f32 v32, v22  }
0x23b: {  	v20 =	vor.u32 v0, v20;
	(erf) = vpow2.f32 v27;
	v26 =	vmul.f32 $1.442695020e+00, v26  }
0x23c: {  	v25 =	vadd.f32 v25, v33;
	(erf) = vpow2.f32 v28  }
0x23d: {  	v51 =	vpop (erf);
	v50 =	vadd.f32 v49, v29;
	(erf) = vpow2.f32 v26  }
0x23e: {  	v16 =	vor.u32 v0, v16;
	v54 =	vmul.f32 v51, v14;
	v25 =	vmul.f32 $1.442695020e+00, v25  }
0x23f: {  	v19 =	vor.u32 v0, v19;
	[tilespmem:v12+s26+$0x0] =	vst.idx.add.f32.msk $0xffff, v51;
	v27 =	vmul.f32 $1.442695020e+00, v50  }
0x240: {  	v52 =	vpop (erf);
	[tilespmem:v20+s26+$0x0] =	vst.idx.add.f32.msk $0xffff, v54;
	(erf) = vpow2.f32 v25  }
0x241: {  	[tilespmem:v10+s26+$0x0] =	vst.idx.add.f32.msk $0xffff, v52;
	v7 =	vmul.f32 v52, v7;
	v53 =	vpop (erf);
	(erf) = vpow2.f32 v27  }
0x242: {  	v6 =	vmul.f32 v53, v6;
	[tilespmem:v9+s26+$0x0] =	vst.idx.add.f32.msk $0xffff, v53  }
0x243: {  	v61 =	vor.u32 v0, v15;
	[tilespmem:v16+s26+$0x0] =	vst.idx.add.f32.msk $0xffff, v7  }
0x244: {  	v55 =	vor.u32 v0, v17;
	[tilespmem:v19+s26+$0x0] =	vst.idx.add.f32.msk $0xffff, v6;
	v56 =	vpop (erf)  }
0x245: {  	v57 =	vpop (erf);
	[tilespmem:v11+s26+$0x0] =	vst.idx.add.f32.msk $0xffff, v56  }
0x246: {  	[tilespmem:v1+s26+$0x0] =	vst.idx.add.f32.msk $0xffff, v57;
	v63 =	vmul.f32 v57, v18;
	v58 =	vpop (erf)  }
0x247: {  	v5 =	vor.u32 v0, v5;
	[tilespmem:v2+s26+$0x0] =	vst.idx.add.f32.msk $0xffff, v58;
	v2 =	vmul.f32 v58, v24  }
0x248: {  	v60 =	vor.u32 v0, v23;
	[tilespmem:v61+s26+$0x0] =	vst.idx.add.f32.msk $0xffff, v63  }
0x249: {  	v59 =	vpop (erf);
	[tilespmem:v55+s26+$0x0] =	vst.idx.add.f32.msk $0xffff, v2;
	v2 =	vor.u32 v0, v8  }
0x24a: {  	[tilespmem:v3+s26+$0x0] =	vst.idx.add.f32.msk $0xffff, v59;
	v3 =	vmul.f32 v56, v4;
	v62 =	vpop (erf)  }
0x24b: {  	v1 =	vmul.f32 v62, v22;
	[tilespmem:v13+s26+$0x0] =	vst.idx.add.f32.msk $0xffff, v62  }
0x24c: {  	[tilespmem:v5+s26+$0x0] =	vst.idx.add.f32.msk $0xffff, v3;
	v3 =	vmul.f32 v59, v21  }
0x24d: {  	[tilespmem:v60+s26+$0x0] =	vst.idx.add.f32.msk $0xffff, v1  }
0x24e: {  	s1 =	simm.s32 $0x0;
	[tilespmem:v2+s26+$0x0] =	vst.idx.add.f32.msk $0xffff, v3  }
.LBB2_20:
0x24f: {  	s2 =	sshra.s32 s1, $0x2  }
0x250: {  	v1 =	vld [tilespmem:s2+$0x780];
	_ =	sdelay $0x4  }
0x251: {  	v2 =	vand.u32 $0xFFFFFF80, v1  }
0x252: {  	v3 =	vor.u32 $0x50, v2;
	_ =	sdelay $0x3  }
0x253: {  	v4 =	vld [tilespmem:s2+$0x1780]  }
0x254: {  	v3 =	vld.idx.msk [tilespmem:v3+s25+$0x0], $0xffff;
	_ =	sdelay $0x1  }
0x255: {  	v5 =	vld.idx.msk [tilespmem:v1+s25+$0x0], $0xffff;
	_ =	sdelay $0x2  }
0x256: {  	v3 =	vmul.f32 v3, v4;
	_ =	sdelay $0x1  }
0x257: {  	v3 =	vadd.f32 v3, v5;
	_ =	sdelay $0x1  }
0x258: {  	v3 =	vmul.f32 $1.442695020e+00, v3;
	_ =	sdelay $0x1  }
0x259: {  	(erf) = vpow2.f32 v3;
	_ =	sdelay $0x6  }
0x25a: {  	p0 =	sne.s32 s1, $0x100;
	v2 =	vor.u32 v0, v2  }
.Ltmp9:
0x25b: {  	_ = 	snop;
	(pc) =	sbr.rel @p0 .LBB2_20-.Ltmp9, $4  }
0x25c: {  	v3 =	vpop (erf)  }
0x25d: {  	v4 =	vmul.f32 v3, v4  }
0x25e: {  	[tilespmem:v1+s26+$0x0] =	vst.idx.add.f32.msk $0xffff, v3  }
0x25f: {  	s1 =	sadd.s32 $0x40, s1;
	[tilespmem:v2+s26+$0x0] =	vst.idx.add.f32.msk $0xffff, v4  }
0x260: {  	[hbm4b:s14+s5] =	stream.linear.scatter [tilespmem:s26], [sflag:$0x6], $0x2800, $0x38;
	[tilespmem:$0xB800] =	vst v63  }
0x261: {  	s0 =	sadd.s32 $0x1, s0  }
0x262: {  	_ =	swait.ge [sflag:s30], $0x2800;
	p0 =	sne.s32 s0, s15  }
.Ltmp10:
0x263: {  	[sflag:s30] =	ssyncset.done $0x0;
	(pc) =	sbr.rel @p0 .LBB2_1-.Ltmp10, $4  }
0x264: {  	[sflag:s30] =	ssyncadd.s32 $0xFFFFD800  }
0x265: {  	_ =	swait.ge [sflag:s31], $0x2800  }
0x266: {  	[sflag:s31] =	ssyncset.done $0x0  }
0x267: {  	[sflag:s31] =	ssyncadd.s32 $0xFFFFD800  }
0x268: {  	_ =	sfence.sel $0x180000  }
0x269: {  	[bflag:$0x0] =	sbarrier.arrive $0xFFFF  }
0x26a: {  	_ =	strace $0x90000047  }
0x26b: {  	s0 =	stileid.u32;
	[bflag:$0x2] =	sbarrier.arrive $0xFFFF  }
0x26c: {  	p0 =	sne.s32 s0, $0x0;
	s0 =	rddreg [dreg:$0x4]  }
0x26d: {  	s0 =	sadd.s32 @!p0 $0x100000, s0  }
0x26e: {  	[sflag:s0] =	ssyncadd.tile.s32 @!p0 $0x1;
	_ =	shalt  }
.Lfunc_end2:
_tile_overlayer_lowered:
.L_overlay_start_2:
0x26f: {  	(tag) =	ssettag $0x2  }
0x270: {  	s0 =	rddreg [dreg:$0x0];
	s2 =	stileid.u32  }
0x271: {  	s1 =	rddreg [dreg:$0x1];
	p0 =	sne.s32 s2, $0x0  }
0x272: {  	s3 =	rddreg [dreg:$0x2];
	[bflag:$0x3] =	sbarrier.arrive $0xFFFF;
	s2 =	simm.s32 @!p0 $0x1C07  }
0x273: {  	[timem:s3], [sflag:s2] =	dma.local @!p0 [hbm:s0], s1  }
0x274: {  	s0 =	simm.s32 @!p0 $0x7  }
0x275: {  	_ =	swait.ge @!p0 [sflag:s0], s1  }
0x276: {  	s1 =	ssub.s32 @!p0 $0x0, s1;
	[sflag:s0] =	ssyncset.done @!p0 $0x0  }
0x277: {  	[sflag:s0] =	ssyncadd.s32 @!p0 s1  }
0x278: {  	[bflag:$0x3] =	sbarrier.arrive $0xFFFF  }
0x279: {  	_ =	shalt  }

</sc_bundles>
